<compile_context>
chip_gen: v7x
topology: tpu7x:2x2x1
jax: 0.10.2.dev20260603
libtpu: 0.0.44.dev20260713+nightly
codegen_flags: <defaults>
</compile_context>

<pallas_src>
import jax
import jax.numpy as jnp
from jax import lax
from jax.experimental import pallas as pl
from jax.experimental.pallas import tpu as pltpu
from jax.experimental.pallas import tpu_sc as plsc

NC = 2
NS = 16
NW = NC * NS

BATCH = 4096
HIST = 50
EMBED_DIM = 512
LANES = 16
COLS = EMBED_DIM // LANES

NUM_ROWS = BATCH * HIST
B_PER_W = NUM_ROWS // NW
CHUNK = 40
NBUF = 5
N_CHUNK = B_PER_W // CHUNK


def _sc_body(table_hbm, idx_hbm, out_hbm, tab_v, idx_v, rows_v,
             ssem0, ssem1, ssem2, ssem3, ssem4):
    wid = lax.axis_index("s") * NC + lax.axis_index("c")
    base = wid * B_PER_W

    pltpu.sync_copy(table_hbm, tab_v)
    pltpu.sync_copy(idx_hbm.at[pl.ds(base, B_PER_W)], idx_v)

    ssems = (ssem0, ssem1, ssem2, ssem3, ssem4)
    col0 = lax.iota(jnp.int32, LANES)

    @pl.loop(0, N_CHUNK, step=NBUF)
    def _(c):
        for b in range(NBUF):
            cc = c + b
            @pl.when(cc >= NBUF)
            def _():
                pltpu.make_async_copy(
                    rows_v.at[b], out_hbm.at[pl.ds(base, CHUNK)], ssems[b]
                ).wait()

            row0 = cc * CHUNK

            @plsc.parallel_loop(0, CHUNK, unroll=8)
            def _(i):
                splat = plsc.load_gather(
                    idx_v, [jnp.full((LANES,), row0 + i, jnp.int32)]
                )
                addr0 = splat * EMBED_DIM + col0
                vals = [
                    plsc.load_gather(tab_v, [addr0 + j * LANES])
                    for j in range(COLS)
                ]
                for j in range(COLS):
                    rows_v[b, i, pl.ds(j * LANES, LANES)] = vals[j]

            pltpu.async_copy(
                rows_v.at[b],
                out_hbm.at[pl.ds(base + row0, CHUNK)],
                ssems[b],
            )

    for b in range(NBUF):
        pltpu.make_async_copy(
            rows_v.at[b], out_hbm.at[pl.ds(base, CHUNK)], ssems[b]
        ).wait()


@jax.jit
def _sc_lookup(table_flat, idx):
    mesh = plsc.VectorSubcoreMesh(
        core_axis_name="c", subcore_axis_name="s", num_cores=NC, num_subcores=NS
    )
    return pl.kernel(
        _sc_body,
        out_type=jax.ShapeDtypeStruct((NUM_ROWS, EMBED_DIM), jnp.float32),
        mesh=mesh,
        compiler_params=pltpu.CompilerParams(needs_layout_passes=False),
        scratch_types=[
            pltpu.VMEM((4 * EMBED_DIM,), jnp.float32),
            pltpu.VMEM((B_PER_W,), jnp.int32),
            pltpu.VMEM((NBUF, CHUNK, EMBED_DIM), jnp.float32),
            pltpu.SemaphoreType.DMA,
            pltpu.SemaphoreType.DMA,
            pltpu.SemaphoreType.DMA,
            pltpu.SemaphoreType.DMA,
            pltpu.SemaphoreType.DMA,
        ],
    )(table_flat, idx)


def kernel(x, table):
    out = _sc_lookup(
        table.reshape(4 * EMBED_DIM), x.astype(jnp.int32).reshape(NUM_ROWS)
    )
    return out.reshape(x.shape[0], x.shape[1], EMBED_DIM)

# --- scband reference (transcript-rebuilt; emitter-appended) ---
"""Pipeline reference for scband-cell-type-model-80255758893163 (READ-ONLY COPY).

The authoritative reference and input builder live on the scoring server;
editing this copy changes nothing except your own understanding.
"""

import jax, jax.numpy as jnp
import numpy as np

NUM_EMBEDDINGS = 4
EMBED_DIM = 512
BATCH = 4096
HIST = 50

def setup_inputs(seed: int = 0) -> dict:
    key = jax.random.key(seed)
    k_idx, k_tab = jax.random.split(key)
    x = jax.random.randint(k_idx, (BATCH, HIST), 0, NUM_EMBEDDINGS, dtype=jnp.int64 if jax.config.jax_enable_x64 else jnp.int32)
    # nn.Embedding default init: N(0, 1)
    table = jax.random.normal(k_tab, (NUM_EMBEDDINGS, EMBED_DIM), dtype=jnp.float32)
    return {"x": x, "table": table}

def reference(x, table):
    # nn.Embedding forward: row gather from the embedding table
    return jnp.take(table, x, axis=0)

if __name__ == "__main__":
    import jax
    _d = setup_inputs()
    print(jax.jit(kernel)(*tuple(_d.values())))

</pallas_src>

<mosaic_0001>
#map = affine_map<(d0, d1) -> (0)>
#map1 = affine_map<(d0, d1) -> (0, 0)>
module attributes {stable_mosaic.version = 14 : i64} {
  func.func @_sc_body(%arg0: i32, %arg1: i32, %arg2: memref<2048xf32, #tpu.memory_space<hbm>>, %arg3: memref<204800xi32, #tpu.memory_space<hbm>>, %arg4: memref<204800x512xf32, #tpu.memory_space<hbm>>, %arg5: memref<2048xf32, #tpu.memory_space<vmem>>, %arg6: memref<6400xi32, #tpu.memory_space<vmem>>, %arg7: memref<5x40x512xf32, #tpu.memory_space<vmem>>, %arg8: memref<!tpu.dma_semaphore, #tpu.memory_space<semaphore_mem>>, %arg9: memref<!tpu.dma_semaphore, #tpu.memory_space<semaphore_mem>>, %arg10: memref<!tpu.dma_semaphore, #tpu.memory_space<semaphore_mem>>, %arg11: memref<!tpu.dma_semaphore, #tpu.memory_space<semaphore_mem>>, %arg12: memref<!tpu.dma_semaphore, #tpu.memory_space<semaphore_mem>>) attributes {dimension_semantics = [#tpu.dimension_semantics<core_parallel>, #tpu.dimension_semantics<subcore_parallel>], iteration_bounds = array<i64: 2, 16>, scalar_prefetch = 0 : i64, scratch_operands = 8 : i64, tpu.core_type = #tpu.core_type<sc_vector_subcore>, window_params = [{transform_indices = #map}, {transform_indices = #map}, {transform_indices = #map1}]} {
    %mul3A = arith.constant 2 : i32
    %mul3A_0 = arith.muli %arg1, %mul3A : i32
    %add3A = arith.addi %mul3A_0, %arg0 : i32
    %mul3A_1 = arith.constant 6400 : i32
    %mul3A_2 = arith.muli %add3A, %mul3A_1 : i32
    "tpu.region"() ({
      %run_scoped3A = tpu.sem_alloc : memref<!tpu.dma_semaphore, #tpu.memory_space<semaphore_mem>>
      tpu.enqueue_dma source(%arg2 : memref<2048xf32, #tpu.memory_space<hbm>>) target(%arg5 : memref<2048xf32, #tpu.memory_space<vmem>>) target_semaphore(%run_scoped3A : memref<!tpu.dma_semaphore, #tpu.memory_space<semaphore_mem>>)
      tpu.wait_dma2 semaphore(%run_scoped3A : memref<!tpu.dma_semaphore, #tpu.memory_space<semaphore_mem>>) src(%arg2 : memref<2048xf32, #tpu.memory_space<hbm>>) dst(%arg5 : memref<2048xf32, #tpu.memory_space<vmem>>)
      tpu.yield
    }) : () -> ()
    "tpu.region"() ({
      %run_scoped3A = tpu.sem_alloc : memref<!tpu.dma_semaphore, #tpu.memory_space<semaphore_mem>>
      %dma_start3A = tpu.memref_slice %arg3[%mul3A_2] : memref<204800xi32, #tpu.memory_space<hbm>> -> memref<6400xi32, #tpu.memory_space<hbm>>
      %dma_start3A_71 = tpu.memref_slice %arg3[%mul3A_2] : memref<204800xi32, #tpu.memory_space<hbm>> -> memref<6400xi32, #tpu.memory_space<hbm>>
      tpu.enqueue_dma source(%dma_start3A_71 : memref<6400xi32, #tpu.memory_space<hbm>>) target(%arg6 : memref<6400xi32, #tpu.memory_space<vmem>>) target_semaphore(%run_scoped3A : memref<!tpu.dma_semaphore, #tpu.memory_space<semaphore_mem>>)
      %dma_wait3A_72 = tpu.memref_slice %arg3[%mul3A_2] : memref<204800xi32, #tpu.memory_space<hbm>> -> memref<6400xi32, #tpu.memory_space<hbm>>
      %dma_wait3A_73 = tpu.memref_slice %arg3[%mul3A_2] : memref<204800xi32, #tpu.memory_space<hbm>> -> memref<6400xi32, #tpu.memory_space<hbm>>
      tpu.wait_dma2 semaphore(%run_scoped3A : memref<!tpu.dma_semaphore, #tpu.memory_space<semaphore_mem>>) src(%dma_wait3A_73 : memref<6400xi32, #tpu.memory_space<hbm>>) dst(%arg6 : memref<6400xi32, #tpu.memory_space<vmem>>)
      tpu.yield
    }) : () -> ()
    %iota3A = tpu.iota {dimensions = array<i32: 0>} : vector<16xi32>
    %scan3A = arith.constant 0 : i32
    %scan3A_3 = arith.constant 32 : i32
    %scan3A_4 = arith.addi %scan3A, %scan3A_3 : i32
    %scan3A_5 = arith.constant 1 : i32
    scf.for %scan3A_71 = %scan3A to %scan3A_4 step %scan3A_5  : i32 {
      %mul3A_72 = arith.constant 5 : i32
      %mul3A_73 = arith.muli %scan3A_71, %mul3A_72 : i32
      %add3A_74 = arith.constant 0 : i32
      %add3A_75 = arith.addi %add3A_74, %mul3A_73 : i32
      %add3A_76 = arith.constant 0 : i32
      %add3A_77 = arith.addi %add3A_75, %add3A_76 : i32
      %ge3A = arith.constant 5 : i32
      %ge3A_78 = arith.cmpi sge, %add3A_77, %ge3A : i32
      %convert_element_type3A = arith.extui %ge3A_78 : i1 to i32
      %cond3A = arith.constant 0 : i32
      %cond3A_79 = arith.cmpi ne, %convert_element_type3A, %cond3A : i32
      scf.if %cond3A_79 {
        %dma_wait3A_201 = arith.constant 0 : i32
        %dma_wait3A_202 = arith.constant 0 : i32
        %dma_wait3A_203 = arith.constant 0 : i32
        %dma_wait3A_204 = tpu.memref_slice %arg7[%dma_wait3A_201, %dma_wait3A_202, %dma_wait3A_203] : memref<5x40x512xf32, #tpu.memory_space<vmem>> -> memref<1x40x512xf32, #tpu.memory_space<vmem>>
        %dma_wait3A_205 = tpu.memref_squeeze %dma_wait3A_204 : memref<1x40x512xf32, #tpu.memory_space<vmem>> -> memref<40x512xf32, #tpu.memory_space<vmem>>
        %dma_wait3A_206 = arith.constant 0 : i32
        %dma_wait3A_207 = tpu.memref_slice %arg4[%mul3A_2, %dma_wait3A_206] : memref<204800x512xf32, #tpu.memory_space<hbm>> -> memref<40x512xf32, #tpu.memory_space<hbm>>
        %dma_wait3A_208 = arith.constant 0 : i32
        %dma_wait3A_209 = tpu.memref_slice %arg4[%mul3A_2, %dma_wait3A_208] : memref<204800x512xf32, #tpu.memory_space<hbm>> -> memref<40x512xf32, #tpu.memory_space<hbm>>
        %dma_wait3A_210 = arith.constant 0 : i32
        %dma_wait3A_211 = arith.constant 0 : i32
        %dma_wait3A_212 = tpu.memref_slice %arg7[%dma_wait3A_201, %dma_wait3A_210, %dma_wait3A_211] : memref<5x40x512xf32, #tpu.memory_space<vmem>> -> memref<1x40x512xf32, #tpu.memory_space<vmem>>
        %dma_wait3A_213 = tpu.memref_squeeze %dma_wait3A_212 : memref<1x40x512xf32, #tpu.memory_space<vmem>> -> memref<40x512xf32, #tpu.memory_space<vmem>>
        tpu.wait_dma2 semaphore(%arg8 : memref<!tpu.dma_semaphore, #tpu.memory_space<semaphore_mem>>) src(%dma_wait3A_213 : memref<40x512xf32, #tpu.memory_space<vmem>>) dst(%dma_wait3A_209 : memref<40x512xf32, #tpu.memory_space<hbm>>)
      } else {
      }
      %mul3A_80 = arith.constant 40 : i32
      %mul3A_81 = arith.muli %add3A_77, %mul3A_80 : i32
      %parallel_loop3A = arith.constant 0 : i32
      %parallel_loop3A_82 = arith.constant 40 : i32
      %parallel_loop3A_83 = arith.constant 1 : i32
      scf.for %parallel_loop3A_201 = %parallel_loop3A to %parallel_loop3A_82 step %parallel_loop3A_83  : i32 {
        %parallel_loop3A_202 = arith.addi %mul3A_81, %parallel_loop3A_201 : i32
        %parallel_loop3A_203 = vector.broadcast %parallel_loop3A_202 : i32 to vector<16xi32>
        %parallel_loop3A_204 = tpu.vector_load_idx %arg6[%parallel_loop3A_203] : memref<6400xi32, #tpu.memory_space<vmem>>[vector<16xi32>], vector<16xi32>,
        %parallel_loop3A_205 = arith.constant 512 : i32
        %parallel_loop3A_206 = vector.broadcast %parallel_loop3A_205 : i32 to vector<16xi32>
        %parallel_loop3A_207 = arith.muli %parallel_loop3A_204, %parallel_loop3A_206 : vector<16xi32>
        %parallel_loop3A_208 = arith.addi %parallel_loop3A_207, %iota3A : vector<16xi32>
        %parallel_loop3A_209 = arith.constant 0 : i32
        %parallel_loop3A_210 = vector.broadcast %parallel_loop3A_209 : i32 to vector<16xi32>
        %parallel_loop3A_211 = arith.addi %parallel_loop3A_208, %parallel_loop3A_210 : vector<16xi32>
        %parallel_loop3A_212 = tpu.vector_load_idx %arg5[%parallel_loop3A_211] : memref<2048xf32, #tpu.memory_space<vmem>>[vector<16xi32>], vector<16xf32>,
        %parallel_loop3A_213 = arith.constant 16 : i32
        %parallel_loop3A_214 = vector.broadcast %parallel_loop3A_213 : i32 to vector<16xi32>
        %parallel_loop3A_215 = arith.addi %parallel_loop3A_208, %parallel_loop3A_214 : vector<16xi32>
        %parallel_loop3A_216 = tpu.vector_load_idx %arg5[%parallel_loop3A_215] : memref<2048xf32, #tpu.memory_space<vmem>>[vector<16xi32>], vector<16xf32>,
        %parallel_loop3A_217 = arith.constant 32 : i32
        %parallel_loop3A_218 = vector.broadcast %parallel_loop3A_217 : i32 to vector<16xi32>
        %parallel_loop3A_219 = arith.addi %parallel_loop3A_208, %parallel_loop3A_218 : vector<16xi32>
        %parallel_loop3A_220 = tpu.vector_load_idx %arg5[%parallel_loop3A_219] : memref<2048xf32, #tpu.memory_space<vmem>>[vector<16xi32>], vector<16xf32>,
        %parallel_loop3A_221 = arith.constant 48 : i32
        %parallel_loop3A_222 = vector.broadcast %parallel_loop3A_221 : i32 to vector<16xi32>
        %parallel_loop3A_223 = arith.addi %parallel_loop3A_208, %parallel_loop3A_222 : vector<16xi32>
        %parallel_loop3A_224 = tpu.vector_load_idx %arg5[%parallel_loop3A_223] : memref<2048xf32, #tpu.memory_space<vmem>>[vector<16xi32>], vector<16xf32>,
        %parallel_loop3A_225 = arith.constant 64 : i32
        %parallel_loop3A_226 = vector.broadcast %parallel_loop3A_225 : i32 to vector<16xi32>
        %parallel_loop3A_227 = arith.addi %parallel_loop3A_208, %parallel_loop3A_226 : vector<16xi32>
        %parallel_loop3A_228 = tpu.vector_load_idx %arg5[%parallel_loop3A_227] : memref<2048xf32, #tpu.memory_space<vmem>>[vector<16xi32>], vector<16xf32>,
        %parallel_loop3A_229 = arith.constant 80 : i32
        %parallel_loop3A_230 = vector.broadcast %parallel_loop3A_229 : i32 to vector<16xi32>
        %parallel_loop3A_231 = arith.addi %parallel_loop3A_208, %parallel_loop3A_230 : vector<16xi32>
        %parallel_loop3A_232 = tpu.vector_load_idx %arg5[%parallel_loop3A_231] : memref<2048xf32, #tpu.memory_space<vmem>>[vector<16xi32>], vector<16xf32>,
        %parallel_loop3A_233 = arith.constant 96 : i32
        %parallel_loop3A_234 = vector.broadcast %parallel_loop3A_233 : i32 to vector<16xi32>
        %parallel_loop3A_235 = arith.addi %parallel_loop3A_208, %parallel_loop3A_234 : vector<16xi32>
        %parallel_loop3A_236 = tpu.vector_load_idx %arg5[%parallel_loop3A_235] : memref<2048xf32, #tpu.memory_space<vmem>>[vector<16xi32>], vector<16xf32>,
        %parallel_loop3A_237 = arith.constant 112 : i32
        %parallel_loop3A_238 = vector.broadcast %parallel_loop3A_237 : i32 to vector<16xi32>
        %parallel_loop3A_239 = arith.addi %parallel_loop3A_208, %parallel_loop3A_238 : vector<16xi32>
        %parallel_loop3A_240 = tpu.vector_load_idx %arg5[%parallel_loop3A_239] : memref<2048xf32, #tpu.memory_space<vmem>>[vector<16xi32>], vector<16xf32>,
        %parallel_loop3A_241 = arith.constant 128 : i32
        %parallel_loop3A_242 = vector.broadcast %parallel_loop3A_241 : i32 to vector<16xi32>
        %parallel_loop3A_243 = arith.addi %parallel_loop3A_208, %parallel_loop3A_242 : vector<16xi32>
        %parallel_loop3A_244 = tpu.vector_load_idx %arg5[%parallel_loop3A_243] : memref<2048xf32, #tpu.memory_space<vmem>>[vector<16xi32>], vector<16xf32>,
        %parallel_loop3A_245 = arith.constant 144 : i32
        %parallel_loop3A_246 = vector.broadcast %parallel_loop3A_245 : i32 to vector<16xi32>
        %parallel_loop3A_247 = arith.addi %parallel_loop3A_208, %parallel_loop3A_246 : vector<16xi32>
        %parallel_loop3A_248 = tpu.vector_load_idx %arg5[%parallel_loop3A_247] : memref<2048xf32, #tpu.memory_space<vmem>>[vector<16xi32>], vector<16xf32>,
        %parallel_loop3A_249 = arith.constant 160 : i32
        %parallel_loop3A_250 = vector.broadcast %parallel_loop3A_249 : i32 to vector<16xi32>
        %parallel_loop3A_251 = arith.addi %parallel_loop3A_208, %parallel_loop3A_250 : vector<16xi32>
        %parallel_loop3A_252 = tpu.vector_load_idx %arg5[%parallel_loop3A_251] : memref<2048xf32, #tpu.memory_space<vmem>>[vector<16xi32>], vector<16xf32>,
        %parallel_loop3A_253 = arith.constant 176 : i32
        %parallel_loop3A_254 = vector.broadcast %parallel_loop3A_253 : i32 to vector<16xi32>
        %parallel_loop3A_255 = arith.addi %parallel_loop3A_208, %parallel_loop3A_254 : vector<16xi32>
        %parallel_loop3A_256 = tpu.vector_load_idx %arg5[%parallel_loop3A_255] : memref<2048xf32, #tpu.memory_space<vmem>>[vector<16xi32>], vector<16xf32>,
        %parallel_loop3A_257 = arith.constant 192 : i32
        %parallel_loop3A_258 = vector.broadcast %parallel_loop3A_257 : i32 to vector<16xi32>
        %parallel_loop3A_259 = arith.addi %parallel_loop3A_208, %parallel_loop3A_258 : vector<16xi32>
        %parallel_loop3A_260 = tpu.vector_load_idx %arg5[%parallel_loop3A_259] : memref<2048xf32, #tpu.memory_space<vmem>>[vector<16xi32>], vector<16xf32>,
        %parallel_loop3A_261 = arith.constant 208 : i32
        %parallel_loop3A_262 = vector.broadcast %parallel_loop3A_261 : i32 to vector<16xi32>
        %parallel_loop3A_263 = arith.addi %parallel_loop3A_208, %parallel_loop3A_262 : vector<16xi32>
        %parallel_loop3A_264 = tpu.vector_load_idx %arg5[%parallel_loop3A_263] : memref<2048xf32, #tpu.memory_space<vmem>>[vector<16xi32>], vector<16xf32>,
        %parallel_loop3A_265 = arith.constant 224 : i32
        %parallel_loop3A_266 = vector.broadcast %parallel_loop3A_265 : i32 to vector<16xi32>
        %parallel_loop3A_267 = arith.addi %parallel_loop3A_208, %parallel_loop3A_266 : vector<16xi32>
        %parallel_loop3A_268 = tpu.vector_load_idx %arg5[%parallel_loop3A_267] : memref<2048xf32, #tpu.memory_space<vmem>>[vector<16xi32>], vector<16xf32>,
        %parallel_loop3A_269 = arith.constant 240 : i32
        %parallel_loop3A_270 = vector.broadcast %parallel_loop3A_269 : i32 to vector<16xi32>
        %parallel_loop3A_271 = arith.addi %parallel_loop3A_208, %parallel_loop3A_270 : vector<16xi32>
        %parallel_loop3A_272 = tpu.vector_load_idx %arg5[%parallel_loop3A_271] : memref<2048xf32, #tpu.memory_space<vmem>>[vector<16xi32>], vector<16xf32>,
        %parallel_loop3A_273 = arith.constant 256 : i32
        %parallel_loop3A_274 = vector.broadcast %parallel_loop3A_273 : i32 to vector<16xi32>
        %parallel_loop3A_275 = arith.addi %parallel_loop3A_208, %parallel_loop3A_274 : vector<16xi32>
        %parallel_loop3A_276 = tpu.vector_load_idx %arg5[%parallel_loop3A_275] : memref<2048xf32, #tpu.memory_space<vmem>>[vector<16xi32>], vector<16xf32>,
        %parallel_loop3A_277 = arith.constant 272 : i32
        %parallel_loop3A_278 = vector.broadcast %parallel_loop3A_277 : i32 to vector<16xi32>
        %parallel_loop3A_279 = arith.addi %parallel_loop3A_208, %parallel_loop3A_278 : vector<16xi32>
        %parallel_loop3A_280 = tpu.vector_load_idx %arg5[%parallel_loop3A_279] : memref<2048xf32, #tpu.memory_space<vmem>>[vector<16xi32>], vector<16xf32>,
        %parallel_loop3A_281 = arith.constant 288 : i32
        %parallel_loop3A_282 = vector.broadcast %parallel_loop3A_281 : i32 to vector<16xi32>
        %parallel_loop3A_283 = arith.addi %parallel_loop3A_208, %parallel_loop3A_282 : vector<16xi32>
        %parallel_loop3A_284 = tpu.vector_load_idx %arg5[%parallel_loop3A_283] : memref<2048xf32, #tpu.memory_space<vmem>>[vector<16xi32>], vector<16xf32>,
        %parallel_loop3A_285 = arith.constant 304 : i32
        %parallel_loop3A_286 = vector.broadcast %parallel_loop3A_285 : i32 to vector<16xi32>
        %parallel_loop3A_287 = arith.addi %parallel_loop3A_208, %parallel_loop3A_286 : vector<16xi32>
        %parallel_loop3A_288 = tpu.vector_load_idx %arg5[%parallel_loop3A_287] : memref<2048xf32, #tpu.memory_space<vmem>>[vector<16xi32>], vector<16xf32>,
        %parallel_loop3A_289 = arith.constant 320 : i32
        %parallel_loop3A_290 = vector.broadcast %parallel_loop3A_289 : i32 to vector<16xi32>
        %parallel_loop3A_291 = arith.addi %parallel_loop3A_208, %parallel_loop3A_290 : vector<16xi32>
        %parallel_loop3A_292 = tpu.vector_load_idx %arg5[%parallel_loop3A_291] : memref<2048xf32, #tpu.memory_space<vmem>>[vector<16xi32>], vector<16xf32>,
        %parallel_loop3A_293 = arith.constant 336 : i32
        %parallel_loop3A_294 = vector.broadcast %parallel_loop3A_293 : i32 to vector<16xi32>
        %parallel_loop3A_295 = arith.addi %parallel_loop3A_208, %parallel_loop3A_294 : vector<16xi32>
        %parallel_loop3A_296 = tpu.vector_load_idx %arg5[%parallel_loop3A_295] : memref<2048xf32, #tpu.memory_space<vmem>>[vector<16xi32>], vector<16xf32>,
        %parallel_loop3A_297 = arith.constant 352 : i32
        %parallel_loop3A_298 = vector.broadcast %parallel_loop3A_297 : i32 to vector<16xi32>
        %parallel_loop3A_299 = arith.addi %parallel_loop3A_208, %parallel_loop3A_298 : vector<16xi32>
        %parallel_loop3A_300 = tpu.vector_load_idx %arg5[%parallel_loop3A_299] : memref<2048xf32, #tpu.memory_space<vmem>>[vector<16xi32>], vector<16xf32>,
        %parallel_loop3A_301 = arith.constant 368 : i32
        %parallel_loop3A_302 = vector.broadcast %parallel_loop3A_301 : i32 to vector<16xi32>
        %parallel_loop3A_303 = arith.addi %parallel_loop3A_208, %parallel_loop3A_302 : vector<16xi32>
        %parallel_loop3A_304 = tpu.vector_load_idx %arg5[%parallel_loop3A_303] : memref<2048xf32, #tpu.memory_space<vmem>>[vector<16xi32>], vector<16xf32>,
        %parallel_loop3A_305 = arith.constant 384 : i32
        %parallel_loop3A_306 = vector.broadcast %parallel_loop3A_305 : i32 to vector<16xi32>
        %parallel_loop3A_307 = arith.addi %parallel_loop3A_208, %parallel_loop3A_306 : vector<16xi32>
        %parallel_loop3A_308 = tpu.vector_load_idx %arg5[%parallel_loop3A_307] : memref<2048xf32, #tpu.memory_space<vmem>>[vector<16xi32>], vector<16xf32>,
        %parallel_loop3A_309 = arith.constant 400 : i32
        %parallel_loop3A_310 = vector.broadcast %parallel_loop3A_309 : i32 to vector<16xi32>
        %parallel_loop3A_311 = arith.addi %parallel_loop3A_208, %parallel_loop3A_310 : vector<16xi32>
        %parallel_loop3A_312 = tpu.vector_load_idx %arg5[%parallel_loop3A_311] : memref<2048xf32, #tpu.memory_space<vmem>>[vector<16xi32>], vector<16xf32>,
        %parallel_loop3A_313 = arith.constant 416 : i32
        %parallel_loop3A_314 = vector.broadcast %parallel_loop3A_313 : i32 to vector<16xi32>
        %parallel_loop3A_315 = arith.addi %parallel_loop3A_208, %parallel_loop3A_314 : vector<16xi32>
        %parallel_loop3A_316 = tpu.vector_load_idx %arg5[%parallel_loop3A_315] : memref<2048xf32, #tpu.memory_space<vmem>>[vector<16xi32>], vector<16xf32>,
        %parallel_loop3A_317 = arith.constant 432 : i32
        %parallel_loop3A_318 = vector.broadcast %parallel_loop3A_317 : i32 to vector<16xi32>
        %parallel_loop3A_319 = arith.addi %parallel_loop3A_208, %parallel_loop3A_318 : vector<16xi32>
        %parallel_loop3A_320 = tpu.vector_load_idx %arg5[%parallel_loop3A_319] : memref<2048xf32, #tpu.memory_space<vmem>>[vector<16xi32>], vector<16xf32>,
        %parallel_loop3A_321 = arith.constant 448 : i32
        %parallel_loop3A_322 = vector.broadcast %parallel_loop3A_321 : i32 to vector<16xi32>
        %parallel_loop3A_323 = arith.addi %parallel_loop3A_208, %parallel_loop3A_322 : vector<16xi32>
        %parallel_loop3A_324 = tpu.vector_load_idx %arg5[%parallel_loop3A_323] : memref<2048xf32, #tpu.memory_space<vmem>>[vector<16xi32>], vector<16xf32>,
        %parallel_loop3A_325 = arith.constant 464 : i32
        %parallel_loop3A_326 = vector.broadcast %parallel_loop3A_325 : i32 to vector<16xi32>
        %parallel_loop3A_327 = arith.addi %parallel_loop3A_208, %parallel_loop3A_326 : vector<16xi32>
        %parallel_loop3A_328 = tpu.vector_load_idx %arg5[%parallel_loop3A_327] : memref<2048xf32, #tpu.memory_space<vmem>>[vector<16xi32>], vector<16xf32>,
        %parallel_loop3A_329 = arith.constant 480 : i32
        %parallel_loop3A_330 = vector.broadcast %parallel_loop3A_329 : i32 to vector<16xi32>
        %parallel_loop3A_331 = arith.addi %parallel_loop3A_208, %parallel_loop3A_330 : vector<16xi32>
        %parallel_loop3A_332 = tpu.vector_load_idx %arg5[%parallel_loop3A_331] : memref<2048xf32, #tpu.memory_space<vmem>>[vector<16xi32>], vector<16xf32>,
        %parallel_loop3A_333 = arith.constant 496 : i32
        %parallel_loop3A_334 = vector.broadcast %parallel_loop3A_333 : i32 to vector<16xi32>
        %parallel_loop3A_335 = arith.addi %parallel_loop3A_208, %parallel_loop3A_334 : vector<16xi32>
        %parallel_loop3A_336 = tpu.vector_load_idx %arg5[%parallel_loop3A_335] : memref<2048xf32, #tpu.memory_space<vmem>>[vector<16xi32>], vector<16xf32>,
        %parallel_loop3A_337 = arith.constant 0 : i32
        %parallel_loop3A_338 = arith.index_cast %parallel_loop3A_337 : i32 to index
        %parallel_loop3A_339 = arith.index_cast %parallel_loop3A_201 : i32 to index
        %parallel_loop3A_340 = arith.constant 0 : index
        %parallel_loop3A_341 = tpu.vector_load %arg7[%parallel_loop3A_338, %parallel_loop3A_339, %parallel_loop3A_340] {strides = array<i32>} : memref<5x40x512xf32, #tpu.memory_space<vmem>>, vector<16xf32>,
        tpu.vector_store %arg7[%parallel_loop3A_338, %parallel_loop3A_339, %parallel_loop3A_340], %parallel_loop3A_212 {strides = array<i32>} : memref<5x40x512xf32, #tpu.memory_space<vmem>>, vector<16xf32>,
        %parallel_loop3A_342 = arith.constant 0 : i32
        %parallel_loop3A_343 = arith.index_cast %parallel_loop3A_342 : i32 to index
        %parallel_loop3A_344 = arith.index_cast %parallel_loop3A_201 : i32 to index
        %parallel_loop3A_345 = arith.constant 16 : index
        %parallel_loop3A_346 = tpu.vector_load %arg7[%parallel_loop3A_343, %parallel_loop3A_344, %parallel_loop3A_345] {strides = array<i32>} : memref<5x40x512xf32, #tpu.memory_space<vmem>>, vector<16xf32>,
        tpu.vector_store %arg7[%parallel_loop3A_343, %parallel_loop3A_344, %parallel_loop3A_345], %parallel_loop3A_216 {strides = array<i32>} : memref<5x40x512xf32, #tpu.memory_space<vmem>>, vector<16xf32>,
        %parallel_loop3A_347 = arith.constant 0 : i32
        %parallel_loop3A_348 = arith.index_cast %parallel_loop3A_347 : i32 to index
        %parallel_loop3A_349 = arith.index_cast %parallel_loop3A_201 : i32 to index
        %parallel_loop3A_350 = arith.constant 32 : index
        %parallel_loop3A_351 = tpu.vector_load %arg7[%parallel_loop3A_348, %parallel_loop3A_349, %parallel_loop3A_350] {strides = array<i32>} : memref<5x40x512xf32, #tpu.memory_space<vmem>>, vector<16xf32>,
        tpu.vector_store %arg7[%parallel_loop3A_348, %parallel_loop3A_349, %parallel_loop3A_350], %parallel_loop3A_220 {strides = array<i32>} : memref<5x40x512xf32, #tpu.memory_space<vmem>>, vector<16xf32>,
        %parallel_loop3A_352 = arith.constant 0 : i32
        %parallel_loop3A_353 = arith.index_cast %parallel_loop3A_352 : i32 to index
        %parallel_loop3A_354 = arith.index_cast %parallel_loop3A_201 : i32 to index
        %parallel_loop3A_355 = arith.constant 48 : index
        %parallel_loop3A_356 = tpu.vector_load %arg7[%parallel_loop3A_353, %parallel_loop3A_354, %parallel_loop3A_355] {strides = array<i32>} : memref<5x40x512xf32, #tpu.memory_space<vmem>>, vector<16xf32>,
        tpu.vector_store %arg7[%parallel_loop3A_353, %parallel_loop3A_354, %parallel_loop3A_355], %parallel_loop3A_224 {strides = array<i32>} : memref<5x40x512xf32, #tpu.memory_space<vmem>>, vector<16xf32>,
        %parallel_loop3A_357 = arith.constant 0 : i32
        %parallel_loop3A_358 = arith.index_cast %parallel_loop3A_357 : i32 to index
        %parallel_loop3A_359 = arith.index_cast %parallel_loop3A_201 : i32 to index
        %parallel_loop3A_360 = arith.constant 64 : index
        %parallel_loop3A_361 = tpu.vector_load %arg7[%parallel_loop3A_358, %parallel_loop3A_359, %parallel_loop3A_360] {strides = array<i32>} : memref<5x40x512xf32, #tpu.memory_space<vmem>>, vector<16xf32>,
        tpu.vector_store %arg7[%parallel_loop3A_358, %parallel_loop3A_359, %parallel_loop3A_360], %parallel_loop3A_228 {strides = array<i32>} : memref<5x40x512xf32, #tpu.memory_space<vmem>>, vector<16xf32>,
        %parallel_loop3A_362 = arith.constant 0 : i32
        %parallel_loop3A_363 = arith.index_cast %parallel_loop3A_362 : i32 to index
        %parallel_loop3A_364 = arith.index_cast %parallel_loop3A_201 : i32 to index
        %parallel_loop3A_365 = arith.constant 80 : index
        %parallel_loop3A_366 = tpu.vector_load %arg7[%parallel_loop3A_363, %parallel_loop3A_364, %parallel_loop3A_365] {strides = array<i32>} : memref<5x40x512xf32, #tpu.memory_space<vmem>>, vector<16xf32>,
        tpu.vector_store %arg7[%parallel_loop3A_363, %parallel_loop3A_364, %parallel_loop3A_365], %parallel_loop3A_232 {strides = array<i32>} : memref<5x40x512xf32, #tpu.memory_space<vmem>>, vector<16xf32>,
        %parallel_loop3A_367 = arith.constant 0 : i32
        %parallel_loop3A_368 = arith.index_cast %parallel_loop3A_367 : i32 to index
        %parallel_loop3A_369 = arith.index_cast %parallel_loop3A_201 : i32 to index
        %parallel_loop3A_370 = arith.constant 96 : index
        %parallel_loop3A_371 = tpu.vector_load %arg7[%parallel_loop3A_368, %parallel_loop3A_369, %parallel_loop3A_370] {strides = array<i32>} : memref<5x40x512xf32, #tpu.memory_space<vmem>>, vector<16xf32>,
        tpu.vector_store %arg7[%parallel_loop3A_368, %parallel_loop3A_369, %parallel_loop3A_370], %parallel_loop3A_236 {strides = array<i32>} : memref<5x40x512xf32, #tpu.memory_space<vmem>>, vector<16xf32>,
        %parallel_loop3A_372 = arith.constant 0 : i32
        %parallel_loop3A_373 = arith.index_cast %parallel_loop3A_372 : i32 to index
        %parallel_loop3A_374 = arith.index_cast %parallel_loop3A_201 : i32 to index
        %parallel_loop3A_375 = arith.constant 112 : index
        %parallel_loop3A_376 = tpu.vector_load %arg7[%parallel_loop3A_373, %parallel_loop3A_374, %parallel_loop3A_375] {strides = array<i32>} : memref<5x40x512xf32, #tpu.memory_space<vmem>>, vector<16xf32>,
        tpu.vector_store %arg7[%parallel_loop3A_373, %parallel_loop3A_374, %parallel_loop3A_375], %parallel_loop3A_240 {strides = array<i32>} : memref<5x40x512xf32, #tpu.memory_space<vmem>>, vector<16xf32>,
        %parallel_loop3A_377 = arith.constant 0 : i32
        %parallel_loop3A_378 = arith.index_cast %parallel_loop3A_377 : i32 to index
        %parallel_loop3A_379 = arith.index_cast %parallel_loop3A_201 : i32 to index
        %parallel_loop3A_380 = arith.constant 128 : index
        %parallel_loop3A_381 = tpu.vector_load %arg7[%parallel_loop3A_378, %parallel_loop3A_379, %parallel_loop3A_380] {strides = array<i32>} : memref<5x40x512xf32, #tpu.memory_space<vmem>>, vector<16xf32>,
        tpu.vector_store %arg7[%parallel_loop3A_378, %parallel_loop3A_379, %parallel_loop3A_380], %parallel_loop3A_244 {strides = array<i32>} : memref<5x40x512xf32, #tpu.memory_space<vmem>>, vector<16xf32>,
        %parallel_loop3A_382 = arith.constant 0 : i32
        %parallel_loop3A_383 = arith.index_cast %parallel_loop3A_382 : i32 to index
        %parallel_loop3A_384 = arith.index_cast %parallel_loop3A_201 : i32 to index
        %parallel_loop3A_385 = arith.constant 144 : index
        %parallel_loop3A_386 = tpu.vector_load %arg7[%parallel_loop3A_383, %parallel_loop3A_384, %parallel_loop3A_385] {strides = array<i32>} : memref<5x40x512xf32, #tpu.memory_space<vmem>>, vector<16xf32>,
        tpu.vector_store %arg7[%parallel_loop3A_383, %parallel_loop3A_384, %parallel_loop3A_385], %parallel_loop3A_248 {strides = array<i32>} : memref<5x40x512xf32, #tpu.memory_space<vmem>>, vector<16xf32>,
        %parallel_loop3A_387 = arith.constant 0 : i32
        %parallel_loop3A_388 = arith.index_cast %parallel_loop3A_387 : i32 to index
        %parallel_loop3A_389 = arith.index_cast %parallel_loop3A_201 : i32 to index
        %parallel_loop3A_390 = arith.constant 160 : index
        %parallel_loop3A_391 = tpu.vector_load %arg7[%parallel_loop3A_388, %parallel_loop3A_389, %parallel_loop3A_390] {strides = array<i32>} : memref<5x40x512xf32, #tpu.memory_space<vmem>>, vector<16xf32>,
        tpu.vector_store %arg7[%parallel_loop3A_388, %parallel_loop3A_389, %parallel_loop3A_390], %parallel_loop3A_252 {strides = array<i32>} : memref<5x40x512xf32, #tpu.memory_space<vmem>>, vector<16xf32>,
        %parallel_loop3A_392 = arith.constant 0 : i32
        %parallel_loop3A_393 = arith.index_cast %parallel_loop3A_392 : i32 to index
        %parallel_loop3A_394 = arith.index_cast %parallel_loop3A_201 : i32 to index
        %parallel_loop3A_395 = arith.constant 176 : index
        %parallel_loop3A_396 = tpu.vector_load %arg7[%parallel_loop3A_393, %parallel_loop3A_394, %parallel_loop3A_395] {strides = array<i32>} : memref<5x40x512xf32, #tpu.memory_space<vmem>>, vector<16xf32>,
        tpu.vector_store %arg7[%parallel_loop3A_393, %parallel_loop3A_394, %parallel_loop3A_395], %parallel_loop3A_256 {strides = array<i32>} : memref<5x40x512xf32, #tpu.memory_space<vmem>>, vector<16xf32>,
        %parallel_loop3A_397 = arith.constant 0 : i32
        %parallel_loop3A_398 = arith.index_cast %parallel_loop3A_397 : i32 to index
        %parallel_loop3A_399 = arith.index_cast %parallel_loop3A_201 : i32 to index
        %parallel_loop3A_400 = arith.constant 192 : index
        %parallel_loop3A_401 = tpu.vector_load %arg7[%parallel_loop3A_398, %parallel_loop3A_399, %parallel_loop3A_400] {strides = array<i32>} : memref<5x40x512xf32, #tpu.memory_space<vmem>>, vector<16xf32>,
        tpu.vector_store %arg7[%parallel_loop3A_398, %parallel_loop3A_399, %parallel_loop3A_400], %parallel_loop3A_260 {strides = array<i32>} : memref<5x40x512xf32, #tpu.memory_space<vmem>>, vector<16xf32>,
        %parallel_loop3A_402 = arith.constant 0 : i32
        %parallel_loop3A_403 = arith.index_cast %parallel_loop3A_402 : i32 to index
        %parallel_loop3A_404 = arith.index_cast %parallel_loop3A_201 : i32 to index
        %parallel_loop3A_405 = arith.constant 208 : index
        %parallel_loop3A_406 = tpu.vector_load %arg7[%parallel_loop3A_403, %parallel_loop3A_404, %parallel_loop3A_405] {strides = array<i32>} : memref<5x40x512xf32, #tpu.memory_space<vmem>>, vector<16xf32>,
        tpu.vector_store %arg7[%parallel_loop3A_403, %parallel_loop3A_404, %parallel_loop3A_405], %parallel_loop3A_264 {strides = array<i32>} : memref<5x40x512xf32, #tpu.memory_space<vmem>>, vector<16xf32>,
        %parallel_loop3A_407 = arith.constant 0 : i32
        %parallel_loop3A_408 = arith.index_cast %parallel_loop3A_407 : i32 to index
        %parallel_loop3A_409 = arith.index_cast %parallel_loop3A_201 : i32 to index
        %parallel_loop3A_410 = arith.constant 224 : index
        %parallel_loop3A_411 = tpu.vector_load %arg7[%parallel_loop3A_408, %parallel_loop3A_409, %parallel_loop3A_410] {strides = array<i32>} : memref<5x40x512xf32, #tpu.memory_space<vmem>>, vector<16xf32>,
        tpu.vector_store %arg7[%parallel_loop3A_408, %parallel_loop3A_409, %parallel_loop3A_410], %parallel_loop3A_268 {strides = array<i32>} : memref<5x40x512xf32, #tpu.memory_space<vmem>>, vector<16xf32>,
        %parallel_loop3A_412 = arith.constant 0 : i32
        %parallel_loop3A_413 = arith.index_cast %parallel_loop3A_412 : i32 to index
        %parallel_loop3A_414 = arith.index_cast %parallel_loop3A_201 : i32 to index
        %parallel_loop3A_415 = arith.constant 240 : index
        %parallel_loop3A_416 = tpu.vector_load %arg7[%parallel_loop3A_413, %parallel_loop3A_414, %parallel_loop3A_415] {strides = array<i32>} : memref<5x40x512xf32, #tpu.memory_space<vmem>>, vector<16xf32>,
        tpu.vector_store %arg7[%parallel_loop3A_413, %parallel_loop3A_414, %parallel_loop3A_415], %parallel_loop3A_272 {strides = array<i32>} : memref<5x40x512xf32, #tpu.memory_space<vmem>>, vector<16xf32>,
        %parallel_loop3A_417 = arith.constant 0 : i32
        %parallel_loop3A_418 = arith.index_cast %parallel_loop3A_417 : i32 to index
        %parallel_loop3A_419 = arith.index_cast %parallel_loop3A_201 : i32 to index
        %parallel_loop3A_420 = arith.constant 256 : index
        %parallel_loop3A_421 = tpu.vector_load %arg7[%parallel_loop3A_418, %parallel_loop3A_419, %parallel_loop3A_420] {strides = array<i32>} : memref<5x40x512xf32, #tpu.memory_space<vmem>>, vector<16xf32>,
        tpu.vector_store %arg7[%parallel_loop3A_418, %parallel_loop3A_419, %parallel_loop3A_420], %parallel_loop3A_276 {strides = array<i32>} : memref<5x40x512xf32, #tpu.memory_space<vmem>>, vector<16xf32>,
        %parallel_loop3A_422 = arith.constant 0 : i32
        %parallel_loop3A_423 = arith.index_cast %parallel_loop3A_422 : i32 to index
        %parallel_loop3A_424 = arith.index_cast %parallel_loop3A_201 : i32 to index
        %parallel_loop3A_425 = arith.constant 272 : index
        %parallel_loop3A_426 = tpu.vector_load %arg7[%parallel_loop3A_423, %parallel_loop3A_424, %parallel_loop3A_425] {strides = array<i32>} : memref<5x40x512xf32, #tpu.memory_space<vmem>>, vector<16xf32>,
        tpu.vector_store %arg7[%parallel_loop3A_423, %parallel_loop3A_424, %parallel_loop3A_425], %parallel_loop3A_280 {strides = array<i32>} : memref<5x40x512xf32, #tpu.memory_space<vmem>>, vector<16xf32>,
        %parallel_loop3A_427 = arith.constant 0 : i32
        %parallel_loop3A_428 = arith.index_cast %parallel_loop3A_427 : i32 to index
        %parallel_loop3A_429 = arith.index_cast %parallel_loop3A_201 : i32 to index
        %parallel_loop3A_430 = arith.constant 288 : index
        %parallel_loop3A_431 = tpu.vector_load %arg7[%parallel_loop3A_428, %parallel_loop3A_429, %parallel_loop3A_430] {strides = array<i32>} : memref<5x40x512xf32, #tpu.memory_space<vmem>>, vector<16xf32>,
        tpu.vector_store %arg7[%parallel_loop3A_428, %parallel_loop3A_429, %parallel_loop3A_430], %parallel_loop3A_284 {strides = array<i32>} : memref<5x40x512xf32, #tpu.memory_space<vmem>>, vector<16xf32>,
        %parallel_loop3A_432 = arith.constant 0 : i32
        %parallel_loop3A_433 = arith.index_cast %parallel_loop3A_432 : i32 to index
        %parallel_loop3A_434 = arith.index_cast %parallel_loop3A_201 : i32 to index
        %parallel_loop3A_435 = arith.constant 304 : index
        %parallel_loop3A_436 = tpu.vector_load %arg7[%parallel_loop3A_433, %parallel_loop3A_434, %parallel_loop3A_435] {strides = array<i32>} : memref<5x40x512xf32, #tpu.memory_space<vmem>>, vector<16xf32>,
        tpu.vector_store %arg7[%parallel_loop3A_433, %parallel_loop3A_434, %parallel_loop3A_435], %parallel_loop3A_288 {strides = array<i32>} : memref<5x40x512xf32, #tpu.memory_space<vmem>>, vector<16xf32>,
        %parallel_loop3A_437 = arith.constant 0 : i32
        %parallel_loop3A_438 = arith.index_cast %parallel_loop3A_437 : i32 to index
        %parallel_loop3A_439 = arith.index_cast %parallel_loop3A_201 : i32 to index
        %parallel_loop3A_440 = arith.constant 320 : index
        %parallel_loop3A_441 = tpu.vector_load %arg7[%parallel_loop3A_438, %parallel_loop3A_439, %parallel_loop3A_440] {strides = array<i32>} : memref<5x40x512xf32, #tpu.memory_space<vmem>>, vector<16xf32>,
        tpu.vector_store %arg7[%parallel_loop3A_438, %parallel_loop3A_439, %parallel_loop3A_440], %parallel_loop3A_292 {strides = array<i32>} : memref<5x40x512xf32, #tpu.memory_space<vmem>>, vector<16xf32>,
        %parallel_loop3A_442 = arith.constant 0 : i32
        %parallel_loop3A_443 = arith.index_cast %parallel_loop3A_442 : i32 to index
        %parallel_loop3A_444 = arith.index_cast %parallel_loop3A_201 : i32 to index
        %parallel_loop3A_445 = arith.constant 336 : index
        %parallel_loop3A_446 = tpu.vector_load %arg7[%parallel_loop3A_443, %parallel_loop3A_444, %parallel_loop3A_445] {strides = array<i32>} : memref<5x40x512xf32, #tpu.memory_space<vmem>>, vector<16xf32>,
        tpu.vector_store %arg7[%parallel_loop3A_443, %parallel_loop3A_444, %parallel_loop3A_445], %parallel_loop3A_296 {strides = array<i32>} : memref<5x40x512xf32, #tpu.memory_space<vmem>>, vector<16xf32>,
        %parallel_loop3A_447 = arith.constant 0 : i32
        %parallel_loop3A_448 = arith.index_cast %parallel_loop3A_447 : i32 to index
        %parallel_loop3A_449 = arith.index_cast %parallel_loop3A_201 : i32 to index
        %parallel_loop3A_450 = arith.constant 352 : index
        %parallel_loop3A_451 = tpu.vector_load %arg7[%parallel_loop3A_448, %parallel_loop3A_449, %parallel_loop3A_450] {strides = array<i32>} : memref<5x40x512xf32, #tpu.memory_space<vmem>>, vector<16xf32>,
        tpu.vector_store %arg7[%parallel_loop3A_448, %parallel_loop3A_449, %parallel_loop3A_450], %parallel_loop3A_300 {strides = array<i32>} : memref<5x40x512xf32, #tpu.memory_space<vmem>>, vector<16xf32>,
        %parallel_loop3A_452 = arith.constant 0 : i32
        %parallel_loop3A_453 = arith.index_cast %parallel_loop3A_452 : i32 to index
        %parallel_loop3A_454 = arith.index_cast %parallel_loop3A_201 : i32 to index
        %parallel_loop3A_455 = arith.constant 368 : index
        %parallel_loop3A_456 = tpu.vector_load %arg7[%parallel_loop3A_453, %parallel_loop3A_454, %parallel_loop3A_455] {strides = array<i32>} : memref<5x40x512xf32, #tpu.memory_space<vmem>>, vector<16xf32>,
        tpu.vector_store %arg7[%parallel_loop3A_453, %parallel_loop3A_454, %parallel_loop3A_455], %parallel_loop3A_304 {strides = array<i32>} : memref<5x40x512xf32, #tpu.memory_space<vmem>>, vector<16xf32>,
        %parallel_loop3A_457 = arith.constant 0 : i32
        %parallel_loop3A_458 = arith.index_cast %parallel_loop3A_457 : i32 to index
        %parallel_loop3A_459 = arith.index_cast %parallel_loop3A_201 : i32 to index
        %parallel_loop3A_460 = arith.constant 384 : index
        %parallel_loop3A_461 = tpu.vector_load %arg7[%parallel_loop3A_458, %parallel_loop3A_459, %parallel_loop3A_460] {strides = array<i32>} : memref<5x40x512xf32, #tpu.memory_space<vmem>>, vector<16xf32>,
        tpu.vector_store %arg7[%parallel_loop3A_458, %parallel_loop3A_459, %parallel_loop3A_460], %parallel_loop3A_308 {strides = array<i32>} : memref<5x40x512xf32, #tpu.memory_space<vmem>>, vector<16xf32>,
        %parallel_loop3A_462 = arith.constant 0 : i32
        %parallel_loop3A_463 = arith.index_cast %parallel_loop3A_462 : i32 to index
        %parallel_loop3A_464 = arith.index_cast %parallel_loop3A_201 : i32 to index
        %parallel_loop3A_465 = arith.constant 400 : index
        %parallel_loop3A_466 = tpu.vector_load %arg7[%parallel_loop3A_463, %parallel_loop3A_464, %parallel_loop3A_465] {strides = array<i32>} : memref<5x40x512xf32, #tpu.memory_space<vmem>>, vector<16xf32>,
        tpu.vector_store %arg7[%parallel_loop3A_463, %parallel_loop3A_464, %parallel_loop3A_465], %parallel_loop3A_312 {strides = array<i32>} : memref<5x40x512xf32, #tpu.memory_space<vmem>>, vector<16xf32>,
        %parallel_loop3A_467 = arith.constant 0 : i32
        %parallel_loop3A_468 = arith.index_cast %parallel_loop3A_467 : i32 to index
        %parallel_loop3A_469 = arith.index_cast %parallel_loop3A_201 : i32 to index
        %parallel_loop3A_470 = arith.constant 416 : index
        %parallel_loop3A_471 = tpu.vector_load %arg7[%parallel_loop3A_468, %parallel_loop3A_469, %parallel_loop3A_470] {strides = array<i32>} : memref<5x40x512xf32, #tpu.memory_space<vmem>>, vector<16xf32>,
        tpu.vector_store %arg7[%parallel_loop3A_468, %parallel_loop3A_469, %parallel_loop3A_470], %parallel_loop3A_316 {strides = array<i32>} : memref<5x40x512xf32, #tpu.memory_space<vmem>>, vector<16xf32>,
        %parallel_loop3A_472 = arith.constant 0 : i32
        %parallel_loop3A_473 = arith.index_cast %parallel_loop3A_472 : i32 to index
        %parallel_loop3A_474 = arith.index_cast %parallel_loop3A_201 : i32 to index
        %parallel_loop3A_475 = arith.constant 432 : index
        %parallel_loop3A_476 = tpu.vector_load %arg7[%parallel_loop3A_473, %parallel_loop3A_474, %parallel_loop3A_475] {strides = array<i32>} : memref<5x40x512xf32, #tpu.memory_space<vmem>>, vector<16xf32>,
        tpu.vector_store %arg7[%parallel_loop3A_473, %parallel_loop3A_474, %parallel_loop3A_475], %parallel_loop3A_320 {strides = array<i32>} : memref<5x40x512xf32, #tpu.memory_space<vmem>>, vector<16xf32>,
        %parallel_loop3A_477 = arith.constant 0 : i32
        %parallel_loop3A_478 = arith.index_cast %parallel_loop3A_477 : i32 to index
        %parallel_loop3A_479 = arith.index_cast %parallel_loop3A_201 : i32 to index
        %parallel_loop3A_480 = arith.constant 448 : index
        %parallel_loop3A_481 = tpu.vector_load %arg7[%parallel_loop3A_478, %parallel_loop3A_479, %parallel_loop3A_480] {strides = array<i32>} : memref<5x40x512xf32, #tpu.memory_space<vmem>>, vector<16xf32>,
        tpu.vector_store %arg7[%parallel_loop3A_478, %parallel_loop3A_479, %parallel_loop3A_480], %parallel_loop3A_324 {strides = array<i32>} : memref<5x40x512xf32, #tpu.memory_space<vmem>>, vector<16xf32>,
        %parallel_loop3A_482 = arith.constant 0 : i32
        %parallel_loop3A_483 = arith.index_cast %parallel_loop3A_482 : i32 to index
        %parallel_loop3A_484 = arith.index_cast %parallel_loop3A_201 : i32 to index
        %parallel_loop3A_485 = arith.constant 464 : index
        %parallel_loop3A_486 = tpu.vector_load %arg7[%parallel_loop3A_483, %parallel_loop3A_484, %parallel_loop3A_485] {strides = array<i32>} : memref<5x40x512xf32, #tpu.memory_space<vmem>>, vector<16xf32>,
        tpu.vector_store %arg7[%parallel_loop3A_483, %parallel_loop3A_484, %parallel_loop3A_485], %parallel_loop3A_328 {strides = array<i32>} : memref<5x40x512xf32, #tpu.memory_space<vmem>>, vector<16xf32>,
        %parallel_loop3A_487 = arith.constant 0 : i32
        %parallel_loop3A_488 = arith.index_cast %parallel_loop3A_487 : i32 to index
        %parallel_loop3A_489 = arith.index_cast %parallel_loop3A_201 : i32 to index
        %parallel_loop3A_490 = arith.constant 480 : index
        %parallel_loop3A_491 = tpu.vector_load %arg7[%parallel_loop3A_488, %parallel_loop3A_489, %parallel_loop3A_490] {strides = array<i32>} : memref<5x40x512xf32, #tpu.memory_space<vmem>>, vector<16xf32>,
        tpu.vector_store %arg7[%parallel_loop3A_488, %parallel_loop3A_489, %parallel_loop3A_490], %parallel_loop3A_332 {strides = array<i32>} : memref<5x40x512xf32, #tpu.memory_space<vmem>>, vector<16xf32>,
        %parallel_loop3A_492 = arith.constant 0 : i32
        %parallel_loop3A_493 = arith.index_cast %parallel_loop3A_492 : i32 to index
        %parallel_loop3A_494 = arith.index_cast %parallel_loop3A_201 : i32 to index
        %parallel_loop3A_495 = arith.constant 496 : index
        %parallel_loop3A_496 = tpu.vector_load %arg7[%parallel_loop3A_493, %parallel_loop3A_494, %parallel_loop3A_495] {strides = array<i32>} : memref<5x40x512xf32, #tpu.memory_space<vmem>>, vector<16xf32>,
        tpu.vector_store %arg7[%parallel_loop3A_493, %parallel_loop3A_494, %parallel_loop3A_495], %parallel_loop3A_336 {strides = array<i32>} : memref<5x40x512xf32, #tpu.memory_space<vmem>>, vector<16xf32>,
      } {sc.loop_unroll_factor = 8 : i64, sc.parallel_access}
      %add3A_84 = arith.addi %mul3A_2, %mul3A_81 : i32
      %dma_start3A = arith.constant 0 : i32
      %dma_start3A_85 = arith.constant 0 : i32
      %dma_start3A_86 = arith.constant 0 : i32
      %dma_start3A_87 = tpu.memref_slice %arg7[%dma_start3A, %dma_start3A_85, %dma_start3A_86] : memref<5x40x512xf32, #tpu.memory_space<vmem>> -> memref<1x40x512xf32, #tpu.memory_space<vmem>>
      %dma_start3A_88 = tpu.memref_squeeze %dma_start3A_87 : memref<1x40x512xf32, #tpu.memory_space<vmem>> -> memref<40x512xf32, #tpu.memory_space<vmem>>
      %dma_start3A_89 = arith.constant 0 : i32
      %dma_start3A_90 = tpu.memref_slice %arg4[%add3A_84, %dma_start3A_89] : memref<204800x512xf32, #tpu.memory_space<hbm>> -> memref<40x512xf32, #tpu.memory_space<hbm>>
      %dma_start3A_91 = arith.constant 0 : i32
      %dma_start3A_92 = tpu.memref_slice %arg4[%add3A_84, %dma_start3A_91] : memref<204800x512xf32, #tpu.memory_space<hbm>> -> memref<40x512xf32, #tpu.memory_space<hbm>>
      %dma_start3A_93 = arith.constant 0 : i32
      %dma_start3A_94 = arith.constant 0 : i32
      %dma_start3A_95 = tpu.memref_slice %arg7[%dma_start3A, %dma_start3A_93, %dma_start3A_94] : memref<5x40x512xf32, #tpu.memory_space<vmem>> -> memref<1x40x512xf32, #tpu.memory_space<vmem>>
      %dma_start3A_96 = tpu.memref_squeeze %dma_start3A_95 : memref<1x40x512xf32, #tpu.memory_space<vmem>> -> memref<40x512xf32, #tpu.memory_space<vmem>>
      tpu.enqueue_dma source(%dma_start3A_96 : memref<40x512xf32, #tpu.memory_space<vmem>>) target(%dma_start3A_92 : memref<40x512xf32, #tpu.memory_space<hbm>>) target_semaphore(%arg8 : memref<!tpu.dma_semaphore, #tpu.memory_space<semaphore_mem>>)
      %add3A_97 = arith.constant 1 : i32
      %add3A_98 = arith.addi %add3A_75, %add3A_97 : i32
      %ge3A_99 = arith.constant 5 : i32
      %ge3A_100 = arith.cmpi sge, %add3A_98, %ge3A_99 : i32
      %convert_element_type3A_101 = arith.extui %ge3A_100 : i1 to i32
      %cond3A_102 = arith.constant 0 : i32
      %cond3A_103 = arith.cmpi ne, %convert_element_type3A_101, %cond3A_102 : i32
      scf.if %cond3A_103 {
        %dma_wait3A_201 = arith.constant 1 : i32
        %dma_wait3A_202 = arith.constant 0 : i32
        %dma_wait3A_203 = arith.constant 0 : i32
        %dma_wait3A_204 = tpu.memref_slice %arg7[%dma_wait3A_201, %dma_wait3A_202, %dma_wait3A_203] : memref<5x40x512xf32, #tpu.memory_space<vmem>> -> memref<1x40x512xf32, #tpu.memory_space<vmem>>
        %dma_wait3A_205 = tpu.memref_squeeze %dma_wait3A_204 : memref<1x40x512xf32, #tpu.memory_space<vmem>> -> memref<40x512xf32, #tpu.memory_space<vmem>>
        %dma_wait3A_206 = arith.constant 0 : i32
        %dma_wait3A_207 = tpu.memref_slice %arg4[%mul3A_2, %dma_wait3A_206] : memref<204800x512xf32, #tpu.memory_space<hbm>> -> memref<40x512xf32, #tpu.memory_space<hbm>>
        %dma_wait3A_208 = arith.constant 0 : i32
        %dma_wait3A_209 = tpu.memref_slice %arg4[%mul3A_2, %dma_wait3A_208] : memref<204800x512xf32, #tpu.memory_space<hbm>> -> memref<40x512xf32, #tpu.memory_space<hbm>>
        %dma_wait3A_210 = arith.constant 0 : i32
        %dma_wait3A_211 = arith.constant 0 : i32
        %dma_wait3A_212 = tpu.memref_slice %arg7[%dma_wait3A_201, %dma_wait3A_210, %dma_wait3A_211] : memref<5x40x512xf32, #tpu.memory_space<vmem>> -> memref<1x40x512xf32, #tpu.memory_space<vmem>>
        %dma_wait3A_213 = tpu.memref_squeeze %dma_wait3A_212 : memref<1x40x512xf32, #tpu.memory_space<vmem>> -> memref<40x512xf32, #tpu.memory_space<vmem>>
        tpu.wait_dma2 semaphore(%arg9 : memref<!tpu.dma_semaphore, #tpu.memory_space<semaphore_mem>>) src(%dma_wait3A_213 : memref<40x512xf32, #tpu.memory_space<vmem>>) dst(%dma_wait3A_209 : memref<40x512xf32, #tpu.memory_space<hbm>>)
      } else {
      }
      %mul3A_104 = arith.constant 40 : i32
      %mul3A_105 = arith.muli %add3A_98, %mul3A_104 : i32
      %parallel_loop3A_106 = arith.constant 0 : i32
      %parallel_loop3A_107 = arith.constant 40 : i32
      %parallel_loop3A_108 = arith.constant 1 : i32
      scf.for %parallel_loop3A_201 = %parallel_loop3A_106 to %parallel_loop3A_107 step %parallel_loop3A_108  : i32 {
        %parallel_loop3A_202 = arith.addi %mul3A_105, %parallel_loop3A_201 : i32
        %parallel_loop3A_203 = vector.broadcast %parallel_loop3A_202 : i32 to vector<16xi32>
        %parallel_loop3A_204 = tpu.vector_load_idx %arg6[%parallel_loop3A_203] : memref<6400xi32, #tpu.memory_space<vmem>>[vector<16xi32>], vector<16xi32>,
        %parallel_loop3A_205 = arith.constant 512 : i32
        %parallel_loop3A_206 = vector.broadcast %parallel_loop3A_205 : i32 to vector<16xi32>
        %parallel_loop3A_207 = arith.muli %parallel_loop3A_204, %parallel_loop3A_206 : vector<16xi32>
        %parallel_loop3A_208 = arith.addi %parallel_loop3A_207, %iota3A : vector<16xi32>
        %parallel_loop3A_209 = arith.constant 0 : i32
        %parallel_loop3A_210 = vector.broadcast %parallel_loop3A_209 : i32 to vector<16xi32>
        %parallel_loop3A_211 = arith.addi %parallel_loop3A_208, %parallel_loop3A_210 : vector<16xi32>
        %parallel_loop3A_212 = tpu.vector_load_idx %arg5[%parallel_loop3A_211] : memref<2048xf32, #tpu.memory_space<vmem>>[vector<16xi32>], vector<16xf32>,
        %parallel_loop3A_213 = arith.constant 16 : i32
        %parallel_loop3A_214 = vector.broadcast %parallel_loop3A_213 : i32 to vector<16xi32>
        %parallel_loop3A_215 = arith.addi %parallel_loop3A_208, %parallel_loop3A_214 : vector<16xi32>
        %parallel_loop3A_216 = tpu.vector_load_idx %arg5[%parallel_loop3A_215] : memref<2048xf32, #tpu.memory_space<vmem>>[vector<16xi32>], vector<16xf32>,
        %parallel_loop3A_217 = arith.constant 32 : i32
        %parallel_loop3A_218 = vector.broadcast %parallel_loop3A_217 : i32 to vector<16xi32>
        %parallel_loop3A_219 = arith.addi %parallel_loop3A_208, %parallel_loop3A_218 : vector<16xi32>
        %parallel_loop3A_220 = tpu.vector_load_idx %arg5[%parallel_loop3A_219] : memref<2048xf32, #tpu.memory_space<vmem>>[vector<16xi32>], vector<16xf32>,
        %parallel_loop3A_221 = arith.constant 48 : i32
        %parallel_loop3A_222 = vector.broadcast %parallel_loop3A_221 : i32 to vector<16xi32>
        %parallel_loop3A_223 = arith.addi %parallel_loop3A_208, %parallel_loop3A_222 : vector<16xi32>
        %parallel_loop3A_224 = tpu.vector_load_idx %arg5[%parallel_loop3A_223] : memref<2048xf32, #tpu.memory_space<vmem>>[vector<16xi32>], vector<16xf32>,
        %parallel_loop3A_225 = arith.constant 64 : i32
        %parallel_loop3A_226 = vector.broadcast %parallel_loop3A_225 : i32 to vector<16xi32>
        %parallel_loop3A_227 = arith.addi %parallel_loop3A_208, %parallel_loop3A_226 : vector<16xi32>
        %parallel_loop3A_228 = tpu.vector_load_idx %arg5[%parallel_loop3A_227] : memref<2048xf32, #tpu.memory_space<vmem>>[vector<16xi32>], vector<16xf32>,
        %parallel_loop3A_229 = arith.constant 80 : i32
        %parallel_loop3A_230 = vector.broadcast %parallel_loop3A_229 : i32 to vector<16xi32>
        %parallel_loop3A_231 = arith.addi %parallel_loop3A_208, %parallel_loop3A_230 : vector<16xi32>
        %parallel_loop3A_232 = tpu.vector_load_idx %arg5[%parallel_loop3A_231] : memref<2048xf32, #tpu.memory_space<vmem>>[vector<16xi32>], vector<16xf32>,
        %parallel_loop3A_233 = arith.constant 96 : i32
        %parallel_loop3A_234 = vector.broadcast %parallel_loop3A_233 : i32 to vector<16xi32>
        %parallel_loop3A_235 = arith.addi %parallel_loop3A_208, %parallel_loop3A_234 : vector<16xi32>
        %parallel_loop3A_236 = tpu.vector_load_idx %arg5[%parallel_loop3A_235] : memref<2048xf32, #tpu.memory_space<vmem>>[vector<16xi32>], vector<16xf32>,
        %parallel_loop3A_237 = arith.constant 112 : i32
        %parallel_loop3A_238 = vector.broadcast %parallel_loop3A_237 : i32 to vector<16xi32>
        %parallel_loop3A_239 = arith.addi %parallel_loop3A_208, %parallel_loop3A_238 : vector<16xi32>
        %parallel_loop3A_240 = tpu.vector_load_idx %arg5[%parallel_loop3A_239] : memref<2048xf32, #tpu.memory_space<vmem>>[vector<16xi32>], vector<16xf32>,
        %parallel_loop3A_241 = arith.constant 128 : i32
        %parallel_loop3A_242 = vector.broadcast %parallel_loop3A_241 : i32 to vector<16xi32>
        %parallel_loop3A_243 = arith.addi %parallel_loop3A_208, %parallel_loop3A_242 : vector<16xi32>
        %parallel_loop3A_244 = tpu.vector_load_idx %arg5[%parallel_loop3A_243] : memref<2048xf32, #tpu.memory_space<vmem>>[vector<16xi32>], vector<16xf32>,
        %parallel_loop3A_245 = arith.constant 144 : i32
        %parallel_loop3A_246 = vector.broadcast %parallel_loop3A_245 : i32 to vector<16xi32>
        %parallel_loop3A_247 = arith.addi %parallel_loop3A_208, %parallel_loop3A_246 : vector<16xi32>
        %parallel_loop3A_248 = tpu.vector_load_idx %arg5[%parallel_loop3A_247] : memref<2048xf32, #tpu.memory_space<vmem>>[vector<16xi32>], vector<16xf32>,
        %parallel_loop3A_249 = arith.constant 160 : i32
        %parallel_loop3A_250 = vector.broadcast %parallel_loop3A_249 : i32 to vector<16xi32>
        %parallel_loop3A_251 = arith.addi %parallel_loop3A_208, %parallel_loop3A_250 : vector<16xi32>
        %parallel_loop3A_252 = tpu.vector_load_idx %arg5[%parallel_loop3A_251] : memref<2048xf32, #tpu.memory_space<vmem>>[vector<16xi32>], vector<16xf32>,
        %parallel_loop3A_253 = arith.constant 176 : i32
        %parallel_loop3A_254 = vector.broadcast %parallel_loop3A_253 : i32 to vector<16xi32>
        %parallel_loop3A_255 = arith.addi %parallel_loop3A_208, %parallel_loop3A_254 : vector<16xi32>
        %parallel_loop3A_256 = tpu.vector_load_idx %arg5[%parallel_loop3A_255] : memref<2048xf32, #tpu.memory_space<vmem>>[vector<16xi32>], vector<16xf32>,
        %parallel_loop3A_257 = arith.constant 192 : i32
        %parallel_loop3A_258 = vector.broadcast %parallel_loop3A_257 : i32 to vector<16xi32>
        %parallel_loop3A_259 = arith.addi %parallel_loop3A_208, %parallel_loop3A_258 : vector<16xi32>
        %parallel_loop3A_260 = tpu.vector_load_idx %arg5[%parallel_loop3A_259] : memref<2048xf32, #tpu.memory_space<vmem>>[vector<16xi32>], vector<16xf32>,
        %parallel_loop3A_261 = arith.constant 208 : i32
        %parallel_loop3A_262 = vector.broadcast %parallel_loop3A_261 : i32 to vector<16xi32>
        %parallel_loop3A_263 = arith.addi %parallel_loop3A_208, %parallel_loop3A_262 : vector<16xi32>
        %parallel_loop3A_264 = tpu.vector_load_idx %arg5[%parallel_loop3A_263] : memref<2048xf32, #tpu.memory_space<vmem>>[vector<16xi32>], vector<16xf32>,
        %parallel_loop3A_265 = arith.constant 224 : i32
        %parallel_loop3A_266 = vector.broadcast %parallel_loop3A_265 : i32 to vector<16xi32>
        %parallel_loop3A_267 = arith.addi %parallel_loop3A_208, %parallel_loop3A_266 : vector<16xi32>
        %parallel_loop3A_268 = tpu.vector_load_idx %arg5[%parallel_loop3A_267] : memref<2048xf32, #tpu.memory_space<vmem>>[vector<16xi32>], vector<16xf32>,
        %parallel_loop3A_269 = arith.constant 240 : i32
        %parallel_loop3A_270 = vector.broadcast %parallel_loop3A_269 : i32 to vector<16xi32>
        %parallel_loop3A_271 = arith.addi %parallel_loop3A_208, %parallel_loop3A_270 : vector<16xi32>
        %parallel_loop3A_272 = tpu.vector_load_idx %arg5[%parallel_loop3A_271] : memref<2048xf32, #tpu.memory_space<vmem>>[vector<16xi32>], vector<16xf32>,
        %parallel_loop3A_273 = arith.constant 256 : i32
        %parallel_loop3A_274 = vector.broadcast %parallel_loop3A_273 : i32 to vector<16xi32>
        %parallel_loop3A_275 = arith.addi %parallel_loop3A_208, %parallel_loop3A_274 : vector<16xi32>
        %parallel_loop3A_276 = tpu.vector_load_idx %arg5[%parallel_loop3A_275] : memref<2048xf32, #tpu.memory_space<vmem>>[vector<16xi32>], vector<16xf32>,
        %parallel_loop3A_277 = arith.constant 272 : i32
        %parallel_loop3A_278 = vector.broadcast %parallel_loop3A_277 : i32 to vector<16xi32>
        %parallel_loop3A_279 = arith.addi %parallel_loop3A_208, %parallel_loop3A_278 : vector<16xi32>
        %parallel_loop3A_280 = tpu.vector_load_idx %arg5[%parallel_loop3A_279] : memref<2048xf32, #tpu.memory_space<vmem>>[vector<16xi32>], vector<16xf32>,
        %parallel_loop3A_281 = arith.constant 288 : i32
        %parallel_loop3A_282 = vector.broadcast %parallel_loop3A_281 : i32 to vector<16xi32>
        %parallel_loop3A_283 = arith.addi %parallel_loop3A_208, %parallel_loop3A_282 : vector<16xi32>
        %parallel_loop3A_284 = tpu.vector_load_idx %arg5[%parallel_loop3A_283] : memref<2048xf32, #tpu.memory_space<vmem>>[vector<16xi32>], vector<16xf32>,
        %parallel_loop3A_285 = arith.constant 304 : i32
        %parallel_loop3A_286 = vector.broadcast %parallel_loop3A_285 : i32 to vector<16xi32>
        %parallel_loop3A_287 = arith.addi %parallel_loop3A_208, %parallel_loop3A_286 : vector<16xi32>
        %parallel_loop3A_288 = tpu.vector_load_idx %arg5[%parallel_loop3A_287] : memref<2048xf32, #tpu.memory_space<vmem>>[vector<16xi32>], vector<16xf32>,
        %parallel_loop3A_289 = arith.constant 320 : i32
        %parallel_loop3A_290 = vector.broadcast %parallel_loop3A_289 : i32 to vector<16xi32>
        %parallel_loop3A_291 = arith.addi %parallel_loop3A_208, %parallel_loop3A_290 : vector<16xi32>
        %parallel_loop3A_292 = tpu.vector_load_idx %arg5[%parallel_loop3A_291] : memref<2048xf32, #tpu.memory_space<vmem>>[vector<16xi32>], vector<16xf32>,
        %parallel_loop3A_293 = arith.constant 336 : i32
        %parallel_loop3A_294 = vector.broadcast %parallel_loop3A_293 : i32 to vector<16xi32>
        %parallel_loop3A_295 = arith.addi %parallel_loop3A_208, %parallel_loop3A_294 : vector<16xi32>
        %parallel_loop3A_296 = tpu.vector_load_idx %arg5[%parallel_loop3A_295] : memref<2048xf32, #tpu.memory_space<vmem>>[vector<16xi32>], vector<16xf32>,
        %parallel_loop3A_297 = arith.constant 352 : i32
        %parallel_loop3A_298 = vector.broadcast %parallel_loop3A_297 : i32 to vector<16xi32>
        %parallel_loop3A_299 = arith.addi %parallel_loop3A_208, %parallel_loop3A_298 : vector<16xi32>
        %parallel_loop3A_300 = tpu.vector_load_idx %arg5[%parallel_loop3A_299] : memref<2048xf32, #tpu.memory_space<vmem>>[vector<16xi32>], vector<16xf32>,
        %parallel_loop3A_301 = arith.constant 368 : i32
        %parallel_loop3A_302 = vector.broadcast %parallel_loop3A_301 : i32 to vector<16xi32>
        %parallel_loop3A_303 = arith.addi %parallel_loop3A_208, %parallel_loop3A_302 : vector<16xi32>
        %parallel_loop3A_304 = tpu.vector_load_idx %arg5[%parallel_loop3A_303] : memref<2048xf32, #tpu.memory_space<vmem>>[vector<16xi32>], vector<16xf32>,
        %parallel_loop3A_305 = arith.constant 384 : i32
        %parallel_loop3A_306 = vector.broadcast %parallel_loop3A_305 : i32 to vector<16xi32>
        %parallel_loop3A_307 = arith.addi %parallel_loop3A_208, %parallel_loop3A_306 : vector<16xi32>
        %parallel_loop3A_308 = tpu.vector_load_idx %arg5[%parallel_loop3A_307] : memref<2048xf32, #tpu.memory_space<vmem>>[vector<16xi32>], vector<16xf32>,
        %parallel_loop3A_309 = arith.constant 400 : i32
        %parallel_loop3A_310 = vector.broadcast %parallel_loop3A_309 : i32 to vector<16xi32>
        %parallel_loop3A_311 = arith.addi %parallel_loop3A_208, %parallel_loop3A_310 : vector<16xi32>
        %parallel_loop3A_312 = tpu.vector_load_idx %arg5[%parallel_loop3A_311] : memref<2048xf32, #tpu.memory_space<vmem>>[vector<16xi32>], vector<16xf32>,
        %parallel_loop3A_313 = arith.constant 416 : i32
        %parallel_loop3A_314 = vector.broadcast %parallel_loop3A_313 : i32 to vector<16xi32>
        %parallel_loop3A_315 = arith.addi %parallel_loop3A_208, %parallel_loop3A_314 : vector<16xi32>
        %parallel_loop3A_316 = tpu.vector_load_idx %arg5[%parallel_loop3A_315] : memref<2048xf32, #tpu.memory_space<vmem>>[vector<16xi32>], vector<16xf32>,
        %parallel_loop3A_317 = arith.constant 432 : i32
        %parallel_loop3A_318 = vector.broadcast %parallel_loop3A_317 : i32 to vector<16xi32>
        %parallel_loop3A_319 = arith.addi %parallel_loop3A_208, %parallel_loop3A_318 : vector<16xi32>
        %parallel_loop3A_320 = tpu.vector_load_idx %arg5[%parallel_loop3A_319] : memref<2048xf32, #tpu.memory_space<vmem>>[vector<16xi32>], vector<16xf32>,
        %parallel_loop3A_321 = arith.constant 448 : i32
        %parallel_loop3A_322 = vector.broadcast %parallel_loop3A_321 : i32 to vector<16xi32>
        %parallel_loop3A_323 = arith.addi %parallel_loop3A_208, %parallel_loop3A_322 : vector<16xi32>
        %parallel_loop3A_324 = tpu.vector_load_idx %arg5[%parallel_loop3A_323] : memref<2048xf32, #tpu.memory_space<vmem>>[vector<16xi32>], vector<16xf32>,
        %parallel_loop3A_325 = arith.constant 464 : i32
        %parallel_loop3A_326 = vector.broadcast %parallel_loop3A_325 : i32 to vector<16xi32>
        %parallel_loop3A_327 = arith.addi %parallel_loop3A_208, %parallel_loop3A_326 : vector<16xi32>
        %parallel_loop3A_328 = tpu.vector_load_idx %arg5[%parallel_loop3A_327] : memref<2048xf32, #tpu.memory_space<vmem>>[vector<16xi32>], vector<16xf32>,
        %parallel_loop3A_329 = arith.constant 480 : i32
        %parallel_loop3A_330 = vector.broadcast %parallel_loop3A_329 : i32 to vector<16xi32>
        %parallel_loop3A_331 = arith.addi %parallel_loop3A_208, %parallel_loop3A_330 : vector<16xi32>
        %parallel_loop3A_332 = tpu.vector_load_idx %arg5[%parallel_loop3A_331] : memref<2048xf32, #tpu.memory_space<vmem>>[vector<16xi32>], vector<16xf32>,
        %parallel_loop3A_333 = arith.constant 496 : i32
        %parallel_loop3A_334 = vector.broadcast %parallel_loop3A_333 : i32 to vector<16xi32>
        %parallel_loop3A_335 = arith.addi %parallel_loop3A_208, %parallel_loop3A_334 : vector<16xi32>
        %parallel_loop3A_336 = tpu.vector_load_idx %arg5[%parallel_loop3A_335] : memref<2048xf32, #tpu.memory_space<vmem>>[vector<16xi32>], vector<16xf32>,
        %parallel_loop3A_337 = arith.constant 1 : i32
        %parallel_loop3A_338 = arith.index_cast %parallel_loop3A_337 : i32 to index
        %parallel_loop3A_339 = arith.index_cast %parallel_loop3A_201 : i32 to index
        %parallel_loop3A_340 = arith.constant 0 : index
        %parallel_loop3A_341 = tpu.vector_load %arg7[%parallel_loop3A_338, %parallel_loop3A_339, %parallel_loop3A_340] {strides = array<i32>} : memref<5x40x512xf32, #tpu.memory_space<vmem>>, vector<16xf32>,
        tpu.vector_store %arg7[%parallel_loop3A_338, %parallel_loop3A_339, %parallel_loop3A_340], %parallel_loop3A_212 {strides = array<i32>} : memref<5x40x512xf32, #tpu.memory_space<vmem>>, vector<16xf32>,
        %parallel_loop3A_342 = arith.constant 1 : i32
        %parallel_loop3A_343 = arith.index_cast %parallel_loop3A_342 : i32 to index
        %parallel_loop3A_344 = arith.index_cast %parallel_loop3A_201 : i32 to index
        %parallel_loop3A_345 = arith.constant 16 : index
        %parallel_loop3A_346 = tpu.vector_load %arg7[%parallel_loop3A_343, %parallel_loop3A_344, %parallel_loop3A_345] {strides = array<i32>} : memref<5x40x512xf32, #tpu.memory_space<vmem>>, vector<16xf32>,
        tpu.vector_store %arg7[%parallel_loop3A_343, %parallel_loop3A_344, %parallel_loop3A_345], %parallel_loop3A_216 {strides = array<i32>} : memref<5x40x512xf32, #tpu.memory_space<vmem>>, vector<16xf32>,
        %parallel_loop3A_347 = arith.constant 1 : i32
        %parallel_loop3A_348 = arith.index_cast %parallel_loop3A_347 : i32 to index
        %parallel_loop3A_349 = arith.index_cast %parallel_loop3A_201 : i32 to index
        %parallel_loop3A_350 = arith.constant 32 : index
        %parallel_loop3A_351 = tpu.vector_load %arg7[%parallel_loop3A_348, %parallel_loop3A_349, %parallel_loop3A_350] {strides = array<i32>} : memref<5x40x512xf32, #tpu.memory_space<vmem>>, vector<16xf32>,
        tpu.vector_store %arg7[%parallel_loop3A_348, %parallel_loop3A_349, %parallel_loop3A_350], %parallel_loop3A_220 {strides = array<i32>} : memref<5x40x512xf32, #tpu.memory_space<vmem>>, vector<16xf32>,
        %parallel_loop3A_352 = arith.constant 1 : i32
        %parallel_loop3A_353 = arith.index_cast %parallel_loop3A_352 : i32 to index
        %parallel_loop3A_354 = arith.index_cast %parallel_loop3A_201 : i32 to index
        %parallel_loop3A_355 = arith.constant 48 : index
        %parallel_loop3A_356 = tpu.vector_load %arg7[%parallel_loop3A_353, %parallel_loop3A_354, %parallel_loop3A_355] {strides = array<i32>} : memref<5x40x512xf32, #tpu.memory_space<vmem>>, vector<16xf32>,
        tpu.vector_store %arg7[%parallel_loop3A_353, %parallel_loop3A_354, %parallel_loop3A_355], %parallel_loop3A_224 {strides = array<i32>} : memref<5x40x512xf32, #tpu.memory_space<vmem>>, vector<16xf32>,
        %parallel_loop3A_357 = arith.constant 1 : i32
        %parallel_loop3A_358 = arith.index_cast %parallel_loop3A_357 : i32 to index
        %parallel_loop3A_359 = arith.index_cast %parallel_loop3A_201 : i32 to index
        %parallel_loop3A_360 = arith.constant 64 : index
        %parallel_loop3A_361 = tpu.vector_load %arg7[%parallel_loop3A_358, %parallel_loop3A_359, %parallel_loop3A_360] {strides = array<i32>} : memref<5x40x512xf32, #tpu.memory_space<vmem>>, vector<16xf32>,
        tpu.vector_store %arg7[%parallel_loop3A_358, %parallel_loop3A_359, %parallel_loop3A_360], %parallel_loop3A_228 {strides = array<i32>} : memref<5x40x512xf32, #tpu.memory_space<vmem>>, vector<16xf32>,
        %parallel_loop3A_362 = arith.constant 1 : i32
        %parallel_loop3A_363 = arith.index_cast %parallel_loop3A_362 : i32 to index
        %parallel_loop3A_364 = arith.index_cast %parallel_loop3A_201 : i32 to index
        %parallel_loop3A_365 = arith.constant 80 : index
        %parallel_loop3A_366 = tpu.vector_load %arg7[%parallel_loop3A_363, %parallel_loop3A_364, %parallel_loop3A_365] {strides = array<i32>} : memref<5x40x512xf32, #tpu.memory_space<vmem>>, vector<16xf32>,
        tpu.vector_store %arg7[%parallel_loop3A_363, %parallel_loop3A_364, %parallel_loop3A_365], %parallel_loop3A_232 {strides = array<i32>} : memref<5x40x512xf32, #tpu.memory_space<vmem>>, vector<16xf32>,
        %parallel_loop3A_367 = arith.constant 1 : i32
        %parallel_loop3A_368 = arith.index_cast %parallel_loop3A_367 : i32 to index
        %parallel_loop3A_369 = arith.index_cast %parallel_loop3A_201 : i32 to index
        %parallel_loop3A_370 = arith.constant 96 : index
        %parallel_loop3A_371 = tpu.vector_load %arg7[%parallel_loop3A_368, %parallel_loop3A_369, %parallel_loop3A_370] {strides = array<i32>} : memref<5x40x512xf32, #tpu.memory_space<vmem>>, vector<16xf32>,
        tpu.vector_store %arg7[%parallel_loop3A_368, %parallel_loop3A_369, %parallel_loop3A_370], %parallel_loop3A_236 {strides = array<i32>} : memref<5x40x512xf32, #tpu.memory_space<vmem>>, vector<16xf32>,
        %parallel_loop3A_372 = arith.constant 1 : i32
        %parallel_loop3A_373 = arith.index_cast %parallel_loop3A_372 : i32 to index
        %parallel_loop3A_374 = arith.index_cast %parallel_loop3A_201 : i32 to index
        %parallel_loop3A_375 = arith.constant 112 : index
        %parallel_loop3A_376 = tpu.vector_load %arg7[%parallel_loop3A_373, %parallel_loop3A_374, %parallel_loop3A_375] {strides = array<i32>} : memref<5x40x512xf32, #tpu.memory_space<vmem>>, vector<16xf32>,
        tpu.vector_store %arg7[%parallel_loop3A_373, %parallel_loop3A_374, %parallel_loop3A_375], %parallel_loop3A_240 {strides = array<i32>} : memref<5x40x512xf32, #tpu.memory_space<vmem>>, vector<16xf32>,
        %parallel_loop3A_377 = arith.constant 1 : i32
        %parallel_loop3A_378 = arith.index_cast %parallel_loop3A_377 : i32 to index
        %parallel_loop3A_379 = arith.index_cast %parallel_loop3A_201 : i32 to index
        %parallel_loop3A_380 = arith.constant 128 : index
        %parallel_loop3A_381 = tpu.vector_load %arg7[%parallel_loop3A_378, %parallel_loop3A_379, %parallel_loop3A_380] {strides = array<i32>} : memref<5x40x512xf32, #tpu.memory_space<vmem>>, vector<16xf32>,
        tpu.vector_store %arg7[%parallel_loop3A_378, %parallel_loop3A_379, %parallel_loop3A_380], %parallel_loop3A_244 {strides = array<i32>} : memref<5x40x512xf32, #tpu.memory_space<vmem>>, vector<16xf32>,
        %parallel_loop3A_382 = arith.constant 1 : i32
        %parallel_loop3A_383 = arith.index_cast %parallel_loop3A_382 : i32 to index
        %parallel_loop3A_384 = arith.index_cast %parallel_loop3A_201 : i32 to index
        %parallel_loop3A_385 = arith.constant 144 : index
        %parallel_loop3A_386 = tpu.vector_load %arg7[%parallel_loop3A_383, %parallel_loop3A_384, %parallel_loop3A_385] {strides = array<i32>} : memref<5x40x512xf32, #tpu.memory_space<vmem>>, vector<16xf32>,
        tpu.vector_store %arg7[%parallel_loop3A_383, %parallel_loop3A_384, %parallel_loop3A_385], %parallel_loop3A_248 {strides = array<i32>} : memref<5x40x512xf32, #tpu.memory_space<vmem>>, vector<16xf32>,
        %parallel_loop3A_387 = arith.constant 1 : i32
        %parallel_loop3A_388 = arith.index_cast %parallel_loop3A_387 : i32 to index
        %parallel_loop3A_389 = arith.index_cast %parallel_loop3A_201 : i32 to index
        %parallel_loop3A_390 = arith.constant 160 : index
        %parallel_loop3A_391 = tpu.vector_load %arg7[%parallel_loop3A_388, %parallel_loop3A_389, %parallel_loop3A_390] {strides = array<i32>} : memref<5x40x512xf32, #tpu.memory_space<vmem>>, vector<16xf32>,
        tpu.vector_store %arg7[%parallel_loop3A_388, %parallel_loop3A_389, %parallel_loop3A_390], %parallel_loop3A_252 {strides = array<i32>} : memref<5x40x512xf32, #tpu.memory_space<vmem>>, vector<16xf32>,
        %parallel_loop3A_392 = arith.constant 1 : i32
        %parallel_loop3A_393 = arith.index_cast %parallel_loop3A_392 : i32 to index
        %parallel_loop3A_394 = arith.index_cast %parallel_loop3A_201 : i32 to index
        %parallel_loop3A_395 = arith.constant 176 : index
        %parallel_loop3A_396 = tpu.vector_load %arg7[%parallel_loop3A_393, %parallel_loop3A_394, %parallel_loop3A_395] {strides = array<i32>} : memref<5x40x512xf32, #tpu.memory_space<vmem>>, vector<16xf32>,
        tpu.vector_store %arg7[%parallel_loop3A_393, %parallel_loop3A_394, %parallel_loop3A_395], %parallel_loop3A_256 {strides = array<i32>} : memref<5x40x512xf32, #tpu.memory_space<vmem>>, vector<16xf32>,
        %parallel_loop3A_397 = arith.constant 1 : i32
        %parallel_loop3A_398 = arith.index_cast %parallel_loop3A_397 : i32 to index
        %parallel_loop3A_399 = arith.index_cast %parallel_loop3A_201 : i32 to index
        %parallel_loop3A_400 = arith.constant 192 : index
        %parallel_loop3A_401 = tpu.vector_load %arg7[%parallel_loop3A_398, %parallel_loop3A_399, %parallel_loop3A_400] {strides = array<i32>} : memref<5x40x512xf32, #tpu.memory_space<vmem>>, vector<16xf32>,
        tpu.vector_store %arg7[%parallel_loop3A_398, %parallel_loop3A_399, %parallel_loop3A_400], %parallel_loop3A_260 {strides = array<i32>} : memref<5x40x512xf32, #tpu.memory_space<vmem>>, vector<16xf32>,
        %parallel_loop3A_402 = arith.constant 1 : i32
        %parallel_loop3A_403 = arith.index_cast %parallel_loop3A_402 : i32 to index
        %parallel_loop3A_404 = arith.index_cast %parallel_loop3A_201 : i32 to index
        %parallel_loop3A_405 = arith.constant 208 : index
        %parallel_loop3A_406 = tpu.vector_load %arg7[%parallel_loop3A_403, %parallel_loop3A_404, %parallel_loop3A_405] {strides = array<i32>} : memref<5x40x512xf32, #tpu.memory_space<vmem>>, vector<16xf32>,
        tpu.vector_store %arg7[%parallel_loop3A_403, %parallel_loop3A_404, %parallel_loop3A_405], %parallel_loop3A_264 {strides = array<i32>} : memref<5x40x512xf32, #tpu.memory_space<vmem>>, vector<16xf32>,
        %parallel_loop3A_407 = arith.constant 1 : i32
        %parallel_loop3A_408 = arith.index_cast %parallel_loop3A_407 : i32 to index
        %parallel_loop3A_409 = arith.index_cast %parallel_loop3A_201 : i32 to index
        %parallel_loop3A_410 = arith.constant 224 : index
        %parallel_loop3A_411 = tpu.vector_load %arg7[%parallel_loop3A_408, %parallel_loop3A_409, %parallel_loop3A_410] {strides = array<i32>} : memref<5x40x512xf32, #tpu.memory_space<vmem>>, vector<16xf32>,
        tpu.vector_store %arg7[%parallel_loop3A_408, %parallel_loop3A_409, %parallel_loop3A_410], %parallel_loop3A_268 {strides = array<i32>} : memref<5x40x512xf32, #tpu.memory_space<vmem>>, vector<16xf32>,
        %parallel_loop3A_412 = arith.constant 1 : i32
        %parallel_loop3A_413 = arith.index_cast %parallel_loop3A_412 : i32 to index
        %parallel_loop3A_414 = arith.index_cast %parallel_loop3A_201 : i32 to index
        %parallel_loop3A_415 = arith.constant 240 : index
        %parallel_loop3A_416 = tpu.vector_load %arg7[%parallel_loop3A_413, %parallel_loop3A_414, %parallel_loop3A_415] {strides = array<i32>} : memref<5x40x512xf32, #tpu.memory_space<vmem>>, vector<16xf32>,
        tpu.vector_store %arg7[%parallel_loop3A_413, %parallel_loop3A_414, %parallel_loop3A_415], %parallel_loop3A_272 {strides = array<i32>} : memref<5x40x512xf32, #tpu.memory_space<vmem>>, vector<16xf32>,
        %parallel_loop3A_417 = arith.constant 1 : i32
        %parallel_loop3A_418 = arith.index_cast %parallel_loop3A_417 : i32 to index
        %parallel_loop3A_419 = arith.index_cast %parallel_loop3A_201 : i32 to index
        %parallel_loop3A_420 = arith.constant 256 : index
        %parallel_loop3A_421 = tpu.vector_load %arg7[%parallel_loop3A_418, %parallel_loop3A_419, %parallel_loop3A_420] {strides = array<i32>} : memref<5x40x512xf32, #tpu.memory_space<vmem>>, vector<16xf32>,
        tpu.vector_store %arg7[%parallel_loop3A_418, %parallel_loop3A_419, %parallel_loop3A_420], %parallel_loop3A_276 {strides = array<i32>} : memref<5x40x512xf32, #tpu.memory_space<vmem>>, vector<16xf32>,
        %parallel_loop3A_422 = arith.constant 1 : i32
        %parallel_loop3A_423 = arith.index_cast %parallel_loop3A_422 : i32 to index
        %parallel_loop3A_424 = arith.index_cast %parallel_loop3A_201 : i32 to index
        %parallel_loop3A_425 = arith.constant 272 : index
        %parallel_loop3A_426 = tpu.vector_load %arg7[%parallel_loop3A_423, %parallel_loop3A_424, %parallel_loop3A_425] {strides = array<i32>} : memref<5x40x512xf32, #tpu.memory_space<vmem>>, vector<16xf32>,
        tpu.vector_store %arg7[%parallel_loop3A_423, %parallel_loop3A_424, %parallel_loop3A_425], %parallel_loop3A_280 {strides = array<i32>} : memref<5x40x512xf32, #tpu.memory_space<vmem>>, vector<16xf32>,
        %parallel_loop3A_427 = arith.constant 1 : i32
        %parallel_loop3A_428 = arith.index_cast %parallel_loop3A_427 : i32 to index
        %parallel_loop3A_429 = arith.index_cast %parallel_loop3A_201 : i32 to index
        %parallel_loop3A_430 = arith.constant 288 : index
        %parallel_loop3A_431 = tpu.vector_load %arg7[%parallel_loop3A_428, %parallel_loop3A_429, %parallel_loop3A_430] {strides = array<i32>} : memref<5x40x512xf32, #tpu.memory_space<vmem>>, vector<16xf32>,
        tpu.vector_store %arg7[%parallel_loop3A_428, %parallel_loop3A_429, %parallel_loop3A_430], %parallel_loop3A_284 {strides = array<i32>} : memref<5x40x512xf32, #tpu.memory_space<vmem>>, vector<16xf32>,
        %parallel_loop3A_432 = arith.constant 1 : i32
        %parallel_loop3A_433 = arith.index_cast %parallel_loop3A_432 : i32 to index
        %parallel_loop3A_434 = arith.index_cast %parallel_loop3A_201 : i32 to index
        %parallel_loop3A_435 = arith.constant 304 : index
        %parallel_loop3A_436 = tpu.vector_load %arg7[%parallel_loop3A_433, %parallel_loop3A_434, %parallel_loop3A_435] {strides = array<i32>} : memref<5x40x512xf32, #tpu.memory_space<vmem>>, vector<16xf32>,
        tpu.vector_store %arg7[%parallel_loop3A_433, %parallel_loop3A_434, %parallel_loop3A_435], %parallel_loop3A_288 {strides = array<i32>} : memref<5x40x512xf32, #tpu.memory_space<vmem>>, vector<16xf32>,
        %parallel_loop3A_437 = arith.constant 1 : i32
        %parallel_loop3A_438 = arith.index_cast %parallel_loop3A_437 : i32 to index
        %parallel_loop3A_439 = arith.index_cast %parallel_loop3A_201 : i32 to index
        %parallel_loop3A_440 = arith.constant 320 : index
        %parallel_loop3A_441 = tpu.vector_load %arg7[%parallel_loop3A_438, %parallel_loop3A_439, %parallel_loop3A_440] {strides = array<i32>} : memref<5x40x512xf32, #tpu.memory_space<vmem>>, vector<16xf32>,
        tpu.vector_store %arg7[%parallel_loop3A_438, %parallel_loop3A_439, %parallel_loop3A_440], %parallel_loop3A_292 {strides = array<i32>} : memref<5x40x512xf32, #tpu.memory_space<vmem>>, vector<16xf32>,
        %parallel_loop3A_442 = arith.constant 1 : i32
        %parallel_loop3A_443 = arith.index_cast %parallel_loop3A_442 : i32 to index
        %parallel_loop3A_444 = arith.index_cast %parallel_loop3A_201 : i32 to index
        %parallel_loop3A_445 = arith.constant 336 : index
        %parallel_loop3A_446 = tpu.vector_load %arg7[%parallel_loop3A_443, %parallel_loop3A_444, %parallel_loop3A_445] {strides = array<i32>} : memref<5x40x512xf32, #tpu.memory_space<vmem>>, vector<16xf32>,
        tpu.vector_store %arg7[%parallel_loop3A_443, %parallel_loop3A_444, %parallel_loop3A_445], %parallel_loop3A_296 {strides = array<i32>} : memref<5x40x512xf32, #tpu.memory_space<vmem>>, vector<16xf32>,
        %parallel_loop3A_447 = arith.constant 1 : i32
        %parallel_loop3A_448 = arith.index_cast %parallel_loop3A_447 : i32 to index
        %parallel_loop3A_449 = arith.index_cast %parallel_loop3A_201 : i32 to index
        %parallel_loop3A_450 = arith.constant 352 : index
        %parallel_loop3A_451 = tpu.vector_load %arg7[%parallel_loop3A_448, %parallel_loop3A_449, %parallel_loop3A_450] {strides = array<i32>} : memref<5x40x512xf32, #tpu.memory_space<vmem>>, vector<16xf32>,
        tpu.vector_store %arg7[%parallel_loop3A_448, %parallel_loop3A_449, %parallel_loop3A_450], %parallel_loop3A_300 {strides = array<i32>} : memref<5x40x512xf32, #tpu.memory_space<vmem>>, vector<16xf32>,
        %parallel_loop3A_452 = arith.constant 1 : i32
        %parallel_loop3A_453 = arith.index_cast %parallel_loop3A_452 : i32 to index
        %parallel_loop3A_454 = arith.index_cast %parallel_loop3A_201 : i32 to index
        %parallel_loop3A_455 = arith.constant 368 : index
        %parallel_loop3A_456 = tpu.vector_load %arg7[%parallel_loop3A_453, %parallel_loop3A_454, %parallel_loop3A_455] {strides = array<i32>} : memref<5x40x512xf32, #tpu.memory_space<vmem>>, vector<16xf32>,
        tpu.vector_store %arg7[%parallel_loop3A_453, %parallel_loop3A_454, %parallel_loop3A_455], %parallel_loop3A_304 {strides = array<i32>} : memref<5x40x512xf32, #tpu.memory_space<vmem>>, vector<16xf32>,
        %parallel_loop3A_457 = arith.constant 1 : i32
        %parallel_loop3A_458 = arith.index_cast %parallel_loop3A_457 : i32 to index
        %parallel_loop3A_459 = arith.index_cast %parallel_loop3A_201 : i32 to index
        %parallel_loop3A_460 = arith.constant 384 : index
        %parallel_loop3A_461 = tpu.vector_load %arg7[%parallel_loop3A_458, %parallel_loop3A_459, %parallel_loop3A_460] {strides = array<i32>} : memref<5x40x512xf32, #tpu.memory_space<vmem>>, vector<16xf32>,
        tpu.vector_store %arg7[%parallel_loop3A_458, %parallel_loop3A_459, %parallel_loop3A_460], %parallel_loop3A_308 {strides = array<i32>} : memref<5x40x512xf32, #tpu.memory_space<vmem>>, vector<16xf32>,
        %parallel_loop3A_462 = arith.constant 1 : i32
        %parallel_loop3A_463 = arith.index_cast %parallel_loop3A_462 : i32 to index
        %parallel_loop3A_464 = arith.index_cast %parallel_loop3A_201 : i32 to index
        %parallel_loop3A_465 = arith.constant 400 : index
        %parallel_loop3A_466 = tpu.vector_load %arg7[%parallel_loop3A_463, %parallel_loop3A_464, %parallel_loop3A_465] {strides = array<i32>} : memref<5x40x512xf32, #tpu.memory_space<vmem>>, vector<16xf32>,
        tpu.vector_store %arg7[%parallel_loop3A_463, %parallel_loop3A_464, %parallel_loop3A_465], %parallel_loop3A_312 {strides = array<i32>} : memref<5x40x512xf32, #tpu.memory_space<vmem>>, vector<16xf32>,
        %parallel_loop3A_467 = arith.constant 1 : i32
        %parallel_loop3A_468 = arith.index_cast %parallel_loop3A_467 : i32 to index
        %parallel_loop3A_469 = arith.index_cast %parallel_loop3A_201 : i32 to index
        %parallel_loop3A_470 = arith.constant 416 : index
        %parallel_loop3A_471 = tpu.vector_load %arg7[%parallel_loop3A_468, %parallel_loop3A_469, %parallel_loop3A_470] {strides = array<i32>} : memref<5x40x512xf32, #tpu.memory_space<vmem>>, vector<16xf32>,
        tpu.vector_store %arg7[%parallel_loop3A_468, %parallel_loop3A_469, %parallel_loop3A_470], %parallel_loop3A_316 {strides = array<i32>} : memref<5x40x512xf32, #tpu.memory_space<vmem>>, vector<16xf32>,
        %parallel_loop3A_472 = arith.constant 1 : i32
        %parallel_loop3A_473 = arith.index_cast %parallel_loop3A_472 : i32 to index
        %parallel_loop3A_474 = arith.index_cast %parallel_loop3A_201 : i32 to index
        %parallel_loop3A_475 = arith.constant 432 : index
        %parallel_loop3A_476 = tpu.vector_load %arg7[%parallel_loop3A_473, %parallel_loop3A_474, %parallel_loop3A_475] {strides = array<i32>} : memref<5x40x512xf32, #tpu.memory_space<vmem>>, vector<16xf32>,
        tpu.vector_store %arg7[%parallel_loop3A_473, %parallel_loop3A_474, %parallel_loop3A_475], %parallel_loop3A_320 {strides = array<i32>} : memref<5x40x512xf32, #tpu.memory_space<vmem>>, vector<16xf32>,
        %parallel_loop3A_477 = arith.constant 1 : i32
        %parallel_loop3A_478 = arith.index_cast %parallel_loop3A_477 : i32 to index
        %parallel_loop3A_479 = arith.index_cast %parallel_loop3A_201 : i32 to index
        %parallel_loop3A_480 = arith.constant 448 : index
        %parallel_loop3A_481 = tpu.vector_load %arg7[%parallel_loop3A_478, %parallel_loop3A_479, %parallel_loop3A_480] {strides = array<i32>} : memref<5x40x512xf32, #tpu.memory_space<vmem>>, vector<16xf32>,
        tpu.vector_store %arg7[%parallel_loop3A_478, %parallel_loop3A_479, %parallel_loop3A_480], %parallel_loop3A_324 {strides = array<i32>} : memref<5x40x512xf32, #tpu.memory_space<vmem>>, vector<16xf32>,
        %parallel_loop3A_482 = arith.constant 1 : i32
        %parallel_loop3A_483 = arith.index_cast %parallel_loop3A_482 : i32 to index
        %parallel_loop3A_484 = arith.index_cast %parallel_loop3A_201 : i32 to index
        %parallel_loop3A_485 = arith.constant 464 : index
        %parallel_loop3A_486 = tpu.vector_load %arg7[%parallel_loop3A_483, %parallel_loop3A_484, %parallel_loop3A_485] {strides = array<i32>} : memref<5x40x512xf32, #tpu.memory_space<vmem>>, vector<16xf32>,
        tpu.vector_store %arg7[%parallel_loop3A_483, %parallel_loop3A_484, %parallel_loop3A_485], %parallel_loop3A_328 {strides = array<i32>} : memref<5x40x512xf32, #tpu.memory_space<vmem>>, vector<16xf32>,
        %parallel_loop3A_487 = arith.constant 1 : i32
        %parallel_loop3A_488 = arith.index_cast %parallel_loop3A_487 : i32 to index
        %parallel_loop3A_489 = arith.index_cast %parallel_loop3A_201 : i32 to index
        %parallel_loop3A_490 = arith.constant 480 : index
        %parallel_loop3A_491 = tpu.vector_load %arg7[%parallel_loop3A_488, %parallel_loop3A_489, %parallel_loop3A_490] {strides = array<i32>} : memref<5x40x512xf32, #tpu.memory_space<vmem>>, vector<16xf32>,
        tpu.vector_store %arg7[%parallel_loop3A_488, %parallel_loop3A_489, %parallel_loop3A_490], %parallel_loop3A_332 {strides = array<i32>} : memref<5x40x512xf32, #tpu.memory_space<vmem>>, vector<16xf32>,
        %parallel_loop3A_492 = arith.constant 1 : i32
        %parallel_loop3A_493 = arith.index_cast %parallel_loop3A_492 : i32 to index
        %parallel_loop3A_494 = arith.index_cast %parallel_loop3A_201 : i32 to index
        %parallel_loop3A_495 = arith.constant 496 : index
        %parallel_loop3A_496 = tpu.vector_load %arg7[%parallel_loop3A_493, %parallel_loop3A_494, %parallel_loop3A_495] {strides = array<i32>} : memref<5x40x512xf32, #tpu.memory_space<vmem>>, vector<16xf32>,
        tpu.vector_store %arg7[%parallel_loop3A_493, %parallel_loop3A_494, %parallel_loop3A_495], %parallel_loop3A_336 {strides = array<i32>} : memref<5x40x512xf32, #tpu.memory_space<vmem>>, vector<16xf32>,
      } {sc.loop_unroll_factor = 8 : i64, sc.parallel_access}
      %add3A_109 = arith.addi %mul3A_2, %mul3A_105 : i32
      %dma_start3A_110 = arith.constant 1 : i32
      %dma_start3A_111 = arith.constant 0 : i32
      %dma_start3A_112 = arith.constant 0 : i32
      %dma_start3A_113 = tpu.memref_slice %arg7[%dma_start3A_110, %dma_start3A_111, %dma_start3A_112] : memref<5x40x512xf32, #tpu.memory_space<vmem>> -> memref<1x40x512xf32, #tpu.memory_space<vmem>>
      %dma_start3A_114 = tpu.memref_squeeze %dma_start3A_113 : memref<1x40x512xf32, #tpu.memory_space<vmem>> -> memref<40x512xf32, #tpu.memory_space<vmem>>
      %dma_start3A_115 = arith.constant 0 : i32
      %dma_start3A_116 = tpu.memref_slice %arg4[%add3A_109, %dma_start3A_115] : memref<204800x512xf32, #tpu.memory_space<hbm>> -> memref<40x512xf32, #tpu.memory_space<hbm>>
      %dma_start3A_117 = arith.constant 0 : i32
      %dma_start3A_118 = tpu.memref_slice %arg4[%add3A_109, %dma_start3A_117] : memref<204800x512xf32, #tpu.memory_space<hbm>> -> memref<40x512xf32, #tpu.memory_space<hbm>>
      %dma_start3A_119 = arith.constant 0 : i32
      %dma_start3A_120 = arith.constant 0 : i32
      %dma_start3A_121 = tpu.memref_slice %arg7[%dma_start3A_110, %dma_start3A_119, %dma_start3A_120] : memref<5x40x512xf32, #tpu.memory_space<vmem>> -> memref<1x40x512xf32, #tpu.memory_space<vmem>>
      %dma_start3A_122 = tpu.memref_squeeze %dma_start3A_121 : memref<1x40x512xf32, #tpu.memory_space<vmem>> -> memref<40x512xf32, #tpu.memory_space<vmem>>
      tpu.enqueue_dma source(%dma_start3A_122 : memref<40x512xf32, #tpu.memory_space<vmem>>) target(%dma_start3A_118 : memref<40x512xf32, #tpu.memory_space<hbm>>) target_semaphore(%arg9 : memref<!tpu.dma_semaphore, #tpu.memory_space<semaphore_mem>>)
      %add3A_123 = arith.constant 2 : i32
      %add3A_124 = arith.addi %add3A_75, %add3A_123 : i32
      %ge3A_125 = arith.constant 5 : i32
      %ge3A_126 = arith.cmpi sge, %add3A_124, %ge3A_125 : i32
      %convert_element_type3A_127 = arith.extui %ge3A_126 : i1 to i32
      %cond3A_128 = arith.constant 0 : i32
      %cond3A_129 = arith.cmpi ne, %convert_element_type3A_127, %cond3A_128 : i32
      scf.if %cond3A_129 {
        %dma_wait3A_201 = arith.constant 2 : i32
        %dma_wait3A_202 = arith.constant 0 : i32
        %dma_wait3A_203 = arith.constant 0 : i32
        %dma_wait3A_204 = tpu.memref_slice %arg7[%dma_wait3A_201, %dma_wait3A_202, %dma_wait3A_203] : memref<5x40x512xf32, #tpu.memory_space<vmem>> -> memref<1x40x512xf32, #tpu.memory_space<vmem>>
        %dma_wait3A_205 = tpu.memref_squeeze %dma_wait3A_204 : memref<1x40x512xf32, #tpu.memory_space<vmem>> -> memref<40x512xf32, #tpu.memory_space<vmem>>
        %dma_wait3A_206 = arith.constant 0 : i32
        %dma_wait3A_207 = tpu.memref_slice %arg4[%mul3A_2, %dma_wait3A_206] : memref<204800x512xf32, #tpu.memory_space<hbm>> -> memref<40x512xf32, #tpu.memory_space<hbm>>
        %dma_wait3A_208 = arith.constant 0 : i32
        %dma_wait3A_209 = tpu.memref_slice %arg4[%mul3A_2, %dma_wait3A_208] : memref<204800x512xf32, #tpu.memory_space<hbm>> -> memref<40x512xf32, #tpu.memory_space<hbm>>
        %dma_wait3A_210 = arith.constant 0 : i32
        %dma_wait3A_211 = arith.constant 0 : i32
        %dma_wait3A_212 = tpu.memref_slice %arg7[%dma_wait3A_201, %dma_wait3A_210, %dma_wait3A_211] : memref<5x40x512xf32, #tpu.memory_space<vmem>> -> memref<1x40x512xf32, #tpu.memory_space<vmem>>
        %dma_wait3A_213 = tpu.memref_squeeze %dma_wait3A_212 : memref<1x40x512xf32, #tpu.memory_space<vmem>> -> memref<40x512xf32, #tpu.memory_space<vmem>>
        tpu.wait_dma2 semaphore(%arg10 : memref<!tpu.dma_semaphore, #tpu.memory_space<semaphore_mem>>) src(%dma_wait3A_213 : memref<40x512xf32, #tpu.memory_space<vmem>>) dst(%dma_wait3A_209 : memref<40x512xf32, #tpu.memory_space<hbm>>)
      } else {
      }
      %mul3A_130 = arith.constant 40 : i32
      %mul3A_131 = arith.muli %add3A_124, %mul3A_130 : i32
      %parallel_loop3A_132 = arith.constant 0 : i32
      %parallel_loop3A_133 = arith.constant 40 : i32
      %parallel_loop3A_134 = arith.constant 1 : i32
      scf.for %parallel_loop3A_201 = %parallel_loop3A_132 to %parallel_loop3A_133 step %parallel_loop3A_134  : i32 {
        %parallel_loop3A_202 = arith.addi %mul3A_131, %parallel_loop3A_201 : i32
        %parallel_loop3A_203 = vector.broadcast %parallel_loop3A_202 : i32 to vector<16xi32>
        %parallel_loop3A_204 = tpu.vector_load_idx %arg6[%parallel_loop3A_203] : memref<6400xi32, #tpu.memory_space<vmem>>[vector<16xi32>], vector<16xi32>,
        %parallel_loop3A_205 = arith.constant 512 : i32
        %parallel_loop3A_206 = vector.broadcast %parallel_loop3A_205 : i32 to vector<16xi32>
        %parallel_loop3A_207 = arith.muli %parallel_loop3A_204, %parallel_loop3A_206 : vector<16xi32>
        %parallel_loop3A_208 = arith.addi %parallel_loop3A_207, %iota3A : vector<16xi32>
        %parallel_loop3A_209 = arith.constant 0 : i32
        %parallel_loop3A_210 = vector.broadcast %parallel_loop3A_209 : i32 to vector<16xi32>
        %parallel_loop3A_211 = arith.addi %parallel_loop3A_208, %parallel_loop3A_210 : vector<16xi32>
        %parallel_loop3A_212 = tpu.vector_load_idx %arg5[%parallel_loop3A_211] : memref<2048xf32, #tpu.memory_space<vmem>>[vector<16xi32>], vector<16xf32>,
        %parallel_loop3A_213 = arith.constant 16 : i32
        %parallel_loop3A_214 = vector.broadcast %parallel_loop3A_213 : i32 to vector<16xi32>
        %parallel_loop3A_215 = arith.addi %parallel_loop3A_208, %parallel_loop3A_214 : vector<16xi32>
        %parallel_loop3A_216 = tpu.vector_load_idx %arg5[%parallel_loop3A_215] : memref<2048xf32, #tpu.memory_space<vmem>>[vector<16xi32>], vector<16xf32>,
        %parallel_loop3A_217 = arith.constant 32 : i32
        %parallel_loop3A_218 = vector.broadcast %parallel_loop3A_217 : i32 to vector<16xi32>
        %parallel_loop3A_219 = arith.addi %parallel_loop3A_208, %parallel_loop3A_218 : vector<16xi32>
        %parallel_loop3A_220 = tpu.vector_load_idx %arg5[%parallel_loop3A_219] : memref<2048xf32, #tpu.memory_space<vmem>>[vector<16xi32>], vector<16xf32>,
        %parallel_loop3A_221 = arith.constant 48 : i32
        %parallel_loop3A_222 = vector.broadcast %parallel_loop3A_221 : i32 to vector<16xi32>
        %parallel_loop3A_223 = arith.addi %parallel_loop3A_208, %parallel_loop3A_222 : vector<16xi32>
        %parallel_loop3A_224 = tpu.vector_load_idx %arg5[%parallel_loop3A_223] : memref<2048xf32, #tpu.memory_space<vmem>>[vector<16xi32>], vector<16xf32>,
        %parallel_loop3A_225 = arith.constant 64 : i32
        %parallel_loop3A_226 = vector.broadcast %parallel_loop3A_225 : i32 to vector<16xi32>
        %parallel_loop3A_227 = arith.addi %parallel_loop3A_208, %parallel_loop3A_226 : vector<16xi32>
        %parallel_loop3A_228 = tpu.vector_load_idx %arg5[%parallel_loop3A_227] : memref<2048xf32, #tpu.memory_space<vmem>>[vector<16xi32>], vector<16xf32>,
        %parallel_loop3A_229 = arith.constant 80 : i32
        %parallel_loop3A_230 = vector.broadcast %parallel_loop3A_229 : i32 to vector<16xi32>
        %parallel_loop3A_231 = arith.addi %parallel_loop3A_208, %parallel_loop3A_230 : vector<16xi32>
        %parallel_loop3A_232 = tpu.vector_load_idx %arg5[%parallel_loop3A_231] : memref<2048xf32, #tpu.memory_space<vmem>>[vector<16xi32>], vector<16xf32>,
        %parallel_loop3A_233 = arith.constant 96 : i32
        %parallel_loop3A_234 = vector.broadcast %parallel_loop3A_233 : i32 to vector<16xi32>
        %parallel_loop3A_235 = arith.addi %parallel_loop3A_208, %parallel_loop3A_234 : vector<16xi32>
        %parallel_loop3A_236 = tpu.vector_load_idx %arg5[%parallel_loop3A_235] : memref<2048xf32, #tpu.memory_space<vmem>>[vector<16xi32>], vector<16xf32>,
        %parallel_loop3A_237 = arith.constant 112 : i32
        %parallel_loop3A_238 = vector.broadcast %parallel_loop3A_237 : i32 to vector<16xi32>
        %parallel_loop3A_239 = arith.addi %parallel_loop3A_208, %parallel_loop3A_238 : vector<16xi32>
        %parallel_loop3A_240 = tpu.vector_load_idx %arg5[%parallel_loop3A_239] : memref<2048xf32, #tpu.memory_space<vmem>>[vector<16xi32>], vector<16xf32>,
        %parallel_loop3A_241 = arith.constant 128 : i32
        %parallel_loop3A_242 = vector.broadcast %parallel_loop3A_241 : i32 to vector<16xi32>
        %parallel_loop3A_243 = arith.addi %parallel_loop3A_208, %parallel_loop3A_242 : vector<16xi32>
        %parallel_loop3A_244 = tpu.vector_load_idx %arg5[%parallel_loop3A_243] : memref<2048xf32, #tpu.memory_space<vmem>>[vector<16xi32>], vector<16xf32>,
        %parallel_loop3A_245 = arith.constant 144 : i32
        %parallel_loop3A_246 = vector.broadcast %parallel_loop3A_245 : i32 to vector<16xi32>
        %parallel_loop3A_247 = arith.addi %parallel_loop3A_208, %parallel_loop3A_246 : vector<16xi32>
        %parallel_loop3A_248 = tpu.vector_load_idx %arg5[%parallel_loop3A_247] : memref<2048xf32, #tpu.memory_space<vmem>>[vector<16xi32>], vector<16xf32>,
        %parallel_loop3A_249 = arith.constant 160 : i32
        %parallel_loop3A_250 = vector.broadcast %parallel_loop3A_249 : i32 to vector<16xi32>
        %parallel_loop3A_251 = arith.addi %parallel_loop3A_208, %parallel_loop3A_250 : vector<16xi32>
        %parallel_loop3A_252 = tpu.vector_load_idx %arg5[%parallel_loop3A_251] : memref<2048xf32, #tpu.memory_space<vmem>>[vector<16xi32>], vector<16xf32>,
        %parallel_loop3A_253 = arith.constant 176 : i32
        %parallel_loop3A_254 = vector.broadcast %parallel_loop3A_253 : i32 to vector<16xi32>
        %parallel_loop3A_255 = arith.addi %parallel_loop3A_208, %parallel_loop3A_254 : vector<16xi32>
        %parallel_loop3A_256 = tpu.vector_load_idx %arg5[%parallel_loop3A_255] : memref<2048xf32, #tpu.memory_space<vmem>>[vector<16xi32>], vector<16xf32>,
        %parallel_loop3A_257 = arith.constant 192 : i32
        %parallel_loop3A_258 = vector.broadcast %parallel_loop3A_257 : i32 to vector<16xi32>
        %parallel_loop3A_259 = arith.addi %parallel_loop3A_208, %parallel_loop3A_258 : vector<16xi32>
        %parallel_loop3A_260 = tpu.vector_load_idx %arg5[%parallel_loop3A_259] : memref<2048xf32, #tpu.memory_space<vmem>>[vector<16xi32>], vector<16xf32>,
        %parallel_loop3A_261 = arith.constant 208 : i32
        %parallel_loop3A_262 = vector.broadcast %parallel_loop3A_261 : i32 to vector<16xi32>
        %parallel_loop3A_263 = arith.addi %parallel_loop3A_208, %parallel_loop3A_262 : vector<16xi32>
        %parallel_loop3A_264 = tpu.vector_load_idx %arg5[%parallel_loop3A_263] : memref<2048xf32, #tpu.memory_space<vmem>>[vector<16xi32>], vector<16xf32>,
        %parallel_loop3A_265 = arith.constant 224 : i32
        %parallel_loop3A_266 = vector.broadcast %parallel_loop3A_265 : i32 to vector<16xi32>
        %parallel_loop3A_267 = arith.addi %parallel_loop3A_208, %parallel_loop3A_266 : vector<16xi32>
        %parallel_loop3A_268 = tpu.vector_load_idx %arg5[%parallel_loop3A_267] : memref<2048xf32, #tpu.memory_space<vmem>>[vector<16xi32>], vector<16xf32>,
        %parallel_loop3A_269 = arith.constant 240 : i32
        %parallel_loop3A_270 = vector.broadcast %parallel_loop3A_269 : i32 to vector<16xi32>
        %parallel_loop3A_271 = arith.addi %parallel_loop3A_208, %parallel_loop3A_270 : vector<16xi32>
        %parallel_loop3A_272 = tpu.vector_load_idx %arg5[%parallel_loop3A_271] : memref<2048xf32, #tpu.memory_space<vmem>>[vector<16xi32>], vector<16xf32>,
        %parallel_loop3A_273 = arith.constant 256 : i32
        %parallel_loop3A_274 = vector.broadcast %parallel_loop3A_273 : i32 to vector<16xi32>
        %parallel_loop3A_275 = arith.addi %parallel_loop3A_208, %parallel_loop3A_274 : vector<16xi32>
        %parallel_loop3A_276 = tpu.vector_load_idx %arg5[%parallel_loop3A_275] : memref<2048xf32, #tpu.memory_space<vmem>>[vector<16xi32>], vector<16xf32>,
        %parallel_loop3A_277 = arith.constant 272 : i32
        %parallel_loop3A_278 = vector.broadcast %parallel_loop3A_277 : i32 to vector<16xi32>
        %parallel_loop3A_279 = arith.addi %parallel_loop3A_208, %parallel_loop3A_278 : vector<16xi32>
        %parallel_loop3A_280 = tpu.vector_load_idx %arg5[%parallel_loop3A_279] : memref<2048xf32, #tpu.memory_space<vmem>>[vector<16xi32>], vector<16xf32>,
        %parallel_loop3A_281 = arith.constant 288 : i32
        %parallel_loop3A_282 = vector.broadcast %parallel_loop3A_281 : i32 to vector<16xi32>
        %parallel_loop3A_283 = arith.addi %parallel_loop3A_208, %parallel_loop3A_282 : vector<16xi32>
        %parallel_loop3A_284 = tpu.vector_load_idx %arg5[%parallel_loop3A_283] : memref<2048xf32, #tpu.memory_space<vmem>>[vector<16xi32>], vector<16xf32>,
        %parallel_loop3A_285 = arith.constant 304 : i32
        %parallel_loop3A_286 = vector.broadcast %parallel_loop3A_285 : i32 to vector<16xi32>
        %parallel_loop3A_287 = arith.addi %parallel_loop3A_208, %parallel_loop3A_286 : vector<16xi32>
        %parallel_loop3A_288 = tpu.vector_load_idx %arg5[%parallel_loop3A_287] : memref<2048xf32, #tpu.memory_space<vmem>>[vector<16xi32>], vector<16xf32>,
        %parallel_loop3A_289 = arith.constant 320 : i32
        %parallel_loop3A_290 = vector.broadcast %parallel_loop3A_289 : i32 to vector<16xi32>
        %parallel_loop3A_291 = arith.addi %parallel_loop3A_208, %parallel_loop3A_290 : vector<16xi32>
        %parallel_loop3A_292 = tpu.vector_load_idx %arg5[%parallel_loop3A_291] : memref<2048xf32, #tpu.memory_space<vmem>>[vector<16xi32>], vector<16xf32>,
        %parallel_loop3A_293 = arith.constant 336 : i32
        %parallel_loop3A_294 = vector.broadcast %parallel_loop3A_293 : i32 to vector<16xi32>
        %parallel_loop3A_295 = arith.addi %parallel_loop3A_208, %parallel_loop3A_294 : vector<16xi32>
        %parallel_loop3A_296 = tpu.vector_load_idx %arg5[%parallel_loop3A_295] : memref<2048xf32, #tpu.memory_space<vmem>>[vector<16xi32>], vector<16xf32>,
        %parallel_loop3A_297 = arith.constant 352 : i32
        %parallel_loop3A_298 = vector.broadcast %parallel_loop3A_297 : i32 to vector<16xi32>
        %parallel_loop3A_299 = arith.addi %parallel_loop3A_208, %parallel_loop3A_298 : vector<16xi32>
        %parallel_loop3A_300 = tpu.vector_load_idx %arg5[%parallel_loop3A_299] : memref<2048xf32, #tpu.memory_space<vmem>>[vector<16xi32>], vector<16xf32>,
        %parallel_loop3A_301 = arith.constant 368 : i32
        %parallel_loop3A_302 = vector.broadcast %parallel_loop3A_301 : i32 to vector<16xi32>
        %parallel_loop3A_303 = arith.addi %parallel_loop3A_208, %parallel_loop3A_302 : vector<16xi32>
        %parallel_loop3A_304 = tpu.vector_load_idx %arg5[%parallel_loop3A_303] : memref<2048xf32, #tpu.memory_space<vmem>>[vector<16xi32>], vector<16xf32>,
        %parallel_loop3A_305 = arith.constant 384 : i32
        %parallel_loop3A_306 = vector.broadcast %parallel_loop3A_305 : i32 to vector<16xi32>
        %parallel_loop3A_307 = arith.addi %parallel_loop3A_208, %parallel_loop3A_306 : vector<16xi32>
        %parallel_loop3A_308 = tpu.vector_load_idx %arg5[%parallel_loop3A_307] : memref<2048xf32, #tpu.memory_space<vmem>>[vector<16xi32>], vector<16xf32>,
        %parallel_loop3A_309 = arith.constant 400 : i32
        %parallel_loop3A_310 = vector.broadcast %parallel_loop3A_309 : i32 to vector<16xi32>
        %parallel_loop3A_311 = arith.addi %parallel_loop3A_208, %parallel_loop3A_310 : vector<16xi32>
        %parallel_loop3A_312 = tpu.vector_load_idx %arg5[%parallel_loop3A_311] : memref<2048xf32, #tpu.memory_space<vmem>>[vector<16xi32>], vector<16xf32>,
        %parallel_loop3A_313 = arith.constant 416 : i32
        %parallel_loop3A_314 = vector.broadcast %parallel_loop3A_313 : i32 to vector<16xi32>
        %parallel_loop3A_315 = arith.addi %parallel_loop3A_208, %parallel_loop3A_314 : vector<16xi32>
        %parallel_loop3A_316 = tpu.vector_load_idx %arg5[%parallel_loop3A_315] : memref<2048xf32, #tpu.memory_space<vmem>>[vector<16xi32>], vector<16xf32>,
        %parallel_loop3A_317 = arith.constant 432 : i32
        %parallel_loop3A_318 = vector.broadcast %parallel_loop3A_317 : i32 to vector<16xi32>
        %parallel_loop3A_319 = arith.addi %parallel_loop3A_208, %parallel_loop3A_318 : vector<16xi32>
        %parallel_loop3A_320 = tpu.vector_load_idx %arg5[%parallel_loop3A_319] : memref<2048xf32, #tpu.memory_space<vmem>>[vector<16xi32>], vector<16xf32>,
        %parallel_loop3A_321 = arith.constant 448 : i32
        %parallel_loop3A_322 = vector.broadcast %parallel_loop3A_321 : i32 to vector<16xi32>
        %parallel_loop3A_323 = arith.addi %parallel_loop3A_208, %parallel_loop3A_322 : vector<16xi32>
        %parallel_loop3A_324 = tpu.vector_load_idx %arg5[%parallel_loop3A_323] : memref<2048xf32, #tpu.memory_space<vmem>>[vector<16xi32>], vector<16xf32>,
        %parallel_loop3A_325 = arith.constant 464 : i32
        %parallel_loop3A_326 = vector.broadcast %parallel_loop3A_325 : i32 to vector<16xi32>
        %parallel_loop3A_327 = arith.addi %parallel_loop3A_208, %parallel_loop3A_326 : vector<16xi32>
        %parallel_loop3A_328 = tpu.vector_load_idx %arg5[%parallel_loop3A_327] : memref<2048xf32, #tpu.memory_space<vmem>>[vector<16xi32>], vector<16xf32>,
        %parallel_loop3A_329 = arith.constant 480 : i32
        %parallel_loop3A_330 = vector.broadcast %parallel_loop3A_329 : i32 to vector<16xi32>
        %parallel_loop3A_331 = arith.addi %parallel_loop3A_208, %parallel_loop3A_330 : vector<16xi32>
        %parallel_loop3A_332 = tpu.vector_load_idx %arg5[%parallel_loop3A_331] : memref<2048xf32, #tpu.memory_space<vmem>>[vector<16xi32>], vector<16xf32>,
        %parallel_loop3A_333 = arith.constant 496 : i32
        %parallel_loop3A_334 = vector.broadcast %parallel_loop3A_333 : i32 to vector<16xi32>
        %parallel_loop3A_335 = arith.addi %parallel_loop3A_208, %parallel_loop3A_334 : vector<16xi32>
        %parallel_loop3A_336 = tpu.vector_load_idx %arg5[%parallel_loop3A_335] : memref<2048xf32, #tpu.memory_space<vmem>>[vector<16xi32>], vector<16xf32>,
        %parallel_loop3A_337 = arith.constant 2 : i32
        %parallel_loop3A_338 = arith.index_cast %parallel_loop3A_337 : i32 to index
        %parallel_loop3A_339 = arith.index_cast %parallel_loop3A_201 : i32 to index
        %parallel_loop3A_340 = arith.constant 0 : index
        %parallel_loop3A_341 = tpu.vector_load %arg7[%parallel_loop3A_338, %parallel_loop3A_339, %parallel_loop3A_340] {strides = array<i32>} : memref<5x40x512xf32, #tpu.memory_space<vmem>>, vector<16xf32>,
        tpu.vector_store %arg7[%parallel_loop3A_338, %parallel_loop3A_339, %parallel_loop3A_340], %parallel_loop3A_212 {strides = array<i32>} : memref<5x40x512xf32, #tpu.memory_space<vmem>>, vector<16xf32>,
        %parallel_loop3A_342 = arith.constant 2 : i32
        %parallel_loop3A_343 = arith.index_cast %parallel_loop3A_342 : i32 to index
        %parallel_loop3A_344 = arith.index_cast %parallel_loop3A_201 : i32 to index
        %parallel_loop3A_345 = arith.constant 16 : index
        %parallel_loop3A_346 = tpu.vector_load %arg7[%parallel_loop3A_343, %parallel_loop3A_344, %parallel_loop3A_345] {strides = array<i32>} : memref<5x40x512xf32, #tpu.memory_space<vmem>>, vector<16xf32>,
        tpu.vector_store %arg7[%parallel_loop3A_343, %parallel_loop3A_344, %parallel_loop3A_345], %parallel_loop3A_216 {strides = array<i32>} : memref<5x40x512xf32, #tpu.memory_space<vmem>>, vector<16xf32>,
        %parallel_loop3A_347 = arith.constant 2 : i32
        %parallel_loop3A_348 = arith.index_cast %parallel_loop3A_347 : i32 to index
        %parallel_loop3A_349 = arith.index_cast %parallel_loop3A_201 : i32 to index
        %parallel_loop3A_350 = arith.constant 32 : index
        %parallel_loop3A_351 = tpu.vector_load %arg7[%parallel_loop3A_348, %parallel_loop3A_349, %parallel_loop3A_350] {strides = array<i32>} : memref<5x40x512xf32, #tpu.memory_space<vmem>>, vector<16xf32>,
        tpu.vector_store %arg7[%parallel_loop3A_348, %parallel_loop3A_349, %parallel_loop3A_350], %parallel_loop3A_220 {strides = array<i32>} : memref<5x40x512xf32, #tpu.memory_space<vmem>>, vector<16xf32>,
        %parallel_loop3A_352 = arith.constant 2 : i32
        %parallel_loop3A_353 = arith.index_cast %parallel_loop3A_352 : i32 to index
        %parallel_loop3A_354 = arith.index_cast %parallel_loop3A_201 : i32 to index
        %parallel_loop3A_355 = arith.constant 48 : index
        %parallel_loop3A_356 = tpu.vector_load %arg7[%parallel_loop3A_353, %parallel_loop3A_354, %parallel_loop3A_355] {strides = array<i32>} : memref<5x40x512xf32, #tpu.memory_space<vmem>>, vector<16xf32>,
        tpu.vector_store %arg7[%parallel_loop3A_353, %parallel_loop3A_354, %parallel_loop3A_355], %parallel_loop3A_224 {strides = array<i32>} : memref<5x40x512xf32, #tpu.memory_space<vmem>>, vector<16xf32>,
        %parallel_loop3A_357 = arith.constant 2 : i32
        %parallel_loop3A_358 = arith.index_cast %parallel_loop3A_357 : i32 to index
        %parallel_loop3A_359 = arith.index_cast %parallel_loop3A_201 : i32 to index
        %parallel_loop3A_360 = arith.constant 64 : index
        %parallel_loop3A_361 = tpu.vector_load %arg7[%parallel_loop3A_358, %parallel_loop3A_359, %parallel_loop3A_360] {strides = array<i32>} : memref<5x40x512xf32, #tpu.memory_space<vmem>>, vector<16xf32>,
        tpu.vector_store %arg7[%parallel_loop3A_358, %parallel_loop3A_359, %parallel_loop3A_360], %parallel_loop3A_228 {strides = array<i32>} : memref<5x40x512xf32, #tpu.memory_space<vmem>>, vector<16xf32>,
        %parallel_loop3A_362 = arith.constant 2 : i32
        %parallel_loop3A_363 = arith.index_cast %parallel_loop3A_362 : i32 to index
        %parallel_loop3A_364 = arith.index_cast %parallel_loop3A_201 : i32 to index
        %parallel_loop3A_365 = arith.constant 80 : index
        %parallel_loop3A_366 = tpu.vector_load %arg7[%parallel_loop3A_363, %parallel_loop3A_364, %parallel_loop3A_365] {strides = array<i32>} : memref<5x40x512xf32, #tpu.memory_space<vmem>>, vector<16xf32>,
        tpu.vector_store %arg7[%parallel_loop3A_363, %parallel_loop3A_364, %parallel_loop3A_365], %parallel_loop3A_232 {strides = array<i32>} : memref<5x40x512xf32, #tpu.memory_space<vmem>>, vector<16xf32>,
        %parallel_loop3A_367 = arith.constant 2 : i32
        %parallel_loop3A_368 = arith.index_cast %parallel_loop3A_367 : i32 to index
        %parallel_loop3A_369 = arith.index_cast %parallel_loop3A_201 : i32 to index
        %parallel_loop3A_370 = arith.constant 96 : index
        %parallel_loop3A_371 = tpu.vector_load %arg7[%parallel_loop3A_368, %parallel_loop3A_369, %parallel_loop3A_370] {strides = array<i32>} : memref<5x40x512xf32, #tpu.memory_space<vmem>>, vector<16xf32>,
        tpu.vector_store %arg7[%parallel_loop3A_368, %parallel_loop3A_369, %parallel_loop3A_370], %parallel_loop3A_236 {strides = array<i32>} : memref<5x40x512xf32, #tpu.memory_space<vmem>>, vector<16xf32>,
        %parallel_loop3A_372 = arith.constant 2 : i32
        %parallel_loop3A_373 = arith.index_cast %parallel_loop3A_372 : i32 to index
        %parallel_loop3A_374 = arith.index_cast %parallel_loop3A_201 : i32 to index
        %parallel_loop3A_375 = arith.constant 112 : index
        %parallel_loop3A_376 = tpu.vector_load %arg7[%parallel_loop3A_373, %parallel_loop3A_374, %parallel_loop3A_375] {strides = array<i32>} : memref<5x40x512xf32, #tpu.memory_space<vmem>>, vector<16xf32>,
        tpu.vector_store %arg7[%parallel_loop3A_373, %parallel_loop3A_374, %parallel_loop3A_375], %parallel_loop3A_240 {strides = array<i32>} : memref<5x40x512xf32, #tpu.memory_space<vmem>>, vector<16xf32>,
        %parallel_loop3A_377 = arith.constant 2 : i32
        %parallel_loop3A_378 = arith.index_cast %parallel_loop3A_377 : i32 to index
        %parallel_loop3A_379 = arith.index_cast %parallel_loop3A_201 : i32 to index
        %parallel_loop3A_380 = arith.constant 128 : index
        %parallel_loop3A_381 = tpu.vector_load %arg7[%parallel_loop3A_378, %parallel_loop3A_379, %parallel_loop3A_380] {strides = array<i32>} : memref<5x40x512xf32, #tpu.memory_space<vmem>>, vector<16xf32>,
        tpu.vector_store %arg7[%parallel_loop3A_378, %parallel_loop3A_379, %parallel_loop3A_380], %parallel_loop3A_244 {strides = array<i32>} : memref<5x40x512xf32, #tpu.memory_space<vmem>>, vector<16xf32>,
        %parallel_loop3A_382 = arith.constant 2 : i32
        %parallel_loop3A_383 = arith.index_cast %parallel_loop3A_382 : i32 to index
        %parallel_loop3A_384 = arith.index_cast %parallel_loop3A_201 : i32 to index
        %parallel_loop3A_385 = arith.constant 144 : index
        %parallel_loop3A_386 = tpu.vector_load %arg7[%parallel_loop3A_383, %parallel_loop3A_384, %parallel_loop3A_385] {strides = array<i32>} : memref<5x40x512xf32, #tpu.memory_space<vmem>>, vector<16xf32>,
        tpu.vector_store %arg7[%parallel_loop3A_383, %parallel_loop3A_384, %parallel_loop3A_385], %parallel_loop3A_248 {strides = array<i32>} : memref<5x40x512xf32, #tpu.memory_space<vmem>>, vector<16xf32>,
        %parallel_loop3A_387 = arith.constant 2 : i32
        %parallel_loop3A_388 = arith.index_cast %parallel_loop3A_387 : i32 to index
        %parallel_loop3A_389 = arith.index_cast %parallel_loop3A_201 : i32 to index
        %parallel_loop3A_390 = arith.constant 160 : index
        %parallel_loop3A_391 = tpu.vector_load %arg7[%parallel_loop3A_388, %parallel_loop3A_389, %parallel_loop3A_390] {strides = array<i32>} : memref<5x40x512xf32, #tpu.memory_space<vmem>>, vector<16xf32>,
        tpu.vector_store %arg7[%parallel_loop3A_388, %parallel_loop3A_389, %parallel_loop3A_390], %parallel_loop3A_252 {strides = array<i32>} : memref<5x40x512xf32, #tpu.memory_space<vmem>>, vector<16xf32>,
        %parallel_loop3A_392 = arith.constant 2 : i32
        %parallel_loop3A_393 = arith.index_cast %parallel_loop3A_392 : i32 to index
        %parallel_loop3A_394 = arith.index_cast %parallel_loop3A_201 : i32 to index
        %parallel_loop3A_395 = arith.constant 176 : index
        %parallel_loop3A_396 = tpu.vector_load %arg7[%parallel_loop3A_393, %parallel_loop3A_394, %parallel_loop3A_395] {strides = array<i32>} : memref<5x40x512xf32, #tpu.memory_space<vmem>>, vector<16xf32>,
        tpu.vector_store %arg7[%parallel_loop3A_393, %parallel_loop3A_394, %parallel_loop3A_395], %parallel_loop3A_256 {strides = array<i32>} : memref<5x40x512xf32, #tpu.memory_space<vmem>>, vector<16xf32>,
        %parallel_loop3A_397 = arith.constant 2 : i32
        %parallel_loop3A_398 = arith.index_cast %parallel_loop3A_397 : i32 to index
        %parallel_loop3A_399 = arith.index_cast %parallel_loop3A_201 : i32 to index
        %parallel_loop3A_400 = arith.constant 192 : index
        %parallel_loop3A_401 = tpu.vector_load %arg7[%parallel_loop3A_398, %parallel_loop3A_399, %parallel_loop3A_400] {strides = array<i32>} : memref<5x40x512xf32, #tpu.memory_space<vmem>>, vector<16xf32>,
        tpu.vector_store %arg7[%parallel_loop3A_398, %parallel_loop3A_399, %parallel_loop3A_400], %parallel_loop3A_260 {strides = array<i32>} : memref<5x40x512xf32, #tpu.memory_space<vmem>>, vector<16xf32>,
        %parallel_loop3A_402 = arith.constant 2 : i32
        %parallel_loop3A_403 = arith.index_cast %parallel_loop3A_402 : i32 to index
        %parallel_loop3A_404 = arith.index_cast %parallel_loop3A_201 : i32 to index
        %parallel_loop3A_405 = arith.constant 208 : index
        %parallel_loop3A_406 = tpu.vector_load %arg7[%parallel_loop3A_403, %parallel_loop3A_404, %parallel_loop3A_405] {strides = array<i32>} : memref<5x40x512xf32, #tpu.memory_space<vmem>>, vector<16xf32>,
        tpu.vector_store %arg7[%parallel_loop3A_403, %parallel_loop3A_404, %parallel_loop3A_405], %parallel_loop3A_264 {strides = array<i32>} : memref<5x40x512xf32, #tpu.memory_space<vmem>>, vector<16xf32>,
        %parallel_loop3A_407 = arith.constant 2 : i32
        %parallel_loop3A_408 = arith.index_cast %parallel_loop3A_407 : i32 to index
        %parallel_loop3A_409 = arith.index_cast %parallel_loop3A_201 : i32 to index
        %parallel_loop3A_410 = arith.constant 224 : index
        %parallel_loop3A_411 = tpu.vector_load %arg7[%parallel_loop3A_408, %parallel_loop3A_409, %parallel_loop3A_410] {strides = array<i32>} : memref<5x40x512xf32, #tpu.memory_space<vmem>>, vector<16xf32>,
        tpu.vector_store %arg7[%parallel_loop3A_408, %parallel_loop3A_409, %parallel_loop3A_410], %parallel_loop3A_268 {strides = array<i32>} : memref<5x40x512xf32, #tpu.memory_space<vmem>>, vector<16xf32>,
        %parallel_loop3A_412 = arith.constant 2 : i32
        %parallel_loop3A_413 = arith.index_cast %parallel_loop3A_412 : i32 to index
        %parallel_loop3A_414 = arith.index_cast %parallel_loop3A_201 : i32 to index
        %parallel_loop3A_415 = arith.constant 240 : index
        %parallel_loop3A_416 = tpu.vector_load %arg7[%parallel_loop3A_413, %parallel_loop3A_414, %parallel_loop3A_415] {strides = array<i32>} : memref<5x40x512xf32, #tpu.memory_space<vmem>>, vector<16xf32>,
        tpu.vector_store %arg7[%parallel_loop3A_413, %parallel_loop3A_414, %parallel_loop3A_415], %parallel_loop3A_272 {strides = array<i32>} : memref<5x40x512xf32, #tpu.memory_space<vmem>>, vector<16xf32>,
        %parallel_loop3A_417 = arith.constant 2 : i32
        %parallel_loop3A_418 = arith.index_cast %parallel_loop3A_417 : i32 to index
        %parallel_loop3A_419 = arith.index_cast %parallel_loop3A_201 : i32 to index
        %parallel_loop3A_420 = arith.constant 256 : index
        %parallel_loop3A_421 = tpu.vector_load %arg7[%parallel_loop3A_418, %parallel_loop3A_419, %parallel_loop3A_420] {strides = array<i32>} : memref<5x40x512xf32, #tpu.memory_space<vmem>>, vector<16xf32>,
        tpu.vector_store %arg7[%parallel_loop3A_418, %parallel_loop3A_419, %parallel_loop3A_420], %parallel_loop3A_276 {strides = array<i32>} : memref<5x40x512xf32, #tpu.memory_space<vmem>>, vector<16xf32>,
        %parallel_loop3A_422 = arith.constant 2 : i32
        %parallel_loop3A_423 = arith.index_cast %parallel_loop3A_422 : i32 to index
        %parallel_loop3A_424 = arith.index_cast %parallel_loop3A_201 : i32 to index
        %parallel_loop3A_425 = arith.constant 272 : index
        %parallel_loop3A_426 = tpu.vector_load %arg7[%parallel_loop3A_423, %parallel_loop3A_424, %parallel_loop3A_425] {strides = array<i32>} : memref<5x40x512xf32, #tpu.memory_space<vmem>>, vector<16xf32>,
        tpu.vector_store %arg7[%parallel_loop3A_423, %parallel_loop3A_424, %parallel_loop3A_425], %parallel_loop3A_280 {strides = array<i32>} : memref<5x40x512xf32, #tpu.memory_space<vmem>>, vector<16xf32>,
        %parallel_loop3A_427 = arith.constant 2 : i32
        %parallel_loop3A_428 = arith.index_cast %parallel_loop3A_427 : i32 to index
        %parallel_loop3A_429 = arith.index_cast %parallel_loop3A_201 : i32 to index
        %parallel_loop3A_430 = arith.constant 288 : index
        %parallel_loop3A_431 = tpu.vector_load %arg7[%parallel_loop3A_428, %parallel_loop3A_429, %parallel_loop3A_430] {strides = array<i32>} : memref<5x40x512xf32, #tpu.memory_space<vmem>>, vector<16xf32>,
        tpu.vector_store %arg7[%parallel_loop3A_428, %parallel_loop3A_429, %parallel_loop3A_430], %parallel_loop3A_284 {strides = array<i32>} : memref<5x40x512xf32, #tpu.memory_space<vmem>>, vector<16xf32>,
        %parallel_loop3A_432 = arith.constant 2 : i32
        %parallel_loop3A_433 = arith.index_cast %parallel_loop3A_432 : i32 to index
        %parallel_loop3A_434 = arith.index_cast %parallel_loop3A_201 : i32 to index
        %parallel_loop3A_435 = arith.constant 304 : index
        %parallel_loop3A_436 = tpu.vector_load %arg7[%parallel_loop3A_433, %parallel_loop3A_434, %parallel_loop3A_435] {strides = array<i32>} : memref<5x40x512xf32, #tpu.memory_space<vmem>>, vector<16xf32>,
        tpu.vector_store %arg7[%parallel_loop3A_433, %parallel_loop3A_434, %parallel_loop3A_435], %parallel_loop3A_288 {strides = array<i32>} : memref<5x40x512xf32, #tpu.memory_space<vmem>>, vector<16xf32>,
        %parallel_loop3A_437 = arith.constant 2 : i32
        %parallel_loop3A_438 = arith.index_cast %parallel_loop3A_437 : i32 to index
        %parallel_loop3A_439 = arith.index_cast %parallel_loop3A_201 : i32 to index
        %parallel_loop3A_440 = arith.constant 320 : index
        %parallel_loop3A_441 = tpu.vector_load %arg7[%parallel_loop3A_438, %parallel_loop3A_439, %parallel_loop3A_440] {strides = array<i32>} : memref<5x40x512xf32, #tpu.memory_space<vmem>>, vector<16xf32>,
        tpu.vector_store %arg7[%parallel_loop3A_438, %parallel_loop3A_439, %parallel_loop3A_440], %parallel_loop3A_292 {strides = array<i32>} : memref<5x40x512xf32, #tpu.memory_space<vmem>>, vector<16xf32>,
        %parallel_loop3A_442 = arith.constant 2 : i32
        %parallel_loop3A_443 = arith.index_cast %parallel_loop3A_442 : i32 to index
        %parallel_loop3A_444 = arith.index_cast %parallel_loop3A_201 : i32 to index
        %parallel_loop3A_445 = arith.constant 336 : index
        %parallel_loop3A_446 = tpu.vector_load %arg7[%parallel_loop3A_443, %parallel_loop3A_444, %parallel_loop3A_445] {strides = array<i32>} : memref<5x40x512xf32, #tpu.memory_space<vmem>>, vector<16xf32>,
        tpu.vector_store %arg7[%parallel_loop3A_443, %parallel_loop3A_444, %parallel_loop3A_445], %parallel_loop3A_296 {strides = array<i32>} : memref<5x40x512xf32, #tpu.memory_space<vmem>>, vector<16xf32>,
        %parallel_loop3A_447 = arith.constant 2 : i32
        %parallel_loop3A_448 = arith.index_cast %parallel_loop3A_447 : i32 to index
        %parallel_loop3A_449 = arith.index_cast %parallel_loop3A_201 : i32 to index
        %parallel_loop3A_450 = arith.constant 352 : index
        %parallel_loop3A_451 = tpu.vector_load %arg7[%parallel_loop3A_448, %parallel_loop3A_449, %parallel_loop3A_450] {strides = array<i32>} : memref<5x40x512xf32, #tpu.memory_space<vmem>>, vector<16xf32>,
        tpu.vector_store %arg7[%parallel_loop3A_448, %parallel_loop3A_449, %parallel_loop3A_450], %parallel_loop3A_300 {strides = array<i32>} : memref<5x40x512xf32, #tpu.memory_space<vmem>>, vector<16xf32>,
        %parallel_loop3A_452 = arith.constant 2 : i32
        %parallel_loop3A_453 = arith.index_cast %parallel_loop3A_452 : i32 to index
        %parallel_loop3A_454 = arith.index_cast %parallel_loop3A_201 : i32 to index
        %parallel_loop3A_455 = arith.constant 368 : index
        %parallel_loop3A_456 = tpu.vector_load %arg7[%parallel_loop3A_453, %parallel_loop3A_454, %parallel_loop3A_455] {strides = array<i32>} : memref<5x40x512xf32, #tpu.memory_space<vmem>>, vector<16xf32>,
        tpu.vector_store %arg7[%parallel_loop3A_453, %parallel_loop3A_454, %parallel_loop3A_455], %parallel_loop3A_304 {strides = array<i32>} : memref<5x40x512xf32, #tpu.memory_space<vmem>>, vector<16xf32>,
        %parallel_loop3A_457 = arith.constant 2 : i32
        %parallel_loop3A_458 = arith.index_cast %parallel_loop3A_457 : i32 to index
        %parallel_loop3A_459 = arith.index_cast %parallel_loop3A_201 : i32 to index
        %parallel_loop3A_460 = arith.constant 384 : index
        %parallel_loop3A_461 = tpu.vector_load %arg7[%parallel_loop3A_458, %parallel_loop3A_459, %parallel_loop3A_460] {strides = array<i32>} : memref<5x40x512xf32, #tpu.memory_space<vmem>>, vector<16xf32>,
        tpu.vector_store %arg7[%parallel_loop3A_458, %parallel_loop3A_459, %parallel_loop3A_460], %parallel_loop3A_308 {strides = array<i32>} : memref<5x40x512xf32, #tpu.memory_space<vmem>>, vector<16xf32>,
        %parallel_loop3A_462 = arith.constant 2 : i32
        %parallel_loop3A_463 = arith.index_cast %parallel_loop3A_462 : i32 to index
        %parallel_loop3A_464 = arith.index_cast %parallel_loop3A_201 : i32 to index
        %parallel_loop3A_465 = arith.constant 400 : index
        %parallel_loop3A_466 = tpu.vector_load %arg7[%parallel_loop3A_463, %parallel_loop3A_464, %parallel_loop3A_465] {strides = array<i32>} : memref<5x40x512xf32, #tpu.memory_space<vmem>>, vector<16xf32>,
        tpu.vector_store %arg7[%parallel_loop3A_463, %parallel_loop3A_464, %parallel_loop3A_465], %parallel_loop3A_312 {strides = array<i32>} : memref<5x40x512xf32, #tpu.memory_space<vmem>>, vector<16xf32>,
        %parallel_loop3A_467 = arith.constant 2 : i32
        %parallel_loop3A_468 = arith.index_cast %parallel_loop3A_467 : i32 to index
        %parallel_loop3A_469 = arith.index_cast %parallel_loop3A_201 : i32 to index
        %parallel_loop3A_470 = arith.constant 416 : index
        %parallel_loop3A_471 = tpu.vector_load %arg7[%parallel_loop3A_468, %parallel_loop3A_469, %parallel_loop3A_470] {strides = array<i32>} : memref<5x40x512xf32, #tpu.memory_space<vmem>>, vector<16xf32>,
        tpu.vector_store %arg7[%parallel_loop3A_468, %parallel_loop3A_469, %parallel_loop3A_470], %parallel_loop3A_316 {strides = array<i32>} : memref<5x40x512xf32, #tpu.memory_space<vmem>>, vector<16xf32>,
        %parallel_loop3A_472 = arith.constant 2 : i32
        %parallel_loop3A_473 = arith.index_cast %parallel_loop3A_472 : i32 to index
        %parallel_loop3A_474 = arith.index_cast %parallel_loop3A_201 : i32 to index
        %parallel_loop3A_475 = arith.constant 432 : index
        %parallel_loop3A_476 = tpu.vector_load %arg7[%parallel_loop3A_473, %parallel_loop3A_474, %parallel_loop3A_475] {strides = array<i32>} : memref<5x40x512xf32, #tpu.memory_space<vmem>>, vector<16xf32>,
        tpu.vector_store %arg7[%parallel_loop3A_473, %parallel_loop3A_474, %parallel_loop3A_475], %parallel_loop3A_320 {strides = array<i32>} : memref<5x40x512xf32, #tpu.memory_space<vmem>>, vector<16xf32>,
        %parallel_loop3A_477 = arith.constant 2 : i32
        %parallel_loop3A_478 = arith.index_cast %parallel_loop3A_477 : i32 to index
        %parallel_loop3A_479 = arith.index_cast %parallel_loop3A_201 : i32 to index
        %parallel_loop3A_480 = arith.constant 448 : index
        %parallel_loop3A_481 = tpu.vector_load %arg7[%parallel_loop3A_478, %parallel_loop3A_479, %parallel_loop3A_480] {strides = array<i32>} : memref<5x40x512xf32, #tpu.memory_space<vmem>>, vector<16xf32>,
        tpu.vector_store %arg7[%parallel_loop3A_478, %parallel_loop3A_479, %parallel_loop3A_480], %parallel_loop3A_324 {strides = array<i32>} : memref<5x40x512xf32, #tpu.memory_space<vmem>>, vector<16xf32>,
        %parallel_loop3A_482 = arith.constant 2 : i32
        %parallel_loop3A_483 = arith.index_cast %parallel_loop3A_482 : i32 to index
        %parallel_loop3A_484 = arith.index_cast %parallel_loop3A_201 : i32 to index
        %parallel_loop3A_485 = arith.constant 464 : index
        %parallel_loop3A_486 = tpu.vector_load %arg7[%parallel_loop3A_483, %parallel_loop3A_484, %parallel_loop3A_485] {strides = array<i32>} : memref<5x40x512xf32, #tpu.memory_space<vmem>>, vector<16xf32>,
        tpu.vector_store %arg7[%parallel_loop3A_483, %parallel_loop3A_484, %parallel_loop3A_485], %parallel_loop3A_328 {strides = array<i32>} : memref<5x40x512xf32, #tpu.memory_space<vmem>>, vector<16xf32>,
        %parallel_loop3A_487 = arith.constant 2 : i32
        %parallel_loop3A_488 = arith.index_cast %parallel_loop3A_487 : i32 to index
        %parallel_loop3A_489 = arith.index_cast %parallel_loop3A_201 : i32 to index
        %parallel_loop3A_490 = arith.constant 480 : index
        %parallel_loop3A_491 = tpu.vector_load %arg7[%parallel_loop3A_488, %parallel_loop3A_489, %parallel_loop3A_490] {strides = array<i32>} : memref<5x40x512xf32, #tpu.memory_space<vmem>>, vector<16xf32>,
        tpu.vector_store %arg7[%parallel_loop3A_488, %parallel_loop3A_489, %parallel_loop3A_490], %parallel_loop3A_332 {strides = array<i32>} : memref<5x40x512xf32, #tpu.memory_space<vmem>>, vector<16xf32>,
        %parallel_loop3A_492 = arith.constant 2 : i32
        %parallel_loop3A_493 = arith.index_cast %parallel_loop3A_492 : i32 to index
        %parallel_loop3A_494 = arith.index_cast %parallel_loop3A_201 : i32 to index
        %parallel_loop3A_495 = arith.constant 496 : index
        %parallel_loop3A_496 = tpu.vector_load %arg7[%parallel_loop3A_493, %parallel_loop3A_494, %parallel_loop3A_495] {strides = array<i32>} : memref<5x40x512xf32, #tpu.memory_space<vmem>>, vector<16xf32>,
        tpu.vector_store %arg7[%parallel_loop3A_493, %parallel_loop3A_494, %parallel_loop3A_495], %parallel_loop3A_336 {strides = array<i32>} : memref<5x40x512xf32, #tpu.memory_space<vmem>>, vector<16xf32>,
      } {sc.loop_unroll_factor = 8 : i64, sc.parallel_access}
      %add3A_135 = arith.addi %mul3A_2, %mul3A_131 : i32
      %dma_start3A_136 = arith.constant 2 : i32
      %dma_start3A_137 = arith.constant 0 : i32
      %dma_start3A_138 = arith.constant 0 : i32
      %dma_start3A_139 = tpu.memref_slice %arg7[%dma_start3A_136, %dma_start3A_137, %dma_start3A_138] : memref<5x40x512xf32, #tpu.memory_space<vmem>> -> memref<1x40x512xf32, #tpu.memory_space<vmem>>
      %dma_start3A_140 = tpu.memref_squeeze %dma_start3A_139 : memref<1x40x512xf32, #tpu.memory_space<vmem>> -> memref<40x512xf32, #tpu.memory_space<vmem>>
      %dma_start3A_141 = arith.constant 0 : i32
      %dma_start3A_142 = tpu.memref_slice %arg4[%add3A_135, %dma_start3A_141] : memref<204800x512xf32, #tpu.memory_space<hbm>> -> memref<40x512xf32, #tpu.memory_space<hbm>>
      %dma_start3A_143 = arith.constant 0 : i32
      %dma_start3A_144 = tpu.memref_slice %arg4[%add3A_135, %dma_start3A_143] : memref<204800x512xf32, #tpu.memory_space<hbm>> -> memref<40x512xf32, #tpu.memory_space<hbm>>
      %dma_start3A_145 = arith.constant 0 : i32
      %dma_start3A_146 = arith.constant 0 : i32
      %dma_start3A_147 = tpu.memref_slice %arg7[%dma_start3A_136, %dma_start3A_145, %dma_start3A_146] : memref<5x40x512xf32, #tpu.memory_space<vmem>> -> memref<1x40x512xf32, #tpu.memory_space<vmem>>
      %dma_start3A_148 = tpu.memref_squeeze %dma_start3A_147 : memref<1x40x512xf32, #tpu.memory_space<vmem>> -> memref<40x512xf32, #tpu.memory_space<vmem>>
      tpu.enqueue_dma source(%dma_start3A_148 : memref<40x512xf32, #tpu.memory_space<vmem>>) target(%dma_start3A_144 : memref<40x512xf32, #tpu.memory_space<hbm>>) target_semaphore(%arg10 : memref<!tpu.dma_semaphore, #tpu.memory_space<semaphore_mem>>)
      %add3A_149 = arith.constant 3 : i32
      %add3A_150 = arith.addi %add3A_75, %add3A_149 : i32
      %ge3A_151 = arith.constant 5 : i32
      %ge3A_152 = arith.cmpi sge, %add3A_150, %ge3A_151 : i32
      %convert_element_type3A_153 = arith.extui %ge3A_152 : i1 to i32
      %cond3A_154 = arith.constant 0 : i32
      %cond3A_155 = arith.cmpi ne, %convert_element_type3A_153, %cond3A_154 : i32
      scf.if %cond3A_155 {
        %dma_wait3A_201 = arith.constant 3 : i32
        %dma_wait3A_202 = arith.constant 0 : i32
        %dma_wait3A_203 = arith.constant 0 : i32
        %dma_wait3A_204 = tpu.memref_slice %arg7[%dma_wait3A_201, %dma_wait3A_202, %dma_wait3A_203] : memref<5x40x512xf32, #tpu.memory_space<vmem>> -> memref<1x40x512xf32, #tpu.memory_space<vmem>>
        %dma_wait3A_205 = tpu.memref_squeeze %dma_wait3A_204 : memref<1x40x512xf32, #tpu.memory_space<vmem>> -> memref<40x512xf32, #tpu.memory_space<vmem>>
        %dma_wait3A_206 = arith.constant 0 : i32
        %dma_wait3A_207 = tpu.memref_slice %arg4[%mul3A_2, %dma_wait3A_206] : memref<204800x512xf32, #tpu.memory_space<hbm>> -> memref<40x512xf32, #tpu.memory_space<hbm>>
        %dma_wait3A_208 = arith.constant 0 : i32
        %dma_wait3A_209 = tpu.memref_slice %arg4[%mul3A_2, %dma_wait3A_208] : memref<204800x512xf32, #tpu.memory_space<hbm>> -> memref<40x512xf32, #tpu.memory_space<hbm>>
        %dma_wait3A_210 = arith.constant 0 : i32
        %dma_wait3A_211 = arith.constant 0 : i32
        %dma_wait3A_212 = tpu.memref_slice %arg7[%dma_wait3A_201, %dma_wait3A_210, %dma_wait3A_211] : memref<5x40x512xf32, #tpu.memory_space<vmem>> -> memref<1x40x512xf32, #tpu.memory_space<vmem>>
        %dma_wait3A_213 = tpu.memref_squeeze %dma_wait3A_212 : memref<1x40x512xf32, #tpu.memory_space<vmem>> -> memref<40x512xf32, #tpu.memory_space<vmem>>
        tpu.wait_dma2 semaphore(%arg11 : memref<!tpu.dma_semaphore, #tpu.memory_space<semaphore_mem>>) src(%dma_wait3A_213 : memref<40x512xf32, #tpu.memory_space<vmem>>) dst(%dma_wait3A_209 : memref<40x512xf32, #tpu.memory_space<hbm>>)
      } else {
      }
      %mul3A_156 = arith.constant 40 : i32
      %mul3A_157 = arith.muli %add3A_150, %mul3A_156 : i32
      %parallel_loop3A_158 = arith.constant 0 : i32
      %parallel_loop3A_159 = arith.constant 40 : i32
      %parallel_loop3A_160 = arith.constant 1 : i32
      scf.for %parallel_loop3A_201 = %parallel_loop3A_158 to %parallel_loop3A_159 step %parallel_loop3A_160  : i32 {
        %parallel_loop3A_202 = arith.addi %mul3A_157, %parallel_loop3A_201 : i32
        %parallel_loop3A_203 = vector.broadcast %parallel_loop3A_202 : i32 to vector<16xi32>
        %parallel_loop3A_204 = tpu.vector_load_idx %arg6[%parallel_loop3A_203] : memref<6400xi32, #tpu.memory_space<vmem>>[vector<16xi32>], vector<16xi32>,
        %parallel_loop3A_205 = arith.constant 512 : i32
        %parallel_loop3A_206 = vector.broadcast %parallel_loop3A_205 : i32 to vector<16xi32>
        %parallel_loop3A_207 = arith.muli %parallel_loop3A_204, %parallel_loop3A_206 : vector<16xi32>
        %parallel_loop3A_208 = arith.addi %parallel_loop3A_207, %iota3A : vector<16xi32>
        %parallel_loop3A_209 = arith.constant 0 : i32
        %parallel_loop3A_210 = vector.broadcast %parallel_loop3A_209 : i32 to vector<16xi32>
        %parallel_loop3A_211 = arith.addi %parallel_loop3A_208, %parallel_loop3A_210 : vector<16xi32>
        %parallel_loop3A_212 = tpu.vector_load_idx %arg5[%parallel_loop3A_211] : memref<2048xf32, #tpu.memory_space<vmem>>[vector<16xi32>], vector<16xf32>,
        %parallel_loop3A_213 = arith.constant 16 : i32
        %parallel_loop3A_214 = vector.broadcast %parallel_loop3A_213 : i32 to vector<16xi32>
        %parallel_loop3A_215 = arith.addi %parallel_loop3A_208, %parallel_loop3A_214 : vector<16xi32>
        %parallel_loop3A_216 = tpu.vector_load_idx %arg5[%parallel_loop3A_215] : memref<2048xf32, #tpu.memory_space<vmem>>[vector<16xi32>], vector<16xf32>,
        %parallel_loop3A_217 = arith.constant 32 : i32
        %parallel_loop3A_218 = vector.broadcast %parallel_loop3A_217 : i32 to vector<16xi32>
        %parallel_loop3A_219 = arith.addi %parallel_loop3A_208, %parallel_loop3A_218 : vector<16xi32>
        %parallel_loop3A_220 = tpu.vector_load_idx %arg5[%parallel_loop3A_219] : memref<2048xf32, #tpu.memory_space<vmem>>[vector<16xi32>], vector<16xf32>,
        %parallel_loop3A_221 = arith.constant 48 : i32
        %parallel_loop3A_222 = vector.broadcast %parallel_loop3A_221 : i32 to vector<16xi32>
        %parallel_loop3A_223 = arith.addi %parallel_loop3A_208, %parallel_loop3A_222 : vector<16xi32>
        %parallel_loop3A_224 = tpu.vector_load_idx %arg5[%parallel_loop3A_223] : memref<2048xf32, #tpu.memory_space<vmem>>[vector<16xi32>], vector<16xf32>,
        %parallel_loop3A_225 = arith.constant 64 : i32
        %parallel_loop3A_226 = vector.broadcast %parallel_loop3A_225 : i32 to vector<16xi32>
        %parallel_loop3A_227 = arith.addi %parallel_loop3A_208, %parallel_loop3A_226 : vector<16xi32>
        %parallel_loop3A_228 = tpu.vector_load_idx %arg5[%parallel_loop3A_227] : memref<2048xf32, #tpu.memory_space<vmem>>[vector<16xi32>], vector<16xf32>,
        %parallel_loop3A_229 = arith.constant 80 : i32
        %parallel_loop3A_230 = vector.broadcast %parallel_loop3A_229 : i32 to vector<16xi32>
        %parallel_loop3A_231 = arith.addi %parallel_loop3A_208, %parallel_loop3A_230 : vector<16xi32>
        %parallel_loop3A_232 = tpu.vector_load_idx %arg5[%parallel_loop3A_231] : memref<2048xf32, #tpu.memory_space<vmem>>[vector<16xi32>], vector<16xf32>,
        %parallel_loop3A_233 = arith.constant 96 : i32
        %parallel_loop3A_234 = vector.broadcast %parallel_loop3A_233 : i32 to vector<16xi32>
        %parallel_loop3A_235 = arith.addi %parallel_loop3A_208, %parallel_loop3A_234 : vector<16xi32>
        %parallel_loop3A_236 = tpu.vector_load_idx %arg5[%parallel_loop3A_235] : memref<2048xf32, #tpu.memory_space<vmem>>[vector<16xi32>], vector<16xf32>,
        %parallel_loop3A_237 = arith.constant 112 : i32
        %parallel_loop3A_238 = vector.broadcast %parallel_loop3A_237 : i32 to vector<16xi32>
        %parallel_loop3A_239 = arith.addi %parallel_loop3A_208, %parallel_loop3A_238 : vector<16xi32>
        %parallel_loop3A_240 = tpu.vector_load_idx %arg5[%parallel_loop3A_239] : memref<2048xf32, #tpu.memory_space<vmem>>[vector<16xi32>], vector<16xf32>,
        %parallel_loop3A_241 = arith.constant 128 : i32
        %parallel_loop3A_242 = vector.broadcast %parallel_loop3A_241 : i32 to vector<16xi32>
        %parallel_loop3A_243 = arith.addi %parallel_loop3A_208, %parallel_loop3A_242 : vector<16xi32>
        %parallel_loop3A_244 = tpu.vector_load_idx %arg5[%parallel_loop3A_243] : memref<2048xf32, #tpu.memory_space<vmem>>[vector<16xi32>], vector<16xf32>,
        %parallel_loop3A_245 = arith.constant 144 : i32
        %parallel_loop3A_246 = vector.broadcast %parallel_loop3A_245 : i32 to vector<16xi32>
        %parallel_loop3A_247 = arith.addi %parallel_loop3A_208, %parallel_loop3A_246 : vector<16xi32>
        %parallel_loop3A_248 = tpu.vector_load_idx %arg5[%parallel_loop3A_247] : memref<2048xf32, #tpu.memory_space<vmem>>[vector<16xi32>], vector<16xf32>,
        %parallel_loop3A_249 = arith.constant 160 : i32
        %parallel_loop3A_250 = vector.broadcast %parallel_loop3A_249 : i32 to vector<16xi32>
        %parallel_loop3A_251 = arith.addi %parallel_loop3A_208, %parallel_loop3A_250 : vector<16xi32>
        %parallel_loop3A_252 = tpu.vector_load_idx %arg5[%parallel_loop3A_251] : memref<2048xf32, #tpu.memory_space<vmem>>[vector<16xi32>], vector<16xf32>,
        %parallel_loop3A_253 = arith.constant 176 : i32
        %parallel_loop3A_254 = vector.broadcast %parallel_loop3A_253 : i32 to vector<16xi32>
        %parallel_loop3A_255 = arith.addi %parallel_loop3A_208, %parallel_loop3A_254 : vector<16xi32>
        %parallel_loop3A_256 = tpu.vector_load_idx %arg5[%parallel_loop3A_255] : memref<2048xf32, #tpu.memory_space<vmem>>[vector<16xi32>], vector<16xf32>,
        %parallel_loop3A_257 = arith.constant 192 : i32
        %parallel_loop3A_258 = vector.broadcast %parallel_loop3A_257 : i32 to vector<16xi32>
        %parallel_loop3A_259 = arith.addi %parallel_loop3A_208, %parallel_loop3A_258 : vector<16xi32>
        %parallel_loop3A_260 = tpu.vector_load_idx %arg5[%parallel_loop3A_259] : memref<2048xf32, #tpu.memory_space<vmem>>[vector<16xi32>], vector<16xf32>,
        %parallel_loop3A_261 = arith.constant 208 : i32
        %parallel_loop3A_262 = vector.broadcast %parallel_loop3A_261 : i32 to vector<16xi32>
        %parallel_loop3A_263 = arith.addi %parallel_loop3A_208, %parallel_loop3A_262 : vector<16xi32>
        %parallel_loop3A_264 = tpu.vector_load_idx %arg5[%parallel_loop3A_263] : memref<2048xf32, #tpu.memory_space<vmem>>[vector<16xi32>], vector<16xf32>,
        %parallel_loop3A_265 = arith.constant 224 : i32
        %parallel_loop3A_266 = vector.broadcast %parallel_loop3A_265 : i32 to vector<16xi32>
        %parallel_loop3A_267 = arith.addi %parallel_loop3A_208, %parallel_loop3A_266 : vector<16xi32>
        %parallel_loop3A_268 = tpu.vector_load_idx %arg5[%parallel_loop3A_267] : memref<2048xf32, #tpu.memory_space<vmem>>[vector<16xi32>], vector<16xf32>,
        %parallel_loop3A_269 = arith.constant 240 : i32
        %parallel_loop3A_270 = vector.broadcast %parallel_loop3A_269 : i32 to vector<16xi32>
        %parallel_loop3A_271 = arith.addi %parallel_loop3A_208, %parallel_loop3A_270 : vector<16xi32>
        %parallel_loop3A_272 = tpu.vector_load_idx %arg5[%parallel_loop3A_271] : memref<2048xf32, #tpu.memory_space<vmem>>[vector<16xi32>], vector<16xf32>,
        %parallel_loop3A_273 = arith.constant 256 : i32
        %parallel_loop3A_274 = vector.broadcast %parallel_loop3A_273 : i32 to vector<16xi32>
        %parallel_loop3A_275 = arith.addi %parallel_loop3A_208, %parallel_loop3A_274 : vector<16xi32>
        %parallel_loop3A_276 = tpu.vector_load_idx %arg5[%parallel_loop3A_275] : memref<2048xf32, #tpu.memory_space<vmem>>[vector<16xi32>], vector<16xf32>,
        %parallel_loop3A_277 = arith.constant 272 : i32
        %parallel_loop3A_278 = vector.broadcast %parallel_loop3A_277 : i32 to vector<16xi32>
        %parallel_loop3A_279 = arith.addi %parallel_loop3A_208, %parallel_loop3A_278 : vector<16xi32>
        %parallel_loop3A_280 = tpu.vector_load_idx %arg5[%parallel_loop3A_279] : memref<2048xf32, #tpu.memory_space<vmem>>[vector<16xi32>], vector<16xf32>,
        %parallel_loop3A_281 = arith.constant 288 : i32
        %parallel_loop3A_282 = vector.broadcast %parallel_loop3A_281 : i32 to vector<16xi32>
        %parallel_loop3A_283 = arith.addi %parallel_loop3A_208, %parallel_loop3A_282 : vector<16xi32>
        %parallel_loop3A_284 = tpu.vector_load_idx %arg5[%parallel_loop3A_283] : memref<2048xf32, #tpu.memory_space<vmem>>[vector<16xi32>], vector<16xf32>,
        %parallel_loop3A_285 = arith.constant 304 : i32
        %parallel_loop3A_286 = vector.broadcast %parallel_loop3A_285 : i32 to vector<16xi32>
        %parallel_loop3A_287 = arith.addi %parallel_loop3A_208, %parallel_loop3A_286 : vector<16xi32>
        %parallel_loop3A_288 = tpu.vector_load_idx %arg5[%parallel_loop3A_287] : memref<2048xf32, #tpu.memory_space<vmem>>[vector<16xi32>], vector<16xf32>,
        %parallel_loop3A_289 = arith.constant 320 : i32
        %parallel_loop3A_290 = vector.broadcast %parallel_loop3A_289 : i32 to vector<16xi32>
        %parallel_loop3A_291 = arith.addi %parallel_loop3A_208, %parallel_loop3A_290 : vector<16xi32>
        %parallel_loop3A_292 = tpu.vector_load_idx %arg5[%parallel_loop3A_291] : memref<2048xf32, #tpu.memory_space<vmem>>[vector<16xi32>], vector<16xf32>,
        %parallel_loop3A_293 = arith.constant 336 : i32
        %parallel_loop3A_294 = vector.broadcast %parallel_loop3A_293 : i32 to vector<16xi32>
        %parallel_loop3A_295 = arith.addi %parallel_loop3A_208, %parallel_loop3A_294 : vector<16xi32>
        %parallel_loop3A_296 = tpu.vector_load_idx %arg5[%parallel_loop3A_295] : memref<2048xf32, #tpu.memory_space<vmem>>[vector<16xi32>], vector<16xf32>,
        %parallel_loop3A_297 = arith.constant 352 : i32
        %parallel_loop3A_298 = vector.broadcast %parallel_loop3A_297 : i32 to vector<16xi32>
        %parallel_loop3A_299 = arith.addi %parallel_loop3A_208, %parallel_loop3A_298 : vector<16xi32>
        %parallel_loop3A_300 = tpu.vector_load_idx %arg5[%parallel_loop3A_299] : memref<2048xf32, #tpu.memory_space<vmem>>[vector<16xi32>], vector<16xf32>,
        %parallel_loop3A_301 = arith.constant 368 : i32
        %parallel_loop3A_302 = vector.broadcast %parallel_loop3A_301 : i32 to vector<16xi32>
        %parallel_loop3A_303 = arith.addi %parallel_loop3A_208, %parallel_loop3A_302 : vector<16xi32>
        %parallel_loop3A_304 = tpu.vector_load_idx %arg5[%parallel_loop3A_303] : memref<2048xf32, #tpu.memory_space<vmem>>[vector<16xi32>], vector<16xf32>,
        %parallel_loop3A_305 = arith.constant 384 : i32
        %parallel_loop3A_306 = vector.broadcast %parallel_loop3A_305 : i32 to vector<16xi32>
        %parallel_loop3A_307 = arith.addi %parallel_loop3A_208, %parallel_loop3A_306 : vector<16xi32>
        %parallel_loop3A_308 = tpu.vector_load_idx %arg5[%parallel_loop3A_307] : memref<2048xf32, #tpu.memory_space<vmem>>[vector<16xi32>], vector<16xf32>,
        %parallel_loop3A_309 = arith.constant 400 : i32
        %parallel_loop3A_310 = vector.broadcast %parallel_loop3A_309 : i32 to vector<16xi32>
        %parallel_loop3A_311 = arith.addi %parallel_loop3A_208, %parallel_loop3A_310 : vector<16xi32>
        %parallel_loop3A_312 = tpu.vector_load_idx %arg5[%parallel_loop3A_311] : memref<2048xf32, #tpu.memory_space<vmem>>[vector<16xi32>], vector<16xf32>,
        %parallel_loop3A_313 = arith.constant 416 : i32
        %parallel_loop3A_314 = vector.broadcast %parallel_loop3A_313 : i32 to vector<16xi32>
        %parallel_loop3A_315 = arith.addi %parallel_loop3A_208, %parallel_loop3A_314 : vector<16xi32>
        %parallel_loop3A_316 = tpu.vector_load_idx %arg5[%parallel_loop3A_315] : memref<2048xf32, #tpu.memory_space<vmem>>[vector<16xi32>], vector<16xf32>,
        %parallel_loop3A_317 = arith.constant 432 : i32
        %parallel_loop3A_318 = vector.broadcast %parallel_loop3A_317 : i32 to vector<16xi32>
        %parallel_loop3A_319 = arith.addi %parallel_loop3A_208, %parallel_loop3A_318 : vector<16xi32>
        %parallel_loop3A_320 = tpu.vector_load_idx %arg5[%parallel_loop3A_319] : memref<2048xf32, #tpu.memory_space<vmem>>[vector<16xi32>], vector<16xf32>,
        %parallel_loop3A_321 = arith.constant 448 : i32
        %parallel_loop3A_322 = vector.broadcast %parallel_loop3A_321 : i32 to vector<16xi32>
        %parallel_loop3A_323 = arith.addi %parallel_loop3A_208, %parallel_loop3A_322 : vector<16xi32>
        %parallel_loop3A_324 = tpu.vector_load_idx %arg5[%parallel_loop3A_323] : memref<2048xf32, #tpu.memory_space<vmem>>[vector<16xi32>], vector<16xf32>,
        %parallel_loop3A_325 = arith.constant 464 : i32
        %parallel_loop3A_326 = vector.broadcast %parallel_loop3A_325 : i32 to vector<16xi32>
        %parallel_loop3A_327 = arith.addi %parallel_loop3A_208, %parallel_loop3A_326 : vector<16xi32>
        %parallel_loop3A_328 = tpu.vector_load_idx %arg5[%parallel_loop3A_327] : memref<2048xf32, #tpu.memory_space<vmem>>[vector<16xi32>], vector<16xf32>,
        %parallel_loop3A_329 = arith.constant 480 : i32
        %parallel_loop3A_330 = vector.broadcast %parallel_loop3A_329 : i32 to vector<16xi32>
        %parallel_loop3A_331 = arith.addi %parallel_loop3A_208, %parallel_loop3A_330 : vector<16xi32>
        %parallel_loop3A_332 = tpu.vector_load_idx %arg5[%parallel_loop3A_331] : memref<2048xf32, #tpu.memory_space<vmem>>[vector<16xi32>], vector<16xf32>,
        %parallel_loop3A_333 = arith.constant 496 : i32
        %parallel_loop3A_334 = vector.broadcast %parallel_loop3A_333 : i32 to vector<16xi32>
        %parallel_loop3A_335 = arith.addi %parallel_loop3A_208, %parallel_loop3A_334 : vector<16xi32>
        %parallel_loop3A_336 = tpu.vector_load_idx %arg5[%parallel_loop3A_335] : memref<2048xf32, #tpu.memory_space<vmem>>[vector<16xi32>], vector<16xf32>,
        %parallel_loop3A_337 = arith.constant 3 : i32
        %parallel_loop3A_338 = arith.index_cast %parallel_loop3A_337 : i32 to index
        %parallel_loop3A_339 = arith.index_cast %parallel_loop3A_201 : i32 to index
        %parallel_loop3A_340 = arith.constant 0 : index
        %parallel_loop3A_341 = tpu.vector_load %arg7[%parallel_loop3A_338, %parallel_loop3A_339, %parallel_loop3A_340] {strides = array<i32>} : memref<5x40x512xf32, #tpu.memory_space<vmem>>, vector<16xf32>,
        tpu.vector_store %arg7[%parallel_loop3A_338, %parallel_loop3A_339, %parallel_loop3A_340], %parallel_loop3A_212 {strides = array<i32>} : memref<5x40x512xf32, #tpu.memory_space<vmem>>, vector<16xf32>,
        %parallel_loop3A_342 = arith.constant 3 : i32
        %parallel_loop3A_343 = arith.index_cast %parallel_loop3A_342 : i32 to index
        %parallel_loop3A_344 = arith.index_cast %parallel_loop3A_201 : i32 to index
        %parallel_loop3A_345 = arith.constant 16 : index
        %parallel_loop3A_346 = tpu.vector_load %arg7[%parallel_loop3A_343, %parallel_loop3A_344, %parallel_loop3A_345] {strides = array<i32>} : memref<5x40x512xf32, #tpu.memory_space<vmem>>, vector<16xf32>,
        tpu.vector_store %arg7[%parallel_loop3A_343, %parallel_loop3A_344, %parallel_loop3A_345], %parallel_loop3A_216 {strides = array<i32>} : memref<5x40x512xf32, #tpu.memory_space<vmem>>, vector<16xf32>,
        %parallel_loop3A_347 = arith.constant 3 : i32
        %parallel_loop3A_348 = arith.index_cast %parallel_loop3A_347 : i32 to index
        %parallel_loop3A_349 = arith.index_cast %parallel_loop3A_201 : i32 to index
        %parallel_loop3A_350 = arith.constant 32 : index
        %parallel_loop3A_351 = tpu.vector_load %arg7[%parallel_loop3A_348, %parallel_loop3A_349, %parallel_loop3A_350] {strides = array<i32>} : memref<5x40x512xf32, #tpu.memory_space<vmem>>, vector<16xf32>,
        tpu.vector_store %arg7[%parallel_loop3A_348, %parallel_loop3A_349, %parallel_loop3A_350], %parallel_loop3A_220 {strides = array<i32>} : memref<5x40x512xf32, #tpu.memory_space<vmem>>, vector<16xf32>,
        %parallel_loop3A_352 = arith.constant 3 : i32
        %parallel_loop3A_353 = arith.index_cast %parallel_loop3A_352 : i32 to index
        %parallel_loop3A_354 = arith.index_cast %parallel_loop3A_201 : i32 to index
        %parallel_loop3A_355 = arith.constant 48 : index
        %parallel_loop3A_356 = tpu.vector_load %arg7[%parallel_loop3A_353, %parallel_loop3A_354, %parallel_loop3A_355] {strides = array<i32>} : memref<5x40x512xf32, #tpu.memory_space<vmem>>, vector<16xf32>,
        tpu.vector_store %arg7[%parallel_loop3A_353, %parallel_loop3A_354, %parallel_loop3A_355], %parallel_loop3A_224 {strides = array<i32>} : memref<5x40x512xf32, #tpu.memory_space<vmem>>, vector<16xf32>,
        %parallel_loop3A_357 = arith.constant 3 : i32
        %parallel_loop3A_358 = arith.index_cast %parallel_loop3A_357 : i32 to index
        %parallel_loop3A_359 = arith.index_cast %parallel_loop3A_201 : i32 to index
        %parallel_loop3A_360 = arith.constant 64 : index
        %parallel_loop3A_361 = tpu.vector_load %arg7[%parallel_loop3A_358, %parallel_loop3A_359, %parallel_loop3A_360] {strides = array<i32>} : memref<5x40x512xf32, #tpu.memory_space<vmem>>, vector<16xf32>,
        tpu.vector_store %arg7[%parallel_loop3A_358, %parallel_loop3A_359, %parallel_loop3A_360], %parallel_loop3A_228 {strides = array<i32>} : memref<5x40x512xf32, #tpu.memory_space<vmem>>, vector<16xf32>,
        %parallel_loop3A_362 = arith.constant 3 : i32
        %parallel_loop3A_363 = arith.index_cast %parallel_loop3A_362 : i32 to index
        %parallel_loop3A_364 = arith.index_cast %parallel_loop3A_201 : i32 to index
        %parallel_loop3A_365 = arith.constant 80 : index
        %parallel_loop3A_366 = tpu.vector_load %arg7[%parallel_loop3A_363, %parallel_loop3A_364, %parallel_loop3A_365] {strides = array<i32>} : memref<5x40x512xf32, #tpu.memory_space<vmem>>, vector<16xf32>,
        tpu.vector_store %arg7[%parallel_loop3A_363, %parallel_loop3A_364, %parallel_loop3A_365], %parallel_loop3A_232 {strides = array<i32>} : memref<5x40x512xf32, #tpu.memory_space<vmem>>, vector<16xf32>,
        %parallel_loop3A_367 = arith.constant 3 : i32
        %parallel_loop3A_368 = arith.index_cast %parallel_loop3A_367 : i32 to index
        %parallel_loop3A_369 = arith.index_cast %parallel_loop3A_201 : i32 to index
        %parallel_loop3A_370 = arith.constant 96 : index
        %parallel_loop3A_371 = tpu.vector_load %arg7[%parallel_loop3A_368, %parallel_loop3A_369, %parallel_loop3A_370] {strides = array<i32>} : memref<5x40x512xf32, #tpu.memory_space<vmem>>, vector<16xf32>,
        tpu.vector_store %arg7[%parallel_loop3A_368, %parallel_loop3A_369, %parallel_loop3A_370], %parallel_loop3A_236 {strides = array<i32>} : memref<5x40x512xf32, #tpu.memory_space<vmem>>, vector<16xf32>,
        %parallel_loop3A_372 = arith.constant 3 : i32
        %parallel_loop3A_373 = arith.index_cast %parallel_loop3A_372 : i32 to index
        %parallel_loop3A_374 = arith.index_cast %parallel_loop3A_201 : i32 to index
        %parallel_loop3A_375 = arith.constant 112 : index
        %parallel_loop3A_376 = tpu.vector_load %arg7[%parallel_loop3A_373, %parallel_loop3A_374, %parallel_loop3A_375] {strides = array<i32>} : memref<5x40x512xf32, #tpu.memory_space<vmem>>, vector<16xf32>,
        tpu.vector_store %arg7[%parallel_loop3A_373, %parallel_loop3A_374, %parallel_loop3A_375], %parallel_loop3A_240 {strides = array<i32>} : memref<5x40x512xf32, #tpu.memory_space<vmem>>, vector<16xf32>,
        %parallel_loop3A_377 = arith.constant 3 : i32
        %parallel_loop3A_378 = arith.index_cast %parallel_loop3A_377 : i32 to index
        %parallel_loop3A_379 = arith.index_cast %parallel_loop3A_201 : i32 to index
        %parallel_loop3A_380 = arith.constant 128 : index
        %parallel_loop3A_381 = tpu.vector_load %arg7[%parallel_loop3A_378, %parallel_loop3A_379, %parallel_loop3A_380] {strides = array<i32>} : memref<5x40x512xf32, #tpu.memory_space<vmem>>, vector<16xf32>,
        tpu.vector_store %arg7[%parallel_loop3A_378, %parallel_loop3A_379, %parallel_loop3A_380], %parallel_loop3A_244 {strides = array<i32>} : memref<5x40x512xf32, #tpu.memory_space<vmem>>, vector<16xf32>,
        %parallel_loop3A_382 = arith.constant 3 : i32
        %parallel_loop3A_383 = arith.index_cast %parallel_loop3A_382 : i32 to index
        %parallel_loop3A_384 = arith.index_cast %parallel_loop3A_201 : i32 to index
        %parallel_loop3A_385 = arith.constant 144 : index
        %parallel_loop3A_386 = tpu.vector_load %arg7[%parallel_loop3A_383, %parallel_loop3A_384, %parallel_loop3A_385] {strides = array<i32>} : memref<5x40x512xf32, #tpu.memory_space<vmem>>, vector<16xf32>,
        tpu.vector_store %arg7[%parallel_loop3A_383, %parallel_loop3A_384, %parallel_loop3A_385], %parallel_loop3A_248 {strides = array<i32>} : memref<5x40x512xf32, #tpu.memory_space<vmem>>, vector<16xf32>,
        %parallel_loop3A_387 = arith.constant 3 : i32
        %parallel_loop3A_388 = arith.index_cast %parallel_loop3A_387 : i32 to index
        %parallel_loop3A_389 = arith.index_cast %parallel_loop3A_201 : i32 to index
        %parallel_loop3A_390 = arith.constant 160 : index
        %parallel_loop3A_391 = tpu.vector_load %arg7[%parallel_loop3A_388, %parallel_loop3A_389, %parallel_loop3A_390] {strides = array<i32>} : memref<5x40x512xf32, #tpu.memory_space<vmem>>, vector<16xf32>,
        tpu.vector_store %arg7[%parallel_loop3A_388, %parallel_loop3A_389, %parallel_loop3A_390], %parallel_loop3A_252 {strides = array<i32>} : memref<5x40x512xf32, #tpu.memory_space<vmem>>, vector<16xf32>,
        %parallel_loop3A_392 = arith.constant 3 : i32
        %parallel_loop3A_393 = arith.index_cast %parallel_loop3A_392 : i32 to index
        %parallel_loop3A_394 = arith.index_cast %parallel_loop3A_201 : i32 to index
        %parallel_loop3A_395 = arith.constant 176 : index
        %parallel_loop3A_396 = tpu.vector_load %arg7[%parallel_loop3A_393, %parallel_loop3A_394, %parallel_loop3A_395] {strides = array<i32>} : memref<5x40x512xf32, #tpu.memory_space<vmem>>, vector<16xf32>,
        tpu.vector_store %arg7[%parallel_loop3A_393, %parallel_loop3A_394, %parallel_loop3A_395], %parallel_loop3A_256 {strides = array<i32>} : memref<5x40x512xf32, #tpu.memory_space<vmem>>, vector<16xf32>,
        %parallel_loop3A_397 = arith.constant 3 : i32
        %parallel_loop3A_398 = arith.index_cast %parallel_loop3A_397 : i32 to index
        %parallel_loop3A_399 = arith.index_cast %parallel_loop3A_201 : i32 to index
        %parallel_loop3A_400 = arith.constant 192 : index
        %parallel_loop3A_401 = tpu.vector_load %arg7[%parallel_loop3A_398, %parallel_loop3A_399, %parallel_loop3A_400] {strides = array<i32>} : memref<5x40x512xf32, #tpu.memory_space<vmem>>, vector<16xf32>,
        tpu.vector_store %arg7[%parallel_loop3A_398, %parallel_loop3A_399, %parallel_loop3A_400], %parallel_loop3A_260 {strides = array<i32>} : memref<5x40x512xf32, #tpu.memory_space<vmem>>, vector<16xf32>,
        %parallel_loop3A_402 = arith.constant 3 : i32
        %parallel_loop3A_403 = arith.index_cast %parallel_loop3A_402 : i32 to index
        %parallel_loop3A_404 = arith.index_cast %parallel_loop3A_201 : i32 to index
        %parallel_loop3A_405 = arith.constant 208 : index
        %parallel_loop3A_406 = tpu.vector_load %arg7[%parallel_loop3A_403, %parallel_loop3A_404, %parallel_loop3A_405] {strides = array<i32>} : memref<5x40x512xf32, #tpu.memory_space<vmem>>, vector<16xf32>,
        tpu.vector_store %arg7[%parallel_loop3A_403, %parallel_loop3A_404, %parallel_loop3A_405], %parallel_loop3A_264 {strides = array<i32>} : memref<5x40x512xf32, #tpu.memory_space<vmem>>, vector<16xf32>,
        %parallel_loop3A_407 = arith.constant 3 : i32
        %parallel_loop3A_408 = arith.index_cast %parallel_loop3A_407 : i32 to index
        %parallel_loop3A_409 = arith.index_cast %parallel_loop3A_201 : i32 to index
        %parallel_loop3A_410 = arith.constant 224 : index
        %parallel_loop3A_411 = tpu.vector_load %arg7[%parallel_loop3A_408, %parallel_loop3A_409, %parallel_loop3A_410] {strides = array<i32>} : memref<5x40x512xf32, #tpu.memory_space<vmem>>, vector<16xf32>,
        tpu.vector_store %arg7[%parallel_loop3A_408, %parallel_loop3A_409, %parallel_loop3A_410], %parallel_loop3A_268 {strides = array<i32>} : memref<5x40x512xf32, #tpu.memory_space<vmem>>, vector<16xf32>,
        %parallel_loop3A_412 = arith.constant 3 : i32
        %parallel_loop3A_413 = arith.index_cast %parallel_loop3A_412 : i32 to index
        %parallel_loop3A_414 = arith.index_cast %parallel_loop3A_201 : i32 to index
        %parallel_loop3A_415 = arith.constant 240 : index
        %parallel_loop3A_416 = tpu.vector_load %arg7[%parallel_loop3A_413, %parallel_loop3A_414, %parallel_loop3A_415] {strides = array<i32>} : memref<5x40x512xf32, #tpu.memory_space<vmem>>, vector<16xf32>,
        tpu.vector_store %arg7[%parallel_loop3A_413, %parallel_loop3A_414, %parallel_loop3A_415], %parallel_loop3A_272 {strides = array<i32>} : memref<5x40x512xf32, #tpu.memory_space<vmem>>, vector<16xf32>,
        %parallel_loop3A_417 = arith.constant 3 : i32
        %parallel_loop3A_418 = arith.index_cast %parallel_loop3A_417 : i32 to index
        %parallel_loop3A_419 = arith.index_cast %parallel_loop3A_201 : i32 to index
        %parallel_loop3A_420 = arith.constant 256 : index
        %parallel_loop3A_421 = tpu.vector_load %arg7[%parallel_loop3A_418, %parallel_loop3A_419, %parallel_loop3A_420] {strides = array<i32>} : memref<5x40x512xf32, #tpu.memory_space<vmem>>, vector<16xf32>,
        tpu.vector_store %arg7[%parallel_loop3A_418, %parallel_loop3A_419, %parallel_loop3A_420], %parallel_loop3A_276 {strides = array<i32>} : memref<5x40x512xf32, #tpu.memory_space<vmem>>, vector<16xf32>,
        %parallel_loop3A_422 = arith.constant 3 : i32
        %parallel_loop3A_423 = arith.index_cast %parallel_loop3A_422 : i32 to index
        %parallel_loop3A_424 = arith.index_cast %parallel_loop3A_201 : i32 to index
        %parallel_loop3A_425 = arith.constant 272 : index
        %parallel_loop3A_426 = tpu.vector_load %arg7[%parallel_loop3A_423, %parallel_loop3A_424, %parallel_loop3A_425] {strides = array<i32>} : memref<5x40x512xf32, #tpu.memory_space<vmem>>, vector<16xf32>,
        tpu.vector_store %arg7[%parallel_loop3A_423, %parallel_loop3A_424, %parallel_loop3A_425], %parallel_loop3A_280 {strides = array<i32>} : memref<5x40x512xf32, #tpu.memory_space<vmem>>, vector<16xf32>,
        %parallel_loop3A_427 = arith.constant 3 : i32
        %parallel_loop3A_428 = arith.index_cast %parallel_loop3A_427 : i32 to index
        %parallel_loop3A_429 = arith.index_cast %parallel_loop3A_201 : i32 to index
        %parallel_loop3A_430 = arith.constant 288 : index
        %parallel_loop3A_431 = tpu.vector_load %arg7[%parallel_loop3A_428, %parallel_loop3A_429, %parallel_loop3A_430] {strides = array<i32>} : memref<5x40x512xf32, #tpu.memory_space<vmem>>, vector<16xf32>,
        tpu.vector_store %arg7[%parallel_loop3A_428, %parallel_loop3A_429, %parallel_loop3A_430], %parallel_loop3A_284 {strides = array<i32>} : memref<5x40x512xf32, #tpu.memory_space<vmem>>, vector<16xf32>,
        %parallel_loop3A_432 = arith.constant 3 : i32
        %parallel_loop3A_433 = arith.index_cast %parallel_loop3A_432 : i32 to index
        %parallel_loop3A_434 = arith.index_cast %parallel_loop3A_201 : i32 to index
        %parallel_loop3A_435 = arith.constant 304 : index
        %parallel_loop3A_436 = tpu.vector_load %arg7[%parallel_loop3A_433, %parallel_loop3A_434, %parallel_loop3A_435] {strides = array<i32>} : memref<5x40x512xf32, #tpu.memory_space<vmem>>, vector<16xf32>,
        tpu.vector_store %arg7[%parallel_loop3A_433, %parallel_loop3A_434, %parallel_loop3A_435], %parallel_loop3A_288 {strides = array<i32>} : memref<5x40x512xf32, #tpu.memory_space<vmem>>, vector<16xf32>,
        %parallel_loop3A_437 = arith.constant 3 : i32
        %parallel_loop3A_438 = arith.index_cast %parallel_loop3A_437 : i32 to index
        %parallel_loop3A_439 = arith.index_cast %parallel_loop3A_201 : i32 to index
        %parallel_loop3A_440 = arith.constant 320 : index
        %parallel_loop3A_441 = tpu.vector_load %arg7[%parallel_loop3A_438, %parallel_loop3A_439, %parallel_loop3A_440] {strides = array<i32>} : memref<5x40x512xf32, #tpu.memory_space<vmem>>, vector<16xf32>,
        tpu.vector_store %arg7[%parallel_loop3A_438, %parallel_loop3A_439, %parallel_loop3A_440], %parallel_loop3A_292 {strides = array<i32>} : memref<5x40x512xf32, #tpu.memory_space<vmem>>, vector<16xf32>,
        %parallel_loop3A_442 = arith.constant 3 : i32
        %parallel_loop3A_443 = arith.index_cast %parallel_loop3A_442 : i32 to index
        %parallel_loop3A_444 = arith.index_cast %parallel_loop3A_201 : i32 to index
        %parallel_loop3A_445 = arith.constant 336 : index
        %parallel_loop3A_446 = tpu.vector_load %arg7[%parallel_loop3A_443, %parallel_loop3A_444, %parallel_loop3A_445] {strides = array<i32>} : memref<5x40x512xf32, #tpu.memory_space<vmem>>, vector<16xf32>,
        tpu.vector_store %arg7[%parallel_loop3A_443, %parallel_loop3A_444, %parallel_loop3A_445], %parallel_loop3A_296 {strides = array<i32>} : memref<5x40x512xf32, #tpu.memory_space<vmem>>, vector<16xf32>,
        %parallel_loop3A_447 = arith.constant 3 : i32
        %parallel_loop3A_448 = arith.index_cast %parallel_loop3A_447 : i32 to index
        %parallel_loop3A_449 = arith.index_cast %parallel_loop3A_201 : i32 to index
        %parallel_loop3A_450 = arith.constant 352 : index
        %parallel_loop3A_451 = tpu.vector_load %arg7[%parallel_loop3A_448, %parallel_loop3A_449, %parallel_loop3A_450] {strides = array<i32>} : memref<5x40x512xf32, #tpu.memory_space<vmem>>, vector<16xf32>,
        tpu.vector_store %arg7[%parallel_loop3A_448, %parallel_loop3A_449, %parallel_loop3A_450], %parallel_loop3A_300 {strides = array<i32>} : memref<5x40x512xf32, #tpu.memory_space<vmem>>, vector<16xf32>,
        %parallel_loop3A_452 = arith.constant 3 : i32
        %parallel_loop3A_453 = arith.index_cast %parallel_loop3A_452 : i32 to index
        %parallel_loop3A_454 = arith.index_cast %parallel_loop3A_201 : i32 to index
        %parallel_loop3A_455 = arith.constant 368 : index
        %parallel_loop3A_456 = tpu.vector_load %arg7[%parallel_loop3A_453, %parallel_loop3A_454, %parallel_loop3A_455] {strides = array<i32>} : memref<5x40x512xf32, #tpu.memory_space<vmem>>, vector<16xf32>,
        tpu.vector_store %arg7[%parallel_loop3A_453, %parallel_loop3A_454, %parallel_loop3A_455], %parallel_loop3A_304 {strides = array<i32>} : memref<5x40x512xf32, #tpu.memory_space<vmem>>, vector<16xf32>,
        %parallel_loop3A_457 = arith.constant 3 : i32
        %parallel_loop3A_458 = arith.index_cast %parallel_loop3A_457 : i32 to index
        %parallel_loop3A_459 = arith.index_cast %parallel_loop3A_201 : i32 to index
        %parallel_loop3A_460 = arith.constant 384 : index
        %parallel_loop3A_461 = tpu.vector_load %arg7[%parallel_loop3A_458, %parallel_loop3A_459, %parallel_loop3A_460] {strides = array<i32>} : memref<5x40x512xf32, #tpu.memory_space<vmem>>, vector<16xf32>,
        tpu.vector_store %arg7[%parallel_loop3A_458, %parallel_loop3A_459, %parallel_loop3A_460], %parallel_loop3A_308 {strides = array<i32>} : memref<5x40x512xf32, #tpu.memory_space<vmem>>, vector<16xf32>,
        %parallel_loop3A_462 = arith.constant 3 : i32
        %parallel_loop3A_463 = arith.index_cast %parallel_loop3A_462 : i32 to index
        %parallel_loop3A_464 = arith.index_cast %parallel_loop3A_201 : i32 to index
        %parallel_loop3A_465 = arith.constant 400 : index
        %parallel_loop3A_466 = tpu.vector_load %arg7[%parallel_loop3A_463, %parallel_loop3A_464, %parallel_loop3A_465] {strides = array<i32>} : memref<5x40x512xf32, #tpu.memory_space<vmem>>, vector<16xf32>,
        tpu.vector_store %arg7[%parallel_loop3A_463, %parallel_loop3A_464, %parallel_loop3A_465], %parallel_loop3A_312 {strides = array<i32>} : memref<5x40x512xf32, #tpu.memory_space<vmem>>, vector<16xf32>,
        %parallel_loop3A_467 = arith.constant 3 : i32
        %parallel_loop3A_468 = arith.index_cast %parallel_loop3A_467 : i32 to index
        %parallel_loop3A_469 = arith.index_cast %parallel_loop3A_201 : i32 to index
        %parallel_loop3A_470 = arith.constant 416 : index
        %parallel_loop3A_471 = tpu.vector_load %arg7[%parallel_loop3A_468, %parallel_loop3A_469, %parallel_loop3A_470] {strides = array<i32>} : memref<5x40x512xf32, #tpu.memory_space<vmem>>, vector<16xf32>,
        tpu.vector_store %arg7[%parallel_loop3A_468, %parallel_loop3A_469, %parallel_loop3A_470], %parallel_loop3A_316 {strides = array<i32>} : memref<5x40x512xf32, #tpu.memory_space<vmem>>, vector<16xf32>,
        %parallel_loop3A_472 = arith.constant 3 : i32
        %parallel_loop3A_473 = arith.index_cast %parallel_loop3A_472 : i32 to index
        %parallel_loop3A_474 = arith.index_cast %parallel_loop3A_201 : i32 to index
        %parallel_loop3A_475 = arith.constant 432 : index
        %parallel_loop3A_476 = tpu.vector_load %arg7[%parallel_loop3A_473, %parallel_loop3A_474, %parallel_loop3A_475] {strides = array<i32>} : memref<5x40x512xf32, #tpu.memory_space<vmem>>, vector<16xf32>,
        tpu.vector_store %arg7[%parallel_loop3A_473, %parallel_loop3A_474, %parallel_loop3A_475], %parallel_loop3A_320 {strides = array<i32>} : memref<5x40x512xf32, #tpu.memory_space<vmem>>, vector<16xf32>,
        %parallel_loop3A_477 = arith.constant 3 : i32
        %parallel_loop3A_478 = arith.index_cast %parallel_loop3A_477 : i32 to index
        %parallel_loop3A_479 = arith.index_cast %parallel_loop3A_201 : i32 to index
        %parallel_loop3A_480 = arith.constant 448 : index
        %parallel_loop3A_481 = tpu.vector_load %arg7[%parallel_loop3A_478, %parallel_loop3A_479, %parallel_loop3A_480] {strides = array<i32>} : memref<5x40x512xf32, #tpu.memory_space<vmem>>, vector<16xf32>,
        tpu.vector_store %arg7[%parallel_loop3A_478, %parallel_loop3A_479, %parallel_loop3A_480], %parallel_loop3A_324 {strides = array<i32>} : memref<5x40x512xf32, #tpu.memory_space<vmem>>, vector<16xf32>,
        %parallel_loop3A_482 = arith.constant 3 : i32
        %parallel_loop3A_483 = arith.index_cast %parallel_loop3A_482 : i32 to index
        %parallel_loop3A_484 = arith.index_cast %parallel_loop3A_201 : i32 to index
        %parallel_loop3A_485 = arith.constant 464 : index
        %parallel_loop3A_486 = tpu.vector_load %arg7[%parallel_loop3A_483, %parallel_loop3A_484, %parallel_loop3A_485] {strides = array<i32>} : memref<5x40x512xf32, #tpu.memory_space<vmem>>, vector<16xf32>,
        tpu.vector_store %arg7[%parallel_loop3A_483, %parallel_loop3A_484, %parallel_loop3A_485], %parallel_loop3A_328 {strides = array<i32>} : memref<5x40x512xf32, #tpu.memory_space<vmem>>, vector<16xf32>,
        %parallel_loop3A_487 = arith.constant 3 : i32
        %parallel_loop3A_488 = arith.index_cast %parallel_loop3A_487 : i32 to index
        %parallel_loop3A_489 = arith.index_cast %parallel_loop3A_201 : i32 to index
        %parallel_loop3A_490 = arith.constant 480 : index
        %parallel_loop3A_491 = tpu.vector_load %arg7[%parallel_loop3A_488, %parallel_loop3A_489, %parallel_loop3A_490] {strides = array<i32>} : memref<5x40x512xf32, #tpu.memory_space<vmem>>, vector<16xf32>,
        tpu.vector_store %arg7[%parallel_loop3A_488, %parallel_loop3A_489, %parallel_loop3A_490], %parallel_loop3A_332 {strides = array<i32>} : memref<5x40x512xf32, #tpu.memory_space<vmem>>, vector<16xf32>,
        %parallel_loop3A_492 = arith.constant 3 : i32
        %parallel_loop3A_493 = arith.index_cast %parallel_loop3A_492 : i32 to index
        %parallel_loop3A_494 = arith.index_cast %parallel_loop3A_201 : i32 to index
        %parallel_loop3A_495 = arith.constant 496 : index
        %parallel_loop3A_496 = tpu.vector_load %arg7[%parallel_loop3A_493, %parallel_loop3A_494, %parallel_loop3A_495] {strides = array<i32>} : memref<5x40x512xf32, #tpu.memory_space<vmem>>, vector<16xf32>,
        tpu.vector_store %arg7[%parallel_loop3A_493, %parallel_loop3A_494, %parallel_loop3A_495], %parallel_loop3A_336 {strides = array<i32>} : memref<5x40x512xf32, #tpu.memory_space<vmem>>, vector<16xf32>,
      } {sc.loop_unroll_factor = 8 : i64, sc.parallel_access}
      %add3A_161 = arith.addi %mul3A_2, %mul3A_157 : i32
      %dma_start3A_162 = arith.constant 3 : i32
      %dma_start3A_163 = arith.constant 0 : i32
      %dma_start3A_164 = arith.constant 0 : i32
      %dma_start3A_165 = tpu.memref_slice %arg7[%dma_start3A_162, %dma_start3A_163, %dma_start3A_164] : memref<5x40x512xf32, #tpu.memory_space<vmem>> -> memref<1x40x512xf32, #tpu.memory_space<vmem>>
      %dma_start3A_166 = tpu.memref_squeeze %dma_start3A_165 : memref<1x40x512xf32, #tpu.memory_space<vmem>> -> memref<40x512xf32, #tpu.memory_space<vmem>>
      %dma_start3A_167 = arith.constant 0 : i32
      %dma_start3A_168 = tpu.memref_slice %arg4[%add3A_161, %dma_start3A_167] : memref<204800x512xf32, #tpu.memory_space<hbm>> -> memref<40x512xf32, #tpu.memory_space<hbm>>
      %dma_start3A_169 = arith.constant 0 : i32
      %dma_start3A_170 = tpu.memref_slice %arg4[%add3A_161, %dma_start3A_169] : memref<204800x512xf32, #tpu.memory_space<hbm>> -> memref<40x512xf32, #tpu.memory_space<hbm>>
      %dma_start3A_171 = arith.constant 0 : i32
      %dma_start3A_172 = arith.constant 0 : i32
      %dma_start3A_173 = tpu.memref_slice %arg7[%dma_start3A_162, %dma_start3A_171, %dma_start3A_172] : memref<5x40x512xf32, #tpu.memory_space<vmem>> -> memref<1x40x512xf32, #tpu.memory_space<vmem>>
      %dma_start3A_174 = tpu.memref_squeeze %dma_start3A_173 : memref<1x40x512xf32, #tpu.memory_space<vmem>> -> memref<40x512xf32, #tpu.memory_space<vmem>>
      tpu.enqueue_dma source(%dma_start3A_174 : memref<40x512xf32, #tpu.memory_space<vmem>>) target(%dma_start3A_170 : memref<40x512xf32, #tpu.memory_space<hbm>>) target_semaphore(%arg11 : memref<!tpu.dma_semaphore, #tpu.memory_space<semaphore_mem>>)
      %add3A_175 = arith.constant 4 : i32
      %add3A_176 = arith.addi %add3A_75, %add3A_175 : i32
      %ge3A_177 = arith.constant 5 : i32
      %ge3A_178 = arith.cmpi sge, %add3A_176, %ge3A_177 : i32
      %convert_element_type3A_179 = arith.extui %ge3A_178 : i1 to i32
      %cond3A_180 = arith.constant 0 : i32
      %cond3A_181 = arith.cmpi ne, %convert_element_type3A_179, %cond3A_180 : i32
      scf.if %cond3A_181 {
        %dma_wait3A_201 = arith.constant 4 : i32
        %dma_wait3A_202 = arith.constant 0 : i32
        %dma_wait3A_203 = arith.constant 0 : i32
        %dma_wait3A_204 = tpu.memref_slice %arg7[%dma_wait3A_201, %dma_wait3A_202, %dma_wait3A_203] : memref<5x40x512xf32, #tpu.memory_space<vmem>> -> memref<1x40x512xf32, #tpu.memory_space<vmem>>
        %dma_wait3A_205 = tpu.memref_squeeze %dma_wait3A_204 : memref<1x40x512xf32, #tpu.memory_space<vmem>> -> memref<40x512xf32, #tpu.memory_space<vmem>>
        %dma_wait3A_206 = arith.constant 0 : i32
        %dma_wait3A_207 = tpu.memref_slice %arg4[%mul3A_2, %dma_wait3A_206] : memref<204800x512xf32, #tpu.memory_space<hbm>> -> memref<40x512xf32, #tpu.memory_space<hbm>>
        %dma_wait3A_208 = arith.constant 0 : i32
        %dma_wait3A_209 = tpu.memref_slice %arg4[%mul3A_2, %dma_wait3A_208] : memref<204800x512xf32, #tpu.memory_space<hbm>> -> memref<40x512xf32, #tpu.memory_space<hbm>>
        %dma_wait3A_210 = arith.constant 0 : i32
        %dma_wait3A_211 = arith.constant 0 : i32
        %dma_wait3A_212 = tpu.memref_slice %arg7[%dma_wait3A_201, %dma_wait3A_210, %dma_wait3A_211] : memref<5x40x512xf32, #tpu.memory_space<vmem>> -> memref<1x40x512xf32, #tpu.memory_space<vmem>>
        %dma_wait3A_213 = tpu.memref_squeeze %dma_wait3A_212 : memref<1x40x512xf32, #tpu.memory_space<vmem>> -> memref<40x512xf32, #tpu.memory_space<vmem>>
        tpu.wait_dma2 semaphore(%arg12 : memref<!tpu.dma_semaphore, #tpu.memory_space<semaphore_mem>>) src(%dma_wait3A_213 : memref<40x512xf32, #tpu.memory_space<vmem>>) dst(%dma_wait3A_209 : memref<40x512xf32, #tpu.memory_space<hbm>>)
      } else {
      }
      %mul3A_182 = arith.constant 40 : i32
      %mul3A_183 = arith.muli %add3A_176, %mul3A_182 : i32
      %parallel_loop3A_184 = arith.constant 0 : i32
      %parallel_loop3A_185 = arith.constant 40 : i32
      %parallel_loop3A_186 = arith.constant 1 : i32
      scf.for %parallel_loop3A_201 = %parallel_loop3A_184 to %parallel_loop3A_185 step %parallel_loop3A_186  : i32 {
        %parallel_loop3A_202 = arith.addi %mul3A_183, %parallel_loop3A_201 : i32
        %parallel_loop3A_203 = vector.broadcast %parallel_loop3A_202 : i32 to vector<16xi32>
        %parallel_loop3A_204 = tpu.vector_load_idx %arg6[%parallel_loop3A_203] : memref<6400xi32, #tpu.memory_space<vmem>>[vector<16xi32>], vector<16xi32>,
        %parallel_loop3A_205 = arith.constant 512 : i32
        %parallel_loop3A_206 = vector.broadcast %parallel_loop3A_205 : i32 to vector<16xi32>
        %parallel_loop3A_207 = arith.muli %parallel_loop3A_204, %parallel_loop3A_206 : vector<16xi32>
        %parallel_loop3A_208 = arith.addi %parallel_loop3A_207, %iota3A : vector<16xi32>
        %parallel_loop3A_209 = arith.constant 0 : i32
        %parallel_loop3A_210 = vector.broadcast %parallel_loop3A_209 : i32 to vector<16xi32>
        %parallel_loop3A_211 = arith.addi %parallel_loop3A_208, %parallel_loop3A_210 : vector<16xi32>
        %parallel_loop3A_212 = tpu.vector_load_idx %arg5[%parallel_loop3A_211] : memref<2048xf32, #tpu.memory_space<vmem>>[vector<16xi32>], vector<16xf32>,
        %parallel_loop3A_213 = arith.constant 16 : i32
        %parallel_loop3A_214 = vector.broadcast %parallel_loop3A_213 : i32 to vector<16xi32>
        %parallel_loop3A_215 = arith.addi %parallel_loop3A_208, %parallel_loop3A_214 : vector<16xi32>
        %parallel_loop3A_216 = tpu.vector_load_idx %arg5[%parallel_loop3A_215] : memref<2048xf32, #tpu.memory_space<vmem>>[vector<16xi32>], vector<16xf32>,
        %parallel_loop3A_217 = arith.constant 32 : i32
        %parallel_loop3A_218 = vector.broadcast %parallel_loop3A_217 : i32 to vector<16xi32>
        %parallel_loop3A_219 = arith.addi %parallel_loop3A_208, %parallel_loop3A_218 : vector<16xi32>
        %parallel_loop3A_220 = tpu.vector_load_idx %arg5[%parallel_loop3A_219] : memref<2048xf32, #tpu.memory_space<vmem>>[vector<16xi32>], vector<16xf32>,
        %parallel_loop3A_221 = arith.constant 48 : i32
        %parallel_loop3A_222 = vector.broadcast %parallel_loop3A_221 : i32 to vector<16xi32>
        %parallel_loop3A_223 = arith.addi %parallel_loop3A_208, %parallel_loop3A_222 : vector<16xi32>
        %parallel_loop3A_224 = tpu.vector_load_idx %arg5[%parallel_loop3A_223] : memref<2048xf32, #tpu.memory_space<vmem>>[vector<16xi32>], vector<16xf32>,
        %parallel_loop3A_225 = arith.constant 64 : i32
        %parallel_loop3A_226 = vector.broadcast %parallel_loop3A_225 : i32 to vector<16xi32>
        %parallel_loop3A_227 = arith.addi %parallel_loop3A_208, %parallel_loop3A_226 : vector<16xi32>
        %parallel_loop3A_228 = tpu.vector_load_idx %arg5[%parallel_loop3A_227] : memref<2048xf32, #tpu.memory_space<vmem>>[vector<16xi32>], vector<16xf32>,
        %parallel_loop3A_229 = arith.constant 80 : i32
        %parallel_loop3A_230 = vector.broadcast %parallel_loop3A_229 : i32 to vector<16xi32>
        %parallel_loop3A_231 = arith.addi %parallel_loop3A_208, %parallel_loop3A_230 : vector<16xi32>
        %parallel_loop3A_232 = tpu.vector_load_idx %arg5[%parallel_loop3A_231] : memref<2048xf32, #tpu.memory_space<vmem>>[vector<16xi32>], vector<16xf32>,
        %parallel_loop3A_233 = arith.constant 96 : i32
        %parallel_loop3A_234 = vector.broadcast %parallel_loop3A_233 : i32 to vector<16xi32>
        %parallel_loop3A_235 = arith.addi %parallel_loop3A_208, %parallel_loop3A_234 : vector<16xi32>
        %parallel_loop3A_236 = tpu.vector_load_idx %arg5[%parallel_loop3A_235] : memref<2048xf32, #tpu.memory_space<vmem>>[vector<16xi32>], vector<16xf32>,
        %parallel_loop3A_237 = arith.constant 112 : i32
        %parallel_loop3A_238 = vector.broadcast %parallel_loop3A_237 : i32 to vector<16xi32>
        %parallel_loop3A_239 = arith.addi %parallel_loop3A_208, %parallel_loop3A_238 : vector<16xi32>
        %parallel_loop3A_240 = tpu.vector_load_idx %arg5[%parallel_loop3A_239] : memref<2048xf32, #tpu.memory_space<vmem>>[vector<16xi32>], vector<16xf32>,
        %parallel_loop3A_241 = arith.constant 128 : i32
        %parallel_loop3A_242 = vector.broadcast %parallel_loop3A_241 : i32 to vector<16xi32>
        %parallel_loop3A_243 = arith.addi %parallel_loop3A_208, %parallel_loop3A_242 : vector<16xi32>
        %parallel_loop3A_244 = tpu.vector_load_idx %arg5[%parallel_loop3A_243] : memref<2048xf32, #tpu.memory_space<vmem>>[vector<16xi32>], vector<16xf32>,
        %parallel_loop3A_245 = arith.constant 144 : i32
        %parallel_loop3A_246 = vector.broadcast %parallel_loop3A_245 : i32 to vector<16xi32>
        %parallel_loop3A_247 = arith.addi %parallel_loop3A_208, %parallel_loop3A_246 : vector<16xi32>
        %parallel_loop3A_248 = tpu.vector_load_idx %arg5[%parallel_loop3A_247] : memref<2048xf32, #tpu.memory_space<vmem>>[vector<16xi32>], vector<16xf32>,
        %parallel_loop3A_249 = arith.constant 160 : i32
        %parallel_loop3A_250 = vector.broadcast %parallel_loop3A_249 : i32 to vector<16xi32>
        %parallel_loop3A_251 = arith.addi %parallel_loop3A_208, %parallel_loop3A_250 : vector<16xi32>
        %parallel_loop3A_252 = tpu.vector_load_idx %arg5[%parallel_loop3A_251] : memref<2048xf32, #tpu.memory_space<vmem>>[vector<16xi32>], vector<16xf32>,
        %parallel_loop3A_253 = arith.constant 176 : i32
        %parallel_loop3A_254 = vector.broadcast %parallel_loop3A_253 : i32 to vector<16xi32>
        %parallel_loop3A_255 = arith.addi %parallel_loop3A_208, %parallel_loop3A_254 : vector<16xi32>
        %parallel_loop3A_256 = tpu.vector_load_idx %arg5[%parallel_loop3A_255] : memref<2048xf32, #tpu.memory_space<vmem>>[vector<16xi32>], vector<16xf32>,
        %parallel_loop3A_257 = arith.constant 192 : i32
        %parallel_loop3A_258 = vector.broadcast %parallel_loop3A_257 : i32 to vector<16xi32>
        %parallel_loop3A_259 = arith.addi %parallel_loop3A_208, %parallel_loop3A_258 : vector<16xi32>
        %parallel_loop3A_260 = tpu.vector_load_idx %arg5[%parallel_loop3A_259] : memref<2048xf32, #tpu.memory_space<vmem>>[vector<16xi32>], vector<16xf32>,
        %parallel_loop3A_261 = arith.constant 208 : i32
        %parallel_loop3A_262 = vector.broadcast %parallel_loop3A_261 : i32 to vector<16xi32>
        %parallel_loop3A_263 = arith.addi %parallel_loop3A_208, %parallel_loop3A_262 : vector<16xi32>
        %parallel_loop3A_264 = tpu.vector_load_idx %arg5[%parallel_loop3A_263] : memref<2048xf32, #tpu.memory_space<vmem>>[vector<16xi32>], vector<16xf32>,
        %parallel_loop3A_265 = arith.constant 224 : i32
        %parallel_loop3A_266 = vector.broadcast %parallel_loop3A_265 : i32 to vector<16xi32>
        %parallel_loop3A_267 = arith.addi %parallel_loop3A_208, %parallel_loop3A_266 : vector<16xi32>
        %parallel_loop3A_268 = tpu.vector_load_idx %arg5[%parallel_loop3A_267] : memref<2048xf32, #tpu.memory_space<vmem>>[vector<16xi32>], vector<16xf32>,
        %parallel_loop3A_269 = arith.constant 240 : i32
        %parallel_loop3A_270 = vector.broadcast %parallel_loop3A_269 : i32 to vector<16xi32>
        %parallel_loop3A_271 = arith.addi %parallel_loop3A_208, %parallel_loop3A_270 : vector<16xi32>
        %parallel_loop3A_272 = tpu.vector_load_idx %arg5[%parallel_loop3A_271] : memref<2048xf32, #tpu.memory_space<vmem>>[vector<16xi32>], vector<16xf32>,
        %parallel_loop3A_273 = arith.constant 256 : i32
        %parallel_loop3A_274 = vector.broadcast %parallel_loop3A_273 : i32 to vector<16xi32>
        %parallel_loop3A_275 = arith.addi %parallel_loop3A_208, %parallel_loop3A_274 : vector<16xi32>
        %parallel_loop3A_276 = tpu.vector_load_idx %arg5[%parallel_loop3A_275] : memref<2048xf32, #tpu.memory_space<vmem>>[vector<16xi32>], vector<16xf32>,
        %parallel_loop3A_277 = arith.constant 272 : i32
        %parallel_loop3A_278 = vector.broadcast %parallel_loop3A_277 : i32 to vector<16xi32>
        %parallel_loop3A_279 = arith.addi %parallel_loop3A_208, %parallel_loop3A_278 : vector<16xi32>
        %parallel_loop3A_280 = tpu.vector_load_idx %arg5[%parallel_loop3A_279] : memref<2048xf32, #tpu.memory_space<vmem>>[vector<16xi32>], vector<16xf32>,
        %parallel_loop3A_281 = arith.constant 288 : i32
        %parallel_loop3A_282 = vector.broadcast %parallel_loop3A_281 : i32 to vector<16xi32>
        %parallel_loop3A_283 = arith.addi %parallel_loop3A_208, %parallel_loop3A_282 : vector<16xi32>
        %parallel_loop3A_284 = tpu.vector_load_idx %arg5[%parallel_loop3A_283] : memref<2048xf32, #tpu.memory_space<vmem>>[vector<16xi32>], vector<16xf32>,
        %parallel_loop3A_285 = arith.constant 304 : i32
        %parallel_loop3A_286 = vector.broadcast %parallel_loop3A_285 : i32 to vector<16xi32>
        %parallel_loop3A_287 = arith.addi %parallel_loop3A_208, %parallel_loop3A_286 : vector<16xi32>
        %parallel_loop3A_288 = tpu.vector_load_idx %arg5[%parallel_loop3A_287] : memref<2048xf32, #tpu.memory_space<vmem>>[vector<16xi32>], vector<16xf32>,
        %parallel_loop3A_289 = arith.constant 320 : i32
        %parallel_loop3A_290 = vector.broadcast %parallel_loop3A_289 : i32 to vector<16xi32>
        %parallel_loop3A_291 = arith.addi %parallel_loop3A_208, %parallel_loop3A_290 : vector<16xi32>
        %parallel_loop3A_292 = tpu.vector_load_idx %arg5[%parallel_loop3A_291] : memref<2048xf32, #tpu.memory_space<vmem>>[vector<16xi32>], vector<16xf32>,
        %parallel_loop3A_293 = arith.constant 336 : i32
        %parallel_loop3A_294 = vector.broadcast %parallel_loop3A_293 : i32 to vector<16xi32>
        %parallel_loop3A_295 = arith.addi %parallel_loop3A_208, %parallel_loop3A_294 : vector<16xi32>
        %parallel_loop3A_296 = tpu.vector_load_idx %arg5[%parallel_loop3A_295] : memref<2048xf32, #tpu.memory_space<vmem>>[vector<16xi32>], vector<16xf32>,
        %parallel_loop3A_297 = arith.constant 352 : i32
        %parallel_loop3A_298 = vector.broadcast %parallel_loop3A_297 : i32 to vector<16xi32>
        %parallel_loop3A_299 = arith.addi %parallel_loop3A_208, %parallel_loop3A_298 : vector<16xi32>
        %parallel_loop3A_300 = tpu.vector_load_idx %arg5[%parallel_loop3A_299] : memref<2048xf32, #tpu.memory_space<vmem>>[vector<16xi32>], vector<16xf32>,
        %parallel_loop3A_301 = arith.constant 368 : i32
        %parallel_loop3A_302 = vector.broadcast %parallel_loop3A_301 : i32 to vector<16xi32>
        %parallel_loop3A_303 = arith.addi %parallel_loop3A_208, %parallel_loop3A_302 : vector<16xi32>
        %parallel_loop3A_304 = tpu.vector_load_idx %arg5[%parallel_loop3A_303] : memref<2048xf32, #tpu.memory_space<vmem>>[vector<16xi32>], vector<16xf32>,
        %parallel_loop3A_305 = arith.constant 384 : i32
        %parallel_loop3A_306 = vector.broadcast %parallel_loop3A_305 : i32 to vector<16xi32>
        %parallel_loop3A_307 = arith.addi %parallel_loop3A_208, %parallel_loop3A_306 : vector<16xi32>
        %parallel_loop3A_308 = tpu.vector_load_idx %arg5[%parallel_loop3A_307] : memref<2048xf32, #tpu.memory_space<vmem>>[vector<16xi32>], vector<16xf32>,
        %parallel_loop3A_309 = arith.constant 400 : i32
        %parallel_loop3A_310 = vector.broadcast %parallel_loop3A_309 : i32 to vector<16xi32>
        %parallel_loop3A_311 = arith.addi %parallel_loop3A_208, %parallel_loop3A_310 : vector<16xi32>
        %parallel_loop3A_312 = tpu.vector_load_idx %arg5[%parallel_loop3A_311] : memref<2048xf32, #tpu.memory_space<vmem>>[vector<16xi32>], vector<16xf32>,
        %parallel_loop3A_313 = arith.constant 416 : i32
        %parallel_loop3A_314 = vector.broadcast %parallel_loop3A_313 : i32 to vector<16xi32>
        %parallel_loop3A_315 = arith.addi %parallel_loop3A_208, %parallel_loop3A_314 : vector<16xi32>
        %parallel_loop3A_316 = tpu.vector_load_idx %arg5[%parallel_loop3A_315] : memref<2048xf32, #tpu.memory_space<vmem>>[vector<16xi32>], vector<16xf32>,
        %parallel_loop3A_317 = arith.constant 432 : i32
        %parallel_loop3A_318 = vector.broadcast %parallel_loop3A_317 : i32 to vector<16xi32>
        %parallel_loop3A_319 = arith.addi %parallel_loop3A_208, %parallel_loop3A_318 : vector<16xi32>
        %parallel_loop3A_320 = tpu.vector_load_idx %arg5[%parallel_loop3A_319] : memref<2048xf32, #tpu.memory_space<vmem>>[vector<16xi32>], vector<16xf32>,
        %parallel_loop3A_321 = arith.constant 448 : i32
        %parallel_loop3A_322 = vector.broadcast %parallel_loop3A_321 : i32 to vector<16xi32>
        %parallel_loop3A_323 = arith.addi %parallel_loop3A_208, %parallel_loop3A_322 : vector<16xi32>
        %parallel_loop3A_324 = tpu.vector_load_idx %arg5[%parallel_loop3A_323] : memref<2048xf32, #tpu.memory_space<vmem>>[vector<16xi32>], vector<16xf32>,
        %parallel_loop3A_325 = arith.constant 464 : i32
        %parallel_loop3A_326 = vector.broadcast %parallel_loop3A_325 : i32 to vector<16xi32>
        %parallel_loop3A_327 = arith.addi %parallel_loop3A_208, %parallel_loop3A_326 : vector<16xi32>
        %parallel_loop3A_328 = tpu.vector_load_idx %arg5[%parallel_loop3A_327] : memref<2048xf32, #tpu.memory_space<vmem>>[vector<16xi32>], vector<16xf32>,
        %parallel_loop3A_329 = arith.constant 480 : i32
        %parallel_loop3A_330 = vector.broadcast %parallel_loop3A_329 : i32 to vector<16xi32>
        %parallel_loop3A_331 = arith.addi %parallel_loop3A_208, %parallel_loop3A_330 : vector<16xi32>
        %parallel_loop3A_332 = tpu.vector_load_idx %arg5[%parallel_loop3A_331] : memref<2048xf32, #tpu.memory_space<vmem>>[vector<16xi32>], vector<16xf32>,
        %parallel_loop3A_333 = arith.constant 496 : i32
        %parallel_loop3A_334 = vector.broadcast %parallel_loop3A_333 : i32 to vector<16xi32>
        %parallel_loop3A_335 = arith.addi %parallel_loop3A_208, %parallel_loop3A_334 : vector<16xi32>
        %parallel_loop3A_336 = tpu.vector_load_idx %arg5[%parallel_loop3A_335] : memref<2048xf32, #tpu.memory_space<vmem>>[vector<16xi32>], vector<16xf32>,
        %parallel_loop3A_337 = arith.constant 4 : i32
        %parallel_loop3A_338 = arith.index_cast %parallel_loop3A_337 : i32 to index
        %parallel_loop3A_339 = arith.index_cast %parallel_loop3A_201 : i32 to index
        %parallel_loop3A_340 = arith.constant 0 : index
        %parallel_loop3A_341 = tpu.vector_load %arg7[%parallel_loop3A_338, %parallel_loop3A_339, %parallel_loop3A_340] {strides = array<i32>} : memref<5x40x512xf32, #tpu.memory_space<vmem>>, vector<16xf32>,
        tpu.vector_store %arg7[%parallel_loop3A_338, %parallel_loop3A_339, %parallel_loop3A_340], %parallel_loop3A_212 {strides = array<i32>} : memref<5x40x512xf32, #tpu.memory_space<vmem>>, vector<16xf32>,
        %parallel_loop3A_342 = arith.constant 4 : i32
        %parallel_loop3A_343 = arith.index_cast %parallel_loop3A_342 : i32 to index
        %parallel_loop3A_344 = arith.index_cast %parallel_loop3A_201 : i32 to index
        %parallel_loop3A_345 = arith.constant 16 : index
        %parallel_loop3A_346 = tpu.vector_load %arg7[%parallel_loop3A_343, %parallel_loop3A_344, %parallel_loop3A_345] {strides = array<i32>} : memref<5x40x512xf32, #tpu.memory_space<vmem>>, vector<16xf32>,
        tpu.vector_store %arg7[%parallel_loop3A_343, %parallel_loop3A_344, %parallel_loop3A_345], %parallel_loop3A_216 {strides = array<i32>} : memref<5x40x512xf32, #tpu.memory_space<vmem>>, vector<16xf32>,
        %parallel_loop3A_347 = arith.constant 4 : i32
        %parallel_loop3A_348 = arith.index_cast %parallel_loop3A_347 : i32 to index
        %parallel_loop3A_349 = arith.index_cast %parallel_loop3A_201 : i32 to index
        %parallel_loop3A_350 = arith.constant 32 : index
        %parallel_loop3A_351 = tpu.vector_load %arg7[%parallel_loop3A_348, %parallel_loop3A_349, %parallel_loop3A_350] {strides = array<i32>} : memref<5x40x512xf32, #tpu.memory_space<vmem>>, vector<16xf32>,
        tpu.vector_store %arg7[%parallel_loop3A_348, %parallel_loop3A_349, %parallel_loop3A_350], %parallel_loop3A_220 {strides = array<i32>} : memref<5x40x512xf32, #tpu.memory_space<vmem>>, vector<16xf32>,
        %parallel_loop3A_352 = arith.constant 4 : i32
        %parallel_loop3A_353 = arith.index_cast %parallel_loop3A_352 : i32 to index
        %parallel_loop3A_354 = arith.index_cast %parallel_loop3A_201 : i32 to index
        %parallel_loop3A_355 = arith.constant 48 : index
        %parallel_loop3A_356 = tpu.vector_load %arg7[%parallel_loop3A_353, %parallel_loop3A_354, %parallel_loop3A_355] {strides = array<i32>} : memref<5x40x512xf32, #tpu.memory_space<vmem>>, vector<16xf32>,
        tpu.vector_store %arg7[%parallel_loop3A_353, %parallel_loop3A_354, %parallel_loop3A_355], %parallel_loop3A_224 {strides = array<i32>} : memref<5x40x512xf32, #tpu.memory_space<vmem>>, vector<16xf32>,
        %parallel_loop3A_357 = arith.constant 4 : i32
        %parallel_loop3A_358 = arith.index_cast %parallel_loop3A_357 : i32 to index
        %parallel_loop3A_359 = arith.index_cast %parallel_loop3A_201 : i32 to index
        %parallel_loop3A_360 = arith.constant 64 : index
        %parallel_loop3A_361 = tpu.vector_load %arg7[%parallel_loop3A_358, %parallel_loop3A_359, %parallel_loop3A_360] {strides = array<i32>} : memref<5x40x512xf32, #tpu.memory_space<vmem>>, vector<16xf32>,
        tpu.vector_store %arg7[%parallel_loop3A_358, %parallel_loop3A_359, %parallel_loop3A_360], %parallel_loop3A_228 {strides = array<i32>} : memref<5x40x512xf32, #tpu.memory_space<vmem>>, vector<16xf32>,
        %parallel_loop3A_362 = arith.constant 4 : i32
        %parallel_loop3A_363 = arith.index_cast %parallel_loop3A_362 : i32 to index
        %parallel_loop3A_364 = arith.index_cast %parallel_loop3A_201 : i32 to index
        %parallel_loop3A_365 = arith.constant 80 : index
        %parallel_loop3A_366 = tpu.vector_load %arg7[%parallel_loop3A_363, %parallel_loop3A_364, %parallel_loop3A_365] {strides = array<i32>} : memref<5x40x512xf32, #tpu.memory_space<vmem>>, vector<16xf32>,
        tpu.vector_store %arg7[%parallel_loop3A_363, %parallel_loop3A_364, %parallel_loop3A_365], %parallel_loop3A_232 {strides = array<i32>} : memref<5x40x512xf32, #tpu.memory_space<vmem>>, vector<16xf32>,
        %parallel_loop3A_367 = arith.constant 4 : i32
        %parallel_loop3A_368 = arith.index_cast %parallel_loop3A_367 : i32 to index
        %parallel_loop3A_369 = arith.index_cast %parallel_loop3A_201 : i32 to index
        %parallel_loop3A_370 = arith.constant 96 : index
        %parallel_loop3A_371 = tpu.vector_load %arg7[%parallel_loop3A_368, %parallel_loop3A_369, %parallel_loop3A_370] {strides = array<i32>} : memref<5x40x512xf32, #tpu.memory_space<vmem>>, vector<16xf32>,
        tpu.vector_store %arg7[%parallel_loop3A_368, %parallel_loop3A_369, %parallel_loop3A_370], %parallel_loop3A_236 {strides = array<i32>} : memref<5x40x512xf32, #tpu.memory_space<vmem>>, vector<16xf32>,
        %parallel_loop3A_372 = arith.constant 4 : i32
        %parallel_loop3A_373 = arith.index_cast %parallel_loop3A_372 : i32 to index
        %parallel_loop3A_374 = arith.index_cast %parallel_loop3A_201 : i32 to index
        %parallel_loop3A_375 = arith.constant 112 : index
        %parallel_loop3A_376 = tpu.vector_load %arg7[%parallel_loop3A_373, %parallel_loop3A_374, %parallel_loop3A_375] {strides = array<i32>} : memref<5x40x512xf32, #tpu.memory_space<vmem>>, vector<16xf32>,
        tpu.vector_store %arg7[%parallel_loop3A_373, %parallel_loop3A_374, %parallel_loop3A_375], %parallel_loop3A_240 {strides = array<i32>} : memref<5x40x512xf32, #tpu.memory_space<vmem>>, vector<16xf32>,
        %parallel_loop3A_377 = arith.constant 4 : i32
        %parallel_loop3A_378 = arith.index_cast %parallel_loop3A_377 : i32 to index
        %parallel_loop3A_379 = arith.index_cast %parallel_loop3A_201 : i32 to index
        %parallel_loop3A_380 = arith.constant 128 : index
        %parallel_loop3A_381 = tpu.vector_load %arg7[%parallel_loop3A_378, %parallel_loop3A_379, %parallel_loop3A_380] {strides = array<i32>} : memref<5x40x512xf32, #tpu.memory_space<vmem>>, vector<16xf32>,
        tpu.vector_store %arg7[%parallel_loop3A_378, %parallel_loop3A_379, %parallel_loop3A_380], %parallel_loop3A_244 {strides = array<i32>} : memref<5x40x512xf32, #tpu.memory_space<vmem>>, vector<16xf32>,
        %parallel_loop3A_382 = arith.constant 4 : i32
        %parallel_loop3A_383 = arith.index_cast %parallel_loop3A_382 : i32 to index
        %parallel_loop3A_384 = arith.index_cast %parallel_loop3A_201 : i32 to index
        %parallel_loop3A_385 = arith.constant 144 : index
        %parallel_loop3A_386 = tpu.vector_load %arg7[%parallel_loop3A_383, %parallel_loop3A_384, %parallel_loop3A_385] {strides = array<i32>} : memref<5x40x512xf32, #tpu.memory_space<vmem>>, vector<16xf32>,
        tpu.vector_store %arg7[%parallel_loop3A_383, %parallel_loop3A_384, %parallel_loop3A_385], %parallel_loop3A_248 {strides = array<i32>} : memref<5x40x512xf32, #tpu.memory_space<vmem>>, vector<16xf32>,
        %parallel_loop3A_387 = arith.constant 4 : i32
        %parallel_loop3A_388 = arith.index_cast %parallel_loop3A_387 : i32 to index
        %parallel_loop3A_389 = arith.index_cast %parallel_loop3A_201 : i32 to index
        %parallel_loop3A_390 = arith.constant 160 : index
        %parallel_loop3A_391 = tpu.vector_load %arg7[%parallel_loop3A_388, %parallel_loop3A_389, %parallel_loop3A_390] {strides = array<i32>} : memref<5x40x512xf32, #tpu.memory_space<vmem>>, vector<16xf32>,
        tpu.vector_store %arg7[%parallel_loop3A_388, %parallel_loop3A_389, %parallel_loop3A_390], %parallel_loop3A_252 {strides = array<i32>} : memref<5x40x512xf32, #tpu.memory_space<vmem>>, vector<16xf32>,
        %parallel_loop3A_392 = arith.constant 4 : i32
        %parallel_loop3A_393 = arith.index_cast %parallel_loop3A_392 : i32 to index
        %parallel_loop3A_394 = arith.index_cast %parallel_loop3A_201 : i32 to index
        %parallel_loop3A_395 = arith.constant 176 : index
        %parallel_loop3A_396 = tpu.vector_load %arg7[%parallel_loop3A_393, %parallel_loop3A_394, %parallel_loop3A_395] {strides = array<i32>} : memref<5x40x512xf32, #tpu.memory_space<vmem>>, vector<16xf32>,
        tpu.vector_store %arg7[%parallel_loop3A_393, %parallel_loop3A_394, %parallel_loop3A_395], %parallel_loop3A_256 {strides = array<i32>} : memref<5x40x512xf32, #tpu.memory_space<vmem>>, vector<16xf32>,
        %parallel_loop3A_397 = arith.constant 4 : i32
        %parallel_loop3A_398 = arith.index_cast %parallel_loop3A_397 : i32 to index
        %parallel_loop3A_399 = arith.index_cast %parallel_loop3A_201 : i32 to index
        %parallel_loop3A_400 = arith.constant 192 : index
        %parallel_loop3A_401 = tpu.vector_load %arg7[%parallel_loop3A_398, %parallel_loop3A_399, %parallel_loop3A_400] {strides = array<i32>} : memref<5x40x512xf32, #tpu.memory_space<vmem>>, vector<16xf32>,
        tpu.vector_store %arg7[%parallel_loop3A_398, %parallel_loop3A_399, %parallel_loop3A_400], %parallel_loop3A_260 {strides = array<i32>} : memref<5x40x512xf32, #tpu.memory_space<vmem>>, vector<16xf32>,
        %parallel_loop3A_402 = arith.constant 4 : i32
        %parallel_loop3A_403 = arith.index_cast %parallel_loop3A_402 : i32 to index
        %parallel_loop3A_404 = arith.index_cast %parallel_loop3A_201 : i32 to index
        %parallel_loop3A_405 = arith.constant 208 : index
        %parallel_loop3A_406 = tpu.vector_load %arg7[%parallel_loop3A_403, %parallel_loop3A_404, %parallel_loop3A_405] {strides = array<i32>} : memref<5x40x512xf32, #tpu.memory_space<vmem>>, vector<16xf32>,
        tpu.vector_store %arg7[%parallel_loop3A_403, %parallel_loop3A_404, %parallel_loop3A_405], %parallel_loop3A_264 {strides = array<i32>} : memref<5x40x512xf32, #tpu.memory_space<vmem>>, vector<16xf32>,
        %parallel_loop3A_407 = arith.constant 4 : i32
        %parallel_loop3A_408 = arith.index_cast %parallel_loop3A_407 : i32 to index
        %parallel_loop3A_409 = arith.index_cast %parallel_loop3A_201 : i32 to index
        %parallel_loop3A_410 = arith.constant 224 : index
        %parallel_loop3A_411 = tpu.vector_load %arg7[%parallel_loop3A_408, %parallel_loop3A_409, %parallel_loop3A_410] {strides = array<i32>} : memref<5x40x512xf32, #tpu.memory_space<vmem>>, vector<16xf32>,
        tpu.vector_store %arg7[%parallel_loop3A_408, %parallel_loop3A_409, %parallel_loop3A_410], %parallel_loop3A_268 {strides = array<i32>} : memref<5x40x512xf32, #tpu.memory_space<vmem>>, vector<16xf32>,
        %parallel_loop3A_412 = arith.constant 4 : i32
        %parallel_loop3A_413 = arith.index_cast %parallel_loop3A_412 : i32 to index
        %parallel_loop3A_414 = arith.index_cast %parallel_loop3A_201 : i32 to index
        %parallel_loop3A_415 = arith.constant 240 : index
        %parallel_loop3A_416 = tpu.vector_load %arg7[%parallel_loop3A_413, %parallel_loop3A_414, %parallel_loop3A_415] {strides = array<i32>} : memref<5x40x512xf32, #tpu.memory_space<vmem>>, vector<16xf32>,
        tpu.vector_store %arg7[%parallel_loop3A_413, %parallel_loop3A_414, %parallel_loop3A_415], %parallel_loop3A_272 {strides = array<i32>} : memref<5x40x512xf32, #tpu.memory_space<vmem>>, vector<16xf32>,
        %parallel_loop3A_417 = arith.constant 4 : i32
        %parallel_loop3A_418 = arith.index_cast %parallel_loop3A_417 : i32 to index
        %parallel_loop3A_419 = arith.index_cast %parallel_loop3A_201 : i32 to index
        %parallel_loop3A_420 = arith.constant 256 : index
        %parallel_loop3A_421 = tpu.vector_load %arg7[%parallel_loop3A_418, %parallel_loop3A_419, %parallel_loop3A_420] {strides = array<i32>} : memref<5x40x512xf32, #tpu.memory_space<vmem>>, vector<16xf32>,
        tpu.vector_store %arg7[%parallel_loop3A_418, %parallel_loop3A_419, %parallel_loop3A_420], %parallel_loop3A_276 {strides = array<i32>} : memref<5x40x512xf32, #tpu.memory_space<vmem>>, vector<16xf32>,
        %parallel_loop3A_422 = arith.constant 4 : i32
        %parallel_loop3A_423 = arith.index_cast %parallel_loop3A_422 : i32 to index
        %parallel_loop3A_424 = arith.index_cast %parallel_loop3A_201 : i32 to index
        %parallel_loop3A_425 = arith.constant 272 : index
        %parallel_loop3A_426 = tpu.vector_load %arg7[%parallel_loop3A_423, %parallel_loop3A_424, %parallel_loop3A_425] {strides = array<i32>} : memref<5x40x512xf32, #tpu.memory_space<vmem>>, vector<16xf32>,
        tpu.vector_store %arg7[%parallel_loop3A_423, %parallel_loop3A_424, %parallel_loop3A_425], %parallel_loop3A_280 {strides = array<i32>} : memref<5x40x512xf32, #tpu.memory_space<vmem>>, vector<16xf32>,
        %parallel_loop3A_427 = arith.constant 4 : i32
        %parallel_loop3A_428 = arith.index_cast %parallel_loop3A_427 : i32 to index
        %parallel_loop3A_429 = arith.index_cast %parallel_loop3A_201 : i32 to index
        %parallel_loop3A_430 = arith.constant 288 : index
        %parallel_loop3A_431 = tpu.vector_load %arg7[%parallel_loop3A_428, %parallel_loop3A_429, %parallel_loop3A_430] {strides = array<i32>} : memref<5x40x512xf32, #tpu.memory_space<vmem>>, vector<16xf32>,
        tpu.vector_store %arg7[%parallel_loop3A_428, %parallel_loop3A_429, %parallel_loop3A_430], %parallel_loop3A_284 {strides = array<i32>} : memref<5x40x512xf32, #tpu.memory_space<vmem>>, vector<16xf32>,
        %parallel_loop3A_432 = arith.constant 4 : i32
        %parallel_loop3A_433 = arith.index_cast %parallel_loop3A_432 : i32 to index
        %parallel_loop3A_434 = arith.index_cast %parallel_loop3A_201 : i32 to index
        %parallel_loop3A_435 = arith.constant 304 : index
        %parallel_loop3A_436 = tpu.vector_load %arg7[%parallel_loop3A_433, %parallel_loop3A_434, %parallel_loop3A_435] {strides = array<i32>} : memref<5x40x512xf32, #tpu.memory_space<vmem>>, vector<16xf32>,
        tpu.vector_store %arg7[%parallel_loop3A_433, %parallel_loop3A_434, %parallel_loop3A_435], %parallel_loop3A_288 {strides = array<i32>} : memref<5x40x512xf32, #tpu.memory_space<vmem>>, vector<16xf32>,
        %parallel_loop3A_437 = arith.constant 4 : i32
        %parallel_loop3A_438 = arith.index_cast %parallel_loop3A_437 : i32 to index
        %parallel_loop3A_439 = arith.index_cast %parallel_loop3A_201 : i32 to index
        %parallel_loop3A_440 = arith.constant 320 : index
        %parallel_loop3A_441 = tpu.vector_load %arg7[%parallel_loop3A_438, %parallel_loop3A_439, %parallel_loop3A_440] {strides = array<i32>} : memref<5x40x512xf32, #tpu.memory_space<vmem>>, vector<16xf32>,
        tpu.vector_store %arg7[%parallel_loop3A_438, %parallel_loop3A_439, %parallel_loop3A_440], %parallel_loop3A_292 {strides = array<i32>} : memref<5x40x512xf32, #tpu.memory_space<vmem>>, vector<16xf32>,
        %parallel_loop3A_442 = arith.constant 4 : i32
        %parallel_loop3A_443 = arith.index_cast %parallel_loop3A_442 : i32 to index
        %parallel_loop3A_444 = arith.index_cast %parallel_loop3A_201 : i32 to index
        %parallel_loop3A_445 = arith.constant 336 : index
        %parallel_loop3A_446 = tpu.vector_load %arg7[%parallel_loop3A_443, %parallel_loop3A_444, %parallel_loop3A_445] {strides = array<i32>} : memref<5x40x512xf32, #tpu.memory_space<vmem>>, vector<16xf32>,
        tpu.vector_store %arg7[%parallel_loop3A_443, %parallel_loop3A_444, %parallel_loop3A_445], %parallel_loop3A_296 {strides = array<i32>} : memref<5x40x512xf32, #tpu.memory_space<vmem>>, vector<16xf32>,
        %parallel_loop3A_447 = arith.constant 4 : i32
        %parallel_loop3A_448 = arith.index_cast %parallel_loop3A_447 : i32 to index
        %parallel_loop3A_449 = arith.index_cast %parallel_loop3A_201 : i32 to index
        %parallel_loop3A_450 = arith.constant 352 : index
        %parallel_loop3A_451 = tpu.vector_load %arg7[%parallel_loop3A_448, %parallel_loop3A_449, %parallel_loop3A_450] {strides = array<i32>} : memref<5x40x512xf32, #tpu.memory_space<vmem>>, vector<16xf32>,
        tpu.vector_store %arg7[%parallel_loop3A_448, %parallel_loop3A_449, %parallel_loop3A_450], %parallel_loop3A_300 {strides = array<i32>} : memref<5x40x512xf32, #tpu.memory_space<vmem>>, vector<16xf32>,
        %parallel_loop3A_452 = arith.constant 4 : i32
        %parallel_loop3A_453 = arith.index_cast %parallel_loop3A_452 : i32 to index
        %parallel_loop3A_454 = arith.index_cast %parallel_loop3A_201 : i32 to index
        %parallel_loop3A_455 = arith.constant 368 : index
        %parallel_loop3A_456 = tpu.vector_load %arg7[%parallel_loop3A_453, %parallel_loop3A_454, %parallel_loop3A_455] {strides = array<i32>} : memref<5x40x512xf32, #tpu.memory_space<vmem>>, vector<16xf32>,
        tpu.vector_store %arg7[%parallel_loop3A_453, %parallel_loop3A_454, %parallel_loop3A_455], %parallel_loop3A_304 {strides = array<i32>} : memref<5x40x512xf32, #tpu.memory_space<vmem>>, vector<16xf32>,
        %parallel_loop3A_457 = arith.constant 4 : i32
        %parallel_loop3A_458 = arith.index_cast %parallel_loop3A_457 : i32 to index
        %parallel_loop3A_459 = arith.index_cast %parallel_loop3A_201 : i32 to index
        %parallel_loop3A_460 = arith.constant 384 : index
        %parallel_loop3A_461 = tpu.vector_load %arg7[%parallel_loop3A_458, %parallel_loop3A_459, %parallel_loop3A_460] {strides = array<i32>} : memref<5x40x512xf32, #tpu.memory_space<vmem>>, vector<16xf32>,
        tpu.vector_store %arg7[%parallel_loop3A_458, %parallel_loop3A_459, %parallel_loop3A_460], %parallel_loop3A_308 {strides = array<i32>} : memref<5x40x512xf32, #tpu.memory_space<vmem>>, vector<16xf32>,
        %parallel_loop3A_462 = arith.constant 4 : i32
        %parallel_loop3A_463 = arith.index_cast %parallel_loop3A_462 : i32 to index
        %parallel_loop3A_464 = arith.index_cast %parallel_loop3A_201 : i32 to index
        %parallel_loop3A_465 = arith.constant 400 : index
        %parallel_loop3A_466 = tpu.vector_load %arg7[%parallel_loop3A_463, %parallel_loop3A_464, %parallel_loop3A_465] {strides = array<i32>} : memref<5x40x512xf32, #tpu.memory_space<vmem>>, vector<16xf32>,
        tpu.vector_store %arg7[%parallel_loop3A_463, %parallel_loop3A_464, %parallel_loop3A_465], %parallel_loop3A_312 {strides = array<i32>} : memref<5x40x512xf32, #tpu.memory_space<vmem>>, vector<16xf32>,
        %parallel_loop3A_467 = arith.constant 4 : i32
        %parallel_loop3A_468 = arith.index_cast %parallel_loop3A_467 : i32 to index
        %parallel_loop3A_469 = arith.index_cast %parallel_loop3A_201 : i32 to index
        %parallel_loop3A_470 = arith.constant 416 : index
        %parallel_loop3A_471 = tpu.vector_load %arg7[%parallel_loop3A_468, %parallel_loop3A_469, %parallel_loop3A_470] {strides = array<i32>} : memref<5x40x512xf32, #tpu.memory_space<vmem>>, vector<16xf32>,
        tpu.vector_store %arg7[%parallel_loop3A_468, %parallel_loop3A_469, %parallel_loop3A_470], %parallel_loop3A_316 {strides = array<i32>} : memref<5x40x512xf32, #tpu.memory_space<vmem>>, vector<16xf32>,
        %parallel_loop3A_472 = arith.constant 4 : i32
        %parallel_loop3A_473 = arith.index_cast %parallel_loop3A_472 : i32 to index
        %parallel_loop3A_474 = arith.index_cast %parallel_loop3A_201 : i32 to index
        %parallel_loop3A_475 = arith.constant 432 : index
        %parallel_loop3A_476 = tpu.vector_load %arg7[%parallel_loop3A_473, %parallel_loop3A_474, %parallel_loop3A_475] {strides = array<i32>} : memref<5x40x512xf32, #tpu.memory_space<vmem>>, vector<16xf32>,
        tpu.vector_store %arg7[%parallel_loop3A_473, %parallel_loop3A_474, %parallel_loop3A_475], %parallel_loop3A_320 {strides = array<i32>} : memref<5x40x512xf32, #tpu.memory_space<vmem>>, vector<16xf32>,
        %parallel_loop3A_477 = arith.constant 4 : i32
        %parallel_loop3A_478 = arith.index_cast %parallel_loop3A_477 : i32 to index
        %parallel_loop3A_479 = arith.index_cast %parallel_loop3A_201 : i32 to index
        %parallel_loop3A_480 = arith.constant 448 : index
        %parallel_loop3A_481 = tpu.vector_load %arg7[%parallel_loop3A_478, %parallel_loop3A_479, %parallel_loop3A_480] {strides = array<i32>} : memref<5x40x512xf32, #tpu.memory_space<vmem>>, vector<16xf32>,
        tpu.vector_store %arg7[%parallel_loop3A_478, %parallel_loop3A_479, %parallel_loop3A_480], %parallel_loop3A_324 {strides = array<i32>} : memref<5x40x512xf32, #tpu.memory_space<vmem>>, vector<16xf32>,
        %parallel_loop3A_482 = arith.constant 4 : i32
        %parallel_loop3A_483 = arith.index_cast %parallel_loop3A_482 : i32 to index
        %parallel_loop3A_484 = arith.index_cast %parallel_loop3A_201 : i32 to index
        %parallel_loop3A_485 = arith.constant 464 : index
        %parallel_loop3A_486 = tpu.vector_load %arg7[%parallel_loop3A_483, %parallel_loop3A_484, %parallel_loop3A_485] {strides = array<i32>} : memref<5x40x512xf32, #tpu.memory_space<vmem>>, vector<16xf32>,
        tpu.vector_store %arg7[%parallel_loop3A_483, %parallel_loop3A_484, %parallel_loop3A_485], %parallel_loop3A_328 {strides = array<i32>} : memref<5x40x512xf32, #tpu.memory_space<vmem>>, vector<16xf32>,
        %parallel_loop3A_487 = arith.constant 4 : i32
        %parallel_loop3A_488 = arith.index_cast %parallel_loop3A_487 : i32 to index
        %parallel_loop3A_489 = arith.index_cast %parallel_loop3A_201 : i32 to index
        %parallel_loop3A_490 = arith.constant 480 : index
        %parallel_loop3A_491 = tpu.vector_load %arg7[%parallel_loop3A_488, %parallel_loop3A_489, %parallel_loop3A_490] {strides = array<i32>} : memref<5x40x512xf32, #tpu.memory_space<vmem>>, vector<16xf32>,
        tpu.vector_store %arg7[%parallel_loop3A_488, %parallel_loop3A_489, %parallel_loop3A_490], %parallel_loop3A_332 {strides = array<i32>} : memref<5x40x512xf32, #tpu.memory_space<vmem>>, vector<16xf32>,
        %parallel_loop3A_492 = arith.constant 4 : i32
        %parallel_loop3A_493 = arith.index_cast %parallel_loop3A_492 : i32 to index
        %parallel_loop3A_494 = arith.index_cast %parallel_loop3A_201 : i32 to index
        %parallel_loop3A_495 = arith.constant 496 : index
        %parallel_loop3A_496 = tpu.vector_load %arg7[%parallel_loop3A_493, %parallel_loop3A_494, %parallel_loop3A_495] {strides = array<i32>} : memref<5x40x512xf32, #tpu.memory_space<vmem>>, vector<16xf32>,
        tpu.vector_store %arg7[%parallel_loop3A_493, %parallel_loop3A_494, %parallel_loop3A_495], %parallel_loop3A_336 {strides = array<i32>} : memref<5x40x512xf32, #tpu.memory_space<vmem>>, vector<16xf32>,
      } {sc.loop_unroll_factor = 8 : i64, sc.parallel_access}
      %add3A_187 = arith.addi %mul3A_2, %mul3A_183 : i32
      %dma_start3A_188 = arith.constant 4 : i32
      %dma_start3A_189 = arith.constant 0 : i32
      %dma_start3A_190 = arith.constant 0 : i32
      %dma_start3A_191 = tpu.memref_slice %arg7[%dma_start3A_188, %dma_start3A_189, %dma_start3A_190] : memref<5x40x512xf32, #tpu.memory_space<vmem>> -> memref<1x40x512xf32, #tpu.memory_space<vmem>>
      %dma_start3A_192 = tpu.memref_squeeze %dma_start3A_191 : memref<1x40x512xf32, #tpu.memory_space<vmem>> -> memref<40x512xf32, #tpu.memory_space<vmem>>
      %dma_start3A_193 = arith.constant 0 : i32
      %dma_start3A_194 = tpu.memref_slice %arg4[%add3A_187, %dma_start3A_193] : memref<204800x512xf32, #tpu.memory_space<hbm>> -> memref<40x512xf32, #tpu.memory_space<hbm>>
      %dma_start3A_195 = arith.constant 0 : i32
      %dma_start3A_196 = tpu.memref_slice %arg4[%add3A_187, %dma_start3A_195] : memref<204800x512xf32, #tpu.memory_space<hbm>> -> memref<40x512xf32, #tpu.memory_space<hbm>>
      %dma_start3A_197 = arith.constant 0 : i32
      %dma_start3A_198 = arith.constant 0 : i32
      %dma_start3A_199 = tpu.memref_slice %arg7[%dma_start3A_188, %dma_start3A_197, %dma_start3A_198] : memref<5x40x512xf32, #tpu.memory_space<vmem>> -> memref<1x40x512xf32, #tpu.memory_space<vmem>>
      %dma_start3A_200 = tpu.memref_squeeze %dma_start3A_199 : memref<1x40x512xf32, #tpu.memory_space<vmem>> -> memref<40x512xf32, #tpu.memory_space<vmem>>
      tpu.enqueue_dma source(%dma_start3A_200 : memref<40x512xf32, #tpu.memory_space<vmem>>) target(%dma_start3A_196 : memref<40x512xf32, #tpu.memory_space<hbm>>) target_semaphore(%arg12 : memref<!tpu.dma_semaphore, #tpu.memory_space<semaphore_mem>>)
    }
    %scan3A_6 = arith.constant 32 : i32
    %dma_wait3A = arith.constant 0 : i32
    %dma_wait3A_7 = arith.constant 0 : i32
    %dma_wait3A_8 = arith.constant 0 : i32
    %dma_wait3A_9 = tpu.memref_slice %arg7[%dma_wait3A, %dma_wait3A_7, %dma_wait3A_8] : memref<5x40x512xf32, #tpu.memory_space<vmem>> -> memref<1x40x512xf32, #tpu.memory_space<vmem>>
    %dma_wait3A_10 = tpu.memref_squeeze %dma_wait3A_9 : memref<1x40x512xf32, #tpu.memory_space<vmem>> -> memref<40x512xf32, #tpu.memory_space<vmem>>
    %dma_wait3A_11 = arith.constant 0 : i32
    %dma_wait3A_12 = tpu.memref_slice %arg4[%mul3A_2, %dma_wait3A_11] : memref<204800x512xf32, #tpu.memory_space<hbm>> -> memref<40x512xf32, #tpu.memory_space<hbm>>
    %dma_wait3A_13 = arith.constant 0 : i32
    %dma_wait3A_14 = tpu.memref_slice %arg4[%mul3A_2, %dma_wait3A_13] : memref<204800x512xf32, #tpu.memory_space<hbm>> -> memref<40x512xf32, #tpu.memory_space<hbm>>
    %dma_wait3A_15 = arith.constant 0 : i32
    %dma_wait3A_16 = arith.constant 0 : i32
    %dma_wait3A_17 = tpu.memref_slice %arg7[%dma_wait3A, %dma_wait3A_15, %dma_wait3A_16] : memref<5x40x512xf32, #tpu.memory_space<vmem>> -> memref<1x40x512xf32, #tpu.memory_space<vmem>>
    %dma_wait3A_18 = tpu.memref_squeeze %dma_wait3A_17 : memref<1x40x512xf32, #tpu.memory_space<vmem>> -> memref<40x512xf32, #tpu.memory_space<vmem>>
    tpu.wait_dma2 semaphore(%arg8 : memref<!tpu.dma_semaphore, #tpu.memory_space<semaphore_mem>>) src(%dma_wait3A_18 : memref<40x512xf32, #tpu.memory_space<vmem>>) dst(%dma_wait3A_14 : memref<40x512xf32, #tpu.memory_space<hbm>>)
    %dma_wait3A_19 = arith.constant 1 : i32
    %dma_wait3A_20 = arith.constant 0 : i32
    %dma_wait3A_21 = arith.constant 0 : i32
    %dma_wait3A_22 = tpu.memref_slice %arg7[%dma_wait3A_19, %dma_wait3A_20, %dma_wait3A_21] : memref<5x40x512xf32, #tpu.memory_space<vmem>> -> memref<1x40x512xf32, #tpu.memory_space<vmem>>
    %dma_wait3A_23 = tpu.memref_squeeze %dma_wait3A_22 : memref<1x40x512xf32, #tpu.memory_space<vmem>> -> memref<40x512xf32, #tpu.memory_space<vmem>>
    %dma_wait3A_24 = arith.constant 0 : i32
    %dma_wait3A_25 = tpu.memref_slice %arg4[%mul3A_2, %dma_wait3A_24] : memref<204800x512xf32, #tpu.memory_space<hbm>> -> memref<40x512xf32, #tpu.memory_space<hbm>>
    %dma_wait3A_26 = arith.constant 0 : i32
    %dma_wait3A_27 = tpu.memref_slice %arg4[%mul3A_2, %dma_wait3A_26] : memref<204800x512xf32, #tpu.memory_space<hbm>> -> memref<40x512xf32, #tpu.memory_space<hbm>>
    %dma_wait3A_28 = arith.constant 0 : i32
    %dma_wait3A_29 = arith.constant 0 : i32
    %dma_wait3A_30 = tpu.memref_slice %arg7[%dma_wait3A_19, %dma_wait3A_28, %dma_wait3A_29] : memref<5x40x512xf32, #tpu.memory_space<vmem>> -> memref<1x40x512xf32, #tpu.memory_space<vmem>>
    %dma_wait3A_31 = tpu.memref_squeeze %dma_wait3A_30 : memref<1x40x512xf32, #tpu.memory_space<vmem>> -> memref<40x512xf32, #tpu.memory_space<vmem>>
    tpu.wait_dma2 semaphore(%arg9 : memref<!tpu.dma_semaphore, #tpu.memory_space<semaphore_mem>>) src(%dma_wait3A_31 : memref<40x512xf32, #tpu.memory_space<vmem>>) dst(%dma_wait3A_27 : memref<40x512xf32, #tpu.memory_space<hbm>>)
    %dma_wait3A_32 = arith.constant 2 : i32
    %dma_wait3A_33 = arith.constant 0 : i32
    %dma_wait3A_34 = arith.constant 0 : i32
    %dma_wait3A_35 = tpu.memref_slice %arg7[%dma_wait3A_32, %dma_wait3A_33, %dma_wait3A_34] : memref<5x40x512xf32, #tpu.memory_space<vmem>> -> memref<1x40x512xf32, #tpu.memory_space<vmem>>
    %dma_wait3A_36 = tpu.memref_squeeze %dma_wait3A_35 : memref<1x40x512xf32, #tpu.memory_space<vmem>> -> memref<40x512xf32, #tpu.memory_space<vmem>>
    %dma_wait3A_37 = arith.constant 0 : i32
    %dma_wait3A_38 = tpu.memref_slice %arg4[%mul3A_2, %dma_wait3A_37] : memref<204800x512xf32, #tpu.memory_space<hbm>> -> memref<40x512xf32, #tpu.memory_space<hbm>>
    %dma_wait3A_39 = arith.constant 0 : i32
    %dma_wait3A_40 = tpu.memref_slice %arg4[%mul3A_2, %dma_wait3A_39] : memref<204800x512xf32, #tpu.memory_space<hbm>> -> memref<40x512xf32, #tpu.memory_space<hbm>>
    %dma_wait3A_41 = arith.constant 0 : i32
    %dma_wait3A_42 = arith.constant 0 : i32
    %dma_wait3A_43 = tpu.memref_slice %arg7[%dma_wait3A_32, %dma_wait3A_41, %dma_wait3A_42] : memref<5x40x512xf32, #tpu.memory_space<vmem>> -> memref<1x40x512xf32, #tpu.memory_space<vmem>>
    %dma_wait3A_44 = tpu.memref_squeeze %dma_wait3A_43 : memref<1x40x512xf32, #tpu.memory_space<vmem>> -> memref<40x512xf32, #tpu.memory_space<vmem>>
    tpu.wait_dma2 semaphore(%arg10 : memref<!tpu.dma_semaphore, #tpu.memory_space<semaphore_mem>>) src(%dma_wait3A_44 : memref<40x512xf32, #tpu.memory_space<vmem>>) dst(%dma_wait3A_40 : memref<40x512xf32, #tpu.memory_space<hbm>>)
    %dma_wait3A_45 = arith.constant 3 : i32
    %dma_wait3A_46 = arith.constant 0 : i32
    %dma_wait3A_47 = arith.constant 0 : i32
    %dma_wait3A_48 = tpu.memref_slice %arg7[%dma_wait3A_45, %dma_wait3A_46, %dma_wait3A_47] : memref<5x40x512xf32, #tpu.memory_space<vmem>> -> memref<1x40x512xf32, #tpu.memory_space<vmem>>
    %dma_wait3A_49 = tpu.memref_squeeze %dma_wait3A_48 : memref<1x40x512xf32, #tpu.memory_space<vmem>> -> memref<40x512xf32, #tpu.memory_space<vmem>>
    %dma_wait3A_50 = arith.constant 0 : i32
    %dma_wait3A_51 = tpu.memref_slice %arg4[%mul3A_2, %dma_wait3A_50] : memref<204800x512xf32, #tpu.memory_space<hbm>> -> memref<40x512xf32, #tpu.memory_space<hbm>>
    %dma_wait3A_52 = arith.constant 0 : i32
    %dma_wait3A_53 = tpu.memref_slice %arg4[%mul3A_2, %dma_wait3A_52] : memref<204800x512xf32, #tpu.memory_space<hbm>> -> memref<40x512xf32, #tpu.memory_space<hbm>>
    %dma_wait3A_54 = arith.constant 0 : i32
    %dma_wait3A_55 = arith.constant 0 : i32
    %dma_wait3A_56 = tpu.memref_slice %arg7[%dma_wait3A_45, %dma_wait3A_54, %dma_wait3A_55] : memref<5x40x512xf32, #tpu.memory_space<vmem>> -> memref<1x40x512xf32, #tpu.memory_space<vmem>>
    %dma_wait3A_57 = tpu.memref_squeeze %dma_wait3A_56 : memref<1x40x512xf32, #tpu.memory_space<vmem>> -> memref<40x512xf32, #tpu.memory_space<vmem>>
    tpu.wait_dma2 semaphore(%arg11 : memref<!tpu.dma_semaphore, #tpu.memory_space<semaphore_mem>>) src(%dma_wait3A_57 : memref<40x512xf32, #tpu.memory_space<vmem>>) dst(%dma_wait3A_53 : memref<40x512xf32, #tpu.memory_space<hbm>>)
    %dma_wait3A_58 = arith.constant 4 : i32
    %dma_wait3A_59 = arith.constant 0 : i32
    %dma_wait3A_60 = arith.constant 0 : i32
    %dma_wait3A_61 = tpu.memref_slice %arg7[%dma_wait3A_58, %dma_wait3A_59, %dma_wait3A_60] : memref<5x40x512xf32, #tpu.memory_space<vmem>> -> memref<1x40x512xf32, #tpu.memory_space<vmem>>
    %dma_wait3A_62 = tpu.memref_squeeze %dma_wait3A_61 : memref<1x40x512xf32, #tpu.memory_space<vmem>> -> memref<40x512xf32, #tpu.memory_space<vmem>>
    %dma_wait3A_63 = arith.constant 0 : i32
    %dma_wait3A_64 = tpu.memref_slice %arg4[%mul3A_2, %dma_wait3A_63] : memref<204800x512xf32, #tpu.memory_space<hbm>> -> memref<40x512xf32, #tpu.memory_space<hbm>>
    %dma_wait3A_65 = arith.constant 0 : i32
    %dma_wait3A_66 = tpu.memref_slice %arg4[%mul3A_2, %dma_wait3A_65] : memref<204800x512xf32, #tpu.memory_space<hbm>> -> memref<40x512xf32, #tpu.memory_space<hbm>>
    %dma_wait3A_67 = arith.constant 0 : i32
    %dma_wait3A_68 = arith.constant 0 : i32
    %dma_wait3A_69 = tpu.memref_slice %arg7[%dma_wait3A_58, %dma_wait3A_67, %dma_wait3A_68] : memref<5x40x512xf32, #tpu.memory_space<vmem>> -> memref<1x40x512xf32, #tpu.memory_space<vmem>>
    %dma_wait3A_70 = tpu.memref_squeeze %dma_wait3A_69 : memref<1x40x512xf32, #tpu.memory_space<vmem>> -> memref<40x512xf32, #tpu.memory_space<vmem>>
    tpu.wait_dma2 semaphore(%arg12 : memref<!tpu.dma_semaphore, #tpu.memory_space<semaphore_mem>>) src(%dma_wait3A_70 : memref<40x512xf32, #tpu.memory_space<vmem>>) dst(%dma_wait3A_66 : memref<40x512xf32, #tpu.memory_space<hbm>>)
    return
  }
}

</mosaic_0001>

<sc_bundles>
// kernel: _sc_lookup.3.cloned.1.call-start
scs
__scs_entry_jumppad:
0x0: {  	(pc) =	sbr.rel $0x88, $3  }
0x1: {  	(tag) =	ssettag $0x0;
	lr =	simm.s32 $0x1  }
0x2: {  	[smem:$0x3F9F] =	sst lr;
	_ =	strace $0xD0000000  }
0x3: {  	_ = 	snop  }
0x4: {  	_ = 	snop  }
0x5: {  	_ = 	snop  }
0x6: {  	_ = 	snop  }
0x7: {  	_ = 	snop  }
__scs_overlays_trampoline_lowered:
0x8: {  	[smem:$0x3FAE] =	sst s0  }
0x9: {  	[smem:$0x3FAF] =	sst s1  }
0xa: {  	[smem:$0x3FB0] =	sst s2  }
0xb: {  	[smem:$0x3FB1] =	sst s3  }
0xc: {  	[smem:$0x3FB2] =	sst s4  }
0xd: {  	[smem:$0x3FB3] =	sst s5  }
0xe: {  	[smem:$0x3FB4] =	sst s6  }
0xf: {  	[smem:$0x3FB5] =	sst s7  }
0x10: {  	[smem:$0x3FB6] =	sst s8  }
0x11: {  	[smem:$0x3FB7] =	sst s9;
	s0 =	simm.s32 @!p0 $0x0  }
0x12: {  	s1 =	sld [smem:$0x3F9D];
	s0 =	simm.s32 @p0 $0x1  }
0x13: {  	[smem:$0x3FB8] =	sst s0;
	s0 =	simm.s32 @!p1 $0x0  }
0x14: {  	s2 =	sld [smem:$0x3F9C];
	s0 =	simm.s32 @p1 $0x1  }
0x15: {  	[smem:$0x3FB9] =	sst s0;
	s0 =	simm.s32 @!p2 $0x0  }
0x16: {  	s3 =	sld [smem:$0x3FDB];
	s0 =	simm.s32 @p2 $0x1  }
0x17: {  	s4 =	simm.s32 $0x1BF5;
	[smem:$0x3FBB] =	sst s0  }
0x18: {  	s0 =	sld [smem:$0x3F9E];
	_ =	swait.ge [sflag:s4], $0x0  }
0x19: {  	s7 =	sld [smem:$0x3F9F]  }
0x1a: {  	s8 =	sadd.s32 $0xFFFFE003, lr  }
0x1b: {  	s9 =	sadd.s32 $0xFFFFFEF7, lr;
	s5 =	simm.s32 $0xFFFFFFFF;
	p2 =	slt.u32 s8, $0xFFFFF086  }
0x1c: {  	p1 =	slt.u32 s9, $0xF7A;
	s5 =	simm.s32 @!p2 $0x0  }
0x1d: {  	s5 =	simm.s32 @p1 $0x1;
	p0 =	seq.s32 s7, s2  }
0x1e: {  	s7 =	smul.u32 @!p0 $0xF7A, s2;
	p2 =	seq.s32 @!p0 s5, $0x0  }
0x1f: {  	s9 =	smul.u32 $0xF7A, s1;
	s8 =	simm.s32 @!p0 $0x1BF5;
	p2 =	por !p2, p0  }
0x20: {  	[sflag:s8] =	ssyncset.s32 @!p0 $0xFFFFF086;
	s6 =	sadd.s32 @!p0 s3, s7;
	s7 =	simm.s32 @!p0 $0x108  }
0x21: {  	s3 =	sadd.s32 s3, s9;
	s6 =	sadd.s32 @!p0 $0x88, s6;
	s7 =	simm.s32 @p2 $0x1082  }
0x22: {  	[simem:s7], [sflag:s8] =	dma.local @!p0 [hbm:s6], $0xF7A  }
0x23: {  	s9 =	sor.u32 $0xD0000000, s2;
	s6 =	simm.s32 $0x108;
	_ =	swait.ge @!p0 [sflag:s8], $0x0  }
0x24: {  	s3 =	sadd.s32 $0x88, s3;
	s6 =	simm.s32 @!p1 $0x1082;
	[sflag:s4] =	ssyncset.s32 $0xFFFFF086  }
0x25: {  	[simem:s6], [sflag:s4] =	dma.local [hbm:s3], $0xF7A  }
0x26: {  	[smem:$0x3F9F] =	sst s1;
	(tag) =	ssettag s2;
	_ =	strace s9  }
0x27: {  	s1 =	sld [smem:$0x3FAF]  }
0x28: {  	s2 =	sld [smem:$0x3FB0]  }
0x29: {  	s4 =	sld [smem:$0x3FB2]  }
0x2a: {  	p0 =	seq.s32 s5, $0x0;
	s5 =	sld [smem:$0x3FB3]  }
0x2b: {  	s6 =	sld [smem:$0x3FB4]  }
0x2c: {  	s7 =	sld [smem:$0x3FB5]  }
0x2d: {  	s3 =	simm.s32 $0x108;
	s8 =	sld [smem:$0x3FB6]  }
0x2e: {  	s3 =	simm.s32 @!p0 $0x1082;
	s9 =	sld [smem:$0x3FB7]  }
0x2f: {  	lr =	sadd.s32 s0, s3;
	s0 =	sld [smem:$0x3FAE]  }
0x30: {  	s3 =	sld [smem:$0x3FB1]  }
0x31: {  	[smem:$0x3FBA] =	sst s10  }
0x32: {  	s10 =	sld [smem:$0x3FB8];
	_ =	sdelay $0x3  }
0x33: {  	p0 =	seq.s32 s10, $0x1;
	s10 =	sld [smem:$0x3FBA];
	_ =	sdelay $0x3  }
0x34: {  	[smem:$0x3FBA] =	sst s10  }
0x35: {  	s10 =	sld [smem:$0x3FB9];
	_ =	sdelay $0x3  }
0x36: {  	p1 =	seq.s32 s10, $0x1;
	s10 =	sld [smem:$0x3FBA];
	_ =	sdelay $0x3  }
0x37: {  	[smem:$0x3FBA] =	sst s10  }
0x38: {  	s10 =	sld [smem:$0x3FBB]  }
0x39: {  	_ = 	snop;
	(pc) =	sbr.ind lr, $3  }
0x3a: {  	_ = 	snop  }
0x3b: {  	_ = 	snop  }
0x3c: {  	p2 =	seq.s32 s10, $0x1;
	s10 =	sld [smem:$0x3FBA]  }
0x3d: {  	_ =	shalt  }
0x3e: {  	_ =	shalt  }
0x3f: {  	_ =	shalt  }
0x40: {  	_ =	shalt  }
0x41: {  	_ =	shalt  }
0x42: {  	_ =	shalt  }
0x43: {  	_ =	shalt  }
0x44: {  	_ =	shalt  }
0x45: {  	_ =	shalt  }
0x46: {  	_ =	shalt  }
0x47: {  	_ =	shalt  }
0x48: {  	_ =	shalt  }
0x49: {  	_ =	shalt  }
0x4a: {  	_ =	shalt  }
0x4b: {  	_ =	shalt  }
0x4c: {  	_ =	shalt  }
0x4d: {  	_ =	shalt  }
0x4e: {  	_ =	shalt  }
0x4f: {  	_ =	shalt  }
0x50: {  	_ =	shalt  }
0x51: {  	_ =	shalt  }
0x52: {  	_ =	shalt  }
0x53: {  	_ =	shalt  }
0x54: {  	_ =	shalt  }
0x55: {  	_ =	shalt  }
0x56: {  	_ =	shalt  }
0x57: {  	_ =	shalt  }
0x58: {  	_ =	shalt  }
0x59: {  	_ =	shalt  }
0x5a: {  	_ =	shalt  }
0x5b: {  	_ =	shalt  }
0x5c: {  	_ =	shalt  }
0x5d: {  	_ =	shalt  }
0x5e: {  	_ =	shalt  }
0x5f: {  	_ =	shalt  }
0x60: {  	_ =	shalt  }
0x61: {  	_ =	shalt  }
0x62: {  	_ =	shalt  }
0x63: {  	_ =	shalt  }
0x64: {  	_ =	shalt  }
0x65: {  	_ =	shalt  }
0x66: {  	_ =	shalt  }
0x67: {  	_ =	shalt  }
0x68: {  	_ =	shalt  }
0x69: {  	_ =	shalt  }
0x6a: {  	_ =	shalt  }
0x6b: {  	_ =	shalt  }
0x6c: {  	_ =	shalt  }
0x6d: {  	_ =	shalt  }
0x6e: {  	_ =	shalt  }
0x6f: {  	_ =	shalt  }
0x70: {  	_ =	shalt  }
0x71: {  	_ =	shalt  }
0x72: {  	_ =	shalt  }
0x73: {  	_ =	shalt  }
0x74: {  	_ =	shalt  }
0x75: {  	_ =	shalt  }
0x76: {  	_ =	shalt  }
0x77: {  	_ =	shalt  }
0x78: {  	_ =	shalt  }
0x79: {  	_ =	shalt  }
0x7a: {  	_ =	shalt  }
0x7b: {  	_ =	shalt  }
0x7c: {  	_ =	shalt  }
0x7d: {  	_ =	shalt  }
0x7e: {  	_ =	shalt  }
0x7f: {  	_ =	shalt  }
0x80: {  	_ =	shalt  }
0x81: {  	_ =	shalt  }
0x82: {  	_ =	shalt  }
0x83: {  	_ =	shalt  }
0x84: {  	_ =	shalt  }
0x85: {  	_ =	shalt  }
0x86: {  	_ =	shalt  }
0x87: {  	_ =	shalt  }
.Lfunc_end0:
.L_simem_size_0:
called_computation_lowered:
.L_overlay_start_0:
0x88: {  	s2 =	sld [smem:$0x3FD9]  }
0x89: {  	s3 =	sld [smem:$0x3FFE];
	_ =	sdelay $0x1  }
0x8a: {  	s1 =	srdreg.scid  }
0x8b: {  	s0 =	sand.u32 $0x1, s1  }
0x8c: {  	s18 =	sshll.u32 s0, $0xA;
	s2 =	sadd.s32 s3, s2  }
0x8d: {  	s2 =	sadd.s32 s2, s18  }
0x8e: {  	[smem:$0x3FC6] =	sst s2  }
0x8f: {  	_ = 	snop  }
0x90: {  	s2 =	sld [smem:$0x3FC9]  }
0x91: {  	s19 =	sld [smem:$0x3FC8]  }
0x92: {  	s4 =	sld [smem:$0x3FD0];
	(tm) =	ssettm $0x1  }
0x93: {  	s5 =	sld [smem:$0x3FFB];
	_ =	sdelay $0x3  }
0x94: {  	_ =	strace s5  }
0x95: {  	s5 =	sld [smem:$0x3FFC];
	_ =	sdelay $0x3  }
0x96: {  	_ =	strace s5  }
0x97: {  	s5 =	sld [smem:$0x3FFD];
	_ =	sdelay $0x3  }
0x98: {  	_ =	strace s5  }
0x99: {  	_ =	strace $0x8FFFFFFF  }
0x9a: {  	s20 =	sld [smem:$0x3FDB];
	_ =	sdelay $0x1  }
0x9b: {  	s6 =	simm.s32 $_scs_section_size  }
0x9c: {  	s7 =	simm.s32 $_size__tile_overlayer_lowered;
	s8 =	simm.s32 $_tile_overlayer_lowered  }
0x9d: {  	s23 =	simm.s32 $0x1BFF;
	s22 =	sshll.u32 s8, $0x1;
	s5 =	sadd.s32 s6, s20  }
0x9e: {  	s9 =	simm.s32 $0x0;
	s21 =	sshll.u32 s7, $0x1;
	s7 =	sadd.s32 s22, s5  }
0x9f: {  	[timem:s9], [sflag:s23] =	dma.local [hbm:s7], s21  }
0xa0: {  	_ =	swait.ge [sflag:s23], s21  }
0xa1: {  	s6 =	ssub.s32 $0x0, s21;
	[sflag:s23] =	ssyncset.done $0x0  }
0xa2: {  	[sflag:s23] =	ssyncadd.s32 s6;
	_ =	sdelay $0x1  }
0xa3: {  	s24 =	simm.s32 $0x1B8B  }
0xa4: {  	_ =	swait.ge [sflag:s24], $0x1  }
0xa5: {  	[sflag:s24] =	ssyncset.done $0x0  }
0xa6: {  	s25 =	simm.s32 $0x1B8E;
	[sflag:s24] =	ssyncadd.s32 $0xFFFFFFFF  }
0xa7: {  	s26 =	simm.s32 $execute0_lowered;
	[smem:$0x3FD2] =	sst s25  }
0xa8: {  	s6 =	sshll.u32 s26, $0x1;
	_ =	strace $0x80000046;
	[dreg:$0x1] =	wrdreg $0xFFFFFFFF  }
0xa9: {  	s28 =	simm.s32 $_size_execute0_lowered;
	s5 =	sadd.s32 s5, s6;
	[dreg:$0x0] =	wrdreg $0x0  }
0xaa: {  	s6 =	sshll.u32 s28, $0x1;
	[dreg:$0x2] =	wrdreg s5  }
0xab: {  	[dreg:$0x3] =	wrdreg s6  }
0xac: {  	[dreg:$0x4] =	wrdreg $0xC0  }
0xad: {  	_ =	task [dreg:s9], $0x5FFFF  }
0xae: {  	[dreg:$0x1] =	wrdreg $0xFFFFFFFF  }
0xaf: {  	[dreg:$0x0] =	wrdreg $0x60  }
0xb0: {  	[dreg:$0x2] =	wrdreg s2  }
0xb1: {  	[dreg:$0x3] =	wrdreg s19  }
0xb2: {  	[dreg:$0x4] =	wrdreg s4  }
0xb3: {  	[dreg:$0x5] =	wrdreg $0x9  }
0xb4: {  	_ =	task.clear_ibuf [dreg:s9], $0x6FFFF;
	_ =	strace $0x90000046  }
0xb5: {  	s29 =	simm.s32 $0x9;
	_ =	strace $0x80000048  }
0xb6: {  	_ =	swait.ge [sflag:s29], $0x1  }
0xb7: {  	[sflag:s29] =	ssyncadd.s32 $0xFFFFFFFF  }
0xb8: {  	_ =	strace $0x90000048  }
0xb9: {  	_ =	sfence  }
0xba: {  	s30 =	sld [smem:$0x0];
	_ =	sdelay $0x2  }
0xbb: {  	s31 =	sshll.u32 s1, $0xD;
	s1 =	sshrl.u32 s1, $0x2  }
0xbc: {  	s3 =	sand.u32 $0x4000, s31;
	s1 =	sadd.s32 s1, s30  }
0xbd: {  	s0 =	sor.u32 s3, s0;
	s1 =	sshll.u32 s1, $0x11  }
0xbe: {  	s0 =	sor.u32 s1, s0  }
0xbf: {  	s0 =	sadd.s32 $0x8F2B, s0  }
0xc0: {  	[sflag:s0] =	ssyncadd.remote.s32 $0x1  }
0xc1: {  	_ =	sfence.sel $0xFFFF  }
0xc2: {  	[dreg:$0x0] =	wrdreg $0xFFFFFFFF;
	(pc) =	sbr.abs _section_cstart, $3  }
0xc3: {  	[dreg:$0x1] =	wrdreg $0xFFFFFFFF  }
0xc4: {  	_ =	task.clear_ibuf [dreg:s9], $0x2FFFF;
	_ =	strace $0x9FFFFFFF  }
0xc5: {  	(tm) =	ssettm $0x7FFFFFFF  }
tec
execute0_lowered:
.L_overlay_start_1:
0x0: {  	(tag) =	ssettag $0x1  }
0x1: {  	s2 =	srdreg.scid;
	s1 =	stileid.u32  }
0x2: {  	s2 =	sand.u32 $0x1, s2;
	s4 =	sshll.u32 s1, $0x1  }
0x3: {  	s0 =	rddreg [dreg:$0x1];
	v58 =	vlaneseq.u32;
	s5 =	sor.u32 s2, s4;
	s4 =	simm.s32 $0x0  }
0x4: {  	v0 =	vor.u32 $0x1F0, v58;
	[smem:$0x7FF] =	sst s4  }
0x5: {  	s3 =	rddreg [dreg:$0x2];
	v59 =	vor.u32 $0x10, v58;
	_ =	strace $0x80000047;
	[tilespmem:$0x1FE60] =	vst v0  }
0x6: {  	v57 =	vor.u32 $0x20, v58;
	[tilespmem:$0x1FE70] =	vst v59  }
0x7: {  	v60 =	vor.u32 $0x30, v58;
	[tilespmem:$0x1FE80] =	vst v57  }
0x8: {  	v61 =	vor.u32 $0x40, v58;
	[tilespmem:$0x1FE90] =	vst v60  }
0x9: {  	v62 =	vor.u32 $0x50, v58;
	[tilespmem:$0x1FEA0] =	vst v61  }
0xa: {  	v63 =	vor.u32 $0x60, v58;
	[tilespmem:$0x1FEB0] =	vst v62  }
0xb: {  	v9 =	vor.u32 $0x70, v58;
	[tilespmem:$0x1FEC0] =	vst v63  }
0xc: {  	v11 =	vor.u32 $0x80, v58;
	[tilespmem:$0x1FED0] =	vst v9  }
0xd: {  	v10 =	vor.u32 $0x90, v58;
	[tilespmem:$0x1FEE0] =	vst v11  }
0xe: {  	v12 =	vor.u32 $0xA0, v58;
	[tilespmem:$0x1FEF0] =	vst v10  }
0xf: {  	v33 =	vor.u32 $0xB0, v58;
	[tilespmem:$0x1FF00] =	vst v12  }
0x10: {  	v35 =	vor.u32 $0xC0, v58;
	[tilespmem:$0x1FF10] =	vst v33  }
0x11: {  	v51 =	vor.u32 $0x1A0, v58;
	[tilespmem:$0x1FF20] =	vst v35  }
0x12: {  	v39 =	vor.u32 $0xE0, v58;
	[tilespmem:$0x1FF30] =	vst v51  }
0x13: {  	v41 =	vor.u32 $0x100, v58;
	[tilespmem:$0x1FF40] =	vst v39  }
0x14: {  	v43 =	vor.u32 $0x120, v58;
	[tilespmem:$0x1FF50] =	vst v41  }
0x15: {  	v45 =	vor.u32 $0x140, v58;
	[tilespmem:$0x1FF60] =	vst v43  }
0x16: {  	v47 =	vor.u32 $0x160, v58;
	[tilespmem:$0x1FF70] =	vst v45  }
0x17: {  	v49 =	vor.u32 $0x180, v58;
	[tilespmem:$0x1FF80] =	vst v47  }
0x18: {  	s8 =	simm.s32 $0x6;
	s9 =	simm.s32 $0x800;
	v52 =	vor.u32 $0x1B0, v58;
	[tilespmem:$0x1FF90] =	vst v49  }
0x19: {  	s10 =	simm.s32 $0x2100;
	s11 =	simm.s32 $0x7100;
	s12 =	simm.s32 $0xC100;
	v40 =	vor.u32 $0xF0, v58;
	[tilespmem:$0x1FFA0] =	vst v52  }
0x1a: {  	s13 =	simm.s32 $0x11100;
	s14 =	simm.s32 $0x16100;
	s15 =	simm.s32 $0x1;
	v54 =	vor.u32 $0x1D0, v58;
	[tilespmem:$0x1FFB0] =	vst v40  }
0x1b: {  	s16 =	simm.s32 $0x2;
	v42 =	vor.u32 $0x110, v58;
	s2 =	ssub.s32 $0x2, s2;
	s5 =	smul.u32 $0x1900, s5;
	[tilespmem:$0x1FFC0] =	vst v54  }
0x1c: {  	s17 =	simm.s32 $0x3;
	s18 =	simm.s32 $0x4;
	v44 =	vor.u32 $0x130, v58;
	s6 =	sshrl.u32 s2, $0x1;
	[tilespmem:$0x1FFD0] =	vst v42  }
0x1d: {  	s19 =	simm.s32 $0x5;
	v38 =	vor.u32 $0xD0, v58;
	v46 =	vor.u32 $0x150, v58;
	v48 =	vor.u32 $0x170, v58;
	s2 =	ssub.s32 s2, s6;
	[tilespmem:$0x1FFE0] =	vst v44;
	s31 =	sshrl.u32 s5, $0x3  }
0x1e: {  	s20 =	simm.s32 $0x0;
	v50 =	vor.u32 $0x190, v58;
	v53 =	vor.u32 $0x1C0, v58;
	v55 =	vor.u32 $0x1E0, v58;
	[tilespmem:$0x1FFF0] =	vst v46;
	s7 =	smax.u32 s2, $0x1;
	s6 =	sadd.s32 s0, s31  }
.LBB2_1:
0x1f: {  	s0 =	rddreg [dreg:$0x0]  }
0x20: {  	[tilespmem:s4], [sflag:$0x6] =	stream.linear.gather [hbm4b:s0+s4], $0x800, $0x38;
	[tilespmem:$0x1B100] =	vst v63  }
0x21: {  	_ =	swait.ge [sflag:s8], $0x800  }
0x22: {  	[sflag:s8] =	ssyncset.done $0x0  }
0x23: {  	[sflag:s8] =	ssyncadd.s32 $0xFFFFF800  }
0x24: {  	[tilespmem:s9], [sflag:$0x6] =	stream.linear.gather [hbm4b:s6+s4], $0x1900, $0x38;
	[tilespmem:$0x1B100] =	vst v63  }
0x25: {  	_ =	swait.ge [sflag:s8], $0x1900  }
0x26: {  	[sflag:s8] =	ssyncset.done $0x0  }
0x27: {  	s21 =	simm.s32 $0x0;
	[sflag:s8] =	ssyncadd.s32 $0xFFFFE700  }
.LBB2_2:
0x28: {  	p0 =	seq.s32 s21, $0x0  }
0x29: {  	s22 =	smul.u32 $0xC8, s21;
	s0 =	simm.s32 @!p0 $0x1  }
0x2a: {  	s31 =	simm.s32 $0x0;
	_ =	swait.ge @!p0 [sflag:s0], $0x5000  }
0x2b: {  	s23 =	sor.u32 $0x1, s22;
	s24 =	sor.u32 $0x2, s22;
	s25 =	sor.u32 $0x3, s22  }
0x2c: {  	v13 =	vmov v33;
	v24 =	vmov v35;
	s26 =	sor.u32 $0x4, s22;
	s28 =	sor.u32 $0x5, s22;
	[sflag:s0] =	ssyncset.done @!p0 $0x0  }
0x2d: {  	v56 =	vmovc v38;
	v29 =	vmovc v48;
	v31 =	vmov v50;
	v15 =	vmov v53;
	v19 =	vmov v55;
	s29 =	sor.u32 $0x6, s22;
	s30 =	sor.u32 $0x7, s22;
	[sflag:s0] =	ssyncadd.s32 @!p0 $0xFFFFB000  }
.LBB2_3:
0x2e: {  	s0 =	sadd.s32 s22, s31  }
0x2f: {  	v32 =	vmov s0  }
0x30: {  	v32 =	vand.u32 $0xFFFFFFF8, v32  }
0x31: {  	v21 =	vld [tilespmem:$0x1FF40];
	v32 =	vbroadcast v32, $0x0  }
0x32: {  	v0 =	vld [tilespmem:$0x1FFB0]  }
0x33: {  	v23 =	vld [tilespmem:$0x1FF50];
	s1 =	sadd.s32 s31, s23  }
0x34: {  	v25 =	vld [tilespmem:$0x1FF60];
	v53 =	vmov s1  }
0x35: {  	v27 =	vld [tilespmem:$0x1FF70];
	v53 =	vand.u32 $0xFFFFFFF9, v53  }
0x36: {  	v30 =	vmov v29;
	v29 =	vld [tilespmem:$0x1FF80];
	v53 =	vbroadcast v53, $0x0  }
0x37: {  	v32 =	vld.idx.msk [tilespmem:v32+s9+$0x0], $0xffff  }
0x38: {  	v14 =	vmov v31;
	v31 =	vld [tilespmem:$0x1FF90]  }
0x39: {  	v22 =	vmov v15;
	v15 =	vld [tilespmem:$0x1FFA0]  }
0x3a: {  	v28 =	vld [tilespmem:$0x1FE60]  }
0x3b: {  	v17 =	vld [tilespmem:$0x1FF20]  }
0x3c: {  	v53 =	vld.idx.msk [tilespmem:v53+s9+$0x0], $0xffff;
	v32 =	vshll.u32 v32, $0x9  }
0x3d: {  	v37 =	vor.u32 v61, v32;
	v61 =	vld [tilespmem:$0x1FFD0]  }
0x3e: {  	v33 =	vor.u32 v58, v32;
	v38 =	vor.u32 v62, v32;
	v62 =	vld [tilespmem:$0x1FFE0]  }
0x3f: {  	v34 =	vor.u32 v59, v32;
	v39 =	vor.u32 v63, v32;
	v63 =	vld [tilespmem:$0x1FFF0]  }
0x40: {  	v18 =	vmov v13;
	v35 =	vor.u32 v57, v32;
	v44 =	vor.u32 v13, v32;
	v13 =	vld [tilespmem:$0x1FF30]  }
0x41: {  	v36 =	vor.u32 v60, v32;
	v45 =	vor.u32 v24, v32;
	v24 =	vld [tilespmem:$0x1FFC0]  }
0x42: {  	v26 =	vmov v19;
	v7 =	vor.u32 v19, v32;
	v19 =	vld [tilespmem:$0x1FFF0]  }
0x43: {  	v33 =	vld.idx.msk [tilespmem:v33+s4+$0x0], $0xffff  }
0x44: {  	v34 =	vld.idx.msk [tilespmem:v34+s4+$0x0], $0xffff  }
0x45: {  	v40 =	vor.u32 v9, v32;
	v35 =	vld.idx.msk [tilespmem:v35+s4+$0x0], $0xffff  }
0x46: {  	v41 =	vor.u32 v11, v32;
	v36 =	vld.idx.msk [tilespmem:v36+s4+$0x0], $0xffff  }
0x47: {  	v42 =	vor.u32 v10, v32;
	v37 =	vld.idx.msk [tilespmem:v37+s4+$0x0], $0xffff  }
0x48: {  	v43 =	vor.u32 v12, v32;
	v38 =	vld.idx.msk [tilespmem:v38+s4+$0x0], $0xffff  }
0x49: {  	v39 =	vld.idx.msk [tilespmem:v39+s4+$0x0], $0xffff  }
0x4a: {  	v40 =	vld.idx.msk [tilespmem:v40+s4+$0x0], $0xffff  }
0x4b: {  	v46 =	vor.u32 v56, v32;
	v41 =	vld.idx.msk [tilespmem:v41+s4+$0x0], $0xffff  }
0x4c: {  	v47 =	vor.u32 v21, v32;
	v42 =	vld.idx.msk [tilespmem:v42+s4+$0x0], $0xffff  }
0x4d: {  	v48 =	vor.u32 v0, v32;
	v43 =	vld.idx.msk [tilespmem:v43+s4+$0x0], $0xffff  }
0x4e: {  	v49 =	vor.u32 v23, v32;
	v44 =	vld.idx.msk [tilespmem:v44+s4+$0x0], $0xffff  }
0x4f: {  	v51 =	vor.u32 v25, v32;
	v45 =	vld.idx.msk [tilespmem:v45+s4+$0x0], $0xffff  }
0x50: {  	v54 =	vor.u32 v27, v32;
	v46 =	vld.idx.msk [tilespmem:v46+s4+$0x0], $0xffff  }
0x51: {  	v0 =	vor.u32 v29, v32;
	v47 =	vld.idx.msk [tilespmem:v47+s4+$0x0], $0xffff  }
0x52: {  	v1 =	vor.u32 v30, v32;
	v48 =	vld.idx.msk [tilespmem:v48+s4+$0x0], $0xffff  }
0x53: {  	v2 =	vor.u32 v31, v32;
	v49 =	vld.idx.msk [tilespmem:v49+s4+$0x0], $0xffff  }
0x54: {  	v3 =	vor.u32 v14, v32;
	v51 =	vld.idx.msk [tilespmem:v51+s4+$0x0], $0xffff  }
0x55: {  	v4 =	vor.u32 v15, v32;
	v54 =	vld.idx.msk [tilespmem:v54+s4+$0x0], $0xffff  }
0x56: {  	v20 =	vmov v56;
	v5 =	vor.u32 v22, v32;
	v56 =	vld.idx.msk [tilespmem:v0+s4+$0x0], $0xffff  }
0x57: {  	v57 =	vld.idx.msk [tilespmem:v1+s4+$0x0], $0xffff  }
0x58: {  	v58 =	vld.idx.msk [tilespmem:v2+s4+$0x0], $0xffff  }
0x59: {  	v59 =	vld.idx.msk [tilespmem:v3+s4+$0x0], $0xffff  }
0x5a: {  	v50 =	vor.u32 v61, v32;
	v61 =	vld.idx.msk [tilespmem:v4+s4+$0x0], $0xffff  }
0x5b: {  	v52 =	vor.u32 v62, v32;
	v62 =	vld.idx.msk [tilespmem:v5+s4+$0x0], $0xffff  }
0x5c: {  	v53 =	vshll.u32 v53, $0x9;
	v2 =	vld [tilespmem:$0x1FE70]  }
0x5d: {  	v8 =	vor.u32 v9, v53;
	v3 =	vld [tilespmem:$0x1FE80]  }
0x5e: {  	v9 =	vor.u32 v11, v53;
	v0 =	vld.idx.msk [tilespmem:v7+s4+$0x0], $0xffff  }
0x5f: {  	v16 =	vmov v10;
	v10 =	vor.u32 v10, v53;
	v4 =	vld [tilespmem:$0x1FE90]  }
0x60: {  	v11 =	vor.u32 v12, v53;
	v5 =	vld [tilespmem:$0x1FEA0]  }
0x61: {  	v7 =	vld [tilespmem:$0x1FEC0]  }
0x62: {  	v8 =	vld.idx.msk [tilespmem:v8+s4+$0x0], $0xffff  }
0x63: {  	v55 =	vor.u32 v63, v32;
	v9 =	vld.idx.msk [tilespmem:v9+s4+$0x0], $0xffff  }
0x64: {  	v60 =	vor.u32 v13, v32;
	v10 =	vld.idx.msk [tilespmem:v10+s4+$0x0], $0xffff  }
0x65: {  	v6 =	vor.u32 v24, v32;
	v11 =	vld.idx.msk [tilespmem:v11+s4+$0x0], $0xffff  }
0x66: {  	v32 =	vor.u32 v28, v32;
	v50 =	vld.idx.msk [tilespmem:v50+s4+$0x0], $0xffff  }
0x67: {  	v52 =	vld.idx.msk [tilespmem:v52+s4+$0x0], $0xffff  }
0x68: {  	v1 =	vlaneseq.u32;
	v55 =	vld.idx.msk [tilespmem:v55+s4+$0x0], $0xffff  }
0x69: {  	v1 =	vor.u32 v1, v53;
	v60 =	vld.idx.msk [tilespmem:v60+s4+$0x0], $0xffff  }
0x6a: {  	v2 =	vor.u32 v2, v53;
	v63 =	vld.idx.msk [tilespmem:v6+s4+$0x0], $0xffff  }
0x6b: {  	s2 =	sshll.u32 s31, $0x9;
	v3 =	vor.u32 v3, v53;
	v32 =	vld.idx.msk [tilespmem:v32+s4+$0x0], $0xffff  }
0x6c: {  	s2 =	sand.u32 $0x3FFFFE00, s2;
	v4 =	vor.u32 v4, v53;
	v6 =	vld [tilespmem:$0x1FEB0]  }
0x6d: {  	v5 =	vor.u32 v5, v53;
	[tilespmem:s2+$0x2110] =	vst v34;
	v34 =	vor.u32 v17, v53;
	v17 =	vld [tilespmem:$0x1FFB0]  }
0x6e: {  	v7 =	vor.u32 v7, v53;
	v1 =	vld.idx.msk [tilespmem:v1+s4+$0x0], $0xffff  }
0x6f: {  	[tilespmem:s2+$0x2100] =	vst v33;
	v33 =	vor.u32 v18, v53;
	v2 =	vld.idx.msk [tilespmem:v2+s4+$0x0], $0xffff  }
0x70: {  	v3 =	vld.idx.msk [tilespmem:v3+s4+$0x0], $0xffff  }
0x71: {  	[tilespmem:s2+$0x2120] =	vst v35;
	v4 =	vld.idx.msk [tilespmem:v4+s4+$0x0], $0xffff  }
0x72: {  	v35 =	vor.u32 v20, v53;
	[tilespmem:s2+$0x2130] =	vst v36;
	v5 =	vld.idx.msk [tilespmem:v5+s4+$0x0], $0xffff  }
0x73: {  	v36 =	vor.u32 v21, v53;
	[tilespmem:s2+$0x2140] =	vst v37;
	v7 =	vld.idx.msk [tilespmem:v7+s4+$0x0], $0xffff  }
0x74: {  	[tilespmem:s2+$0x2150] =	vst v38;
	v38 =	vor.u32 v23, v53;
	v33 =	vld.idx.msk [tilespmem:v33+s4+$0x0], $0xffff  }
0x75: {  	[tilespmem:s2+$0x2170] =	vst v40;
	v40 =	vor.u32 v25, v53;
	v34 =	vld.idx.msk [tilespmem:v34+s4+$0x0], $0xffff  }
0x76: {  	[tilespmem:s2+$0x2160] =	vst v39;
	v37 =	vor.u32 v17, v53;
	v17 =	vld [tilespmem:$0x1FFD0]  }
0x77: {  	[tilespmem:s2+$0x2510] =	vst v42;
	v42 =	vor.u32 v27, v53;
	v35 =	vld.idx.msk [tilespmem:v35+s4+$0x0], $0xffff  }
0x78: {  	[tilespmem:s2+$0x2520] =	vst v43;
	v43 =	vor.u32 v19, v53;
	v36 =	vld.idx.msk [tilespmem:v36+s4+$0x0], $0xffff  }
0x79: {  	[tilespmem:s2+$0x2530] =	vst v44;
	v44 =	vor.u32 v29, v53;
	v38 =	vld.idx.msk [tilespmem:v38+s4+$0x0], $0xffff  }
0x7a: {  	[tilespmem:s2+$0x2540] =	vst v45;
	v45 =	vor.u32 v30, v53;
	v40 =	vld.idx.msk [tilespmem:v40+s4+$0x0], $0xffff  }
0x7b: {  	[tilespmem:s2+$0x2550] =	vst v46;
	v46 =	vor.u32 v31, v53;
	v39 =	vor.u32 v17, v53;
	v17 =	vld [tilespmem:$0x1FFE0]  }
0x7c: {  	[tilespmem:s2+$0x2560] =	vst v47;
	v47 =	vor.u32 v14, v53;
	v42 =	vld.idx.msk [tilespmem:v42+s4+$0x0], $0xffff  }
0x7d: {  	[tilespmem:s2+$0x2570] =	vst v48;
	v48 =	vor.u32 v13, v53;
	v43 =	vld.idx.msk [tilespmem:v43+s4+$0x0], $0xffff  }
0x7e: {  	[tilespmem:s2+$0x2900] =	vst v49;
	v49 =	vor.u32 v15, v53;
	v44 =	vld.idx.msk [tilespmem:v44+s4+$0x0], $0xffff  }
0x7f: {  	s1 =	sadd.s32 s31, s24;
	v6 =	vor.u32 v6, v53;
	v45 =	vld.idx.msk [tilespmem:v45+s4+$0x0], $0xffff  }
0x80: {  	[tilespmem:s2+$0x2500] =	vst v41;
	v46 =	vld.idx.msk [tilespmem:v46+s4+$0x0], $0xffff;
	v41 =	vor.u32 v17, v53;
	v17 =	vmov v12;
	v12 =	vmov s1  }
0x81: {  	v47 =	vld.idx.msk [tilespmem:v47+s4+$0x0], $0xffff;
	v12 =	vand.u32 $0xFFFFFFFA, v12  }
0x82: {  	[tilespmem:s2+$0x2920] =	vst v51;
	v48 =	vld.idx.msk [tilespmem:v48+s4+$0x0], $0xffff;
	v12 =	vbroadcast v12, $0x0  }
0x83: {  	[tilespmem:s2+$0x2940] =	vst v54;
	v49 =	vld.idx.msk [tilespmem:v49+s4+$0x0], $0xffff  }
0x84: {  	[tilespmem:s2+$0x2910] =	vst v50;
	v50 =	vor.u32 v22, v53;
	v6 =	vld.idx.msk [tilespmem:v6+s4+$0x0], $0xffff  }
0x85: {  	[tilespmem:s2+$0x2960] =	vst v56;
	v37 =	vld.idx.msk [tilespmem:v37+s4+$0x0], $0xffff  }
0x86: {  	[tilespmem:s2+$0x2970] =	vst v57;
	v39 =	vld.idx.msk [tilespmem:v39+s4+$0x0], $0xffff  }
0x87: {  	[tilespmem:s2+$0x2930] =	vst v52;
	v41 =	vld.idx.msk [tilespmem:v41+s4+$0x0], $0xffff  }
0x88: {  	[tilespmem:s2+$0x2950] =	vst v55;
	v12 =	vld.idx.msk [tilespmem:v12+s9+$0x0], $0xffff  }
0x89: {  	v51 =	vor.u32 v24, v53;
	v50 =	vld.idx.msk [tilespmem:v50+s4+$0x0], $0xffff  }
0x8a: {  	v57 =	vld [tilespmem:$0x1FE70]  }
0x8b: {  	[tilespmem:s2+$0x2D20] =	vst v60;
	v60 =	vld [tilespmem:$0x1FEA0]  }
0x8c: {  	[tilespmem:s2+$0x2D30] =	vst v61;
	v61 =	vld [tilespmem:$0x1FEB0];
	_ =	sdelay $0x1  }
0x8d: {  	v52 =	vor.u32 v26, v53;
	v51 =	vld.idx.msk [tilespmem:v51+s4+$0x0], $0xffff;
	v12 =	vshll.u32 v12, $0x9  }
0x8e: {  	v53 =	vor.u32 v28, v53;
	v55 =	vor.u32 v57, v12;
	v57 =	vld [tilespmem:$0x1FE90]  }
0x8f: {  	[tilespmem:s2+$0x2D00] =	vst v58;
	v58 =	vor.u32 v60, v12;
	v60 =	vld [tilespmem:$0x1FEC0]  }
0x90: {  	[tilespmem:s2+$0x2D10] =	vst v59;
	v59 =	vor.u32 v61, v12;
	v61 =	vld [tilespmem:$0x1FED0]  }
0x91: {  	v56 =	vld [tilespmem:$0x1FE80]  }
0x92: {  	v52 =	vld.idx.msk [tilespmem:v52+s4+$0x0], $0xffff  }
0x93: {  	v53 =	vld.idx.msk [tilespmem:v53+s4+$0x0], $0xffff;
	v57 =	vor.u32 v57, v12  }
0x94: {  	[tilespmem:s2+$0x2D40] =	vst v62;
	v62 =	vld [tilespmem:$0x1FEE0];
	v60 =	vor.u32 v60, v12  }
0x95: {  	v19 =	vld [tilespmem:$0x1FF20];
	v61 =	vor.u32 v61, v12  }
0x96: {  	[tilespmem:s2+$0x2D70] =	vst v32;
	v32 =	vld.idx.msk [tilespmem:v58+s4+$0x0], $0xffff;
	v58 =	vor.u32 v16, v12  }
0x97: {  	[tilespmem:s2+$0x2180] =	vst v1;
	v1 =	vld.idx.msk [tilespmem:v59+s4+$0x0], $0xffff  }
0x98: {  	[tilespmem:s2+$0x2D60] =	vst v0;
	v0 =	vld.idx.msk [tilespmem:v57+s4+$0x0], $0xffff  }
0x99: {  	[tilespmem:s2+$0x2190] =	vst v2;
	v57 =	vor.u32 v62, v12;
	v2 =	vld.idx.msk [tilespmem:v60+s4+$0x0], $0xffff  }
0x9a: {  	[tilespmem:s2+$0x21A0] =	vst v3;
	v60 =	vor.u32 v18, v12;
	v3 =	vld.idx.msk [tilespmem:v61+s4+$0x0], $0xffff  }
0x9b: {  	[tilespmem:s2+$0x21C0] =	vst v5;
	v61 =	vor.u32 v19, v12;
	v5 =	vld.idx.msk [tilespmem:v58+s4+$0x0], $0xffff  }
0x9c: {  	v62 =	vld [tilespmem:$0x1FFB0]  }
0x9d: {  	v58 =	vor.u32 v21, v12;
	v19 =	vld [tilespmem:$0x1FFE0]  }
0x9e: {  	[tilespmem:s2+$0x21B0] =	vst v4;
	v4 =	vld.idx.msk [tilespmem:v57+s4+$0x0], $0xffff  }
0x9f: {  	[tilespmem:s2+$0x21E0] =	vst v7;
	v59 =	vor.u32 v17, v12;
	v7 =	vld.idx.msk [tilespmem:v60+s4+$0x0], $0xffff  }
0xa0: {  	[tilespmem:s2+$0x21F0] =	vst v8;
	v57 =	vor.u32 v20, v12;
	v8 =	vld.idx.msk [tilespmem:v61+s4+$0x0], $0xffff  }
0xa1: {  	v54 =	vlaneseq.u32;
	v61 =	vld [tilespmem:$0x1FFD0]  }
0xa2: {  	[tilespmem:s2+$0x2590] =	vst v10;
	v54 =	vor.u32 v54, v12;
	v10 =	vld.idx.msk [tilespmem:v58+s4+$0x0], $0xffff  }
0xa3: {  	v60 =	vor.u32 v23, v12;
	v58 =	vor.u32 v19, v12;
	v19 =	vld [tilespmem:$0x1FFF0]  }
0xa4: {  	[tilespmem:s2+$0x21D0] =	vst v6;
	v6 =	vld.idx.msk [tilespmem:v59+s4+$0x0], $0xffff;
	v59 =	vor.u32 v62, v12  }
0xa5: {  	s1 =	sadd.s32 s31, s25;
	[tilespmem:s2+$0x2580] =	vst v9;
	v9 =	vld.idx.msk [tilespmem:v57+s4+$0x0], $0xffff;
	v57 =	vor.u32 v25, v12  }
0xa6: {  	[tilespmem:s2+$0x2D50] =	vst v63;
	v63 =	vld [tilespmem:$0x1FEC0];
	v62 =	vmov s1  }
0xa7: {  	v54 =	vld.idx.msk [tilespmem:v54+s4+$0x0], $0xffff;
	v62 =	vand.u32 $0xFFFFFFFB, v62;
	v61 =	vor.u32 v61, v12  }
0xa8: {  	[tilespmem:s2+$0x25B0] =	vst v33;
	v62 =	vbroadcast v62, $0x0;
	v33 =	vld.idx.msk [tilespmem:v60+s4+$0x0], $0xffff;
	v60 =	vor.u32 v19, v12  }
0xa9: {  	[tilespmem:s2+$0x25A0] =	vst v11;
	v11 =	vld.idx.msk [tilespmem:v59+s4+$0x0], $0xffff  }
0xaa: {  	[tilespmem:s2+$0x25D0] =	vst v35;
	v35 =	vld.idx.msk [tilespmem:v57+s4+$0x0], $0xffff;
	v57 =	vor.u32 v29, v12  }
0xab: {  	[tilespmem:s2+$0x25E0] =	vst v36;
	v36 =	vld.idx.msk [tilespmem:v58+s4+$0x0], $0xffff  }
0xac: {  	[tilespmem:s2+$0x25C0] =	vst v34;
	v59 =	vor.u32 v27, v12;
	v34 =	vld.idx.msk [tilespmem:v61+s4+$0x0], $0xffff  }
0xad: {  	[tilespmem:s2+$0x2980] =	vst v38;
	v38 =	vld.idx.msk [tilespmem:v60+s4+$0x0], $0xffff;
	v60 =	vor.u32 v14, v12  }
0xae: {  	v58 =	vor.u32 v30, v12;
	v61 =	vld.idx.msk [tilespmem:v62+s9+$0x0], $0xffff  }
0xaf: {  	[tilespmem:s2+$0x29A0] =	vst v40;
	v40 =	vld.idx.msk [tilespmem:v57+s4+$0x0], $0xffff;
	v57 =	vor.u32 v15, v12  }
0xb0: {  	[tilespmem:s2+$0x25F0] =	vst v37;
	v55 =	vld.idx.msk [tilespmem:v55+s4+$0x0], $0xffff  }
0xb1: {  	[tilespmem:s2+$0x29D0] =	vst v43;
	v37 =	vld.idx.msk [tilespmem:v59+s4+$0x0], $0xffff;
	v59 =	vor.u32 v31, v12  }
0xb2: {  	[tilespmem:s2+$0x29E0] =	vst v44;
	v43 =	vld.idx.msk [tilespmem:v60+s4+$0x0], $0xffff;
	v60 =	vor.u32 v26, v12  }
0xb3: {  	[tilespmem:s2+$0x29B0] =	vst v41;
	v41 =	vld.idx.msk [tilespmem:v58+s4+$0x0], $0xffff  }
0xb4: {  	[tilespmem:s2+$0x29F0] =	vst v45;
	v58 =	vor.u32 v22, v12;
	v44 =	vshll.u32 v61, $0x9;
	v61 =	vlaneseq.u32;
	v45 =	vld.idx.msk [tilespmem:v57+s4+$0x0], $0xffff  }
0xb5: {  	[tilespmem:s2+$0x2990] =	vst v39;
	v57 =	vor.u32 v61, v44;
	v61 =	vld [tilespmem:$0x1FE70]  }
0xb6: {  	[tilespmem:s2+$0x29C0] =	vst v42;
	v56 =	vor.u32 v56, v12;
	v42 =	vld.idx.msk [tilespmem:v59+s4+$0x0], $0xffff  }
0xb7: {  	[tilespmem:s2+$0x2DA0] =	vst v48;
	v39 =	vor.u32 v13, v12;
	v48 =	vld.idx.msk [tilespmem:v60+s4+$0x0], $0xffff  }
0xb8: {  	v60 =	vld [tilespmem:$0x1FE90]  }
0xb9: {  	[tilespmem:s2+$0x2D80] =	vst v46;
	v59 =	vor.u32 v24, v12;
	v46 =	vld.idx.msk [tilespmem:v58+s4+$0x0], $0xffff  }
0xba: {  	v58 =	vor.u32 v61, v44;
	v61 =	vld [tilespmem:$0x1FE80]  }
0xbb: {  	v56 =	vld.idx.msk [tilespmem:v56+s4+$0x0], $0xffff;
	v12 =	vor.u32 v28, v12  }
0xbc: {  	v39 =	vld.idx.msk [tilespmem:v39+s4+$0x0], $0xffff  }
0xbd: {  	v62 =	vld [tilespmem:$0x1FEB0];
	v60 =	vor.u32 v60, v44  }
0xbe: {  	[tilespmem:s2+$0x2D90] =	vst v47;
	v47 =	vld.idx.msk [tilespmem:v59+s4+$0x0], $0xffff  }
0xbf: {  	v59 =	vor.u32 v61, v44;
	v61 =	vld [tilespmem:$0x1FEA0]  }
0xc0: {  	v12 =	vld.idx.msk [tilespmem:v12+s4+$0x0], $0xffff  }
0xc1: {  	[tilespmem:s2+$0x2DC0] =	vst v50;
	v50 =	vld.idx.msk [tilespmem:v57+s4+$0x0], $0xffff  }
0xc2: {  	[tilespmem:s2+$0x2DF0] =	vst v53;
	v57 =	vor.u32 v62, v44;
	v53 =	vld.idx.msk [tilespmem:v60+s4+$0x0], $0xffff  }
0xc3: {  	[tilespmem:s2+$0x2200] =	vst v54;
	v54 =	vor.u32 v16, v44;
	v60 =	vld [tilespmem:$0x1FEE0]  }
0xc4: {  	[tilespmem:s2+$0x2DB0] =	vst v49;
	v49 =	vor.u32 v61, v44;
	v61 =	vld [tilespmem:$0x1FED0]  }
0xc5: {  	[tilespmem:s2+$0x2DD0] =	vst v51;
	v51 =	vld.idx.msk [tilespmem:v58+s4+$0x0], $0xffff;
	v58 =	vor.u32 v63, v44  }
0xc6: {  	v19 =	vld [tilespmem:$0x1FF20]  }
0xc7: {  	[tilespmem:s2+$0x2210] =	vst v55;
	v55 =	vld.idx.msk [tilespmem:v57+s4+$0x0], $0xffff;
	v57 =	vor.u32 v17, v44  }
0xc8: {  	[tilespmem:s2+$0x2250] =	vst v1;
	v1 =	vld.idx.msk [tilespmem:v54+s4+$0x0], $0xffff;
	v60 =	vor.u32 v60, v44  }
0xc9: {  	[tilespmem:s2+$0x2DE0] =	vst v52;
	v52 =	vld.idx.msk [tilespmem:v59+s4+$0x0], $0xffff;
	v59 =	vor.u32 v61, v44  }
0xca: {  	[tilespmem:s2+$0x2220] =	vst v56;
	v56 =	vld.idx.msk [tilespmem:v58+s4+$0x0], $0xffff  }
0xcb: {  	v61 =	vld [tilespmem:$0x1FFB0]  }
0xcc: {  	[tilespmem:s2+$0x2260] =	vst v2;
	v54 =	vor.u32 v21, v44;
	v2 =	vld.idx.msk [tilespmem:v57+s4+$0x0], $0xffff  }
0xcd: {  	[tilespmem:s2+$0x2240] =	vst v32;
	v58 =	vor.u32 v18, v44;
	v32 =	vld.idx.msk [tilespmem:v60+s4+$0x0], $0xffff  }
0xce: {  	[tilespmem:s2+$0x2230] =	vst v0;
	v60 =	vor.u32 v20, v44;
	v0 =	vld.idx.msk [tilespmem:v59+s4+$0x0], $0xffff  }
0xcf: {  	v59 =	vor.u32 v19, v44;
	v19 =	vld [tilespmem:$0x1FFE0]  }
0xd0: {  	v57 =	vor.u32 v61, v44;
	v61 =	vld [tilespmem:$0x1FFD0]  }
0xd1: {  	[tilespmem:s2+$0x2620] =	vst v6;
	v6 =	vld.idx.msk [tilespmem:v54+s4+$0x0], $0xffff  }
0xd2: {  	[tilespmem:s2+$0x2270] =	vst v3;
	v3 =	vld.idx.msk [tilespmem:v58+s4+$0x0], $0xffff  }
0xd3: {  	[tilespmem:s2+$0x2610] =	vst v5;
	v58 =	vor.u32 v23, v44;
	v5 =	vld.idx.msk [tilespmem:v60+s4+$0x0], $0xffff  }
0xd4: {  	s1 =	sadd.s32 s31, s26;
	v60 =	vor.u32 v25, v44;
	v54 =	vor.u32 v19, v44;
	v19 =	vld [tilespmem:$0x1FFF0]  }
0xd5: {  	[tilespmem:s2+$0x2600] =	vst v4;
	v4 =	vld.idx.msk [tilespmem:v59+s4+$0x0], $0xffff;
	v59 =	vor.u32 v61, v44;
	v61 =	vmov s1  }
0xd6: {  	[tilespmem:s2+$0x2630] =	vst v7;
	v61 =	vand.u32 $0xFFFFFFFC, v61  }
0xd7: {  	[tilespmem:s2+$0x2640] =	vst v8;
	v7 =	vld.idx.msk [tilespmem:v57+s4+$0x0], $0xffff;
	v57 =	vor.u32 v27, v44;
	v61 =	vbroadcast v61, $0x0  }
0xd8: {  	[tilespmem:s2+$0x2650] =	vst v9;
	v8 =	vld.idx.msk [tilespmem:v58+s4+$0x0], $0xffff  }
0xd9: {  	[tilespmem:s2+$0x2660] =	vst v10;
	v10 =	vld.idx.msk [tilespmem:v60+s4+$0x0], $0xffff;
	v58 =	vor.u32 v19, v44  }
0xda: {  	[tilespmem:s2+$0x2670] =	vst v11;
	v9 =	vld.idx.msk [tilespmem:v59+s4+$0x0], $0xffff;
	v59 =	vor.u32 v29, v44  }
0xdb: {  	[tilespmem:s2+$0x2A00] =	vst v33;
	v11 =	vld.idx.msk [tilespmem:v54+s4+$0x0], $0xffff  }
0xdc: {  	[tilespmem:s2+$0x2A10] =	vst v34;
	v54 =	vor.u32 v30, v44;
	v33 =	vld.idx.msk [tilespmem:v57+s4+$0x0], $0xffff  }
0xdd: {  	[tilespmem:s2+$0x2A20] =	vst v35;
	v57 =	vor.u32 v31, v44;
	v60 =	vld.idx.msk [tilespmem:v61+s9+$0x0], $0xffff  }
0xde: {  	[tilespmem:s2+$0x2A30] =	vst v36;
	v34 =	vld.idx.msk [tilespmem:v58+s4+$0x0], $0xffff;
	v58 =	vor.u32 v14, v44  }
0xdf: {  	[tilespmem:s2+$0x2A40] =	vst v37;
	v36 =	vld.idx.msk [tilespmem:v59+s4+$0x0], $0xffff;
	v59 =	vor.u32 v15, v44  }
0xe0: {  	[tilespmem:s2+$0x2A50] =	vst v38  }
0xe1: {  	[tilespmem:s2+$0x2A60] =	vst v40;
	v37 =	vld.idx.msk [tilespmem:v54+s4+$0x0], $0xffff  }
0xe2: {  	v35 =	vor.u32 v13, v44;
	[tilespmem:s2+$0x2A70] =	vst v41;
	v38 =	vld.idx.msk [tilespmem:v57+s4+$0x0], $0xffff  }
0xe3: {  	v41 =	vor.u32 v28, v44;
	v54 =	vor.u32 v22, v44;
	v57 =	vor.u32 v24, v44;
	v40 =	vld.idx.msk [tilespmem:v58+s4+$0x0], $0xffff  }
0xe4: {  	[tilespmem:s2+$0x2E00] =	vst v42;
	v58 =	vor.u32 v26, v44;
	v44 =	vshll.u32 v60, $0x9;
	v42 =	vld.idx.msk [tilespmem:v59+s4+$0x0], $0xffff;
	v60 =	vlaneseq.u32  }
0xe5: {  	v59 =	vor.u32 v60, v44;
	v60 =	vld [tilespmem:$0x1FE70];
	_ =	sdelay $0x3  }
0xe6: {  	[tilespmem:s2+$0x2E10] =	vst v43;
	v43 =	vld.idx.msk [tilespmem:v54+s4+$0x0], $0xffff  }
0xe7: {  	v54 =	vor.u32 v60, v44;
	v60 =	vld [tilespmem:$0x1FE80];
	_ =	sdelay $0x3  }
0xe8: {  	[tilespmem:s2+$0x2E20] =	vst v39;
	v39 =	vld.idx.msk [tilespmem:v57+s4+$0x0], $0xffff  }
0xe9: {  	v57 =	vor.u32 v60, v44;
	v60 =	vld [tilespmem:$0x1FE90];
	_ =	sdelay $0x3  }
0xea: {  	[tilespmem:s2+$0x2E30] =	vst v45;
	v45 =	vld.idx.msk [tilespmem:v58+s4+$0x0], $0xffff  }
0xeb: {  	v58 =	vor.u32 v60, v44;
	v60 =	vld [tilespmem:$0x1FED0];
	_ =	sdelay $0x3  }
0xec: {  	[tilespmem:s2+$0x2E70] =	vst v12;
	v12 =	vld.idx.msk [tilespmem:v57+s4+$0x0], $0xffff  }
0xed: {  	v57 =	vor.u32 v60, v44;
	v60 =	vld [tilespmem:$0x1FEE0]  }
0xee: {  	v35 =	vld.idx.msk [tilespmem:v35+s4+$0x0], $0xffff  }
0xef: {  	v41 =	vld.idx.msk [tilespmem:v41+s4+$0x0], $0xffff  }
0xf0: {  	v49 =	vld.idx.msk [tilespmem:v49+s4+$0x0], $0xffff;
	[tilespmem:s2+$0x22E0] =	vst v56;
	v56 =	vor.u32 v21, v44  }
0xf1: {  	[tilespmem:s2+$0x2E60] =	vst v48;
	v48 =	vld.idx.msk [tilespmem:v54+s4+$0x0], $0xffff;
	v54 =	vor.u32 v63, v44  }
0xf2: {  	[tilespmem:s2+$0x2280] =	vst v50;
	v50 =	vld.idx.msk [tilespmem:v58+s4+$0x0], $0xffff;
	v58 =	vor.u32 v60, v44;
	v60 =	vor.u32 v17, v44  }
0xf3: {  	v19 =	vld [tilespmem:$0x1FF20]  }
0xf4: {  	[tilespmem:s2+$0x2E50] =	vst v47;
	v47 =	vld.idx.msk [tilespmem:v59+s4+$0x0], $0xffff  }
0xf5: {  	[tilespmem:s2+$0x26B0] =	vst v3;
	v3 =	vld.idx.msk [tilespmem:v56+s4+$0x0], $0xffff  }
0xf6: {  	[tilespmem:s2+$0x22B0] =	vst v53;
	v59 =	vor.u32 v62, v44;
	v53 =	vld.idx.msk [tilespmem:v54+s4+$0x0], $0xffff  }
0xf7: {  	[tilespmem:s2+$0x22F0] =	vst v0;
	v54 =	vor.u32 v18, v44;
	v0 =	vld.idx.msk [tilespmem:v60+s4+$0x0], $0xffff  }
0xf8: {  	v60 =	vld [tilespmem:$0x1FFB0]  }
0xf9: {  	[tilespmem:s2+$0x22C0] =	vst v49;
	v49 =	vld.idx.msk [tilespmem:v57+s4+$0x0], $0xffff  }
0xfa: {  	v57 =	vor.u32 v19, v44;
	v19 =	vld [tilespmem:$0x1FFE0]  }
0xfb: {  	[tilespmem:s2+$0x22A0] =	vst v52;
	v52 =	vld.idx.msk [tilespmem:v59+s4+$0x0], $0xffff  }
0xfc: {  	[tilespmem:s2+$0x2680] =	vst v32;
	v32 =	vld.idx.msk [tilespmem:v54+s4+$0x0], $0xffff  }
0xfd: {  	v59 =	vor.u32 v60, v44;
	v60 =	vld [tilespmem:$0x1FFD0]  }
0xfe: {  	[tilespmem:s2+$0x22D0] =	vst v55;
	v55 =	vld.idx.msk [tilespmem:v58+s4+$0x0], $0xffff;
	v58 =	vor.u32 v20, v44  }
0xff: {  	v54 =	vor.u32 v23, v44;
	v56 =	vor.u32 v19, v44;
	v19 =	vld [tilespmem:$0x1FFF0]  }
0x100: {  	[tilespmem:s2+$0x2E40] =	vst v46  }
0x101: {  	v61 =	vld [tilespmem:$0x1FEA0];
	[tilespmem:s2+$0x2290] =	vst v51  }
0x102: {  	s1 =	sadd.s32 s31, s28;
	[tilespmem:s2+$0x2690] =	vst v1;
	v1 =	vld.idx.msk [tilespmem:v57+s4+$0x0], $0xffff;
	v57 =	vor.u32 v60, v44  }
0x103: {  	[tilespmem:s2+$0x26A0] =	vst v2;
	v2 =	vld.idx.msk [tilespmem:v58+s4+$0x0], $0xffff;
	v58 =	vor.u32 v25, v44;
	v60 =	vmov s1  }
0x104: {  	[tilespmem:s2+$0x26D0] =	vst v5;
	v5 =	vld.idx.msk [tilespmem:v54+s4+$0x0], $0xffff;
	v54 =	vor.u32 v19, v44;
	v60 =	vand.u32 $0xFFFFFFFD, v60  }
0x105: {  	[tilespmem:s2+$0x26C0] =	vst v4;
	v4 =	vld.idx.msk [tilespmem:v59+s4+$0x0], $0xffff;
	v59 =	vor.u32 v27, v44;
	v60 =	vbroadcast v60, $0x0  }
0x106: {  	[tilespmem:s2+$0x2A80] =	vst v8;
	v8 =	vld.idx.msk [tilespmem:v56+s4+$0x0], $0xffff  }
0x107: {  	[tilespmem:s2+$0x26E0] =	vst v6;
	v6 =	vld.idx.msk [tilespmem:v57+s4+$0x0], $0xffff;
	v57 =	vor.u32 v29, v44  }
0x108: {  	[tilespmem:s2+$0x26F0] =	vst v7;
	v7 =	vld.idx.msk [tilespmem:v58+s4+$0x0], $0xffff;
	v58 =	vor.u32 v31, v44  }
0x109: {  	v46 =	vor.u32 v61, v44;
	[tilespmem:s2+$0x2AA0] =	vst v10;
	v10 =	vld.idx.msk [tilespmem:v54+s4+$0x0], $0xffff  }
0x10a: {  	[tilespmem:s2+$0x2A90] =	vst v9;
	v56 =	vor.u32 v30, v44;
	v9 =	vld.idx.msk [tilespmem:v59+s4+$0x0], $0xffff  }
0x10b: {  	[tilespmem:s2+$0x2AB0] =	vst v11;
	v54 =	vor.u32 v14, v44;
	v59 =	vld.idx.msk [tilespmem:v60+s9+$0x0], $0xffff  }
0x10c: {  	[tilespmem:s2+$0x2AC0] =	vst v33;
	v33 =	vld.idx.msk [tilespmem:v57+s4+$0x0], $0xffff;
	v57 =	vor.u32 v15, v44  }
0x10d: {  	[tilespmem:s2+$0x2AE0] =	vst v36;
	v36 =	vld.idx.msk [tilespmem:v58+s4+$0x0], $0xffff;
	v58 =	vor.u32 v24, v44  }
0x10e: {  	[tilespmem:s2+$0x2AD0] =	vst v34;
	v46 =	vld.idx.msk [tilespmem:v46+s4+$0x0], $0xffff  }
0x10f: {  	v51 =	vor.u32 v16, v44;
	v11 =	vor.u32 v13, v44;
	[tilespmem:s2+$0x2AF0] =	vst v37;
	v34 =	vld.idx.msk [tilespmem:v56+s4+$0x0], $0xffff  }
0x110: {  	[tilespmem:s2+$0x2E80] =	vst v38;
	v38 =	vor.u32 v28, v44;
	v56 =	vor.u32 v22, v44;
	v37 =	vld.idx.msk [tilespmem:v54+s4+$0x0], $0xffff  }
0x111: {  	[tilespmem:s2+$0x2E90] =	vst v40;
	v54 =	vor.u32 v26, v44;
	v44 =	vshll.u32 v59, $0x9;
	v40 =	vld.idx.msk [tilespmem:v57+s4+$0x0], $0xffff;
	v57 =	vlaneseq.u32  }
0x112: {  	[tilespmem:s2+$0x2EB0] =	vst v42;
	v42 =	vld.idx.msk [tilespmem:v58+s4+$0x0], $0xffff;
	v57 =	vor.u32 v57, v44  }
0x113: {  	v58 =	vld [tilespmem:$0x1FE80]  }
0x114: {  	v51 =	vld.idx.msk [tilespmem:v51+s4+$0x0], $0xffff  }
0x115: {  	[tilespmem:s2+$0x2EA0] =	vst v35;
	v35 =	vld.idx.msk [tilespmem:v56+s4+$0x0], $0xffff  }
0x116: {  	v56 =	vld [tilespmem:$0x1FE70]  }
0x117: {  	[tilespmem:s2+$0x2EE0] =	vst v45;
	v45 =	vld.idx.msk [tilespmem:v57+s4+$0x0], $0xffff;
	v57 =	vor.u32 v62, v44  }
0x118: {  	v11 =	vld.idx.msk [tilespmem:v11+s4+$0x0], $0xffff;
	v58 =	vor.u32 v58, v44  }
0x119: {  	v38 =	vld.idx.msk [tilespmem:v38+s4+$0x0], $0xffff  }
0x11a: {  	v60 =	vld [tilespmem:$0x1FE90]  }
0x11b: {  	[tilespmem:s2+$0x2EC0] =	vst v43;
	v43 =	vld.idx.msk [tilespmem:v54+s4+$0x0], $0xffff;
	v56 =	vor.u32 v56, v44  }
0x11c: {  	[tilespmem:s2+$0x2330] =	vst v50;
	v50 =	vld.idx.msk [tilespmem:v57+s4+$0x0], $0xffff;
	v57 =	vor.u32 v17, v44  }
0x11d: {  	[tilespmem:s2+$0x2300] =	vst v47;
	v47 =	vld.idx.msk [tilespmem:v58+s4+$0x0], $0xffff  }
0x11e: {  	v58 =	vld [tilespmem:$0x1FED0]  }
0x11f: {  	v59 =	vld [tilespmem:$0x1FEE0];
	v54 =	vor.u32 v60, v44  }
0x120: {  	[tilespmem:s2+$0x2EF0] =	vst v41;
	v41 =	vld.idx.msk [tilespmem:v56+s4+$0x0], $0xffff  }
0x121: {  	[tilespmem:s2+$0x2700] =	vst v55;
	v56 =	vor.u32 v63, v44;
	v55 =	vld.idx.msk [tilespmem:v57+s4+$0x0], $0xffff  }
0x122: {  	[tilespmem:s2+$0x2370] =	vst v49;
	v49 =	vor.u32 v21, v44;
	v57 =	vld [tilespmem:$0x1FFB0]  }
0x123: {  	v19 =	vld [tilespmem:$0x1FF20];
	v58 =	vor.u32 v58, v44  }
0x124: {  	[tilespmem:s2+$0x2310] =	vst v48;
	v48 =	vld.idx.msk [tilespmem:v54+s4+$0x0], $0xffff;
	v54 =	vor.u32 v59, v44;
	_ =	sdelay $0x1  }
0x125: {  	[tilespmem:s2+$0x2340] =	vst v46;
	v46 =	vld.idx.msk [tilespmem:v56+s4+$0x0], $0xffff;
	v56 =	vor.u32 v18, v44  }
0x126: {  	[tilespmem:s2+$0x2740] =	vst v1;
	v1 =	vld.idx.msk [tilespmem:v49+s4+$0x0], $0xffff;
	v57 =	vor.u32 v57, v44  }
0x127: {  	[tilespmem:s2+$0x2350] =	vst v52;
	v52 =	vld.idx.msk [tilespmem:v58+s4+$0x0], $0xffff;
	v58 =	vor.u32 v19, v44  }
0x128: {  	[tilespmem:s2+$0x2360] =	vst v53;
	v53 =	vld.idx.msk [tilespmem:v54+s4+$0x0], $0xffff  }
0x129: {  	[tilespmem:s2+$0x2ED0] =	vst v39;
	v19 =	vld [tilespmem:$0x1FFE0]  }
0x12a: {  	[tilespmem:s2+$0x2710] =	vst v51;
	v54 =	vor.u32 v20, v44;
	v51 =	vld.idx.msk [tilespmem:v56+s4+$0x0], $0xffff  }
0x12b: {  	[tilespmem:s2+$0x2750] =	vst v2;
	v2 =	vld.idx.msk [tilespmem:v57+s4+$0x0], $0xffff;
	v57 =	vor.u32 v27, v44  }
0x12c: {  	v39 =	vor.u32 v61, v44;
	[tilespmem:s2+$0x2720] =	vst v0;
	v0 =	vld.idx.msk [tilespmem:v58+s4+$0x0], $0xffff  }
0x12d: {  	[tilespmem:s2+$0x2B40] =	vst v9;
	v9 =	vor.u32 v13, v44;
	v58 =	vld [tilespmem:$0x1FFD0]  }
0x12e: {  	v56 =	vor.u32 v23, v44;
	v49 =	vor.u32 v19, v44;
	v19 =	vld [tilespmem:$0x1FFF0]  }
0x12f: {  	[tilespmem:s2+$0x2730] =	vst v32;
	v32 =	vld.idx.msk [tilespmem:v54+s4+$0x0], $0xffff;
	v54 =	vor.u32 v25, v44  }
0x130: {  	s1 =	sadd.s32 s31, s29;
	[tilespmem:s2+$0x2B20] =	vst v7;
	v7 =	vld.idx.msk [tilespmem:v57+s4+$0x0], $0xffff;
	v57 =	vor.u32 v31, v44  }
0x131: {  	[tilespmem:s2+$0x2320] =	vst v12;
	v12 =	vld.idx.msk [tilespmem:v39+s4+$0x0], $0xffff;
	v59 =	vmov s1  }
0x132: {  	[tilespmem:s2+$0x2760] =	vst v3;
	v59 =	vand.u32 $0xFFFFFFFE, v59;
	v9 =	vld.idx.msk [tilespmem:v9+s4+$0x0], $0xffff;
	v58 =	vor.u32 v58, v44  }
0x133: {  	[tilespmem:s2+$0x2770] =	vst v4;
	v59 =	vbroadcast v59, $0x0;
	v3 =	vld.idx.msk [tilespmem:v56+s4+$0x0], $0xffff;
	v56 =	vor.u32 v19, v44  }
0x134: {  	[tilespmem:s2+$0x2B00] =	vst v5;
	v5 =	vld.idx.msk [tilespmem:v54+s4+$0x0], $0xffff  }
0x135: {  	[tilespmem:s2+$0x2B70] =	vst v34;
	v34 =	vld.idx.msk [tilespmem:v57+s4+$0x0], $0xffff;
	v57 =	vor.u32 v24, v44  }
0x136: {  	[tilespmem:s2+$0x2B10] =	vst v6;
	v6 =	vld.idx.msk [tilespmem:v49+s4+$0x0], $0xffff  }
0x137: {  	[tilespmem:s2+$0x2F10] =	vst v37;
	v37 =	vor.u32 v28, v44;
	v4 =	vld.idx.msk [tilespmem:v58+s4+$0x0], $0xffff  }
0x138: {  	[tilespmem:s2+$0x2B30] =	vst v8;
	v54 =	vor.u32 v29, v44;
	v8 =	vld.idx.msk [tilespmem:v56+s4+$0x0], $0xffff  }
0x139: {  	v49 =	vor.u32 v30, v44;
	v58 =	vld.idx.msk [tilespmem:v59+s9+$0x0], $0xffff  }
0x13a: {  	[tilespmem:s2+$0x2F40] =	vst v35;
	v56 =	vor.u32 v14, v44;
	v35 =	vld.idx.msk [tilespmem:v57+s4+$0x0], $0xffff  }
0x13b: {  	v39 =	vor.u32 v16, v44;
	v57 =	vld [tilespmem:$0x1FE80]  }
0x13c: {  	v37 =	vld.idx.msk [tilespmem:v37+s4+$0x0], $0xffff  }
0x13d: {  	[tilespmem:s2+$0x2B50] =	vst v10;
	v10 =	vld.idx.msk [tilespmem:v54+s4+$0x0], $0xffff;
	v54 =	vor.u32 v15, v44  }
0x13e: {  	[tilespmem:s2+$0x2B60] =	vst v33;
	v33 =	vld.idx.msk [tilespmem:v49+s4+$0x0], $0xffff;
	v49 =	vor.u32 v22, v44  }
0x13f: {  	[tilespmem:s2+$0x2F00] =	vst v36;
	v36 =	vld.idx.msk [tilespmem:v56+s4+$0x0], $0xffff;
	v56 =	vor.u32 v26, v44;
	v44 =	vshll.u32 v58, $0x9  }
0x140: {  	v39 =	vld.idx.msk [tilespmem:v39+s4+$0x0], $0xffff;
	v57 =	vor.u32 v57, v44  }
0x141: {  	v59 =	vld [tilespmem:$0x1FE70]  }
0x142: {  	[tilespmem:s2+$0x2F20] =	vst v11;
	v11 =	vld.idx.msk [tilespmem:v54+s4+$0x0], $0xffff  }
0x143: {  	[tilespmem:s2+$0x2F30] =	vst v40;
	v40 =	vld.idx.msk [tilespmem:v49+s4+$0x0], $0xffff;
	v58 =	vlaneseq.u32  }
0x144: {  	[tilespmem:s2+$0x2F50] =	vst v42;
	v54 =	vor.u32 v58, v44;
	v42 =	vld.idx.msk [tilespmem:v56+s4+$0x0], $0xffff  }
0x145: {  	[tilespmem:s2+$0x2390] =	vst v41;
	v41 =	vld.idx.msk [tilespmem:v57+s4+$0x0], $0xffff  }
0x146: {  	v49 =	vor.u32 v59, v44;
	v57 =	vld [tilespmem:$0x1FED0]  }
0x147: {  	v56 =	vor.u32 v60, v44  }
0x148: {  	[tilespmem:s2+$0x2F60] =	vst v43  }
0x149: {  	[tilespmem:s2+$0x2F70] =	vst v38;
	v38 =	vld.idx.msk [tilespmem:v54+s4+$0x0], $0xffff;
	v54 =	vor.u32 v62, v44  }
0x14a: {  	v19 =	vld [tilespmem:$0x1FF20];
	v43 =	vor.u32 v61, v44;
	[tilespmem:s2+$0x2380] =	vst v45  }
0x14b: {  	[tilespmem:s2+$0x23A0] =	vst v47;
	v45 =	vld.idx.msk [tilespmem:v49+s4+$0x0], $0xffff;
	v57 =	vor.u32 v57, v44  }
0x14c: {  	[tilespmem:s2+$0x2780] =	vst v53;
	v53 =	vor.u32 v21, v44;
	v47 =	vld.idx.msk [tilespmem:v56+s4+$0x0], $0xffff  }
0x14d: {  	v56 =	vld [tilespmem:$0x1FEE0]  }
0x14e: {  	[tilespmem:s2+$0x23C0] =	vst v12;
	v12 =	vld.idx.msk [tilespmem:v54+s4+$0x0], $0xffff;
	v54 =	vor.u32 v17, v44  }
0x14f: {  	v43 =	vld.idx.msk [tilespmem:v43+s4+$0x0], $0xffff  }
0x150: {  	[tilespmem:s2+$0x23E0] =	vst v46;
	v46 =	vld.idx.msk [tilespmem:v57+s4+$0x0], $0xffff;
	v57 =	vor.u32 v19, v44  }
0x151: {  	[tilespmem:s2+$0x27D0] =	vst v32;
	v32 =	vld.idx.msk [tilespmem:v53+s4+$0x0], $0xffff  }
0x152: {  	[tilespmem:s2+$0x23B0] =	vst v48;
	v19 =	vld [tilespmem:$0x1FFE0]  }
0x153: {  	[tilespmem:s2+$0x2790] =	vst v39;
	v56 =	vor.u32 v56, v44;
	v39 =	vld.idx.msk [tilespmem:v54+s4+$0x0], $0xffff  }
0x154: {  	v48 =	vor.u32 v16, v44;
	[tilespmem:s2+$0x23D0] =	vst v50;
	v54 =	vld [tilespmem:$0x1FFB0]  }
0x155: {  	v50 =	vor.u32 v18, v44;
	[tilespmem:s2+$0x27B0] =	vst v51;
	v51 =	vld.idx.msk [tilespmem:v57+s4+$0x0], $0xffff  }
0x156: {  	[tilespmem:s2+$0x27A0] =	vst v55;
	v55 =	vor.u32 v23, v44;
	v57 =	vld [tilespmem:$0x1FFD0]  }
0x157: {  	[tilespmem:s2+$0x2BD0] =	vst v8;
	v8 =	vor.u32 v13, v44;
	v53 =	vor.u32 v19, v44;
	v19 =	vld [tilespmem:$0x1FFF0]  }
0x158: {  	[tilespmem:s2+$0x23F0] =	vst v52;
	v52 =	vld.idx.msk [tilespmem:v56+s4+$0x0], $0xffff;
	v56 =	vor.u32 v20, v44  }
0x159: {  	v48 =	vld.idx.msk [tilespmem:v48+s4+$0x0], $0xffff;
	v54 =	vor.u32 v54, v44  }
0x15a: {  	[tilespmem:s2+$0x2FA0] =	vst v9;
	v9 =	vor.u32 v28, v44;
	v50 =	vld.idx.msk [tilespmem:v50+s4+$0x0], $0xffff  }
0x15b: {  	[tilespmem:s2+$0x27F0] =	vst v2;
	v2 =	vld.idx.msk [tilespmem:v55+s4+$0x0], $0xffff;
	v57 =	vor.u32 v57, v44  }
0x15c: {  	v8 =	vld.idx.msk [tilespmem:v8+s4+$0x0], $0xffff;
	v55 =	vor.u32 v19, v44  }
0x15d: {  	[tilespmem:s2+$0x27C0] =	vst v0;
	v0 =	vld.idx.msk [tilespmem:v56+s4+$0x0], $0xffff;
	v56 =	vor.u32 v25, v44  }
0x15e: {  	[tilespmem:s2+$0x27E0] =	vst v1;
	v1 =	vld.idx.msk [tilespmem:v54+s4+$0x0], $0xffff;
	v54 =	vor.u32 v27, v44  }
0x15f: {  	s1 =	sadd.s32 s31, s30;
	v9 =	vld.idx.msk [tilespmem:v9+s4+$0x0], $0xffff  }
0x160: {  	[tilespmem:s2+$0x2B80] =	vst v3;
	v3 =	vld.idx.msk [tilespmem:v57+s4+$0x0], $0xffff;
	v57 =	vmov s1  }
0x161: {  	[tilespmem:s2+$0x2BC0] =	vst v7;
	v7 =	vld.idx.msk [tilespmem:v55+s4+$0x0], $0xffff;
	v55 =	vor.u32 v14, v44  }
0x162: {  	[tilespmem:s2+$0x2B90] =	vst v4;
	v4 =	vld.idx.msk [tilespmem:v56+s4+$0x0], $0xffff;
	v56 =	vor.u32 v29, v44  }
0x163: {  	[tilespmem:s2+$0x2BB0] =	vst v6;
	v6 =	vld.idx.msk [tilespmem:v54+s4+$0x0], $0xffff;
	v54 =	vor.u32 v31, v44  }
0x164: {  	[tilespmem:s2+$0x2BA0] =	vst v5;
	v5 =	vld.idx.msk [tilespmem:v53+s4+$0x0], $0xffff;
	v53 =	vor.u32 v30, v44  }
0x165: {  	v57 =	vld.idx.msk [tilespmem:v57+s9+$0x0], $0xffff  }
0x166: {  	[tilespmem:s2+$0x2F90] =	vst v36;
	v36 =	vld.idx.msk [tilespmem:v55+s4+$0x0], $0xffff;
	v55 =	vor.u32 v26, v44  }
0x167: {  	[tilespmem:s2+$0x2BE0] =	vst v10;
	v49 =	vor.u32 v63, v44;
	v10 =	vld.idx.msk [tilespmem:v56+s4+$0x0], $0xffff  }
0x168: {  	[tilespmem:s2+$0x2F80] =	vst v34;
	v56 =	vor.u32 v15, v44;
	v34 =	vld.idx.msk [tilespmem:v54+s4+$0x0], $0xffff  }
0x169: {  	[tilespmem:s2+$0x2BF0] =	vst v33;
	v33 =	vld.idx.msk [tilespmem:v53+s4+$0x0], $0xffff;
	v53 =	vor.u32 v22, v44  }
0x16a: {  	v54 =	vor.u32 v24, v44;
	v44 =	vshll.u32 v57, $0x9;
	v57 =	vld [tilespmem:$0x1FE80]  }
0x16b: {  	[tilespmem:s2+$0x2FE0] =	vst v42;
	v42 =	vld.idx.msk [tilespmem:v55+s4+$0x0], $0xffff;
	v55 =	vor.u32 v60, v44  }
0x16c: {  	v49 =	vld.idx.msk [tilespmem:v49+s4+$0x0], $0xffff  }
0x16d: {  	[tilespmem:s2+$0x2FB0] =	vst v11;
	v11 =	vld.idx.msk [tilespmem:v56+s4+$0x0], $0xffff;
	v56 =	vor.u32 v58, v44  }
0x16e: {  	[tilespmem:s2+$0x2FC0] =	vst v40;
	v40 =	vld.idx.msk [tilespmem:v53+s4+$0x0], $0xffff;
	v53 =	vor.u32 v59, v44  }
0x16f: {  	[tilespmem:s2+$0x2FD0] =	vst v35;
	v35 =	vld.idx.msk [tilespmem:v54+s4+$0x0], $0xffff;
	v54 =	vor.u32 v57, v44  }
0x170: {  	[tilespmem:s2+$0x2430] =	vst v47;
	v47 =	vld.idx.msk [tilespmem:v55+s4+$0x0], $0xffff  }
0x171: {  	v55 =	vld [tilespmem:$0x1FEE0]  }
0x172: {  	[tilespmem:s2+$0x2400] =	vst v38;
	v38 =	vld.idx.msk [tilespmem:v56+s4+$0x0], $0xffff;
	v56 =	vor.u32 v62, v44  }
0x173: {  	[tilespmem:s2+$0x2410] =	vst v45;
	v45 =	vld.idx.msk [tilespmem:v53+s4+$0x0], $0xffff;
	v53 =	vor.u32 v63, v44  }
0x174: {  	[tilespmem:s2+$0x2420] =	vst v41;
	v41 =	vld.idx.msk [tilespmem:v54+s4+$0x0], $0xffff  }
0x175: {  	v54 =	vld [tilespmem:$0x1FED0]  }
0x176: {  	[tilespmem:s2+$0x2810] =	vst v48;
	v48 =	vor.u32 v21, v44;
	v21 =	vld [tilespmem:$0x1FFB0];
	v55 =	vor.u32 v55, v44  }
0x177: {  	[tilespmem:s2+$0x2450] =	vst v12;
	v12 =	vld.idx.msk [tilespmem:v56+s4+$0x0], $0xffff;
	v56 =	vor.u32 v17, v44  }
0x178: {  	[tilespmem:s2+$0x2460] =	vst v49;
	v49 =	vld.idx.msk [tilespmem:v53+s4+$0x0], $0xffff;
	v53 =	vor.u32 v18, v44;
	_ =	sdelay $0x1  }
0x179: {  	[tilespmem:s2+$0x2FF0] =	vst v37;
	v19 =	vld [tilespmem:$0x1FF20];
	v54 =	vor.u32 v54, v44  }
0x17a: {  	[tilespmem:s2+$0x2800] =	vst v52;
	v52 =	vld.idx.msk [tilespmem:v55+s4+$0x0], $0xffff;
	v55 =	vor.u32 v20, v44  }
0x17b: {  	[tilespmem:s2+$0x2820] =	vst v39;
	v39 =	vld.idx.msk [tilespmem:v56+s4+$0x0], $0xffff  }
0x17c: {  	[tilespmem:s2+$0x2830] =	vst v50;
	v56 =	vor.u32 v21, v44;
	v50 =	vld.idx.msk [tilespmem:v53+s4+$0x0], $0xffff  }
0x17d: {  	[tilespmem:s2+$0x2440] =	vst v43;
	v53 =	vor.u32 v23, v44;
	v23 =	vld [tilespmem:$0x1FFD0]  }
0x17e: {  	[tilespmem:s2+$0x2470] =	vst v46;
	v37 =	vor.u32 v61, v44;
	v46 =	vld.idx.msk [tilespmem:v54+s4+$0x0], $0xffff  }
0x17f: {  	[tilespmem:s2+$0x2850] =	vst v0;
	v43 =	vor.u32 v16, v44;
	v0 =	vld.idx.msk [tilespmem:v55+s4+$0x0], $0xffff  }
0x180: {  	v54 =	vor.u32 v19, v44;
	v55 =	vor.u32 v25, v44;
	v25 =	vld [tilespmem:$0x1FFE0]  }
0x181: {  	[tilespmem:s2+$0x2870] =	vst v1;
	v1 =	vld.idx.msk [tilespmem:v56+s4+$0x0], $0xffff  }
0x182: {  	v56 =	vor.u32 v27, v44;
	v27 =	vld [tilespmem:$0x1FFF0]  }
0x183: {  	v37 =	vld.idx.msk [tilespmem:v37+s4+$0x0], $0xffff  }
0x184: {  	[tilespmem:s2+$0x2840] =	vst v51;
	v43 =	vld.idx.msk [tilespmem:v43+s4+$0x0], $0xffff  }
0x185: {  	[tilespmem:s2+$0x2860] =	vst v32;
	v51 =	vld.idx.msk [tilespmem:v54+s4+$0x0], $0xffff;
	v54 =	vor.u32 v23, v44  }
0x186: {  	[tilespmem:s2+$0x2C00] =	vst v2;
	v32 =	vld.idx.msk [tilespmem:v48+s4+$0x0], $0xffff;
	v48 =	vor.u32 v25, v44  }
0x187: {  	[tilespmem:s2+$0x2C10] =	vst v3;
	v2 =	vld.idx.msk [tilespmem:v53+s4+$0x0], $0xffff;
	v53 =	vor.u32 v27, v44  }
0x188: {  	[tilespmem:s2+$0x2C20] =	vst v4;
	v4 =	vld.idx.msk [tilespmem:v55+s4+$0x0], $0xffff;
	v55 =	vor.u32 v30, v44  }
0x189: {  	[tilespmem:s2+$0x2C40] =	vst v6;
	v6 =	vld.idx.msk [tilespmem:v56+s4+$0x0], $0xffff;
	v56 =	vor.u32 v14, v44  }
0x18a: {  	[tilespmem:s2+$0x2C30] =	vst v5;
	v3 =	vld.idx.msk [tilespmem:v54+s4+$0x0], $0xffff;
	v54 =	vor.u32 v29, v44  }
0x18b: {  	[tilespmem:s2+$0x2C50] =	vst v7;
	v5 =	vld.idx.msk [tilespmem:v48+s4+$0x0], $0xffff;
	v48 =	vor.u32 v31, v44  }
0x18c: {  	[tilespmem:s2+$0x2C60] =	vst v10;
	v7 =	vld.idx.msk [tilespmem:v53+s4+$0x0], $0xffff;
	v53 =	vor.u32 v13, v44  }
0x18d: {  	[tilespmem:s2+$0x2C70] =	vst v33;
	v33 =	vld.idx.msk [tilespmem:v55+s4+$0x0], $0xffff;
	v55 =	vor.u32 v22, v44  }
0x18e: {  	[tilespmem:s2+$0x3010] =	vst v36;
	v36 =	vld.idx.msk [tilespmem:v56+s4+$0x0], $0xffff;
	v56 =	vor.u32 v26, v44  }
0x18f: {  	[tilespmem:s2+$0x3000] =	vst v34;
	v10 =	vld.idx.msk [tilespmem:v54+s4+$0x0], $0xffff;
	v54 =	vor.u32 v15, v44  }
0x190: {  	[tilespmem:s2+$0x3020] =	vst v8;
	v34 =	vld.idx.msk [tilespmem:v48+s4+$0x0], $0xffff;
	v48 =	vor.u32 v24, v44  }
0x191: {  	[tilespmem:s2+$0x3030] =	vst v11;
	v8 =	vld.idx.msk [tilespmem:v53+s4+$0x0], $0xffff;
	v44 =	vor.u32 v28, v44  }
0x192: {  	[tilespmem:s2+$0x3040] =	vst v40;
	v40 =	vld.idx.msk [tilespmem:v55+s4+$0x0], $0xffff  }
0x193: {  	[tilespmem:s2+$0x3050] =	vst v35;
	v53 =	vld.idx.msk [tilespmem:v56+s4+$0x0], $0xffff  }
0x194: {  	[tilespmem:s2+$0x3070] =	vst v9;
	v11 =	vld.idx.msk [tilespmem:v54+s4+$0x0], $0xffff  }
0x195: {  	[tilespmem:s2+$0x3060] =	vst v42;
	v48 =	vld.idx.msk [tilespmem:v48+s4+$0x0], $0xffff  }
0x196: {  	v9 =	vld.idx.msk [tilespmem:v44+s4+$0x0], $0xffff;
	[tilespmem:s2+$0x2480] =	vst v38  }
0x197: {  	[tilespmem:s2+$0x2490] =	vst v45  }
0x198: {  	[tilespmem:s2+$0x24A0] =	vst v41  }
0x199: {  	[tilespmem:s2+$0x24B0] =	vst v47  }
0x19a: {  	[tilespmem:s2+$0x24C0] =	vst v37  }
0x19b: {  	[tilespmem:s2+$0x24D0] =	vst v12  }
0x19c: {  	[tilespmem:s2+$0x24E0] =	vst v49  }
0x19d: {  	[tilespmem:s2+$0x24F0] =	vst v46  }
0x19e: {  	[tilespmem:s2+$0x2880] =	vst v52  }
0x19f: {  	[tilespmem:s2+$0x2890] =	vst v43  }
0x1a0: {  	[tilespmem:s2+$0x28A0] =	vst v39  }
0x1a1: {  	[tilespmem:s2+$0x28B0] =	vst v50  }
0x1a2: {  	[tilespmem:s2+$0x28C0] =	vst v51  }
0x1a3: {  	[tilespmem:s2+$0x28D0] =	vst v0  }
0x1a4: {  	[tilespmem:s2+$0x28E0] =	vst v32  }
0x1a5: {  	[tilespmem:s2+$0x28F0] =	vst v1  }
0x1a6: {  	[tilespmem:s2+$0x2C80] =	vst v2  }
0x1a7: {  	[tilespmem:s2+$0x2C90] =	vst v3  }
0x1a8: {  	[tilespmem:s2+$0x2CA0] =	vst v4  }
0x1a9: {  	[tilespmem:s2+$0x2CB0] =	vst v5  }
0x1aa: {  	[tilespmem:s2+$0x2CC0] =	vst v6  }
0x1ab: {  	[tilespmem:s2+$0x2CD0] =	vst v7  }
0x1ac: {  	[tilespmem:s2+$0x2CE0] =	vst v10  }
0x1ad: {  	[tilespmem:s2+$0x2CF0] =	vst v33  }
0x1ae: {  	[tilespmem:s2+$0x3080] =	vst v34  }
0x1af: {  	[tilespmem:s2+$0x3090] =	vst v36  }
0x1b0: {  	p1 =	slt.u32 s31, $0x20;
	[tilespmem:s2+$0x30A0] =	vst v8  }
.Ltmp0:
0x1b1: {  	[tilespmem:s2+$0x30C0] =	vst v40;
	(pc) =	sbr.rel @p1 .LBB2_3-.Ltmp0, $4  }
0x1b2: {  	[tilespmem:s2+$0x30E0] =	vst v53  }
0x1b3: {  	v24 =	vld [tilespmem:$0x1FF20];
	[tilespmem:s2+$0x30B0] =	vst v11  }
0x1b4: {  	v19 =	vmov v26;
	v29 =	vmov v30;
	v31 =	vmov v14;
	v11 =	vld [tilespmem:$0x1FEE0];
	[tilespmem:s2+$0x30D0] =	vst v48  }
0x1b5: {  	s31 =	sadd.s32 $0x8, s31;
	v13 =	vmovc v18;
	v15 =	vmovc v22;
	v56 =	vmov v20;
	v12 =	vmov v17;
	v10 =	vmov v16;
	[tilespmem:s2+$0x30F0] =	vst v9;
	v9 =	vld [tilespmem:$0x1FED0]  }
0x1b6: {  	s0 =	sadd.s32 s5, s22  }
0x1b7: {  	s0 =	sshll.u32 s0, $0x6  }
0x1b8: {  	s23 =	sadd.s32 $0x28, s22;
	s0 =	sadd.s32 s3, s0  }
0x1b9: {  	[hbm4b:s0+s4] =	stream.linear.scatter [tilespmem:s10], [sflag:$0x1], $0x5000, $0x38;
	[tilespmem:$0x1B100] =	vst v63  }
0x1ba: {  	s24 =	sadd.s32 $0x29, s22;
	s25 =	sadd.s32 $0x2A, s22;
	s0 =	simm.s32 @!p0 $0x2  }
0x1bb: {  	s26 =	sadd.s32 $0x2B, s22;
	s28 =	sadd.s32 $0x2C, s22;
	_ =	swait.ge @!p0 [sflag:s0], $0x5000  }
0x1bc: {  	s29 =	sadd.s32 $0x2D, s22;
	s30 =	sadd.s32 $0x2E, s22;
	[sflag:s0] =	ssyncset.done @!p0 $0x0  }
0x1bd: {  	s31 =	sadd.s32 $0x2F, s22;
	s2 =	simm.s32 $0x0;
	v52 =	vld [tilespmem:$0x1FE60];
	[sflag:s0] =	ssyncadd.s32 @!p0 $0xFFFFB000  }
.LBB2_5:
0x1be: {  	s0 =	sadd.s32 s23, s2  }
0x1bf: {  	s1 =	sadd.s32 s2, s24;
	v0 =	vmov s0  }
0x1c0: {  	v40 =	vmov s1;
	v0 =	vand.u32 $0xFFFFFFF8, v0  }
0x1c1: {  	v40 =	vand.u32 $0xFFFFFFF9, v40;
	v0 =	vbroadcast v0, $0x0  }
0x1c2: {  	v40 =	vbroadcast v40, $0x0;
	_ =	sdelay $0x2  }
0x1c3: {  	v21 =	vld [tilespmem:$0x1FF40]  }
0x1c4: {  	v23 =	vld [tilespmem:$0x1FF50]  }
0x1c5: {  	v0 =	vld.idx.msk [tilespmem:v0+s9+$0x0], $0xffff  }
0x1c6: {  	v40 =	vld.idx.msk [tilespmem:v40+s9+$0x0], $0xffff  }
0x1c7: {  	v25 =	vld [tilespmem:$0x1FF60]  }
0x1c8: {  	v27 =	vld [tilespmem:$0x1FF70]  }
0x1c9: {  	v29 =	vld [tilespmem:$0x1FF80]  }
0x1ca: {  	v31 =	vld [tilespmem:$0x1FF90]  }
0x1cb: {  	v15 =	vld [tilespmem:$0x1FFA0];
	v0 =	vshll.u32 v0, $0x9;
	v40 =	vshll.u32 v40, $0x9  }
0x1cc: {  	v19 =	vld [tilespmem:$0x1FF20];
	v1 =	vor.u32 v58, v0;
	v2 =	vor.u32 v59, v0;
	v8 =	vor.u32 v9, v0  }
0x1cd: {  	v9 =	vor.u32 v11, v0;
	v11 =	vor.u32 v12, v0;
	v12 =	vor.u32 v13, v0;
	v13 =	vld [tilespmem:$0x1FFB0]  }
0x1ce: {  	v3 =	vor.u32 v57, v0;
	v4 =	vor.u32 v60, v0;
	v32 =	vor.u32 v24, v0;
	v24 =	vld [tilespmem:$0x1FFC0]  }
0x1cf: {  	v6 =	vor.u32 v62, v0;
	v54 =	vor.u32 v57, v40;
	v57 =	vor.u32 v62, v40;
	v62 =	vld [tilespmem:$0x1FED0]  }
0x1d0: {  	v5 =	vor.u32 v61, v0;
	v55 =	vor.u32 v60, v40;
	v60 =	vld [tilespmem:$0x1FEE0]  }
0x1d1: {  	v1 =	vld.idx.msk [tilespmem:v1+s4+$0x0], $0xffff  }
0x1d2: {  	v7 =	vor.u32 v63, v0;
	v2 =	vld.idx.msk [tilespmem:v2+s4+$0x0], $0xffff  }
0x1d3: {  	v3 =	vld.idx.msk [tilespmem:v3+s4+$0x0], $0xffff  }
0x1d4: {  	v4 =	vld.idx.msk [tilespmem:v4+s4+$0x0], $0xffff  }
0x1d5: {  	v10 =	vor.u32 v16, v0;
	v5 =	vld.idx.msk [tilespmem:v5+s4+$0x0], $0xffff  }
0x1d6: {  	v6 =	vld.idx.msk [tilespmem:v6+s4+$0x0], $0xffff  }
0x1d7: {  	v7 =	vld.idx.msk [tilespmem:v7+s4+$0x0], $0xffff  }
0x1d8: {  	v8 =	vld.idx.msk [tilespmem:v8+s4+$0x0], $0xffff  }
0x1d9: {  	v9 =	vld.idx.msk [tilespmem:v9+s4+$0x0], $0xffff  }
0x1da: {  	v33 =	vor.u32 v56, v0;
	v10 =	vld.idx.msk [tilespmem:v10+s4+$0x0], $0xffff  }
0x1db: {  	v34 =	vor.u32 v21, v0;
	v11 =	vld.idx.msk [tilespmem:v11+s4+$0x0], $0xffff  }
0x1dc: {  	v36 =	vor.u32 v23, v0;
	v12 =	vld.idx.msk [tilespmem:v12+s4+$0x0], $0xffff  }
0x1dd: {  	v38 =	vor.u32 v25, v0;
	v32 =	vld.idx.msk [tilespmem:v32+s4+$0x0], $0xffff  }
0x1de: {  	v41 =	vor.u32 v27, v0;
	v35 =	vor.u32 v13, v0;
	v13 =	vld [tilespmem:$0x1FFD0]  }
0x1df: {  	v43 =	vor.u32 v29, v0;
	v33 =	vld.idx.msk [tilespmem:v33+s4+$0x0], $0xffff  }
0x1e0: {  	v34 =	vld.idx.msk [tilespmem:v34+s4+$0x0], $0xffff  }
0x1e1: {  	v44 =	vor.u32 v30, v0;
	v36 =	vld.idx.msk [tilespmem:v36+s4+$0x0], $0xffff  }
0x1e2: {  	v45 =	vor.u32 v31, v0;
	v38 =	vld.idx.msk [tilespmem:v38+s4+$0x0], $0xffff  }
0x1e3: {  	v46 =	vor.u32 v14, v0;
	v41 =	vld.idx.msk [tilespmem:v41+s4+$0x0], $0xffff  }
0x1e4: {  	v48 =	vor.u32 v15, v0;
	v43 =	vld.idx.msk [tilespmem:v43+s4+$0x0], $0xffff  }
0x1e5: {  	v37 =	vor.u32 v13, v0;
	v13 =	vld [tilespmem:$0x1FFE0]  }
0x1e6: {  	v49 =	vor.u32 v22, v0;
	v44 =	vld.idx.msk [tilespmem:v44+s4+$0x0], $0xffff  }
0x1e7: {  	v51 =	vor.u32 v26, v0;
	v45 =	vld.idx.msk [tilespmem:v45+s4+$0x0], $0xffff  }
0x1e8: {  	v53 =	vor.u32 v59, v40;
	v46 =	vld.idx.msk [tilespmem:v46+s4+$0x0], $0xffff  }
0x1e9: {  	v48 =	vld.idx.msk [tilespmem:v48+s4+$0x0], $0xffff  }
0x1ea: {  	v39 =	vor.u32 v13, v0;
	v13 =	vld [tilespmem:$0x1FFF0]  }
0x1eb: {  	v49 =	vld.idx.msk [tilespmem:v49+s4+$0x0], $0xffff  }
0x1ec: {  	v56 =	vor.u32 v61, v40;
	v51 =	vld.idx.msk [tilespmem:v51+s4+$0x0], $0xffff  }
0x1ed: {  	v53 =	vld.idx.msk [tilespmem:v53+s4+$0x0], $0xffff  }
0x1ee: {  	v54 =	vld.idx.msk [tilespmem:v54+s4+$0x0], $0xffff  }
0x1ef: {  	v50 =	vor.u32 v24, v0;
	v42 =	vor.u32 v13, v0;
	v13 =	vld [tilespmem:$0x1FF30]  }
0x1f0: {  	v55 =	vld.idx.msk [tilespmem:v55+s4+$0x0], $0xffff  }
0x1f1: {  	v56 =	vld.idx.msk [tilespmem:v56+s4+$0x0], $0xffff  }
0x1f2: {  	v57 =	vld.idx.msk [tilespmem:v57+s4+$0x0], $0xffff  }
0x1f3: {  	v35 =	vld.idx.msk [tilespmem:v35+s4+$0x0], $0xffff  }
0x1f4: {  	v50 =	vld.idx.msk [tilespmem:v50+s4+$0x0], $0xffff;
	v47 =	vor.u32 v13, v0  }
0x1f5: {  	v37 =	vld.idx.msk [tilespmem:v37+s4+$0x0], $0xffff;
	v0 =	vor.u32 v52, v0  }
0x1f6: {  	v39 =	vld.idx.msk [tilespmem:v39+s4+$0x0], $0xffff;
	v52 =	vor.u32 v58, v40  }
0x1f7: {  	v42 =	vld.idx.msk [tilespmem:v42+s4+$0x0], $0xffff;
	v58 =	vor.u32 v63, v40  }
0x1f8: {  	v59 =	vor.u32 v62, v40;
	v63 =	vld [tilespmem:$0x1FFD0]  }
0x1f9: {  	v61 =	vor.u32 v16, v40;
	v47 =	vld.idx.msk [tilespmem:v47+s4+$0x0], $0xffff  }
0x1fa: {  	s1 =	sshll.u32 s2, $0x9;
	v62 =	vor.u32 v17, v40;
	v0 =	vld.idx.msk [tilespmem:v0+s4+$0x0], $0xffff  }
0x1fb: {  	s0 =	sand.u32 $0x3FFFFE00, s1;
	v52 =	vld.idx.msk [tilespmem:v52+s4+$0x0], $0xffff  }
0x1fc: {  	[tilespmem:s0+$0x7100] =	vst v1;
	v1 =	vld.idx.msk [tilespmem:v58+s4+$0x0], $0xffff  }
0x1fd: {  	v60 =	vor.u32 v60, v40;
	[tilespmem:s0+$0x7110] =	vst v2;
	v2 =	vld.idx.msk [tilespmem:v59+s4+$0x0], $0xffff  }
0x1fe: {  	[tilespmem:s0+$0x7130] =	vst v4;
	v4 =	vld.idx.msk [tilespmem:v61+s4+$0x0], $0xffff  }
0x1ff: {  	v58 =	vor.u32 v18, v40;
	[tilespmem:s0+$0x7140] =	vst v5;
	v5 =	vld.idx.msk [tilespmem:v62+s4+$0x0], $0xffff  }
0x200: {  	v61 =	vor.u32 v21, v40;
	v62 =	vld [tilespmem:$0x1FFB0]  }
0x201: {  	v59 =	vor.u32 v19, v40;
	[tilespmem:s0+$0x7120] =	vst v3;
	v19 =	vld [tilespmem:$0x1FFE0]  }
0x202: {  	v3 =	vld.idx.msk [tilespmem:v60+s4+$0x0], $0xffff;
	[tilespmem:s0+$0x7150] =	vst v6  }
0x203: {  	v60 =	vor.u32 v20, v40;
	[tilespmem:s0+$0x7950] =	vst v42;
	v42 =	vld [tilespmem:$0x1FE60]  }
0x204: {  	[tilespmem:s0+$0x7900] =	vst v36;
	v36 =	vor.u32 v13, v40;
	v6 =	vld.idx.msk [tilespmem:v58+s4+$0x0], $0xffff  }
0x205: {  	[tilespmem:s0+$0x7500] =	vst v9;
	v62 =	vor.u32 v62, v40;
	v9 =	vld.idx.msk [tilespmem:v61+s4+$0x0], $0xffff  }
0x206: {  	v58 =	vor.u32 v23, v40;
	v61 =	vor.u32 v19, v40;
	v19 =	vld [tilespmem:$0x1FFF0]  }
0x207: {  	[tilespmem:s0+$0x7160] =	vst v7;
	v7 =	vld.idx.msk [tilespmem:v59+s4+$0x0], $0xffff;
	v59 =	vor.u32 v63, v40  }
0x208: {  	s1 =	sadd.s32 s2, s25;
	[tilespmem:s0+$0x7170] =	vst v8;
	v8 =	vld.idx.msk [tilespmem:v60+s4+$0x0], $0xffff;
	v60 =	vor.u32 v25, v40  }
0x209: {  	v63 =	vmov s1;
	v36 =	vld.idx.msk [tilespmem:v36+s4+$0x0], $0xffff  }
0x20a: {  	[tilespmem:s0+$0x7510] =	vst v10;
	v63 =	vand.u32 $0xFFFFFFFA, v63;
	v10 =	vld.idx.msk [tilespmem:v62+s4+$0x0], $0xffff;
	v62 =	vor.u32 v27, v40  }
0x20b: {  	[tilespmem:s0+$0x7520] =	vst v11;
	v63 =	vbroadcast v63, $0x0;
	v11 =	vld.idx.msk [tilespmem:v58+s4+$0x0], $0xffff;
	v58 =	vor.u32 v19, v40  }
0x20c: {  	[tilespmem:s0+$0x7530] =	vst v12;
	v12 =	vld.idx.msk [tilespmem:v59+s4+$0x0], $0xffff  }
0x20d: {  	[tilespmem:s0+$0x7540] =	vst v32;
	v32 =	vld.idx.msk [tilespmem:v60+s4+$0x0], $0xffff;
	v59 =	vor.u32 v29, v40  }
0x20e: {  	[tilespmem:s0+$0x7550] =	vst v33;
	v33 =	vld.idx.msk [tilespmem:v61+s4+$0x0], $0xffff;
	v60 =	vor.u32 v30, v40  }
0x20f: {  	[tilespmem:s0+$0x7560] =	vst v34;
	v34 =	vld.idx.msk [tilespmem:v62+s4+$0x0], $0xffff  }
0x210: {  	[tilespmem:s0+$0x7570] =	vst v35;
	v61 =	vor.u32 v31, v40;
	v35 =	vld.idx.msk [tilespmem:v58+s4+$0x0], $0xffff  }
0x211: {  	v58 =	vor.u32 v14, v40;
	v62 =	vld.idx.msk [tilespmem:v63+s9+$0x0], $0xffff  }
0x212: {  	[tilespmem:s0+$0x7910] =	vst v37;
	v37 =	vld.idx.msk [tilespmem:v59+s4+$0x0], $0xffff;
	v59 =	vor.u32 v15, v40  }
0x213: {  	[tilespmem:s0+$0x7920] =	vst v38;
	v38 =	vld.idx.msk [tilespmem:v60+s4+$0x0], $0xffff;
	v60 =	vor.u32 v22, v40  }
0x214: {  	v63 =	vld [tilespmem:$0x1FEC0]  }
0x215: {  	[tilespmem:s0+$0x7930] =	vst v39;
	v39 =	vld.idx.msk [tilespmem:v61+s4+$0x0], $0xffff;
	v61 =	vor.u32 v24, v40  }
0x216: {  	[tilespmem:s0+$0x7940] =	vst v41;
	v41 =	vld.idx.msk [tilespmem:v58+s4+$0x0], $0xffff  }
0x217: {  	[tilespmem:s0+$0x7960] =	vst v43;
	v43 =	vld.idx.msk [tilespmem:v59+s4+$0x0], $0xffff  }
0x218: {  	[tilespmem:s0+$0x7970] =	vst v44;
	v44 =	vld.idx.msk [tilespmem:v60+s4+$0x0], $0xffff  }
0x219: {  	v60 =	vld [tilespmem:$0x1FE70]  }
0x21a: {  	[tilespmem:s0+$0x7D00] =	vst v45;
	v45 =	vld.idx.msk [tilespmem:v61+s4+$0x0], $0xffff  }
0x21b: {  	v58 =	vor.u32 v26, v40;
	v61 =	vld [tilespmem:$0x1FE80]  }
0x21c: {  	v40 =	vor.u32 v42, v40;
	v42 =	vshll.u32 v62, $0x9;
	v62 =	vlaneseq.u32  }
0x21d: {  	v59 =	vor.u32 v62, v42;
	v62 =	vld [tilespmem:$0x1FE90];
	_ =	sdelay $0x1  }
0x21e: {  	v60 =	vor.u32 v60, v42  }
0x21f: {  	v61 =	vor.u32 v61, v42  }
0x220: {  	[tilespmem:s0+$0x7D10] =	vst v46;
	v46 =	vld.idx.msk [tilespmem:v58+s4+$0x0], $0xffff  }
0x221: {  	v58 =	vor.u32 v62, v42;
	v62 =	vld [tilespmem:$0x1FEA0];
	_ =	sdelay $0x1  }
0x222: {  	[tilespmem:s0+$0x7D40] =	vst v49;
	v49 =	vld.idx.msk [tilespmem:v60+s4+$0x0], $0xffff  }
0x223: {  	[tilespmem:s0+$0x7D50] =	vst v50;
	v50 =	vld.idx.msk [tilespmem:v61+s4+$0x0], $0xffff  }
0x224: {  	v60 =	vor.u32 v63, v42;
	v61 =	vld [tilespmem:$0x1FED0]  }
0x225: {  	[tilespmem:s0+$0x7D20] =	vst v47;
	v47 =	vor.u32 v62, v42;
	v62 =	vld [tilespmem:$0x1FEB0]  }
0x226: {  	v19 =	vld [tilespmem:$0x1FF20]  }
0x227: {  	v40 =	vld.idx.msk [tilespmem:v40+s4+$0x0], $0xffff;
	[tilespmem:s0+$0x71C0] =	vst v56;
	v56 =	vor.u32 v21, v42  }
0x228: {  	[tilespmem:s0+$0x7D30] =	vst v48;
	v48 =	vld.idx.msk [tilespmem:v59+s4+$0x0], $0xffff  }
0x229: {  	[tilespmem:s0+$0x7190] =	vst v53;
	v61 =	vor.u32 v61, v42;
	v53 =	vld.idx.msk [tilespmem:v60+s4+$0x0], $0xffff  }
0x22a: {  	v60 =	vor.u32 v18, v42;
	v59 =	vor.u32 v62, v42;
	v62 =	vld [tilespmem:$0x1FEE0];
	_ =	sdelay $0x1  }
0x22b: {  	[tilespmem:s0+$0x7590] =	vst v4;
	v4 =	vld.idx.msk [tilespmem:v56+s4+$0x0], $0xffff  }
0x22c: {  	[tilespmem:s0+$0x7D60] =	vst v51;
	v51 =	vld.idx.msk [tilespmem:v58+s4+$0x0], $0xffff  }
0x22d: {  	[tilespmem:s0+$0x71A0] =	vst v54;
	v54 =	vld.idx.msk [tilespmem:v61+s4+$0x0], $0xffff;
	v61 =	vor.u32 v19, v42  }
0x22e: {  	[tilespmem:s0+$0x71E0] =	vst v1;
	v1 =	vld.idx.msk [tilespmem:v60+s4+$0x0], $0xffff;
	v58 =	vor.u32 v62, v42  }
0x22f: {  	v19 =	vld [tilespmem:$0x1FFE0]  }
0x230: {  	[tilespmem:s0+$0x7180] =	vst v52;
	v52 =	vld.idx.msk [tilespmem:v59+s4+$0x0], $0xffff  }
0x231: {  	v62 =	vld [tilespmem:$0x1FFB0]  }
0x232: {  	[tilespmem:s0+$0x71F0] =	vst v2;
	v59 =	vor.u32 v17, v42;
	v2 =	vld.idx.msk [tilespmem:v61+s4+$0x0], $0xffff  }
0x233: {  	[tilespmem:s0+$0x71B0] =	vst v55;
	v55 =	vld.idx.msk [tilespmem:v58+s4+$0x0], $0xffff;
	v58 =	vor.u32 v20, v42  }
0x234: {  	v61 =	vld [tilespmem:$0x1FFD0]  }
0x235: {  	v60 =	vor.u32 v23, v42;
	v56 =	vor.u32 v19, v42;
	v19 =	vld [tilespmem:$0x1FFF0]  }
0x236: {  	[tilespmem:s0+$0x7D70] =	vst v0  }
0x237: {  	s1 =	sadd.s32 s2, s26;
	[tilespmem:s0+$0x71D0] =	vst v57;
	v57 =	vld.idx.msk [tilespmem:v59+s4+$0x0], $0xffff;
	v59 =	vor.u32 v62, v42  }
0x238: {  	[tilespmem:s0+$0x7580] =	vst v3;
	v62 =	vmov s1;
	v3 =	vld.idx.msk [tilespmem:v58+s4+$0x0], $0xffff;
	v58 =	vor.u32 v25, v42  }
0x239: {  	[tilespmem:s0+$0x79E0] =	vst v37;
	v37 =	vld [tilespmem:$0x1FE60];
	v62 =	vand.u32 $0xFFFFFFFB, v62;
	v61 =	vor.u32 v61, v42  }
0x23a: {  	[tilespmem:s0+$0x75B0] =	vst v6;
	v6 =	vld.idx.msk [tilespmem:v60+s4+$0x0], $0xffff;
	v62 =	vbroadcast v62, $0x0;
	v60 =	vor.u32 v19, v42  }
0x23b: {  	[tilespmem:s0+$0x75E0] =	vst v9;
	v9 =	vld.idx.msk [tilespmem:v56+s4+$0x0], $0xffff  }
0x23c: {  	[tilespmem:s0+$0x75A0] =	vst v5;
	v5 =	vld.idx.msk [tilespmem:v59+s4+$0x0], $0xffff;
	v59 =	vor.u32 v27, v42  }
0x23d: {  	[tilespmem:s0+$0x75D0] =	vst v8;
	v8 =	vld.idx.msk [tilespmem:v58+s4+$0x0], $0xffff;
	v58 =	vor.u32 v29, v42  }
0x23e: {  	[tilespmem:s0+$0x75C0] =	vst v7;
	v7 =	vld.idx.msk [tilespmem:v61+s4+$0x0], $0xffff  }
0x23f: {  	[tilespmem:s0+$0x7980] =	vst v11;
	v56 =	vor.u32 v30, v42;
	v11 =	vld.idx.msk [tilespmem:v60+s4+$0x0], $0xffff  }
0x240: {  	[tilespmem:s0+$0x75F0] =	vst v10;
	v60 =	vor.u32 v14, v42;
	v61 =	vld.idx.msk [tilespmem:v62+s9+$0x0], $0xffff  }
0x241: {  	[tilespmem:s0+$0x7990] =	vst v12;
	v10 =	vld.idx.msk [tilespmem:v59+s4+$0x0], $0xffff;
	v59 =	vor.u32 v31, v42  }
0x242: {  	[tilespmem:s0+$0x79A0] =	vst v32;
	v32 =	vld.idx.msk [tilespmem:v58+s4+$0x0], $0xffff;
	v58 =	vor.u32 v15, v42  }
0x243: {  	[tilespmem:s0+$0x79B0] =	vst v33;
	v0 =	vld.idx.msk [tilespmem:v47+s4+$0x0], $0xffff  }
0x244: {  	[tilespmem:s0+$0x79C0] =	vst v34;
	v33 =	vld.idx.msk [tilespmem:v56+s4+$0x0], $0xffff  }
0x245: {  	v12 =	vor.u32 v13, v42;
	[tilespmem:s0+$0x79D0] =	vst v35;
	v35 =	vld.idx.msk [tilespmem:v60+s4+$0x0], $0xffff;
	v60 =	vor.u32 v26, v42  }
0x246: {  	v37 =	vor.u32 v37, v42;
	v47 =	vor.u32 v16, v42;
	v56 =	vor.u32 v22, v42;
	v34 =	vld.idx.msk [tilespmem:v59+s4+$0x0], $0xffff  }
0x247: {  	[tilespmem:s0+$0x79F0] =	vst v38;
	v59 =	vor.u32 v24, v42;
	v42 =	vshll.u32 v61, $0x9;
	v61 =	vlaneseq.u32;
	v38 =	vld.idx.msk [tilespmem:v58+s4+$0x0], $0xffff  }
0x248: {  	v58 =	vor.u32 v61, v42;
	v61 =	vld [tilespmem:$0x1FE70];
	_ =	sdelay $0x1  }
0x249: {  	[tilespmem:s0+$0x7DA0] =	vst v36;
	v36 =	vld.idx.msk [tilespmem:v60+s4+$0x0], $0xffff  }
0x24a: {  	v60 =	vld [tilespmem:$0x1FE90]  }
0x24b: {  	[tilespmem:s0+$0x7D80] =	vst v39;
	v39 =	vld.idx.msk [tilespmem:v56+s4+$0x0], $0xffff  }
0x24c: {  	v56 =	vor.u32 v61, v42;
	v61 =	vld [tilespmem:$0x1FE80];
	_ =	sdelay $0x1  }
0x24d: {  	v12 =	vld.idx.msk [tilespmem:v12+s4+$0x0], $0xffff  }
0x24e: {  	v62 =	vld [tilespmem:$0x1FEB0];
	v60 =	vor.u32 v60, v42  }
0x24f: {  	[tilespmem:s0+$0x7D90] =	vst v41;
	v41 =	vld.idx.msk [tilespmem:v59+s4+$0x0], $0xffff  }
0x250: {  	v59 =	vor.u32 v61, v42;
	v61 =	vld [tilespmem:$0x1FEA0]  }
0x251: {  	v37 =	vld.idx.msk [tilespmem:v37+s4+$0x0], $0xffff  }
0x252: {  	[tilespmem:s0+$0x7DC0] =	vst v44;
	v44 =	vld.idx.msk [tilespmem:v58+s4+$0x0], $0xffff  }
0x253: {  	[tilespmem:s0+$0x7DF0] =	vst v40;
	v58 =	vor.u32 v62, v42;
	v40 =	vld.idx.msk [tilespmem:v60+s4+$0x0], $0xffff  }
0x254: {  	v60 =	vld [tilespmem:$0x1FEE0]  }
0x255: {  	[tilespmem:s0+$0x7DB0] =	vst v43;
	v43 =	vor.u32 v61, v42;
	v61 =	vld [tilespmem:$0x1FED0]  }
0x256: {  	[tilespmem:s0+$0x7DD0] =	vst v45;
	v45 =	vld.idx.msk [tilespmem:v56+s4+$0x0], $0xffff;
	v56 =	vor.u32 v63, v42  }
0x257: {  	v47 =	vld.idx.msk [tilespmem:v47+s4+$0x0], $0xffff  }
0x258: {  	[tilespmem:s0+$0x7210] =	vst v49;
	v49 =	vld.idx.msk [tilespmem:v58+s4+$0x0], $0xffff;
	v58 =	vor.u32 v17, v42  }
0x259: {  	v19 =	vld [tilespmem:$0x1FF20];
	v60 =	vor.u32 v60, v42  }
0x25a: {  	[tilespmem:s0+$0x7DE0] =	vst v46;
	v46 =	vld.idx.msk [tilespmem:v59+s4+$0x0], $0xffff;
	v59 =	vor.u32 v61, v42  }
0x25b: {  	[tilespmem:s0+$0x7220] =	vst v50;
	v50 =	vld.idx.msk [tilespmem:v56+s4+$0x0], $0xffff  }
0x25c: {  	v61 =	vld [tilespmem:$0x1FFB0]  }
0x25d: {  	[tilespmem:s0+$0x7260] =	vst v53;
	v53 =	vld.idx.msk [tilespmem:v58+s4+$0x0], $0xffff  }
0x25e: {  	[tilespmem:s0+$0x7240] =	vst v0;
	v56 =	vor.u32 v18, v42;
	v0 =	vld.idx.msk [tilespmem:v60+s4+$0x0], $0xffff  }
0x25f: {  	[tilespmem:s0+$0x7230] =	vst v51;
	v60 =	vor.u32 v20, v42;
	v51 =	vld.idx.msk [tilespmem:v59+s4+$0x0], $0xffff  }
0x260: {  	v59 =	vor.u32 v19, v42;
	v19 =	vld [tilespmem:$0x1FFE0]  }
0x261: {  	[tilespmem:s0+$0x7200] =	vst v48;
	v58 =	vor.u32 v61, v42;
	v61 =	vld [tilespmem:$0x1FFD0]  }
0x262: {  	[tilespmem:s0+$0x7250] =	vst v52  }
0x263: {  	[tilespmem:s0+$0x7270] =	vst v54;
	v54 =	vld.idx.msk [tilespmem:v56+s4+$0x0], $0xffff  }
0x264: {  	[tilespmem:s0+$0x7610] =	vst v47;
	v56 =	vor.u32 v23, v42;
	v47 =	vld.idx.msk [tilespmem:v60+s4+$0x0], $0xffff  }
0x265: {  	s1 =	sadd.s32 s2, s28;
	[tilespmem:s0+$0x7620] =	vst v57;
	v60 =	vor.u32 v25, v42;
	v57 =	vor.u32 v19, v42;
	v19 =	vld [tilespmem:$0x1FFF0]  }
0x266: {  	[tilespmem:s0+$0x7600] =	vst v55;
	v55 =	vld.idx.msk [tilespmem:v59+s4+$0x0], $0xffff;
	v59 =	vor.u32 v61, v42;
	v61 =	vmov s1  }
0x267: {  	[tilespmem:s0+$0x7A70] =	vst v33;
	v33 =	vld [tilespmem:$0x1FE60];
	v61 =	vand.u32 $0xFFFFFFFC, v61  }
0x268: {  	[tilespmem:s0+$0x7630] =	vst v1;
	v1 =	vld.idx.msk [tilespmem:v58+s4+$0x0], $0xffff;
	v58 =	vor.u32 v27, v42;
	v61 =	vbroadcast v61, $0x0  }
0x269: {  	[tilespmem:s0+$0x7640] =	vst v2;
	v2 =	vld.idx.msk [tilespmem:v56+s4+$0x0], $0xffff  }
0x26a: {  	[tilespmem:s0+$0x7660] =	vst v4;
	v4 =	vld.idx.msk [tilespmem:v60+s4+$0x0], $0xffff;
	v56 =	vor.u32 v19, v42  }
0x26b: {  	[tilespmem:s0+$0x7650] =	vst v3;
	v3 =	vld.idx.msk [tilespmem:v59+s4+$0x0], $0xffff;
	v59 =	vor.u32 v29, v42  }
0x26c: {  	[tilespmem:s0+$0x7670] =	vst v5;
	v5 =	vld.idx.msk [tilespmem:v57+s4+$0x0], $0xffff  }
0x26d: {  	[tilespmem:s0+$0x7A00] =	vst v6;
	v57 =	vor.u32 v30, v42;
	v6 =	vld.idx.msk [tilespmem:v58+s4+$0x0], $0xffff  }
0x26e: {  	[tilespmem:s0+$0x7A10] =	vst v7;
	v58 =	vor.u32 v31, v42;
	v60 =	vld.idx.msk [tilespmem:v61+s9+$0x0], $0xffff  }
0x26f: {  	[tilespmem:s0+$0x7A20] =	vst v8;
	v7 =	vld.idx.msk [tilespmem:v56+s4+$0x0], $0xffff;
	v56 =	vor.u32 v14, v42  }
0x270: {  	[tilespmem:s0+$0x7A30] =	vst v9;
	v9 =	vld.idx.msk [tilespmem:v59+s4+$0x0], $0xffff;
	v59 =	vor.u32 v15, v42  }
0x271: {  	[tilespmem:s0+$0x7A40] =	vst v10  }
0x272: {  	v48 =	vor.u32 v16, v42;
	[tilespmem:s0+$0x7A50] =	vst v11;
	v10 =	vld.idx.msk [tilespmem:v57+s4+$0x0], $0xffff  }
0x273: {  	v52 =	vor.u32 v21, v42;
	v8 =	vor.u32 v13, v42;
	[tilespmem:s0+$0x7A60] =	vst v32;
	v11 =	vld.idx.msk [tilespmem:v58+s4+$0x0], $0xffff  }
0x274: {  	v33 =	vor.u32 v33, v42;
	v57 =	vor.u32 v22, v42;
	v58 =	vor.u32 v24, v42;
	v32 =	vld.idx.msk [tilespmem:v56+s4+$0x0], $0xffff  }
0x275: {  	[tilespmem:s0+$0x7E00] =	vst v34;
	v56 =	vor.u32 v26, v42;
	v42 =	vshll.u32 v60, $0x9;
	v34 =	vld.idx.msk [tilespmem:v59+s4+$0x0], $0xffff;
	v60 =	vlaneseq.u32  }
0x276: {  	v59 =	vor.u32 v60, v42;
	v60 =	vld [tilespmem:$0x1FE70];
	_ =	sdelay $0x3  }
0x277: {  	[tilespmem:s0+$0x7E10] =	vst v35;
	v35 =	vld.idx.msk [tilespmem:v57+s4+$0x0], $0xffff  }
0x278: {  	v57 =	vor.u32 v60, v42;
	v60 =	vld [tilespmem:$0x1FE80];
	_ =	sdelay $0x3  }
0x279: {  	[tilespmem:s0+$0x7E20] =	vst v12;
	v12 =	vld.idx.msk [tilespmem:v58+s4+$0x0], $0xffff  }
0x27a: {  	v58 =	vor.u32 v60, v42;
	v60 =	vld [tilespmem:$0x1FE90];
	_ =	sdelay $0x2  }
0x27b: {  	v48 =	vld.idx.msk [tilespmem:v48+s4+$0x0], $0xffff  }
0x27c: {  	[tilespmem:s0+$0x7E30] =	vst v38;
	v38 =	vld.idx.msk [tilespmem:v56+s4+$0x0], $0xffff  }
0x27d: {  	v56 =	vor.u32 v60, v42;
	v60 =	vld [tilespmem:$0x1FED0]  }
0x27e: {  	v52 =	vld.idx.msk [tilespmem:v52+s4+$0x0], $0xffff  }
0x27f: {  	v8 =	vld.idx.msk [tilespmem:v8+s4+$0x0], $0xffff  }
0x280: {  	v33 =	vld.idx.msk [tilespmem:v33+s4+$0x0], $0xffff  }
0x281: {  	[tilespmem:s0+$0x7E70] =	vst v37;
	v37 =	vld.idx.msk [tilespmem:v58+s4+$0x0], $0xffff  }
0x282: {  	v58 =	vor.u32 v60, v42;
	v60 =	vld [tilespmem:$0x1FEE0]  }
0x283: {  	v43 =	vld.idx.msk [tilespmem:v43+s4+$0x0], $0xffff  }
0x284: {  	v19 =	vld [tilespmem:$0x1FF20]  }
0x285: {  	[tilespmem:s0+$0x7E60] =	vst v36;
	v36 =	vld.idx.msk [tilespmem:v57+s4+$0x0], $0xffff;
	v57 =	vor.u32 v63, v42  }
0x286: {  	v61 =	vld [tilespmem:$0x1FEA0]  }
0x287: {  	[tilespmem:s0+$0x7280] =	vst v44;
	v44 =	vld.idx.msk [tilespmem:v56+s4+$0x0], $0xffff;
	v56 =	vor.u32 v60, v42;
	v60 =	vor.u32 v17, v42  }
0x288: {  	[tilespmem:s0+$0x7E80] =	vst v11;
	v11 =	vld [tilespmem:$0x1FE60]  }
0x289: {  	[tilespmem:s0+$0x7E50] =	vst v41;
	v41 =	vld.idx.msk [tilespmem:v59+s4+$0x0], $0xffff  }
0x28a: {  	[tilespmem:s0+$0x72B0] =	vst v40;
	v59 =	vor.u32 v62, v42;
	v40 =	vld.idx.msk [tilespmem:v57+s4+$0x0], $0xffff  }
0x28b: {  	[tilespmem:s0+$0x72C0] =	vst v43;
	v43 =	vld.idx.msk [tilespmem:v58+s4+$0x0], $0xffff  }
0x28c: {  	[tilespmem:s0+$0x72F0] =	vst v51;
	v57 =	vor.u32 v18, v42;
	v51 =	vld.idx.msk [tilespmem:v60+s4+$0x0], $0xffff  }
0x28d: {  	[tilespmem:s0+$0x7E40] =	vst v39;
	v60 =	vld [tilespmem:$0x1FFB0]  }
0x28e: {  	[tilespmem:s0+$0x7290] =	vst v45;
	v58 =	vor.u32 v19, v42;
	v19 =	vld [tilespmem:$0x1FFE0]  }
0x28f: {  	v39 =	vor.u32 v61, v42;
	[tilespmem:s0+$0x72A0] =	vst v46;
	v46 =	vld.idx.msk [tilespmem:v59+s4+$0x0], $0xffff  }
0x290: {  	[tilespmem:s0+$0x72D0] =	vst v49;
	v49 =	vld.idx.msk [tilespmem:v56+s4+$0x0], $0xffff;
	v56 =	vor.u32 v20, v42  }
0x291: {  	v45 =	vor.u32 v16, v42;
	[tilespmem:s0+$0x7680] =	vst v0;
	v0 =	vld.idx.msk [tilespmem:v57+s4+$0x0], $0xffff  }
0x292: {  	v59 =	vor.u32 v60, v42;
	v60 =	vld [tilespmem:$0x1FFD0]  }
0x293: {  	[tilespmem:s0+$0x76B0] =	vst v54;
	v57 =	vor.u32 v23, v42;
	v54 =	vor.u32 v19, v42;
	v19 =	vld [tilespmem:$0x1FFF0]  }
0x294: {  	v39 =	vld.idx.msk [tilespmem:v39+s4+$0x0], $0xffff  }
0x295: {  	[tilespmem:s0+$0x76A0] =	vst v53;
	v53 =	vld.idx.msk [tilespmem:v56+s4+$0x0], $0xffff;
	v56 =	vor.u32 v25, v42  }
0x296: {  	v45 =	vld.idx.msk [tilespmem:v45+s4+$0x0], $0xffff  }
0x297: {  	s1 =	sadd.s32 s2, s29;
	[tilespmem:s0+$0x7690] =	vst v48;
	v48 =	vld.idx.msk [tilespmem:v58+s4+$0x0], $0xffff;
	v58 =	vor.u32 v60, v42  }
0x298: {  	[tilespmem:s0+$0x76D0] =	vst v47;
	v47 =	vld.idx.msk [tilespmem:v57+s4+$0x0], $0xffff;
	v57 =	vor.u32 v19, v42;
	v60 =	vmov s1  }
0x299: {  	[tilespmem:s0+$0x76C0] =	vst v55;
	v55 =	vld.idx.msk [tilespmem:v59+s4+$0x0], $0xffff;
	v59 =	vor.u32 v27, v42;
	v60 =	vand.u32 $0xFFFFFFFD, v60  }
0x29a: {  	[tilespmem:s0+$0x76F0] =	vst v1;
	v1 =	vld.idx.msk [tilespmem:v56+s4+$0x0], $0xffff;
	v56 =	vor.u32 v29, v42;
	v60 =	vbroadcast v60, $0x0  }
0x29b: {  	[tilespmem:s0+$0x7A80] =	vst v2;
	v2 =	vld.idx.msk [tilespmem:v54+s4+$0x0], $0xffff  }
0x29c: {  	[tilespmem:s0+$0x76E0] =	vst v52;
	v52 =	vld.idx.msk [tilespmem:v58+s4+$0x0], $0xffff;
	v58 =	vor.u32 v31, v42  }
0x29d: {  	[tilespmem:s0+$0x7AA0] =	vst v4;
	v54 =	vor.u32 v30, v42;
	v4 =	vld.idx.msk [tilespmem:v57+s4+$0x0], $0xffff  }
0x29e: {  	[tilespmem:s0+$0x7A90] =	vst v3;
	v57 =	vor.u32 v14, v42;
	v3 =	vld.idx.msk [tilespmem:v59+s4+$0x0], $0xffff  }
0x29f: {  	[tilespmem:s0+$0x7AC0] =	vst v6;
	v6 =	vld.idx.msk [tilespmem:v56+s4+$0x0], $0xffff  }
0x2a0: {  	[tilespmem:s0+$0x72E0] =	vst v50;
	v56 =	vor.u32 v15, v42;
	v59 =	vld.idx.msk [tilespmem:v60+s9+$0x0], $0xffff  }
0x2a1: {  	[tilespmem:s0+$0x7AE0] =	vst v9;
	v9 =	vld.idx.msk [tilespmem:v58+s4+$0x0], $0xffff;
	v58 =	vor.u32 v24, v42  }
0x2a2: {  	[tilespmem:s0+$0x7AD0] =	vst v7;
	v7 =	vld.idx.msk [tilespmem:v54+s4+$0x0], $0xffff  }
0x2a3: {  	v50 =	vor.u32 v21, v42;
	[tilespmem:s0+$0x7AF0] =	vst v10;
	v10 =	vld.idx.msk [tilespmem:v57+s4+$0x0], $0xffff  }
0x2a4: {  	[tilespmem:s0+$0x7AB0] =	vst v5;
	v5 =	vor.u32 v13, v42;
	v11 =	vor.u32 v11, v42;
	v57 =	vor.u32 v26, v42;
	v60 =	vld [tilespmem:$0x1FE90]  }
0x2a5: {  	[tilespmem:s0+$0x7E90] =	vst v32;
	v54 =	vor.u32 v22, v42;
	v32 =	vld.idx.msk [tilespmem:v56+s4+$0x0], $0xffff;
	v56 =	vlaneseq.u32;
	v42 =	vshll.u32 v59, $0x9  }
0x2a6: {  	[tilespmem:s0+$0x7EB0] =	vst v34;
	v56 =	vor.u32 v56, v42;
	v34 =	vld.idx.msk [tilespmem:v58+s4+$0x0], $0xffff  }
0x2a7: {  	v58 =	vld [tilespmem:$0x1FE80]  }
0x2a8: {  	v50 =	vld.idx.msk [tilespmem:v50+s4+$0x0], $0xffff  }
0x2a9: {  	[tilespmem:s0+$0x7EC0] =	vst v35;
	v35 =	vld.idx.msk [tilespmem:v57+s4+$0x0], $0xffff  }
0x2aa: {  	v59 =	vld [tilespmem:$0x1FE70];
	v57 =	vor.u32 v60, v42  }
0x2ab: {  	[tilespmem:s0+$0x7EE0] =	vst v38;
	v38 =	vld.idx.msk [tilespmem:v56+s4+$0x0], $0xffff;
	v56 =	vor.u32 v62, v42  }
0x2ac: {  	v5 =	vld.idx.msk [tilespmem:v5+s4+$0x0], $0xffff;
	v58 =	vor.u32 v58, v42  }
0x2ad: {  	v11 =	vld.idx.msk [tilespmem:v11+s4+$0x0], $0xffff  }
0x2ae: {  	[tilespmem:s0+$0x7EA0] =	vst v8;
	v8 =	vld.idx.msk [tilespmem:v54+s4+$0x0], $0xffff  }
0x2af: {  	[tilespmem:s0+$0x7310] =	vst v36;
	v54 =	vor.u32 v59, v42;
	v36 =	vld.idx.msk [tilespmem:v57+s4+$0x0], $0xffff  }
0x2b0: {  	[tilespmem:s0+$0x7330] =	vst v44;
	v44 =	vld.idx.msk [tilespmem:v56+s4+$0x0], $0xffff;
	v56 =	vor.u32 v17, v42  }
0x2b1: {  	[tilespmem:s0+$0x7300] =	vst v41;
	v41 =	vld.idx.msk [tilespmem:v58+s4+$0x0], $0xffff  }
0x2b2: {  	v58 =	vld [tilespmem:$0x1FED0]  }
0x2b3: {  	v57 =	vld [tilespmem:$0x1FEE0]  }
0x2b4: {  	[tilespmem:s0+$0x7EF0] =	vst v33;
	v33 =	vld.idx.msk [tilespmem:v54+s4+$0x0], $0xffff  }
0x2b5: {  	[tilespmem:s0+$0x7700] =	vst v49;
	v54 =	vor.u32 v63, v42;
	v49 =	vld.idx.msk [tilespmem:v56+s4+$0x0], $0xffff  }
0x2b6: {  	[tilespmem:s0+$0x7ED0] =	vst v12;
	v12 =	vor.u32 v61, v42;
	v56 =	vld [tilespmem:$0x1FFB0]  }
0x2b7: {  	v19 =	vld [tilespmem:$0x1FF20];
	v58 =	vor.u32 v58, v42  }
0x2b8: {  	v57 =	vor.u32 v57, v42  }
0x2b9: {  	[tilespmem:s0+$0x7F10] =	vst v10;
	v10 =	vld [tilespmem:$0x1FE60]  }
0x2ba: {  	[tilespmem:s0+$0x7340] =	vst v39;
	v39 =	vld.idx.msk [tilespmem:v54+s4+$0x0], $0xffff;
	v54 =	vor.u32 v18, v42  }
0x2bb: {  	v12 =	vld.idx.msk [tilespmem:v12+s4+$0x0], $0xffff;
	v56 =	vor.u32 v56, v42  }
0x2bc: {  	[tilespmem:s0+$0x7350] =	vst v46;
	v46 =	vld.idx.msk [tilespmem:v58+s4+$0x0], $0xffff;
	v58 =	vor.u32 v19, v42  }
0x2bd: {  	[tilespmem:s0+$0x7360] =	vst v40;
	v40 =	vld.idx.msk [tilespmem:v57+s4+$0x0], $0xffff  }
0x2be: {  	[tilespmem:s0+$0x7320] =	vst v37;
	v19 =	vld [tilespmem:$0x1FFE0]  }
0x2bf: {  	v37 =	vor.u32 v16, v42;
	[tilespmem:s0+$0x7710] =	vst v45;
	v45 =	vld.idx.msk [tilespmem:v54+s4+$0x0], $0xffff  }
0x2c0: {  	[tilespmem:s0+$0x7750] =	vst v53;
	v53 =	vld.idx.msk [tilespmem:v56+s4+$0x0], $0xffff;
	v56 =	vor.u32 v27, v42  }
0x2c1: {  	[tilespmem:s0+$0x7720] =	vst v51;
	v57 =	vor.u32 v20, v42;
	v51 =	vld.idx.msk [tilespmem:v58+s4+$0x0], $0xffff  }
0x2c2: {  	[tilespmem:s0+$0x7370] =	vst v43;
	v43 =	vor.u32 v21, v42;
	v58 =	vld [tilespmem:$0x1FFD0]  }
0x2c3: {  	[tilespmem:s0+$0x7740] =	vst v48;
	v54 =	vor.u32 v23, v42;
	v48 =	vor.u32 v19, v42;
	v19 =	vld [tilespmem:$0x1FFF0]  }
0x2c4: {  	[tilespmem:s0+$0x7B10] =	vst v52;
	v52 =	vor.u32 v30, v42;
	v37 =	vld.idx.msk [tilespmem:v37+s4+$0x0], $0xffff  }
0x2c5: {  	s1 =	sadd.s32 s2, s30;
	[tilespmem:s0+$0x7B20] =	vst v1;
	v1 =	vld.idx.msk [tilespmem:v56+s4+$0x0], $0xffff;
	v56 =	vor.u32 v31, v42  }
0x2c6: {  	[tilespmem:s0+$0x7730] =	vst v0;
	v59 =	vmov s1;
	v0 =	vld.idx.msk [tilespmem:v57+s4+$0x0], $0xffff;
	v57 =	vor.u32 v25, v42  }
0x2c7: {  	[tilespmem:s0+$0x7760] =	vst v50;
	v59 =	vand.u32 $0xFFFFFFFE, v59;
	v43 =	vld.idx.msk [tilespmem:v43+s4+$0x0], $0xffff;
	v58 =	vor.u32 v58, v42  }
0x2c8: {  	[tilespmem:s0+$0x7770] =	vst v55;
	v59 =	vbroadcast v59, $0x0;
	v50 =	vld.idx.msk [tilespmem:v54+s4+$0x0], $0xffff;
	v54 =	vor.u32 v19, v42  }
0x2c9: {  	[tilespmem:s0+$0x7B60] =	vst v6;
	v6 =	vld.idx.msk [tilespmem:v52+s4+$0x0], $0xffff  }
0x2ca: {  	[tilespmem:s0+$0x7B70] =	vst v7;
	v7 =	vld.idx.msk [tilespmem:v56+s4+$0x0], $0xffff;
	v56 =	vor.u32 v24, v42  }
0x2cb: {  	[tilespmem:s0+$0x7B00] =	vst v47;
	v47 =	vld.idx.msk [tilespmem:v57+s4+$0x0], $0xffff  }
0x2cc: {  	[tilespmem:s0+$0x7B40] =	vst v3;
	v3 =	vor.u32 v13, v42;
	v55 =	vld.idx.msk [tilespmem:v58+s4+$0x0], $0xffff  }
0x2cd: {  	[tilespmem:s0+$0x7B30] =	vst v2;
	v52 =	vor.u32 v22, v42;
	v2 =	vld.idx.msk [tilespmem:v54+s4+$0x0], $0xffff  }
0x2ce: {  	v57 =	vor.u32 v29, v42;
	v58 =	vld.idx.msk [tilespmem:v59+s9+$0x0], $0xffff  }
0x2cf: {  	[tilespmem:s0+$0x7F40] =	vst v8;
	v54 =	vor.u32 v14, v42;
	v8 =	vld.idx.msk [tilespmem:v56+s4+$0x0], $0xffff  }
0x2d0: {  	v10 =	vor.u32 v10, v42;
	v56 =	vld [tilespmem:$0x1FE80]  }
0x2d1: {  	v3 =	vld.idx.msk [tilespmem:v3+s4+$0x0], $0xffff  }
0x2d2: {  	[tilespmem:s0+$0x7F30] =	vst v32;
	v32 =	vld.idx.msk [tilespmem:v52+s4+$0x0], $0xffff  }
0x2d3: {  	[tilespmem:s0+$0x7B50] =	vst v4;
	v4 =	vld.idx.msk [tilespmem:v57+s4+$0x0], $0xffff;
	v57 =	vor.u32 v15, v42  }
0x2d4: {  	[tilespmem:s0+$0x7F00] =	vst v9;
	v9 =	vld.idx.msk [tilespmem:v54+s4+$0x0], $0xffff;
	v54 =	vor.u32 v26, v42;
	v42 =	vshll.u32 v58, $0x9  }
0x2d5: {  	v10 =	vld.idx.msk [tilespmem:v10+s4+$0x0], $0xffff;
	v56 =	vor.u32 v56, v42  }
0x2d6: {  	v59 =	vld [tilespmem:$0x1FE70]  }
0x2d7: {  	v48 =	vld.idx.msk [tilespmem:v48+s4+$0x0], $0xffff;
	v58 =	vlaneseq.u32  }
0x2d8: {  	[tilespmem:s0+$0x7F20] =	vst v5;
	v5 =	vld.idx.msk [tilespmem:v57+s4+$0x0], $0xffff;
	v57 =	vor.u32 v58, v42  }
0x2d9: {  	[tilespmem:s0+$0x7F50] =	vst v34;
	v34 =	vld.idx.msk [tilespmem:v54+s4+$0x0], $0xffff  }
0x2da: {  	[tilespmem:s0+$0x7390] =	vst v33;
	v33 =	vld.idx.msk [tilespmem:v56+s4+$0x0], $0xffff  }
0x2db: {  	v52 =	vor.u32 v59, v42;
	v56 =	vld [tilespmem:$0x1FED0]  }
0x2dc: {  	[tilespmem:s0+$0x7F60] =	vst v35;
	v35 =	vor.u32 v61, v42  }
0x2dd: {  	[tilespmem:s0+$0x7F70] =	vst v11;
	v11 =	vld.idx.msk [tilespmem:v57+s4+$0x0], $0xffff;
	v57 =	vor.u32 v62, v42  }
0x2de: {  	v19 =	vld [tilespmem:$0x1FF20];
	v54 =	vor.u32 v60, v42  }
0x2df: {  	[tilespmem:s0+$0x7FA0] =	vst v3;
	v3 =	vld [tilespmem:$0x1FE60]  }
0x2e0: {  	[tilespmem:s0+$0x7380] =	vst v38;
	v38 =	vld.idx.msk [tilespmem:v52+s4+$0x0], $0xffff;
	v56 =	vor.u32 v56, v42  }
0x2e1: {  	[tilespmem:s0+$0x73B0] =	vst v36;
	v36 =	vor.u32 v16, v42;
	v35 =	vld.idx.msk [tilespmem:v35+s4+$0x0], $0xffff  }
0x2e2: {  	[tilespmem:s0+$0x73C0] =	vst v12;
	v12 =	vld.idx.msk [tilespmem:v57+s4+$0x0], $0xffff;
	v57 =	vor.u32 v17, v42  }
0x2e3: {  	[tilespmem:s0+$0x73A0] =	vst v41;
	v41 =	vld.idx.msk [tilespmem:v54+s4+$0x0], $0xffff  }
0x2e4: {  	v54 =	vld [tilespmem:$0x1FEE0]  }
0x2e5: {  	[tilespmem:s0+$0x73E0] =	vst v39;
	v39 =	vld.idx.msk [tilespmem:v56+s4+$0x0], $0xffff;
	v56 =	vor.u32 v19, v42  }
0x2e6: {  	[tilespmem:s0+$0x7780] =	vst v40;
	v36 =	vld.idx.msk [tilespmem:v36+s4+$0x0], $0xffff  }
0x2e7: {  	v40 =	vor.u32 v21, v42;
	[tilespmem:s0+$0x7790] =	vst v37;
	v37 =	vld.idx.msk [tilespmem:v57+s4+$0x0], $0xffff  }
0x2e8: {  	[tilespmem:s0+$0x7B90] =	vst v55;
	v55 =	vor.u32 v29, v42;
	v57 =	vld [tilespmem:$0x1FFB0]  }
0x2e9: {  	[tilespmem:s0+$0x7BA0] =	vst v47;
	v47 =	vor.u32 v30, v42;
	v19 =	vld [tilespmem:$0x1FFE0]  }
0x2ea: {  	[tilespmem:s0+$0x77B0] =	vst v45;
	v45 =	vld.idx.msk [tilespmem:v56+s4+$0x0], $0xffff  }
0x2eb: {  	[tilespmem:s0+$0x7BD0] =	vst v2;
	v2 =	vor.u32 v13, v42;
	v56 =	vld [tilespmem:$0x1FFD0]  }
0x2ec: {  	[tilespmem:s0+$0x77D0] =	vst v0;
	v52 =	vor.u32 v63, v42;
	v0 =	vld.idx.msk [tilespmem:v40+s4+$0x0], $0xffff  }
0x2ed: {  	[tilespmem:s0+$0x7BE0] =	vst v4;
	v4 =	vld.idx.msk [tilespmem:v55+s4+$0x0], $0xffff;
	v55 =	vor.u32 v15, v42  }
0x2ee: {  	[tilespmem:s0+$0x7BF0] =	vst v6;
	v6 =	vld.idx.msk [tilespmem:v47+s4+$0x0], $0xffff;
	v57 =	vor.u32 v57, v42  }
0x2ef: {  	v47 =	vor.u32 v22, v42;
	v40 =	vor.u32 v19, v42;
	v19 =	vld [tilespmem:$0x1FFF0]  }
0x2f0: {  	[tilespmem:s0+$0x73D0] =	vst v44;
	v2 =	vld.idx.msk [tilespmem:v2+s4+$0x0], $0xffff;
	v56 =	vor.u32 v56, v42  }
0x2f1: {  	[tilespmem:s0+$0x77E0] =	vst v43;
	v44 =	vld.idx.msk [tilespmem:v52+s4+$0x0], $0xffff;
	v52 =	vor.u32 v18, v42  }
0x2f2: {  	[tilespmem:s0+$0x7FB0] =	vst v5;
	v54 =	vor.u32 v54, v42;
	v5 =	vld.idx.msk [tilespmem:v55+s4+$0x0], $0xffff  }
0x2f3: {  	[tilespmem:s0+$0x77F0] =	vst v53;
	v43 =	vld.idx.msk [tilespmem:v57+s4+$0x0], $0xffff;
	v57 =	vor.u32 v27, v42  }
0x2f4: {  	s1 =	sadd.s32 s2, s31;
	[tilespmem:s0+$0x7FC0] =	vst v32;
	v32 =	vld.idx.msk [tilespmem:v47+s4+$0x0], $0xffff;
	v53 =	vor.u32 v19, v42  }
0x2f5: {  	[tilespmem:s0+$0x7B80] =	vst v50;
	v50 =	vld.idx.msk [tilespmem:v56+s4+$0x0], $0xffff;
	v56 =	vmov s1  }
0x2f6: {  	[tilespmem:s0+$0x77A0] =	vst v49;
	v3 =	vor.u32 v3, v42;
	v49 =	vld.idx.msk [tilespmem:v52+s4+$0x0], $0xffff  }
0x2f7: {  	[tilespmem:s0+$0x73F0] =	vst v46;
	v46 =	vld.idx.msk [tilespmem:v54+s4+$0x0], $0xffff;
	v54 =	vor.u32 v20, v42  }
0x2f8: {  	[tilespmem:s0+$0x7BB0] =	vst v48;
	v48 =	vld.idx.msk [tilespmem:v57+s4+$0x0], $0xffff;
	v57 =	vor.u32 v31, v42  }
0x2f9: {  	[tilespmem:s0+$0x7BC0] =	vst v1;
	v52 =	vor.u32 v23, v42;
	v1 =	vld.idx.msk [tilespmem:v53+s4+$0x0], $0xffff  }
0x2fa: {  	v53 =	vor.u32 v14, v42;
	v56 =	vld.idx.msk [tilespmem:v56+s9+$0x0], $0xffff  }
0x2fb: {  	v3 =	vld.idx.msk [tilespmem:v3+s4+$0x0], $0xffff  }
0x2fc: {  	[tilespmem:s0+$0x77C0] =	vst v51;
	v51 =	vld.idx.msk [tilespmem:v54+s4+$0x0], $0xffff;
	v54 =	vor.u32 v25, v42  }
0x2fd: {  	[tilespmem:s0+$0x7F80] =	vst v7;
	v7 =	vld.idx.msk [tilespmem:v57+s4+$0x0], $0xffff;
	v57 =	vor.u32 v24, v42  }
0x2fe: {  	v52 =	vld.idx.msk [tilespmem:v52+s4+$0x0], $0xffff  }
0x2ff: {  	[tilespmem:s0+$0x7F90] =	vst v9;
	v9 =	vld.idx.msk [tilespmem:v53+s4+$0x0], $0xffff;
	v53 =	vor.u32 v26, v42;
	v42 =	vshll.u32 v56, $0x9  }
0x300: {  	v40 =	vld.idx.msk [tilespmem:v40+s4+$0x0], $0xffff;
	v55 =	vor.u32 v58, v42  }
0x301: {  	v54 =	vld.idx.msk [tilespmem:v54+s4+$0x0], $0xffff  }
0x302: {  	[tilespmem:s0+$0x7FD0] =	vst v8;
	v8 =	vld.idx.msk [tilespmem:v57+s4+$0x0], $0xffff  }
0x303: {  	v57 =	vld [tilespmem:$0x1FE80]  }
0x304: {  	[tilespmem:s0+$0x7FE0] =	vst v34;
	v34 =	vld.idx.msk [tilespmem:v53+s4+$0x0], $0xffff  }
0x305: {  	[tilespmem:s0+$0x7400] =	vst v11;
	v11 =	vld.idx.msk [tilespmem:v55+s4+$0x0], $0xffff;
	v55 =	vor.u32 v62, v42;
	_ =	sdelay $0x2  }
0x306: {  	v56 =	vor.u32 v57, v42  }
0x307: {  	[tilespmem:s0+$0x7810] =	vst v36;
	v36 =	vor.u32 v21, v42;
	v21 =	vld [tilespmem:$0x1FFB0]  }
0x308: {  	[tilespmem:s0+$0x7450] =	vst v12;
	v12 =	vld.idx.msk [tilespmem:v55+s4+$0x0], $0xffff;
	v55 =	vor.u32 v17, v42  }
0x309: {  	v19 =	vld [tilespmem:$0x1FF20];
	v53 =	vor.u32 v60, v42  }
0x30a: {  	[tilespmem:s0+$0x7830] =	vst v49;
	v49 =	vor.u32 v23, v42;
	v23 =	vld [tilespmem:$0x1FFD0]  }
0x30b: {  	[tilespmem:s0+$0x7420] =	vst v33;
	v47 =	vor.u32 v59, v42;
	v33 =	vld.idx.msk [tilespmem:v56+s4+$0x0], $0xffff  }
0x30c: {  	[tilespmem:s0+$0x7FF0] =	vst v10;
	v10 =	vor.u32 v61, v42;
	v56 =	vld [tilespmem:$0x1FED0]  }
0x30d: {  	[tilespmem:s0+$0x7820] =	vst v37;
	v37 =	vld.idx.msk [tilespmem:v55+s4+$0x0], $0xffff;
	v55 =	vor.u32 v21, v42  }
0x30e: {  	[tilespmem:s0+$0x7430] =	vst v41;
	v41 =	vld.idx.msk [tilespmem:v53+s4+$0x0], $0xffff  }
0x30f: {  	[tilespmem:s0+$0x7440] =	vst v35;
	v35 =	vor.u32 v16, v42;
	v53 =	vld [tilespmem:$0x1FEE0]  }
0x310: {  	[tilespmem:s0+$0x7410] =	vst v38;
	v38 =	vld.idx.msk [tilespmem:v47+s4+$0x0], $0xffff  }
0x311: {  	v10 =	vld.idx.msk [tilespmem:v10+s4+$0x0], $0xffff  }
0x312: {  	[tilespmem:s0+$0x7870] =	vst v43;
	v56 =	vor.u32 v56, v42;
	v43 =	vld.idx.msk [tilespmem:v55+s4+$0x0], $0xffff  }
0x313: {  	[tilespmem:s0+$0x7C20] =	vst v54;
	v54 =	vor.u32 v30, v42;
	v55 =	vor.u32 v27, v42;
	v27 =	vld [tilespmem:$0x1FFF0]  }
0x314: {  	[tilespmem:s0+$0x7860] =	vst v0;
	v35 =	vld.idx.msk [tilespmem:v35+s4+$0x0], $0xffff;
	v53 =	vor.u32 v53, v42  }
0x315: {  	[tilespmem:s0+$0x7C30] =	vst v40;
	v40 =	vor.u32 v31, v42;
	v0 =	vld.idx.msk [tilespmem:v36+s4+$0x0], $0xffff  }
0x316: {  	[tilespmem:s0+$0x7470] =	vst v39;
	v47 =	vor.u32 v63, v42;
	v49 =	vld.idx.msk [tilespmem:v49+s4+$0x0], $0xffff  }
0x317: {  	[tilespmem:s0+$0x7C00] =	vst v52;
	v39 =	vld.idx.msk [tilespmem:v56+s4+$0x0], $0xffff;
	v56 =	vor.u32 v19, v42  }
0x318: {  	[tilespmem:s0+$0x7C70] =	vst v6;
	v6 =	vld.idx.msk [tilespmem:v54+s4+$0x0], $0xffff;
	v52 =	vor.u32 v27, v42  }
0x319: {  	[tilespmem:s0+$0x7800] =	vst v46;
	v46 =	vld.idx.msk [tilespmem:v53+s4+$0x0], $0xffff;
	v53 =	vor.u32 v20, v42  }
0x31a: {  	[tilespmem:s0+$0x8000] =	vst v7;
	v7 =	vld.idx.msk [tilespmem:v40+s4+$0x0], $0xffff  }
0x31b: {  	[tilespmem:s0+$0x7460] =	vst v44;
	v44 =	vld.idx.msk [tilespmem:v47+s4+$0x0], $0xffff  }
0x31c: {  	[tilespmem:s0+$0x7840] =	vst v45;
	v45 =	vld.idx.msk [tilespmem:v56+s4+$0x0], $0xffff;
	v56 =	vor.u32 v23, v42  }
0x31d: {  	[tilespmem:s0+$0x7C50] =	vst v1;
	v1 =	vld.idx.msk [tilespmem:v52+s4+$0x0], $0xffff;
	v52 =	vor.u32 v13, v42  }
0x31e: {  	[tilespmem:s0+$0x7850] =	vst v51;
	v51 =	vld.idx.msk [tilespmem:v53+s4+$0x0], $0xffff  }
0x31f: {  	v54 =	vor.u32 v22, v42;
	v53 =	vor.u32 v25, v42;
	v25 =	vld [tilespmem:$0x1FFE0]  }
0x320: {  	[tilespmem:s0+$0x7C40] =	vst v48;
	v40 =	vor.u32 v24, v42;
	v48 =	vld.idx.msk [tilespmem:v55+s4+$0x0], $0xffff  }
0x321: {  	[tilespmem:s0+$0x7C10] =	vst v50;
	v55 =	vor.u32 v14, v42;
	v50 =	vld.idx.msk [tilespmem:v56+s4+$0x0], $0xffff  }
0x322: {  	[tilespmem:s0+$0x8020] =	vst v2;
	v56 =	vor.u32 v29, v42;
	v2 =	vld.idx.msk [tilespmem:v52+s4+$0x0], $0xffff  }
0x323: {  	v47 =	vor.u32 v18, v42;
	v52 =	vld [tilespmem:$0x1FE60]  }
0x324: {  	[tilespmem:s0+$0x8040] =	vst v32;
	v32 =	vld.idx.msk [tilespmem:v54+s4+$0x0], $0xffff  }
0x325: {  	[tilespmem:s0+$0x8050] =	vst v8;
	v8 =	vld.idx.msk [tilespmem:v40+s4+$0x0], $0xffff;
	v36 =	vor.u32 v25, v42  }
0x326: {  	[tilespmem:s0+$0x8010] =	vst v9;
	v9 =	vld.idx.msk [tilespmem:v55+s4+$0x0], $0xffff;
	v55 =	vor.u32 v26, v42  }
0x327: {  	[tilespmem:s0+$0x7C60] =	vst v4;
	v4 =	vld.idx.msk [tilespmem:v56+s4+$0x0], $0xffff;
	v56 =	vor.u32 v15, v42  }
0x328: {  	v47 =	vld.idx.msk [tilespmem:v47+s4+$0x0], $0xffff;
	v42 =	vor.u32 v52, v42  }
0x329: {  	v53 =	vld.idx.msk [tilespmem:v53+s4+$0x0], $0xffff  }
0x32a: {  	[tilespmem:s0+$0x8030] =	vst v5;
	v36 =	vld.idx.msk [tilespmem:v36+s4+$0x0], $0xffff  }
0x32b: {  	[tilespmem:s0+$0x8070] =	vst v3;
	v54 =	vld.idx.msk [tilespmem:v55+s4+$0x0], $0xffff  }
0x32c: {  	[tilespmem:s0+$0x8060] =	vst v34;
	v5 =	vld.idx.msk [tilespmem:v56+s4+$0x0], $0xffff  }
0x32d: {  	v55 =	vld.idx.msk [tilespmem:v42+s4+$0x0], $0xffff;
	[tilespmem:s0+$0x7480] =	vst v11  }
0x32e: {  	[tilespmem:s0+$0x7490] =	vst v38  }
0x32f: {  	[tilespmem:s0+$0x74A0] =	vst v33  }
0x330: {  	[tilespmem:s0+$0x74B0] =	vst v41  }
0x331: {  	[tilespmem:s0+$0x74C0] =	vst v10  }
0x332: {  	[tilespmem:s0+$0x74D0] =	vst v12  }
0x333: {  	[tilespmem:s0+$0x74E0] =	vst v44  }
0x334: {  	[tilespmem:s0+$0x74F0] =	vst v39  }
0x335: {  	[tilespmem:s0+$0x7880] =	vst v46  }
0x336: {  	[tilespmem:s0+$0x7890] =	vst v35  }
0x337: {  	[tilespmem:s0+$0x78A0] =	vst v37  }
0x338: {  	[tilespmem:s0+$0x78B0] =	vst v47  }
0x339: {  	[tilespmem:s0+$0x78C0] =	vst v45  }
0x33a: {  	[tilespmem:s0+$0x78D0] =	vst v51  }
0x33b: {  	[tilespmem:s0+$0x78E0] =	vst v0  }
0x33c: {  	[tilespmem:s0+$0x78F0] =	vst v43  }
0x33d: {  	[tilespmem:s0+$0x7C80] =	vst v49  }
0x33e: {  	[tilespmem:s0+$0x7C90] =	vst v50  }
0x33f: {  	[tilespmem:s0+$0x7CA0] =	vst v53  }
0x340: {  	[tilespmem:s0+$0x7CB0] =	vst v36  }
0x341: {  	[tilespmem:s0+$0x7CC0] =	vst v48  }
0x342: {  	[tilespmem:s0+$0x7CD0] =	vst v1  }
0x343: {  	[tilespmem:s0+$0x7CE0] =	vst v4  }
0x344: {  	[tilespmem:s0+$0x7CF0] =	vst v6  }
0x345: {  	[tilespmem:s0+$0x8080] =	vst v7  }
0x346: {  	[tilespmem:s0+$0x8090] =	vst v9  }
0x347: {  	p1 =	slt.u32 s2, $0x20;
	[tilespmem:s0+$0x80A0] =	vst v2  }
.Ltmp1:
0x348: {  	[tilespmem:s0+$0x80B0] =	vst v5;
	(pc) =	sbr.rel @p1 .LBB2_5-.Ltmp1, $4  }
0x349: {  	[tilespmem:s0+$0x80C0] =	vst v32  }
0x34a: {  	v24 =	vld [tilespmem:$0x1FF20];
	[tilespmem:s0+$0x80D0] =	vst v8  }
0x34b: {  	v11 =	vld [tilespmem:$0x1FEE0];
	[tilespmem:s0+$0x80E0] =	vst v54  }
0x34c: {  	s2 =	sadd.s32 $0x8, s2;
	v13 =	vmov v18;
	v56 =	vmov v20;
	v12 =	vmov v17;
	v9 =	vld [tilespmem:$0x1FED0];
	[tilespmem:s0+$0x80F0] =	vst v55  }
0x34d: {  	s0 =	sadd.s32 s5, s23  }
0x34e: {  	s0 =	sshll.u32 s0, $0x6  }
0x34f: {  	s0 =	sadd.s32 s3, s0  }
0x350: {  	[hbm4b:s0+s4] =	stream.linear.scatter [tilespmem:s11], [sflag:$0x2], $0x5000, $0x38;
	[tilespmem:$0x1B100] =	vst v63  }
0x351: {  	s0 =	simm.s32 @!p0 $0x3  }
0x352: {  	_ =	swait.ge @!p0 [sflag:s0], $0x5000  }
0x353: {  	v39 =	vld [tilespmem:$0x1FF40]  }
0x354: {  	v41 =	vld [tilespmem:$0x1FF50]  }
0x355: {  	v43 =	vld [tilespmem:$0x1FF60]  }
0x356: {  	v45 =	vld [tilespmem:$0x1FF70]  }
0x357: {  	v47 =	vld [tilespmem:$0x1FF80]  }
0x358: {  	s23 =	sadd.s32 $0x50, s22;
	s24 =	sadd.s32 $0x51, s22;
	v49 =	vld [tilespmem:$0x1FF90]  }
0x359: {  	v10 =	vmov v16;
	s25 =	sadd.s32 $0x52, s22;
	s26 =	sadd.s32 $0x53, s22;
	s28 =	sadd.s32 $0x54, s22;
	v33 =	vmov v13;
	v38 =	vmov v56;
	v51 =	vld [tilespmem:$0x1FF30]  }
0x35a: {  	s29 =	sadd.s32 $0x55, s22;
	s30 =	sadd.s32 $0x56, s22;
	v40 =	vmovc v21;
	v42 =	vmovc v23;
	v44 =	vmov v25;
	v46 =	vmov v27;
	v56 =	vmov v52;
	[sflag:s0] =	ssyncset.done @!p0 $0x0;
	v52 =	vld [tilespmem:$0x1FFA0]  }
0x35b: {  	s31 =	sadd.s32 $0x57, s22;
	s2 =	simm.s32 $0x0;
	v48 =	vmovc v30;
	v50 =	vmovc v14;
	v53 =	vmov v22;
	v55 =	vmov v26;
	v35 =	vmov v24;
	v54 =	vld [tilespmem:$0x1FFC0];
	[sflag:s0] =	ssyncadd.s32 @!p0 $0xFFFFB000  }
.LBB2_7:
0x35c: {  	s0 =	sadd.s32 s23, s2  }
0x35d: {  	v0 =	vmov s0  }
0x35e: {  	v0 =	vand.u32 $0xFFFFFFF8, v0  }
0x35f: {  	v0 =	vbroadcast v0, $0x0;
	_ =	sdelay $0x5  }
0x360: {  	v0 =	vld.idx.msk [tilespmem:v0+s9+$0x0], $0xffff;
	_ =	sdelay $0x4  }
0x361: {  	v0 =	vshll.u32 v0, $0x9  }
0x362: {  	v1 =	vor.u32 v58, v0  }
0x363: {  	v2 =	vor.u32 v59, v0  }
0x364: {  	v3 =	vor.u32 v57, v0  }
0x365: {  	v4 =	vor.u32 v60, v0  }
0x366: {  	v5 =	vor.u32 v61, v0  }
0x367: {  	v6 =	vor.u32 v62, v0;
	v1 =	vld.idx.msk [tilespmem:v1+s4+$0x0], $0xffff  }
0x368: {  	v7 =	vor.u32 v63, v0;
	v2 =	vld.idx.msk [tilespmem:v2+s4+$0x0], $0xffff  }
0x369: {  	v8 =	vor.u32 v9, v0;
	v3 =	vld.idx.msk [tilespmem:v3+s4+$0x0], $0xffff  }
0x36a: {  	v9 =	vor.u32 v11, v0;
	v4 =	vld.idx.msk [tilespmem:v4+s4+$0x0], $0xffff  }
0x36b: {  	v10 =	vor.u32 v10, v0;
	v5 =	vld.idx.msk [tilespmem:v5+s4+$0x0], $0xffff  }
0x36c: {  	v11 =	vor.u32 v12, v0;
	v6 =	vld.idx.msk [tilespmem:v6+s4+$0x0], $0xffff  }
0x36d: {  	v12 =	vor.u32 v33, v0;
	v7 =	vld.idx.msk [tilespmem:v7+s4+$0x0], $0xffff  }
0x36e: {  	v32 =	vor.u32 v35, v0;
	v8 =	vld.idx.msk [tilespmem:v8+s4+$0x0], $0xffff  }
0x36f: {  	v33 =	vor.u32 v38, v0;
	v9 =	vld.idx.msk [tilespmem:v9+s4+$0x0], $0xffff  }
0x370: {  	v34 =	vor.u32 v39, v0;
	v10 =	vld.idx.msk [tilespmem:v10+s4+$0x0], $0xffff  }
0x371: {  	v35 =	vor.u32 v40, v0;
	v11 =	vld.idx.msk [tilespmem:v11+s4+$0x0], $0xffff  }
0x372: {  	v36 =	vor.u32 v41, v0;
	v12 =	vld.idx.msk [tilespmem:v12+s4+$0x0], $0xffff  }
0x373: {  	v37 =	vor.u32 v42, v0;
	v32 =	vld.idx.msk [tilespmem:v32+s4+$0x0], $0xffff  }
0x374: {  	v19 =	vmov v38;
	v38 =	vor.u32 v43, v0;
	v33 =	vld.idx.msk [tilespmem:v33+s4+$0x0], $0xffff  }
0x375: {  	v20 =	vmov v39;
	v39 =	vor.u32 v44, v0;
	v34 =	vld.idx.msk [tilespmem:v34+s4+$0x0], $0xffff  }
0x376: {  	v22 =	vmov v41;
	v41 =	vor.u32 v45, v0;
	v35 =	vld.idx.msk [tilespmem:v35+s4+$0x0], $0xffff  }
0x377: {  	s1 =	sadd.s32 s2, s24;
	v23 =	vmov v42;
	v42 =	vor.u32 v46, v0;
	v36 =	vld.idx.msk [tilespmem:v36+s4+$0x0], $0xffff  }
0x378: {  	v21 =	vmovc v40;
	v24 =	vmov v43;
	v40 =	vmov s1;
	v43 =	vor.u32 v47, v0;
	v37 =	vld.idx.msk [tilespmem:v37+s4+$0x0], $0xffff  }
0x379: {  	v25 =	vmov v44;
	v44 =	vor.u32 v48, v0;
	v40 =	vand.u32 $0xFFFFFFF9, v40;
	v38 =	vld.idx.msk [tilespmem:v38+s4+$0x0], $0xffff  }
0x37a: {  	v26 =	vmov v45;
	v45 =	vor.u32 v49, v0;
	v40 =	vbroadcast v40, $0x0;
	v39 =	vld.idx.msk [tilespmem:v39+s4+$0x0], $0xffff  }
0x37b: {  	v41 =	vld.idx.msk [tilespmem:v41+s4+$0x0], $0xffff  }
0x37c: {  	v27 =	vmov v46;
	v46 =	vor.u32 v50, v0;
	v42 =	vld.idx.msk [tilespmem:v42+s4+$0x0], $0xffff  }
0x37d: {  	v28 =	vmov v47;
	v47 =	vor.u32 v51, v0;
	v43 =	vld.idx.msk [tilespmem:v43+s4+$0x0], $0xffff  }
0x37e: {  	v29 =	vmov v48;
	v48 =	vor.u32 v52, v0;
	v44 =	vld.idx.msk [tilespmem:v44+s4+$0x0], $0xffff  }
0x37f: {  	v30 =	vmov v49;
	v49 =	vor.u32 v53, v0;
	v45 =	vld.idx.msk [tilespmem:v45+s4+$0x0], $0xffff  }
0x380: {  	v31 =	vmov v50;
	v50 =	vor.u32 v54, v0;
	v40 =	vld.idx.msk [tilespmem:v40+s9+$0x0], $0xffff  }
0x381: {  	v13 =	vmov v51;
	v51 =	vor.u32 v55, v0;
	v46 =	vld.idx.msk [tilespmem:v46+s4+$0x0], $0xffff  }
0x382: {  	v0 =	vor.u32 v56, v0;
	v47 =	vld.idx.msk [tilespmem:v47+s4+$0x0], $0xffff  }
0x383: {  	v48 =	vld.idx.msk [tilespmem:v48+s4+$0x0], $0xffff  }
0x384: {  	v49 =	vld.idx.msk [tilespmem:v49+s4+$0x0], $0xffff  }
0x385: {  	v50 =	vld.idx.msk [tilespmem:v50+s4+$0x0], $0xffff;
	v40 =	vshll.u32 v40, $0x9  }
0x386: {  	v14 =	vmov v52;
	v51 =	vld.idx.msk [tilespmem:v51+s4+$0x0], $0xffff;
	v52 =	vor.u32 v58, v40  }
0x387: {  	v0 =	vld.idx.msk [tilespmem:v0+s4+$0x0], $0xffff;
	v60 =	vor.u32 v60, v40  }
0x388: {  	v16 =	vmov v54;
	v54 =	vor.u32 v57, v40;
	v57 =	vor.u32 v62, v40;
	v62 =	vld [tilespmem:$0x1FED0]  }
0x389: {  	v18 =	vmov v56;
	v56 =	vor.u32 v61, v40;
	v61 =	vld [tilespmem:$0x1FEF0]  }
0x38a: {  	v58 =	vor.u32 v63, v40;
	v63 =	vld [tilespmem:$0x1FF10]  }
0x38b: {  	v52 =	vld.idx.msk [tilespmem:v52+s4+$0x0], $0xffff  }
0x38c: {  	v15 =	vmov v53;
	v17 =	vmov v55;
	v53 =	vor.u32 v59, v40;
	v55 =	vld.idx.msk [tilespmem:v60+s4+$0x0], $0xffff  }
0x38d: {  	s1 =	sshll.u32 s2, $0x9;
	v60 =	vld [tilespmem:$0x1FEE0]  }
0x38e: {  	s0 =	sand.u32 $0x3FFFFE00, s1;
	v59 =	vor.u32 v62, v40;
	v62 =	vld [tilespmem:$0x1FF00]  }
0x38f: {  	[tilespmem:s0+$0xC100] =	vst v1;
	v1 =	vld.idx.msk [tilespmem:v58+s4+$0x0], $0xffff  }
0x390: {  	v58 =	vor.u32 v63, v40;
	v63 =	vld [tilespmem:$0x1FF20]  }
0x391: {  	v53 =	vld.idx.msk [tilespmem:v53+s4+$0x0], $0xffff;
	v61 =	vor.u32 v61, v40  }
0x392: {  	v54 =	vld.idx.msk [tilespmem:v54+s4+$0x0], $0xffff  }
0x393: {  	v56 =	vld.idx.msk [tilespmem:v56+s4+$0x0], $0xffff;
	v60 =	vor.u32 v60, v40  }
0x394: {  	v57 =	vld.idx.msk [tilespmem:v57+s4+$0x0], $0xffff;
	v62 =	vor.u32 v62, v40  }
0x395: {  	[tilespmem:s0+$0xC110] =	vst v2;
	v2 =	vld.idx.msk [tilespmem:v59+s4+$0x0], $0xffff;
	v59 =	vor.u32 v63, v40  }
0x396: {  	[tilespmem:s0+$0xC130] =	vst v4;
	v4 =	vld.idx.msk [tilespmem:v61+s4+$0x0], $0xffff;
	v61 =	vor.u32 v20, v40  }
0x397: {  	[tilespmem:s0+$0xC150] =	vst v6;
	v6 =	vld.idx.msk [tilespmem:v58+s4+$0x0], $0xffff;
	v58 =	vor.u32 v22, v40  }
0x398: {  	[tilespmem:s0+$0xC120] =	vst v3;
	v3 =	vld.idx.msk [tilespmem:v60+s4+$0x0], $0xffff;
	v60 =	vor.u32 v19, v40  }
0x399: {  	[tilespmem:s0+$0xC140] =	vst v5;
	v5 =	vld.idx.msk [tilespmem:v62+s4+$0x0], $0xffff;
	v62 =	vor.u32 v21, v40  }
0x39a: {  	[tilespmem:s0+$0xC160] =	vst v7;
	v7 =	vld.idx.msk [tilespmem:v59+s4+$0x0], $0xffff;
	v59 =	vor.u32 v23, v40  }
0x39b: {  	s1 =	sadd.s32 s2, s25;
	[tilespmem:s0+$0xC500] =	vst v9;
	v9 =	vld.idx.msk [tilespmem:v61+s4+$0x0], $0xffff;
	v61 =	vor.u32 v25, v40  }
0x39c: {  	[tilespmem:s0+$0xC520] =	vst v11;
	v63 =	vmov s1;
	v11 =	vld.idx.msk [tilespmem:v58+s4+$0x0], $0xffff;
	v58 =	vor.u32 v27, v40  }
0x39d: {  	[tilespmem:s0+$0xC170] =	vst v8;
	v63 =	vand.u32 $0xFFFFFFFA, v63;
	v8 =	vld.idx.msk [tilespmem:v60+s4+$0x0], $0xffff;
	v60 =	vor.u32 v24, v40  }
0x39e: {  	[tilespmem:s0+$0xC510] =	vst v10;
	v63 =	vbroadcast v63, $0x0;
	v10 =	vld.idx.msk [tilespmem:v62+s4+$0x0], $0xffff;
	v62 =	vor.u32 v26, v40  }
0x39f: {  	[tilespmem:s0+$0xC530] =	vst v12;
	v12 =	vld.idx.msk [tilespmem:v59+s4+$0x0], $0xffff  }
0x3a0: {  	[tilespmem:s0+$0xC550] =	vst v33;
	v59 =	vor.u32 v28, v40;
	v33 =	vld.idx.msk [tilespmem:v61+s4+$0x0], $0xffff  }
0x3a1: {  	[tilespmem:s0+$0xC570] =	vst v35;
	v35 =	vld.idx.msk [tilespmem:v58+s4+$0x0], $0xffff  }
0x3a2: {  	[tilespmem:s0+$0xC540] =	vst v32;
	v61 =	vor.u32 v30, v40;
	v32 =	vld.idx.msk [tilespmem:v60+s4+$0x0], $0xffff  }
0x3a3: {  	[tilespmem:s0+$0xC560] =	vst v34;
	v58 =	vor.u32 v31, v40;
	v34 =	vld.idx.msk [tilespmem:v62+s4+$0x0], $0xffff  }
0x3a4: {  	[tilespmem:s0+$0xC900] =	vst v36;
	v60 =	vor.u32 v29, v40;
	v62 =	vld.idx.msk [tilespmem:v63+s9+$0x0], $0xffff  }
0x3a5: {  	[tilespmem:s0+$0xC910] =	vst v37;
	v37 =	vld.idx.msk [tilespmem:v59+s4+$0x0], $0xffff;
	v59 =	vor.u32 v14, v40  }
0x3a6: {  	[tilespmem:s0+$0xC920] =	vst v38;
	v63 =	vld [tilespmem:$0x1FEC0]  }
0x3a7: {  	[tilespmem:s0+$0xC930] =	vst v39;
	v39 =	vld.idx.msk [tilespmem:v61+s4+$0x0], $0xffff  }
0x3a8: {  	[tilespmem:s0+$0xC940] =	vst v41;
	v61 =	vor.u32 v16, v40;
	v41 =	vld.idx.msk [tilespmem:v58+s4+$0x0], $0xffff  }
0x3a9: {  	v38 =	vld.idx.msk [tilespmem:v60+s4+$0x0], $0xffff;
	[tilespmem:s0+$0xC950] =	vst v42  }
0x3aa: {  	v58 =	vor.u32 v17, v40;
	v42 =	vshll.u32 v62, $0x9;
	[tilespmem:s0+$0xC960] =	vst v43;
	v62 =	vlaneseq.u32;
	v43 =	vld.idx.msk [tilespmem:v59+s4+$0x0], $0xffff  }
0x3ab: {  	v59 =	vor.u32 v62, v42;
	v62 =	vld [tilespmem:$0x1FE90]  }
0x3ac: {  	v60 =	vor.u32 v15, v40  }
0x3ad: {  	[tilespmem:s0+$0xCD00] =	vst v45;
	v45 =	vld.idx.msk [tilespmem:v61+s4+$0x0], $0xffff  }
0x3ae: {  	v61 =	vld [tilespmem:$0x1FE80]  }
0x3af: {  	[tilespmem:s0+$0xCD10] =	vst v46;
	v46 =	vld.idx.msk [tilespmem:v58+s4+$0x0], $0xffff  }
0x3b0: {  	v58 =	vor.u32 v62, v42;
	v62 =	vld [tilespmem:$0x1FEA0]  }
0x3b1: {  	[tilespmem:s0+$0xC970] =	vst v44;
	v44 =	vld.idx.msk [tilespmem:v60+s4+$0x0], $0xffff  }
0x3b2: {  	v60 =	vld [tilespmem:$0x1FE70]  }
0x3b3: {  	v61 =	vor.u32 v61, v42;
	_ =	sdelay $0x1  }
0x3b4: {  	[tilespmem:s0+$0xCD20] =	vst v47;
	v47 =	vor.u32 v62, v42;
	v62 =	vld [tilespmem:$0x1FEB0]  }
0x3b5: {  	v36 =	vor.u32 v13, v40  }
0x3b6: {  	[tilespmem:s0+$0xCD30] =	vst v48;
	v48 =	vld.idx.msk [tilespmem:v59+s4+$0x0], $0xffff;
	v60 =	vor.u32 v60, v42  }
0x3b7: {  	v40 =	vor.u32 v18, v40;
	[tilespmem:s0+$0xCD50] =	vst v50;
	v50 =	vld.idx.msk [tilespmem:v61+s4+$0x0], $0xffff  }
0x3b8: {  	v61 =	vld [tilespmem:$0x1FED0]  }
0x3b9: {  	v59 =	vor.u32 v62, v42;
	v62 =	vld [tilespmem:$0x1FEE0]  }
0x3ba: {  	v36 =	vld.idx.msk [tilespmem:v36+s4+$0x0], $0xffff  }
0x3bb: {  	[tilespmem:s0+$0xCD40] =	vst v49;
	v49 =	vld.idx.msk [tilespmem:v60+s4+$0x0], $0xffff;
	v60 =	vor.u32 v63, v42  }
0x3bc: {  	v40 =	vld.idx.msk [tilespmem:v40+s4+$0x0], $0xffff  }
0x3bd: {  	[tilespmem:s0+$0xCD60] =	vst v51;
	v51 =	vld.idx.msk [tilespmem:v58+s4+$0x0], $0xffff;
	v61 =	vor.u32 v61, v42  }
0x3be: {  	v58 =	vor.u32 v62, v42;
	v62 =	vld [tilespmem:$0x1FEF0]  }
0x3bf: {  	[tilespmem:s0+$0xCD70] =	vst v0;
	v0 =	vld.idx.msk [tilespmem:v47+s4+$0x0], $0xffff  }
0x3c0: {  	[tilespmem:s0+$0xC190] =	vst v53;
	v53 =	vld.idx.msk [tilespmem:v60+s4+$0x0], $0xffff  }
0x3c1: {  	v60 =	vld [tilespmem:$0x1FF10]  }
0x3c2: {  	[tilespmem:s0+$0xC1A0] =	vst v54;
	v54 =	vld.idx.msk [tilespmem:v61+s4+$0x0], $0xffff  }
0x3c3: {  	v47 =	vor.u32 v62, v42;
	v62 =	vld [tilespmem:$0x1FF00]  }
0x3c4: {  	v61 =	vld [tilespmem:$0x1FF20]  }
0x3c5: {  	[tilespmem:s0+$0xC1C0] =	vst v56;
	v56 =	vor.u32 v20, v42  }
0x3c6: {  	v60 =	vor.u32 v60, v42  }
0x3c7: {  	[tilespmem:s0+$0xC1B0] =	vst v55;
	v55 =	vld.idx.msk [tilespmem:v58+s4+$0x0], $0xffff;
	v58 =	vor.u32 v19, v42  }
0x3c8: {  	[tilespmem:s0+$0xC180] =	vst v52;
	v52 =	vld.idx.msk [tilespmem:v59+s4+$0x0], $0xffff;
	v59 =	vor.u32 v62, v42  }
0x3c9: {  	v61 =	vor.u32 v61, v42  }
0x3ca: {  	[tilespmem:s0+$0xC590] =	vst v4;
	v4 =	vld.idx.msk [tilespmem:v56+s4+$0x0], $0xffff;
	v56 =	vor.u32 v25, v42  }
0x3cb: {  	s1 =	sadd.s32 s2, s26;
	[tilespmem:s0+$0xC1E0] =	vst v1;
	v1 =	vld.idx.msk [tilespmem:v60+s4+$0x0], $0xffff;
	v60 =	vor.u32 v22, v42  }
0x3cc: {  	[tilespmem:s0+$0xC580] =	vst v3;
	v3 =	vld.idx.msk [tilespmem:v58+s4+$0x0], $0xffff;
	v58 =	vor.u32 v24, v42;
	v62 =	vmov s1  }
0x3cd: {  	[tilespmem:s0+$0xC1D0] =	vst v57;
	v62 =	vand.u32 $0xFFFFFFFB, v62;
	v57 =	vld.idx.msk [tilespmem:v59+s4+$0x0], $0xffff;
	v59 =	vor.u32 v21, v42  }
0x3ce: {  	[tilespmem:s0+$0xC1F0] =	vst v2;
	v2 =	vld.idx.msk [tilespmem:v61+s4+$0x0], $0xffff;
	v61 =	vor.u32 v23, v42;
	v62 =	vbroadcast v62, $0x0  }
0x3cf: {  	[tilespmem:s0+$0xC5E0] =	vst v9;
	v9 =	vld.idx.msk [tilespmem:v56+s4+$0x0], $0xffff  }
0x3d0: {  	[tilespmem:s0+$0xC5B0] =	vst v6;
	v6 =	vld.idx.msk [tilespmem:v60+s4+$0x0], $0xffff;
	v60 =	vor.u32 v27, v42  }
0x3d1: {  	[tilespmem:s0+$0xC5D0] =	vst v8;
	v8 =	vld.idx.msk [tilespmem:v58+s4+$0x0], $0xffff;
	v58 =	vor.u32 v28, v42  }
0x3d2: {  	[tilespmem:s0+$0xC5A0] =	vst v5;
	v5 =	vld.idx.msk [tilespmem:v59+s4+$0x0], $0xffff;
	v59 =	vor.u32 v26, v42  }
0x3d3: {  	[tilespmem:s0+$0xC5C0] =	vst v7;
	v7 =	vld.idx.msk [tilespmem:v61+s4+$0x0], $0xffff  }
0x3d4: {  	[tilespmem:s0+$0xC5F0] =	vst v10;
	v56 =	vor.u32 v29, v42;
	v61 =	vld.idx.msk [tilespmem:v62+s9+$0x0], $0xffff  }
0x3d5: {  	[tilespmem:s0+$0xC980] =	vst v11;
	v11 =	vld.idx.msk [tilespmem:v60+s4+$0x0], $0xffff;
	v60 =	vor.u32 v31, v42  }
0x3d6: {  	[tilespmem:s0+$0xC9A0] =	vst v32;
	v32 =	vld.idx.msk [tilespmem:v58+s4+$0x0], $0xffff;
	v58 =	vor.u32 v14, v42  }
0x3d7: {  	[tilespmem:s0+$0xC990] =	vst v12;
	v10 =	vld.idx.msk [tilespmem:v59+s4+$0x0], $0xffff;
	v59 =	vor.u32 v30, v42  }
0x3d8: {  	[tilespmem:s0+$0xC9B0] =	vst v33  }
0x3d9: {  	[tilespmem:s0+$0xC9D0] =	vst v35;
	v33 =	vld.idx.msk [tilespmem:v56+s4+$0x0], $0xffff  }
0x3da: {  	v12 =	vor.u32 v13, v42;
	[tilespmem:s0+$0xC9E0] =	vst v37;
	v37 =	vor.u32 v18, v42;
	v35 =	vld.idx.msk [tilespmem:v60+s4+$0x0], $0xffff  }
0x3db: {  	[tilespmem:s0+$0xC9F0] =	vst v38;
	v56 =	vor.u32 v15, v42;
	v60 =	vor.u32 v17, v42;
	v38 =	vld.idx.msk [tilespmem:v58+s4+$0x0], $0xffff  }
0x3dc: {  	[tilespmem:s0+$0xC9C0] =	vst v34;
	v34 =	vld.idx.msk [tilespmem:v59+s4+$0x0], $0xffff;
	v59 =	vor.u32 v16, v42;
	v42 =	vshll.u32 v61, $0x9;
	v61 =	vlaneseq.u32  }
0x3dd: {  	v58 =	vor.u32 v61, v42;
	v61 =	vld [tilespmem:$0x1FE70];
	_ =	sdelay $0x3  }
0x3de: {  	[tilespmem:s0+$0xCD80] =	vst v39;
	v39 =	vld.idx.msk [tilespmem:v56+s4+$0x0], $0xffff  }
0x3df: {  	v56 =	vor.u32 v61, v42;
	v61 =	vld [tilespmem:$0x1FE80];
	_ =	sdelay $0x3  }
0x3e0: {  	[tilespmem:s0+$0xCD90] =	vst v41;
	v41 =	vld.idx.msk [tilespmem:v59+s4+$0x0], $0xffff  }
0x3e1: {  	v59 =	vor.u32 v61, v42;
	v61 =	vld [tilespmem:$0x1FEA0];
	_ =	sdelay $0x4  }
0x3e2: {  	[tilespmem:s0+$0xCDB0] =	vst v43;
	v43 =	vor.u32 v61, v42;
	v61 =	vld [tilespmem:$0x1FED0]  }
0x3e3: {  	[tilespmem:s0+$0xCDA0] =	vst v36;
	v36 =	vld.idx.msk [tilespmem:v60+s4+$0x0], $0xffff  }
0x3e4: {  	v60 =	vld [tilespmem:$0x1FE90]  }
0x3e5: {  	v62 =	vld [tilespmem:$0x1FEB0]  }
0x3e6: {  	[tilespmem:s0+$0xCDE0] =	vst v46;
	v46 =	vld.idx.msk [tilespmem:v59+s4+$0x0], $0xffff  }
0x3e7: {  	v59 =	vor.u32 v61, v42;
	v61 =	vld [tilespmem:$0x1FEF0]  }
0x3e8: {  	v12 =	vld.idx.msk [tilespmem:v12+s4+$0x0], $0xffff  }
0x3e9: {  	v37 =	vld.idx.msk [tilespmem:v37+s4+$0x0], $0xffff;
	v60 =	vor.u32 v60, v42  }
0x3ea: {  	v47 =	vld.idx.msk [tilespmem:v47+s4+$0x0], $0xffff  }
0x3eb: {  	[tilespmem:s0+$0xCDC0] =	vst v44;
	v44 =	vld.idx.msk [tilespmem:v58+s4+$0x0], $0xffff;
	v58 =	vor.u32 v62, v42  }
0x3ec: {  	[tilespmem:s0+$0xC200] =	vst v48;
	v48 =	vor.u32 v61, v42;
	v61 =	vld [tilespmem:$0x1FF00];
	_ =	sdelay $0x1  }
0x3ed: {  	[tilespmem:s0+$0xCDF0] =	vst v40;
	v40 =	vld.idx.msk [tilespmem:v60+s4+$0x0], $0xffff  }
0x3ee: {  	[tilespmem:s0+$0xCDD0] =	vst v45;
	v45 =	vld.idx.msk [tilespmem:v56+s4+$0x0], $0xffff  }
0x3ef: {  	[tilespmem:s0+$0xC210] =	vst v49;
	v56 =	vor.u32 v63, v42;
	v49 =	vld.idx.msk [tilespmem:v58+s4+$0x0], $0xffff  }
0x3f0: {  	v58 =	vor.u32 v61, v42;
	v61 =	vld [tilespmem:$0x1FF10]  }
0x3f1: {  	v60 =	vld [tilespmem:$0x1FEE0];
	_ =	sdelay $0x2  }
0x3f2: {  	[tilespmem:s0+$0xC220] =	vst v50;
	v50 =	vld.idx.msk [tilespmem:v56+s4+$0x0], $0xffff  }
0x3f3: {  	v56 =	vor.u32 v61, v42;
	v61 =	vld [tilespmem:$0x1FF20]  }
0x3f4: {  	v60 =	vor.u32 v60, v42;
	_ =	sdelay $0x1  }
0x3f5: {  	[tilespmem:s0+$0xC230] =	vst v51  }
0x3f6: {  	[tilespmem:s0+$0xC240] =	vst v0  }
0x3f7: {  	[tilespmem:s0+$0xC250] =	vst v52;
	v51 =	vld.idx.msk [tilespmem:v59+s4+$0x0], $0xffff;
	v59 =	vor.u32 v61, v42  }
0x3f8: {  	[tilespmem:s0+$0xC260] =	vst v53;
	v0 =	vld.idx.msk [tilespmem:v60+s4+$0x0], $0xffff;
	v60 =	vor.u32 v19, v42  }
0x3f9: {  	[tilespmem:s0+$0xC270] =	vst v54;
	v53 =	vld.idx.msk [tilespmem:v58+s4+$0x0], $0xffff;
	v58 =	vor.u32 v21, v42  }
0x3fa: {  	[tilespmem:s0+$0xC620] =	vst v57;
	v57 =	vor.u32 v25, v42  }
0x3fb: {  	s1 =	sadd.s32 s2, s28;
	[tilespmem:s0+$0xC600] =	vst v55;
	v54 =	vld.idx.msk [tilespmem:v56+s4+$0x0], $0xffff;
	v56 =	vor.u32 v22, v42  }
0x3fc: {  	[tilespmem:s0+$0xC610] =	vst v47;
	v61 =	vmov s1;
	v55 =	vld.idx.msk [tilespmem:v59+s4+$0x0], $0xffff;
	v59 =	vor.u32 v23, v42  }
0x3fd: {  	[tilespmem:s0+$0xC630] =	vst v1;
	v47 =	vld.idx.msk [tilespmem:v60+s4+$0x0], $0xffff;
	v60 =	vor.u32 v24, v42;
	v61 =	vand.u32 $0xFFFFFFFC, v61  }
0x3fe: {  	[tilespmem:s0+$0xC640] =	vst v2;
	v1 =	vld.idx.msk [tilespmem:v58+s4+$0x0], $0xffff;
	v58 =	vor.u32 v26, v42;
	v61 =	vbroadcast v61, $0x0  }
0x3ff: {  	[tilespmem:s0+$0xC670] =	vst v5;
	v5 =	vld.idx.msk [tilespmem:v57+s4+$0x0], $0xffff  }
0x400: {  	[tilespmem:s0+$0xC650] =	vst v3;
	v2 =	vld.idx.msk [tilespmem:v56+s4+$0x0], $0xffff;
	v56 =	vor.u32 v27, v42  }
0x401: {  	[tilespmem:s0+$0xC660] =	vst v4;
	v3 =	vld.idx.msk [tilespmem:v59+s4+$0x0], $0xffff;
	v59 =	vor.u32 v28, v42  }
0x402: {  	[tilespmem:s0+$0xCA00] =	vst v6;
	v4 =	vld.idx.msk [tilespmem:v60+s4+$0x0], $0xffff  }
0x403: {  	[tilespmem:s0+$0xCA10] =	vst v7;
	v57 =	vor.u32 v29, v42;
	v6 =	vld.idx.msk [tilespmem:v58+s4+$0x0], $0xffff  }
0x404: {  	[tilespmem:s0+$0xCA20] =	vst v8;
	v58 =	vor.u32 v30, v42;
	v60 =	vld.idx.msk [tilespmem:v61+s9+$0x0], $0xffff  }
0x405: {  	[tilespmem:s0+$0xCA30] =	vst v9;
	v7 =	vld.idx.msk [tilespmem:v56+s4+$0x0], $0xffff;
	v56 =	vor.u32 v31, v42  }
0x406: {  	[tilespmem:s0+$0xCA40] =	vst v10;
	v9 =	vld.idx.msk [tilespmem:v59+s4+$0x0], $0xffff;
	v59 =	vor.u32 v14, v42  }
0x407: {  	[tilespmem:s0+$0xCA50] =	vst v11  }
0x408: {  	[tilespmem:s0+$0xCA60] =	vst v32;
	v10 =	vld.idx.msk [tilespmem:v57+s4+$0x0], $0xffff  }
0x409: {  	v52 =	vor.u32 v20, v42;
	v8 =	vor.u32 v13, v42;
	[tilespmem:s0+$0xCA70] =	vst v33;
	v11 =	vld.idx.msk [tilespmem:v58+s4+$0x0], $0xffff  }
0x40a: {  	v33 =	vor.u32 v18, v42;
	v57 =	vor.u32 v15, v42;
	v58 =	vor.u32 v16, v42;
	v32 =	vld.idx.msk [tilespmem:v56+s4+$0x0], $0xffff  }
0x40b: {  	[tilespmem:s0+$0xCE00] =	vst v34;
	v56 =	vor.u32 v17, v42;
	v42 =	vshll.u32 v60, $0x9;
	v60 =	vlaneseq.u32;
	v34 =	vld.idx.msk [tilespmem:v59+s4+$0x0], $0xffff  }
0x40c: {  	v59 =	vor.u32 v60, v42;
	v60 =	vld [tilespmem:$0x1FE70];
	_ =	sdelay $0x3  }
0x40d: {  	[tilespmem:s0+$0xCE10] =	vst v35;
	v35 =	vld.idx.msk [tilespmem:v57+s4+$0x0], $0xffff  }
0x40e: {  	v57 =	vor.u32 v60, v42;
	v60 =	vld [tilespmem:$0x1FE80];
	_ =	sdelay $0x3  }
0x40f: {  	[tilespmem:s0+$0xCE20] =	vst v12;
	v12 =	vld.idx.msk [tilespmem:v58+s4+$0x0], $0xffff  }
0x410: {  	v58 =	vor.u32 v60, v42;
	v60 =	vld [tilespmem:$0x1FE90];
	_ =	sdelay $0x3  }
0x411: {  	[tilespmem:s0+$0xCE30] =	vst v38;
	v38 =	vld.idx.msk [tilespmem:v56+s4+$0x0], $0xffff  }
0x412: {  	v56 =	vor.u32 v60, v42;
	v60 =	vld [tilespmem:$0x1FED0];
	_ =	sdelay $0x1  }
0x413: {  	v52 =	vld.idx.msk [tilespmem:v52+s4+$0x0], $0xffff  }
0x414: {  	v8 =	vld.idx.msk [tilespmem:v8+s4+$0x0], $0xffff  }
0x415: {  	[tilespmem:s0+$0xCE70] =	vst v37;
	v37 =	vld.idx.msk [tilespmem:v58+s4+$0x0], $0xffff  }
0x416: {  	v58 =	vor.u32 v60, v42;
	v60 =	vld [tilespmem:$0x1FEE0]  }
0x417: {  	v33 =	vld.idx.msk [tilespmem:v33+s4+$0x0], $0xffff  }
0x418: {  	v43 =	vld.idx.msk [tilespmem:v43+s4+$0x0], $0xffff  }
0x419: {  	v48 =	vld.idx.msk [tilespmem:v48+s4+$0x0], $0xffff  }
0x41a: {  	[tilespmem:s0+$0xC280] =	vst v44;
	v44 =	vld.idx.msk [tilespmem:v56+s4+$0x0], $0xffff  }
0x41b: {  	v56 =	vor.u32 v60, v42;
	v60 =	vld [tilespmem:$0x1FEF0];
	_ =	sdelay $0x3  }
0x41c: {  	[tilespmem:s0+$0xCE50] =	vst v41;
	v41 =	vld.idx.msk [tilespmem:v59+s4+$0x0], $0xffff;
	v59 =	vor.u32 v62, v42  }
0x41d: {  	[tilespmem:s0+$0xC290] =	vst v45;
	v45 =	vor.u32 v60, v42;
	v60 =	vld [tilespmem:$0x1FF00];
	_ =	sdelay $0x2  }
0x41e: {  	[tilespmem:s0+$0xCE60] =	vst v36;
	v36 =	vld.idx.msk [tilespmem:v57+s4+$0x0], $0xffff;
	v57 =	vor.u32 v63, v42  }
0x41f: {  	[tilespmem:s0+$0xC2A0] =	vst v46;
	v46 =	vld.idx.msk [tilespmem:v59+s4+$0x0], $0xffff  }
0x420: {  	v59 =	vor.u32 v60, v42;
	v60 =	vld [tilespmem:$0x1FF10]  }
0x421: {  	v61 =	vld [tilespmem:$0x1FEA0];
	_ =	sdelay $0x1  }
0x422: {  	[tilespmem:s0+$0xC2B0] =	vst v40;
	v40 =	vld.idx.msk [tilespmem:v57+s4+$0x0], $0xffff  }
0x423: {  	[tilespmem:s0+$0xC2D0] =	vst v49;
	v49 =	vld.idx.msk [tilespmem:v56+s4+$0x0], $0xffff;
	v56 =	vor.u32 v19, v42  }
0x424: {  	v57 =	vor.u32 v60, v42;
	v60 =	vld [tilespmem:$0x1FF20]  }
0x425: {  	[tilespmem:s0+$0xCE40] =	vst v39;
	v39 =	vor.u32 v61, v42;
	_ =	sdelay $0x1  }
0x426: {  	[tilespmem:s0+$0xC2C0] =	vst v43  }
0x427: {  	[tilespmem:s0+$0xC6A0] =	vst v53;
	v53 =	vld.idx.msk [tilespmem:v56+s4+$0x0], $0xffff;
	v56 =	vor.u32 v24, v42  }
0x428: {  	[tilespmem:s0+$0xC2E0] =	vst v50;
	v43 =	vld.idx.msk [tilespmem:v58+s4+$0x0], $0xffff;
	v58 =	vor.u32 v60, v42  }
0x429: {  	[tilespmem:s0+$0xC2F0] =	vst v51;
	v39 =	vld.idx.msk [tilespmem:v39+s4+$0x0], $0xffff;
	v60 =	vor.u32 v20, v42  }
0x42a: {  	[tilespmem:s0+$0xC680] =	vst v0;
	v51 =	vld.idx.msk [tilespmem:v59+s4+$0x0], $0xffff;
	v59 =	vor.u32 v21, v42  }
0x42b: {  	[tilespmem:s0+$0xC6B0] =	vst v54;
	v0 =	vld.idx.msk [tilespmem:v57+s4+$0x0], $0xffff;
	v57 =	vor.u32 v22, v42  }
0x42c: {  	v54 =	vor.u32 v25, v42;
	[tilespmem:s0+$0xC6F0] =	vst v1;
	v1 =	vld.idx.msk [tilespmem:v56+s4+$0x0], $0xffff  }
0x42d: {  	s1 =	sadd.s32 s2, s29;
	[tilespmem:s0+$0xC690] =	vst v48;
	v56 =	vor.u32 v28, v42;
	v48 =	vld.idx.msk [tilespmem:v58+s4+$0x0], $0xffff  }
0x42e: {  	[tilespmem:s0+$0xC6C0] =	vst v55;
	v58 =	vor.u32 v23, v42;
	v50 =	vld.idx.msk [tilespmem:v60+s4+$0x0], $0xffff;
	v60 =	vmov s1  }
0x42f: {  	[tilespmem:s0+$0xC6D0] =	vst v47;
	v55 =	vld.idx.msk [tilespmem:v59+s4+$0x0], $0xffff;
	v59 =	vor.u32 v26, v42;
	v60 =	vand.u32 $0xFFFFFFFD, v60  }
0x430: {  	[tilespmem:s0+$0xCA80] =	vst v2;
	v47 =	vld.idx.msk [tilespmem:v57+s4+$0x0], $0xffff;
	v57 =	vor.u32 v27, v42;
	v60 =	vbroadcast v60, $0x0  }
0x431: {  	[tilespmem:s0+$0xCAB0] =	vst v5;
	v2 =	vld.idx.msk [tilespmem:v54+s4+$0x0], $0xffff  }
0x432: {  	v5 =	vor.u32 v13, v42;
	[tilespmem:s0+$0xCAC0] =	vst v6;
	v6 =	vld.idx.msk [tilespmem:v56+s4+$0x0], $0xffff  }
0x433: {  	[tilespmem:s0+$0xC6E0] =	vst v52;
	v52 =	vld.idx.msk [tilespmem:v58+s4+$0x0], $0xffff;
	v58 =	vor.u32 v30, v42  }
0x434: {  	[tilespmem:s0+$0xCA90] =	vst v3;
	v54 =	vor.u32 v29, v42;
	v3 =	vld.idx.msk [tilespmem:v59+s4+$0x0], $0xffff  }
0x435: {  	[tilespmem:s0+$0xCAA0] =	vst v4;
	v56 =	vor.u32 v14, v42;
	v4 =	vld.idx.msk [tilespmem:v57+s4+$0x0], $0xffff  }
0x436: {  	v57 =	vor.u32 v31, v42;
	v59 =	vld.idx.msk [tilespmem:v60+s9+$0x0], $0xffff  }
0x437: {  	[tilespmem:s0+$0xCE80] =	vst v11;
	v11 =	vor.u32 v18, v42;
	v5 =	vld.idx.msk [tilespmem:v5+s4+$0x0], $0xffff  }
0x438: {  	[tilespmem:s0+$0xCAE0] =	vst v9;
	v9 =	vld.idx.msk [tilespmem:v58+s4+$0x0], $0xffff;
	v58 =	vor.u32 v16, v42  }
0x439: {  	[tilespmem:s0+$0xCAD0] =	vst v7;
	v7 =	vld.idx.msk [tilespmem:v54+s4+$0x0], $0xffff  }
0x43a: {  	[tilespmem:s0+$0xCE90] =	vst v32;
	v54 =	vor.u32 v15, v42;
	v32 =	vld.idx.msk [tilespmem:v56+s4+$0x0], $0xffff  }
0x43b: {  	[tilespmem:s0+$0xCAF0] =	vst v10;
	v56 =	vlaneseq.u32;
	v10 =	vld.idx.msk [tilespmem:v57+s4+$0x0], $0xffff;
	v57 =	vor.u32 v17, v42;
	v42 =	vshll.u32 v59, $0x9  }
0x43c: {  	v11 =	vld.idx.msk [tilespmem:v11+s4+$0x0], $0xffff;
	v56 =	vor.u32 v56, v42  }
0x43d: {  	[tilespmem:s0+$0xCEB0] =	vst v34;
	v34 =	vld.idx.msk [tilespmem:v58+s4+$0x0], $0xffff  }
0x43e: {  	v58 =	vld [tilespmem:$0x1FE80]  }
0x43f: {  	v60 =	vld [tilespmem:$0x1FE90]  }
0x440: {  	v59 =	vld [tilespmem:$0x1FE70]  }
0x441: {  	[tilespmem:s0+$0xCEE0] =	vst v38;
	v38 =	vld.idx.msk [tilespmem:v56+s4+$0x0], $0xffff;
	v56 =	vor.u32 v62, v42  }
0x442: {  	[tilespmem:s0+$0xCEA0] =	vst v8;
	v8 =	vld.idx.msk [tilespmem:v54+s4+$0x0], $0xffff  }
0x443: {  	v45 =	vld.idx.msk [tilespmem:v45+s4+$0x0], $0xffff;
	v58 =	vor.u32 v58, v42  }
0x444: {  	[tilespmem:s0+$0xCEC0] =	vst v35;
	v35 =	vld.idx.msk [tilespmem:v57+s4+$0x0], $0xffff  }
0x445: {  	v57 =	vor.u32 v60, v42;
	v54 =	vor.u32 v59, v42;
	v59 =	vld [tilespmem:$0x1FEF0]  }
0x446: {  	[tilespmem:s0+$0xC330] =	vst v44;
	v44 =	vld.idx.msk [tilespmem:v56+s4+$0x0], $0xffff  }
0x447: {  	v56 =	vld [tilespmem:$0x1FF00]  }
0x448: {  	[tilespmem:s0+$0xC300] =	vst v41;
	v41 =	vld.idx.msk [tilespmem:v58+s4+$0x0], $0xffff  }
0x449: {  	v58 =	vld [tilespmem:$0x1FED0]  }
0x44a: {  	[tilespmem:s0+$0xC310] =	vst v36;
	v36 =	vld.idx.msk [tilespmem:v57+s4+$0x0], $0xffff  }
0x44b: {  	v57 =	vld [tilespmem:$0x1FEE0]  }
0x44c: {  	[tilespmem:s0+$0xCEF0] =	vst v33;
	v33 =	vld.idx.msk [tilespmem:v54+s4+$0x0], $0xffff;
	v54 =	vor.u32 v63, v42  }
0x44d: {  	[tilespmem:s0+$0xC320] =	vst v37;
	v37 =	vor.u32 v59, v42;
	v59 =	vld [tilespmem:$0x1FF10];
	v56 =	vor.u32 v56, v42  }
0x44e: {  	v58 =	vor.u32 v58, v42;
	_ =	sdelay $0x2  }
0x44f: {  	[tilespmem:s0+$0xC340] =	vst v39;
	v57 =	vor.u32 v57, v42;
	v39 =	vld.idx.msk [tilespmem:v54+s4+$0x0], $0xffff  }
0x450: {  	[tilespmem:s0+$0xC700] =	vst v49;
	v54 =	vor.u32 v59, v42;
	v49 =	vld.idx.msk [tilespmem:v56+s4+$0x0], $0xffff  }
0x451: {  	[tilespmem:s0+$0xC350] =	vst v46;
	v56 =	vor.u32 v21, v42;
	v46 =	vld.idx.msk [tilespmem:v58+s4+$0x0], $0xffff  }
0x452: {  	[tilespmem:s0+$0xCED0] =	vst v12;
	v12 =	vor.u32 v61, v42;
	v58 =	vld [tilespmem:$0x1FF20]  }
0x453: {  	[tilespmem:s0+$0xC370] =	vst v43;
	v43 =	vor.u32 v20, v42  }
0x454: {  	[tilespmem:s0+$0xC360] =	vst v40;
	v40 =	vld.idx.msk [tilespmem:v57+s4+$0x0], $0xffff;
	v57 =	vor.u32 v19, v42  }
0x455: {  	[tilespmem:s0+$0xC710] =	vst v45;
	v45 =	vld.idx.msk [tilespmem:v54+s4+$0x0], $0xffff;
	v54 =	vor.u32 v22, v42  }
0x456: {  	[tilespmem:s0+$0xC750] =	vst v53;
	v53 =	vld.idx.msk [tilespmem:v56+s4+$0x0], $0xffff;
	v56 =	vor.u32 v26, v42  }
0x457: {  	[tilespmem:s0+$0xC720] =	vst v51;
	v12 =	vld.idx.msk [tilespmem:v12+s4+$0x0], $0xffff;
	v58 =	vor.u32 v58, v42  }
0x458: {  	[tilespmem:s0+$0xC740] =	vst v48;
	v48 =	vor.u32 v25, v42;
	v43 =	vld.idx.msk [tilespmem:v43+s4+$0x0], $0xffff  }
0x459: {  	s1 =	sadd.s32 s2, s30;
	[tilespmem:s0+$0xC730] =	vst v0;
	v0 =	vld.idx.msk [tilespmem:v57+s4+$0x0], $0xffff;
	v57 =	vor.u32 v24, v42  }
0x45a: {  	[tilespmem:s0+$0xC760] =	vst v50;
	v59 =	vmov s1;
	v50 =	vld.idx.msk [tilespmem:v54+s4+$0x0], $0xffff;
	v54 =	vor.u32 v27, v42  }
0x45b: {  	[tilespmem:s0+$0xCB20] =	vst v1;
	v59 =	vand.u32 $0xFFFFFFFE, v59;
	v1 =	vld.idx.msk [tilespmem:v56+s4+$0x0], $0xffff;
	v56 =	vor.u32 v30, v42  }
0x45c: {  	[tilespmem:s0+$0xC770] =	vst v55;
	v59 =	vbroadcast v59, $0x0;
	v51 =	vld.idx.msk [tilespmem:v58+s4+$0x0], $0xffff;
	v58 =	vor.u32 v23, v42  }
0x45d: {  	[tilespmem:s0+$0xCB00] =	vst v47;
	v48 =	vld.idx.msk [tilespmem:v48+s4+$0x0], $0xffff  }
0x45e: {  	[tilespmem:s0+$0xCB10] =	vst v52;
	v47 =	vld.idx.msk [tilespmem:v57+s4+$0x0], $0xffff;
	v57 =	vor.u32 v28, v42  }
0x45f: {  	v52 =	vor.u32 v29, v42;
	[tilespmem:s0+$0xCB30] =	vst v2;
	v2 =	vld.idx.msk [tilespmem:v54+s4+$0x0], $0xffff  }
0x460: {  	[tilespmem:s0+$0xCB70] =	vst v7;
	v7 =	vld.idx.msk [tilespmem:v56+s4+$0x0], $0xffff;
	v56 =	vor.u32 v16, v42  }
0x461: {  	[tilespmem:s0+$0xCB40] =	vst v3;
	v55 =	vld.idx.msk [tilespmem:v58+s4+$0x0], $0xffff  }
0x462: {  	[tilespmem:s0+$0xCB50] =	vst v4;
	v54 =	vor.u32 v31, v42;
	v58 =	vld.idx.msk [tilespmem:v59+s9+$0x0], $0xffff  }
0x463: {  	[tilespmem:s0+$0xCB60] =	vst v6;
	v4 =	vld.idx.msk [tilespmem:v57+s4+$0x0], $0xffff;
	v57 =	vor.u32 v14, v42  }
0x464: {  	v3 =	vor.u32 v13, v42;
	[tilespmem:s0+$0xCF10] =	vst v10;
	v6 =	vld.idx.msk [tilespmem:v52+s4+$0x0], $0xffff  }
0x465: {  	v10 =	vor.u32 v18, v42;
	[tilespmem:s0+$0xCF40] =	vst v8;
	v8 =	vld.idx.msk [tilespmem:v56+s4+$0x0], $0xffff  }
0x466: {  	v52 =	vor.u32 v15, v42;
	v56 =	vld [tilespmem:$0x1FE80]  }
0x467: {  	[tilespmem:s0+$0xCF00] =	vst v9;
	v9 =	vld.idx.msk [tilespmem:v54+s4+$0x0], $0xffff;
	v54 =	vor.u32 v17, v42;
	v42 =	vshll.u32 v58, $0x9;
	v58 =	vlaneseq.u32  }
0x468: {  	[tilespmem:s0+$0xCF20] =	vst v5;
	v5 =	vld.idx.msk [tilespmem:v57+s4+$0x0], $0xffff;
	v57 =	vor.u32 v58, v42  }
0x469: {  	v3 =	vld.idx.msk [tilespmem:v3+s4+$0x0], $0xffff  }
0x46a: {  	v10 =	vld.idx.msk [tilespmem:v10+s4+$0x0], $0xffff  }
0x46b: {  	[tilespmem:s0+$0xCF30] =	vst v32;
	v32 =	vld.idx.msk [tilespmem:v52+s4+$0x0], $0xffff;
	v56 =	vor.u32 v56, v42  }
0x46c: {  	v37 =	vld.idx.msk [tilespmem:v37+s4+$0x0], $0xffff  }
0x46d: {  	[tilespmem:s0+$0xCF70] =	vst v11;
	v11 =	vld.idx.msk [tilespmem:v57+s4+$0x0], $0xffff;
	v57 =	vor.u32 v62, v42  }
0x46e: {  	v59 =	vld [tilespmem:$0x1FE70]  }
0x46f: {  	[tilespmem:s0+$0xCF50] =	vst v34;
	v34 =	vld.idx.msk [tilespmem:v54+s4+$0x0], $0xffff  }
0x470: {  	[tilespmem:s0+$0xC390] =	vst v33;
	v33 =	vld.idx.msk [tilespmem:v56+s4+$0x0], $0xffff  }
0x471: {  	v56 =	vld [tilespmem:$0x1FED0]  }
0x472: {  	[tilespmem:s0+$0xC3C0] =	vst v12;
	v12 =	vld.idx.msk [tilespmem:v57+s4+$0x0], $0xffff  }
0x473: {  	v57 =	vld [tilespmem:$0x1FF00]  }
0x474: {  	[tilespmem:s0+$0xCF60] =	vst v35;
	v52 =	vor.u32 v59, v42  }
0x475: {  	[tilespmem:s0+$0xC380] =	vst v38;
	v54 =	vor.u32 v60, v42  }
0x476: {  	[tilespmem:s0+$0xC3A0] =	vst v41;
	v56 =	vor.u32 v56, v42  }
0x477: {  	[tilespmem:s0+$0xC3B0] =	vst v36  }
0x478: {  	v36 =	vld [tilespmem:$0x1FEF0];
	[tilespmem:s0+$0xC3E0] =	vst v39;
	v57 =	vor.u32 v57, v42  }
0x479: {  	[tilespmem:s0+$0xC780] =	vst v40;
	v38 =	vld.idx.msk [tilespmem:v52+s4+$0x0], $0xffff  }
0x47a: {  	[tilespmem:s0+$0xC790] =	vst v37;
	v35 =	vor.u32 v61, v42;
	v41 =	vld.idx.msk [tilespmem:v54+s4+$0x0], $0xffff  }
0x47b: {  	[tilespmem:s0+$0xC7D0] =	vst v0;
	v40 =	vor.u32 v20, v42;
	v39 =	vld.idx.msk [tilespmem:v56+s4+$0x0], $0xffff  }
0x47c: {  	[tilespmem:s0+$0xC7F0] =	vst v53;
	v53 =	vor.u32 v27, v42;
	v56 =	vld [tilespmem:$0x1FF20]  }
0x47d: {  	[tilespmem:s0+$0xC7E0] =	vst v43;
	v37 =	vld.idx.msk [tilespmem:v57+s4+$0x0], $0xffff;
	v57 =	vor.u32 v21, v42  }
0x47e: {  	[tilespmem:s0+$0xCB90] =	vst v55;
	v55 =	vor.u32 v28, v42;
	v54 =	vld [tilespmem:$0x1FEE0]  }
0x47f: {  	[tilespmem:s0+$0xCBA0] =	vst v47;
	v47 =	vor.u32 v29, v42;
	v35 =	vld.idx.msk [tilespmem:v35+s4+$0x0], $0xffff  }
0x480: {  	[tilespmem:s0+$0xCBD0] =	vst v2;
	v2 =	vor.u32 v13, v42;
	v0 =	vld.idx.msk [tilespmem:v40+s4+$0x0], $0xffff  }
0x481: {  	[tilespmem:s0+$0xCBC0] =	vst v1;
	v1 =	vld.idx.msk [tilespmem:v53+s4+$0x0], $0xffff;
	v56 =	vor.u32 v56, v42  }
0x482: {  	[tilespmem:s0+$0xCBE0] =	vst v4;
	v43 =	vld.idx.msk [tilespmem:v57+s4+$0x0], $0xffff;
	v57 =	vor.u32 v26, v42  }
0x483: {  	[tilespmem:s0+$0xCFA0] =	vst v3;
	v3 =	vor.u32 v18, v42;
	v4 =	vld.idx.msk [tilespmem:v55+s4+$0x0], $0xffff  }
0x484: {  	[tilespmem:s0+$0xCBF0] =	vst v6;
	v52 =	vor.u32 v63, v42;
	v6 =	vld.idx.msk [tilespmem:v47+s4+$0x0], $0xffff  }
0x485: {  	v2 =	vld.idx.msk [tilespmem:v2+s4+$0x0], $0xffff  }
0x486: {  	[tilespmem:s0+$0xC7B0] =	vst v45;
	v45 =	vld.idx.msk [tilespmem:v56+s4+$0x0], $0xffff;
	v56 =	vor.u32 v23, v42  }
0x487: {  	[tilespmem:s0+$0xCBB0] =	vst v48;
	v48 =	vld.idx.msk [tilespmem:v57+s4+$0x0], $0xffff;
	v57 =	vor.u32 v30, v42  }
0x488: {  	v36 =	vor.u32 v36, v42;
	v3 =	vld.idx.msk [tilespmem:v3+s4+$0x0], $0xffff  }
0x489: {  	[tilespmem:s0+$0xC3D0] =	vst v44;
	v40 =	vor.u32 v25, v42;
	v44 =	vld.idx.msk [tilespmem:v52+s4+$0x0], $0xffff  }
0x48a: {  	s1 =	sadd.s32 s2, s31;
	v54 =	vor.u32 v54, v42;
	v52 =	vld [tilespmem:$0x1FF10]  }
0x48b: {  	[tilespmem:s0+$0xCB80] =	vst v50;
	v50 =	vld.idx.msk [tilespmem:v56+s4+$0x0], $0xffff;
	v56 =	vmov s1  }
0x48c: {  	[tilespmem:s0+$0xCF80] =	vst v7;
	v7 =	vld.idx.msk [tilespmem:v57+s4+$0x0], $0xffff;
	v57 =	vor.u32 v16, v42  }
0x48d: {  	v36 =	vld.idx.msk [tilespmem:v36+s4+$0x0], $0xffff  }
0x48e: {  	v53 =	vor.u32 v31, v42;
	v40 =	vld.idx.msk [tilespmem:v40+s4+$0x0], $0xffff  }
0x48f: {  	[tilespmem:s0+$0xC3F0] =	vst v46;
	v52 =	vor.u32 v52, v42;
	v46 =	vld.idx.msk [tilespmem:v54+s4+$0x0], $0xffff  }
0x490: {  	v54 =	vor.u32 v19, v42;
	v56 =	vld.idx.msk [tilespmem:v56+s9+$0x0], $0xffff  }
0x491: {  	[tilespmem:s0+$0xCFD0] =	vst v8;
	v55 =	vor.u32 v14, v42;
	v8 =	vld.idx.msk [tilespmem:v57+s4+$0x0], $0xffff  }
0x492: {  	v47 =	vor.u32 v15, v42;
	v57 =	vld [tilespmem:$0x1FE80]  }
0x493: {  	[tilespmem:s0+$0xCF90] =	vst v9;
	v9 =	vld.idx.msk [tilespmem:v53+s4+$0x0], $0xffff;
	v53 =	vor.u32 v17, v42  }
0x494: {  	[tilespmem:s0+$0xC7A0] =	vst v49;
	v49 =	vld.idx.msk [tilespmem:v52+s4+$0x0], $0xffff;
	v52 =	vor.u32 v22, v42  }
0x495: {  	[tilespmem:s0+$0xC7C0] =	vst v51;
	v51 =	vld.idx.msk [tilespmem:v54+s4+$0x0], $0xffff;
	v54 =	vor.u32 v24, v42;
	v42 =	vshll.u32 v56, $0x9  }
0x496: {  	[tilespmem:s0+$0xCFB0] =	vst v5;
	v5 =	vld.idx.msk [tilespmem:v55+s4+$0x0], $0xffff;
	v55 =	vor.u32 v58, v42  }
0x497: {  	[tilespmem:s0+$0xCFC0] =	vst v32;
	v32 =	vld.idx.msk [tilespmem:v47+s4+$0x0], $0xffff;
	v56 =	vor.u32 v57, v42  }
0x498: {  	[tilespmem:s0+$0xCFE0] =	vst v34;
	v34 =	vld.idx.msk [tilespmem:v53+s4+$0x0], $0xffff  }
0x499: {  	v52 =	vld.idx.msk [tilespmem:v52+s4+$0x0], $0xffff  }
0x49a: {  	v54 =	vld.idx.msk [tilespmem:v54+s4+$0x0], $0xffff  }
0x49b: {  	[tilespmem:s0+$0xC400] =	vst v11;
	v11 =	vld.idx.msk [tilespmem:v55+s4+$0x0], $0xffff  }
0x49c: {  	[tilespmem:s0+$0xC420] =	vst v33;
	v55 =	vor.u32 v62, v42;
	v33 =	vld.idx.msk [tilespmem:v56+s4+$0x0], $0xffff  }
0x49d: {  	v56 =	vld [tilespmem:$0x1FED0]  }
0x49e: {  	[tilespmem:s0+$0xCFF0] =	vst v10;
	v47 =	vor.u32 v59, v42  }
0x49f: {  	[tilespmem:s0+$0xC410] =	vst v38;
	v53 =	vor.u32 v60, v42  }
0x4a0: {  	[tilespmem:s0+$0xC440] =	vst v35;
	v35 =	vld [tilespmem:$0x1FEF0]  }
0x4a1: {  	[tilespmem:s0+$0xC450] =	vst v12;
	v10 =	vor.u32 v61, v42;
	v12 =	vld.idx.msk [tilespmem:v55+s4+$0x0], $0xffff  }
0x4a2: {  	[tilespmem:s0+$0xC430] =	vst v41;
	v55 =	vld [tilespmem:$0x1FF00];
	v56 =	vor.u32 v56, v42  }
0x4a3: {  	[tilespmem:s0+$0xC470] =	vst v39;
	v38 =	vld.idx.msk [tilespmem:v47+s4+$0x0], $0xffff  }
0x4a4: {  	[tilespmem:s0+$0xC810] =	vst v36;
	v36 =	vor.u32 v20, v42;
	v41 =	vld.idx.msk [tilespmem:v53+s4+$0x0], $0xffff  }
0x4a5: {  	[tilespmem:s0+$0xC830] =	vst v49;
	v49 =	vor.u32 v22, v42;
	v53 =	vld [tilespmem:$0x1FEE0]  }
0x4a6: {  	[tilespmem:s0+$0xCC00] =	vst v52;
	v52 =	vor.u32 v27, v42;
	v10 =	vld.idx.msk [tilespmem:v10+s4+$0x0], $0xffff  }
0x4a7: {  	[tilespmem:s0+$0xC860] =	vst v0;
	v55 =	vor.u32 v55, v42;
	v39 =	vld.idx.msk [tilespmem:v56+s4+$0x0], $0xffff  }
0x4a8: {  	[tilespmem:s0+$0xCC20] =	vst v54;
	v54 =	vor.u32 v29, v42;
	v56 =	vld [tilespmem:$0x1FF20]  }
0x4a9: {  	[tilespmem:s0+$0xCC30] =	vst v40;
	v40 =	vor.u32 v30, v42;
	v0 =	vld.idx.msk [tilespmem:v36+s4+$0x0], $0xffff  }
0x4aa: {  	v35 =	vor.u32 v35, v42;
	v49 =	vld.idx.msk [tilespmem:v49+s4+$0x0], $0xffff  }
0x4ab: {  	[tilespmem:s0+$0xCC50] =	vst v1;
	v47 =	vor.u32 v63, v42;
	v1 =	vld.idx.msk [tilespmem:v52+s4+$0x0], $0xffff  }
0x4ac: {  	[tilespmem:s0+$0xC820] =	vst v37;
	v37 =	vld.idx.msk [tilespmem:v55+s4+$0x0], $0xffff;
	v55 =	vor.u32 v21, v42  }
0x4ad: {  	[tilespmem:s0+$0xCC70] =	vst v6;
	v6 =	vld.idx.msk [tilespmem:v54+s4+$0x0], $0xffff;
	v56 =	vor.u32 v56, v42  }
0x4ae: {  	[tilespmem:s0+$0xD000] =	vst v7;
	v7 =	vld.idx.msk [tilespmem:v40+s4+$0x0], $0xffff  }
0x4af: {  	v36 =	vor.u32 v25, v42;
	v35 =	vld.idx.msk [tilespmem:v35+s4+$0x0], $0xffff  }
0x4b0: {  	[tilespmem:s0+$0xC460] =	vst v44;
	v53 =	vor.u32 v53, v42;
	v44 =	vld.idx.msk [tilespmem:v47+s4+$0x0], $0xffff  }
0x4b1: {  	[tilespmem:s0+$0xC870] =	vst v43;
	v43 =	vld.idx.msk [tilespmem:v55+s4+$0x0], $0xffff;
	v55 =	vor.u32 v26, v42  }
0x4b2: {  	[tilespmem:s0+$0xC840] =	vst v45;
	v45 =	vld.idx.msk [tilespmem:v56+s4+$0x0], $0xffff;
	v56 =	vor.u32 v23, v42  }
0x4b3: {  	v52 =	vor.u32 v13, v42;
	v47 =	vld [tilespmem:$0x1FF10]  }
0x4b4: {  	v54 =	vor.u32 v15, v42;
	v36 =	vld.idx.msk [tilespmem:v36+s4+$0x0], $0xffff  }
0x4b5: {  	[tilespmem:s0+$0xC800] =	vst v46;
	v46 =	vld.idx.msk [tilespmem:v53+s4+$0x0], $0xffff;
	v53 =	vor.u32 v19, v42  }
0x4b6: {  	[tilespmem:s0+$0xCC40] =	vst v48;
	v48 =	vld.idx.msk [tilespmem:v55+s4+$0x0], $0xffff;
	v55 =	vor.u32 v31, v42  }
0x4b7: {  	[tilespmem:s0+$0xCC10] =	vst v50;
	v50 =	vld.idx.msk [tilespmem:v56+s4+$0x0], $0xffff;
	v56 =	vor.u32 v28, v42  }
0x4b8: {  	[tilespmem:s0+$0xD020] =	vst v2;
	v40 =	vor.u32 v16, v42;
	v2 =	vld.idx.msk [tilespmem:v52+s4+$0x0], $0xffff  }
0x4b9: {  	[tilespmem:s0+$0xD040] =	vst v32;
	v32 =	vld.idx.msk [tilespmem:v54+s4+$0x0], $0xffff;
	v47 =	vor.u32 v47, v42  }
0x4ba: {  	[tilespmem:s0+$0xC850] =	vst v51;
	v51 =	vld.idx.msk [tilespmem:v53+s4+$0x0], $0xffff;
	v53 =	vor.u32 v24, v42  }
0x4bb: {  	[tilespmem:s0+$0xD010] =	vst v9;
	v9 =	vld.idx.msk [tilespmem:v55+s4+$0x0], $0xffff;
	v55 =	vor.u32 v17, v42  }
0x4bc: {  	[tilespmem:s0+$0xCC60] =	vst v4;
	v4 =	vld.idx.msk [tilespmem:v56+s4+$0x0], $0xffff;
	v56 =	vor.u32 v14, v42  }
0x4bd: {  	[tilespmem:s0+$0xD050] =	vst v8;
	v8 =	vld.idx.msk [tilespmem:v40+s4+$0x0], $0xffff;
	v42 =	vor.u32 v18, v42  }
0x4be: {  	v47 =	vld.idx.msk [tilespmem:v47+s4+$0x0], $0xffff  }
0x4bf: {  	[tilespmem:s0+$0xD030] =	vst v5;
	v53 =	vld.idx.msk [tilespmem:v53+s4+$0x0], $0xffff  }
0x4c0: {  	[tilespmem:s0+$0xD060] =	vst v34;
	v34 =	vld.idx.msk [tilespmem:v55+s4+$0x0], $0xffff  }
0x4c1: {  	[tilespmem:s0+$0xD070] =	vst v3;
	v5 =	vld.idx.msk [tilespmem:v56+s4+$0x0], $0xffff  }
0x4c2: {  	v3 =	vld.idx.msk [tilespmem:v42+s4+$0x0], $0xffff;
	[tilespmem:s0+$0xC480] =	vst v11  }
0x4c3: {  	[tilespmem:s0+$0xC490] =	vst v38  }
0x4c4: {  	[tilespmem:s0+$0xC4A0] =	vst v33  }
0x4c5: {  	[tilespmem:s0+$0xC4B0] =	vst v41  }
0x4c6: {  	[tilespmem:s0+$0xC4C0] =	vst v10  }
0x4c7: {  	[tilespmem:s0+$0xC4D0] =	vst v12  }
0x4c8: {  	[tilespmem:s0+$0xC4E0] =	vst v44  }
0x4c9: {  	[tilespmem:s0+$0xC4F0] =	vst v39  }
0x4ca: {  	[tilespmem:s0+$0xC880] =	vst v46  }
0x4cb: {  	[tilespmem:s0+$0xC890] =	vst v35  }
0x4cc: {  	[tilespmem:s0+$0xC8A0] =	vst v37  }
0x4cd: {  	[tilespmem:s0+$0xC8B0] =	vst v47  }
0x4ce: {  	[tilespmem:s0+$0xC8C0] =	vst v45  }
0x4cf: {  	[tilespmem:s0+$0xC8D0] =	vst v51  }
0x4d0: {  	[tilespmem:s0+$0xC8E0] =	vst v0  }
0x4d1: {  	[tilespmem:s0+$0xC8F0] =	vst v43  }
0x4d2: {  	[tilespmem:s0+$0xCC80] =	vst v49  }
0x4d3: {  	[tilespmem:s0+$0xCC90] =	vst v50  }
0x4d4: {  	[tilespmem:s0+$0xCCA0] =	vst v53  }
0x4d5: {  	[tilespmem:s0+$0xCCB0] =	vst v36  }
0x4d6: {  	[tilespmem:s0+$0xCCC0] =	vst v48  }
0x4d7: {  	[tilespmem:s0+$0xCCD0] =	vst v1  }
0x4d8: {  	[tilespmem:s0+$0xCCE0] =	vst v4  }
0x4d9: {  	[tilespmem:s0+$0xCCF0] =	vst v6  }
0x4da: {  	[tilespmem:s0+$0xD080] =	vst v7  }
0x4db: {  	[tilespmem:s0+$0xD090] =	vst v9  }
0x4dc: {  	p1 =	slt.u32 s2, $0x20;
	v11 =	vld [tilespmem:$0x1FEE0];
	[tilespmem:s0+$0xD0A0] =	vst v2  }
.Ltmp2:
0x4dd: {  	v12 =	vld [tilespmem:$0x1FF00];
	[tilespmem:s0+$0xD0C0] =	vst v32;
	(pc) =	sbr.rel @p1 .LBB2_7-.Ltmp2, $4  }
0x4de: {  	v52 =	vmovc v14;
	v54 =	vmov v16;
	v40 =	vmov v21;
	v55 =	vmov v17;
	v35 =	vld [tilespmem:$0x1FF20];
	[tilespmem:s0+$0xD0D0] =	vst v8  }
0x4df: {  	v56 =	vmovc v18;
	v42 =	vmovc v23;
	v38 =	vmov v19;
	v41 =	vmov v22;
	v44 =	vmov v25;
	v33 =	vld [tilespmem:$0x1FF10];
	[tilespmem:s0+$0xD0E0] =	vst v34  }
0x4e0: {  	v39 =	vmovc v20;
	v46 =	vmovc v27;
	v47 =	vmov v28;
	v45 =	vmov v26;
	v51 =	vmov v13;
	v9 =	vld [tilespmem:$0x1FED0];
	[tilespmem:s0+$0xD0B0] =	vst v5  }
0x4e1: {  	s2 =	sadd.s32 $0x8, s2;
	v43 =	vmovc v24;
	v49 =	vmovc v30;
	v50 =	vmov v31;
	v53 =	vmov v15;
	v48 =	vmov v29;
	v10 =	vld [tilespmem:$0x1FEF0];
	[tilespmem:s0+$0xD0F0] =	vst v3  }
0x4e2: {  	s0 =	sadd.s32 s5, s23  }
0x4e3: {  	s0 =	sshll.u32 s0, $0x6  }
0x4e4: {  	s23 =	sadd.s32 $0x78, s22;
	s0 =	sadd.s32 s3, s0  }
0x4e5: {  	[hbm4b:s0+s4] =	stream.linear.scatter [tilespmem:s12], [sflag:$0x3], $0x5000, $0x38;
	[tilespmem:$0x1B100] =	vst v63  }
0x4e6: {  	s24 =	sadd.s32 $0x79, s22;
	s25 =	sadd.s32 $0x7A, s22;
	s0 =	simm.s32 @!p0 $0x4  }
0x4e7: {  	s26 =	sadd.s32 $0x7B, s22;
	s28 =	sadd.s32 $0x7C, s22;
	_ =	swait.ge @!p0 [sflag:s0], $0x5000  }
0x4e8: {  	s29 =	sadd.s32 $0x7D, s22;
	s30 =	sadd.s32 $0x7E, s22;
	[sflag:s0] =	ssyncset.done @!p0 $0x0  }
0x4e9: {  	s31 =	sadd.s32 $0x7F, s22;
	s2 =	simm.s32 $0x0;
	[sflag:s0] =	ssyncadd.s32 @!p0 $0xFFFFB000  }
.LBB2_9:
0x4ea: {  	s0 =	sadd.s32 s23, s2  }
0x4eb: {  	v0 =	vmov s0  }
0x4ec: {  	v0 =	vand.u32 $0xFFFFFFF8, v0  }
0x4ed: {  	v0 =	vbroadcast v0, $0x0;
	_ =	sdelay $0x5  }
0x4ee: {  	v0 =	vld.idx.msk [tilespmem:v0+s9+$0x0], $0xffff;
	_ =	sdelay $0x4  }
0x4ef: {  	v0 =	vshll.u32 v0, $0x9  }
0x4f0: {  	v1 =	vor.u32 v58, v0  }
0x4f1: {  	v2 =	vor.u32 v59, v0  }
0x4f2: {  	v3 =	vor.u32 v57, v0  }
0x4f3: {  	v4 =	vor.u32 v60, v0  }
0x4f4: {  	v5 =	vor.u32 v61, v0  }
0x4f5: {  	v6 =	vor.u32 v62, v0;
	v1 =	vld.idx.msk [tilespmem:v1+s4+$0x0], $0xffff  }
0x4f6: {  	v7 =	vor.u32 v63, v0;
	v2 =	vld.idx.msk [tilespmem:v2+s4+$0x0], $0xffff  }
0x4f7: {  	v8 =	vor.u32 v9, v0;
	v3 =	vld.idx.msk [tilespmem:v3+s4+$0x0], $0xffff  }
0x4f8: {  	v9 =	vor.u32 v11, v0;
	v4 =	vld.idx.msk [tilespmem:v4+s4+$0x0], $0xffff  }
0x4f9: {  	v10 =	vor.u32 v10, v0;
	v5 =	vld.idx.msk [tilespmem:v5+s4+$0x0], $0xffff  }
0x4fa: {  	v11 =	vor.u32 v12, v0;
	v6 =	vld.idx.msk [tilespmem:v6+s4+$0x0], $0xffff  }
0x4fb: {  	v12 =	vor.u32 v33, v0;
	v7 =	vld.idx.msk [tilespmem:v7+s4+$0x0], $0xffff  }
0x4fc: {  	v32 =	vor.u32 v35, v0;
	v8 =	vld.idx.msk [tilespmem:v8+s4+$0x0], $0xffff  }
0x4fd: {  	v33 =	vor.u32 v38, v0;
	v9 =	vld.idx.msk [tilespmem:v9+s4+$0x0], $0xffff  }
0x4fe: {  	v34 =	vor.u32 v39, v0;
	v10 =	vld.idx.msk [tilespmem:v10+s4+$0x0], $0xffff  }
0x4ff: {  	v35 =	vor.u32 v40, v0;
	v11 =	vld.idx.msk [tilespmem:v11+s4+$0x0], $0xffff  }
0x500: {  	v36 =	vor.u32 v41, v0;
	v12 =	vld.idx.msk [tilespmem:v12+s4+$0x0], $0xffff  }
0x501: {  	v37 =	vor.u32 v42, v0;
	v32 =	vld.idx.msk [tilespmem:v32+s4+$0x0], $0xffff  }
0x502: {  	v38 =	vor.u32 v43, v0;
	v33 =	vld.idx.msk [tilespmem:v33+s4+$0x0], $0xffff  }
0x503: {  	v39 =	vor.u32 v44, v0;
	v34 =	vld.idx.msk [tilespmem:v34+s4+$0x0], $0xffff  }
0x504: {  	v41 =	vor.u32 v45, v0;
	v35 =	vld.idx.msk [tilespmem:v35+s4+$0x0], $0xffff  }
0x505: {  	s1 =	sadd.s32 s2, s24;
	v42 =	vor.u32 v46, v0;
	v36 =	vld.idx.msk [tilespmem:v36+s4+$0x0], $0xffff  }
0x506: {  	v44 =	vmov s1;
	v43 =	vor.u32 v47, v0;
	v37 =	vld.idx.msk [tilespmem:v37+s4+$0x0], $0xffff  }
0x507: {  	v45 =	vor.u32 v49, v0;
	v40 =	vand.u32 $0xFFFFFFF9, v44;
	v38 =	vld.idx.msk [tilespmem:v38+s4+$0x0], $0xffff  }
0x508: {  	v46 =	vor.u32 v50, v0;
	v40 =	vbroadcast v40, $0x0;
	v39 =	vld.idx.msk [tilespmem:v39+s4+$0x0], $0xffff  }
0x509: {  	v41 =	vld.idx.msk [tilespmem:v41+s4+$0x0], $0xffff  }
0x50a: {  	v47 =	vor.u32 v51, v0;
	v42 =	vld.idx.msk [tilespmem:v42+s4+$0x0], $0xffff  }
0x50b: {  	v49 =	vor.u32 v53, v0;
	v43 =	vld.idx.msk [tilespmem:v43+s4+$0x0], $0xffff  }
0x50c: {  	v50 =	vor.u32 v54, v0;
	v45 =	vld.idx.msk [tilespmem:v45+s4+$0x0], $0xffff  }
0x50d: {  	v51 =	vor.u32 v55, v0;
	v46 =	vld.idx.msk [tilespmem:v46+s4+$0x0], $0xffff  }
0x50e: {  	v44 =	vor.u32 v48, v0;
	v40 =	vld.idx.msk [tilespmem:v40+s9+$0x0], $0xffff  }
0x50f: {  	v48 =	vor.u32 v52, v0;
	v47 =	vld.idx.msk [tilespmem:v47+s4+$0x0], $0xffff  }
0x510: {  	v0 =	vor.u32 v56, v0;
	v49 =	vld.idx.msk [tilespmem:v49+s4+$0x0], $0xffff  }
0x511: {  	v50 =	vld.idx.msk [tilespmem:v50+s4+$0x0], $0xffff  }
0x512: {  	v51 =	vld.idx.msk [tilespmem:v51+s4+$0x0], $0xffff  }
0x513: {  	v44 =	vld.idx.msk [tilespmem:v44+s4+$0x0], $0xffff;
	v40 =	vshll.u32 v40, $0x9  }
0x514: {  	v48 =	vld.idx.msk [tilespmem:v48+s4+$0x0], $0xffff;
	v52 =	vor.u32 v58, v40  }
0x515: {  	v0 =	vld.idx.msk [tilespmem:v0+s4+$0x0], $0xffff;
	v60 =	vor.u32 v60, v40  }
0x516: {  	v54 =	vor.u32 v57, v40;
	v57 =	vor.u32 v62, v40;
	v62 =	vld [tilespmem:$0x1FED0]  }
0x517: {  	v56 =	vor.u32 v61, v40;
	v61 =	vld [tilespmem:$0x1FEF0]  }
0x518: {  	v58 =	vor.u32 v63, v40;
	v63 =	vld [tilespmem:$0x1FF10]  }
0x519: {  	v52 =	vld.idx.msk [tilespmem:v52+s4+$0x0], $0xffff  }
0x51a: {  	v53 =	vor.u32 v59, v40;
	v55 =	vld.idx.msk [tilespmem:v60+s4+$0x0], $0xffff  }
0x51b: {  	s1 =	sshll.u32 s2, $0x9;
	v60 =	vld [tilespmem:$0x1FEE0]  }
0x51c: {  	s0 =	sand.u32 $0x3FFFFE00, s1;
	v59 =	vor.u32 v62, v40;
	v62 =	vld [tilespmem:$0x1FF00]  }
0x51d: {  	[tilespmem:s0+$0x11100] =	vst v1;
	v1 =	vld.idx.msk [tilespmem:v58+s4+$0x0], $0xffff  }
0x51e: {  	v58 =	vor.u32 v63, v40;
	v63 =	vld [tilespmem:$0x1FF20]  }
0x51f: {  	v53 =	vld.idx.msk [tilespmem:v53+s4+$0x0], $0xffff;
	v61 =	vor.u32 v61, v40  }
0x520: {  	v54 =	vld.idx.msk [tilespmem:v54+s4+$0x0], $0xffff  }
0x521: {  	v56 =	vld.idx.msk [tilespmem:v56+s4+$0x0], $0xffff;
	v60 =	vor.u32 v60, v40  }
0x522: {  	v57 =	vld.idx.msk [tilespmem:v57+s4+$0x0], $0xffff;
	v62 =	vor.u32 v62, v40  }
0x523: {  	[tilespmem:s0+$0x11110] =	vst v2;
	v2 =	vld.idx.msk [tilespmem:v59+s4+$0x0], $0xffff;
	v59 =	vor.u32 v63, v40  }
0x524: {  	[tilespmem:s0+$0x11130] =	vst v4;
	v4 =	vld.idx.msk [tilespmem:v61+s4+$0x0], $0xffff;
	v61 =	vor.u32 v20, v40  }
0x525: {  	[tilespmem:s0+$0x11150] =	vst v6;
	v6 =	vld.idx.msk [tilespmem:v58+s4+$0x0], $0xffff;
	v58 =	vor.u32 v22, v40  }
0x526: {  	[tilespmem:s0+$0x11120] =	vst v3;
	v3 =	vld.idx.msk [tilespmem:v60+s4+$0x0], $0xffff;
	v60 =	vor.u32 v19, v40  }
0x527: {  	[tilespmem:s0+$0x11140] =	vst v5;
	v5 =	vld.idx.msk [tilespmem:v62+s4+$0x0], $0xffff;
	v62 =	vor.u32 v21, v40  }
0x528: {  	[tilespmem:s0+$0x11160] =	vst v7;
	v7 =	vld.idx.msk [tilespmem:v59+s4+$0x0], $0xffff;
	v59 =	vor.u32 v23, v40  }
0x529: {  	s1 =	sadd.s32 s2, s25;
	[tilespmem:s0+$0x11500] =	vst v9;
	v9 =	vld.idx.msk [tilespmem:v61+s4+$0x0], $0xffff;
	v61 =	vor.u32 v25, v40  }
0x52a: {  	[tilespmem:s0+$0x11520] =	vst v11;
	v63 =	vmov s1;
	v11 =	vld.idx.msk [tilespmem:v58+s4+$0x0], $0xffff;
	v58 =	vor.u32 v27, v40  }
0x52b: {  	[tilespmem:s0+$0x11170] =	vst v8;
	v63 =	vand.u32 $0xFFFFFFFA, v63;
	v8 =	vld.idx.msk [tilespmem:v60+s4+$0x0], $0xffff;
	v60 =	vor.u32 v24, v40  }
0x52c: {  	[tilespmem:s0+$0x11510] =	vst v10;
	v63 =	vbroadcast v63, $0x0;
	v10 =	vld.idx.msk [tilespmem:v62+s4+$0x0], $0xffff;
	v62 =	vor.u32 v26, v40  }
0x52d: {  	[tilespmem:s0+$0x11530] =	vst v12;
	v12 =	vld.idx.msk [tilespmem:v59+s4+$0x0], $0xffff  }
0x52e: {  	[tilespmem:s0+$0x11550] =	vst v33;
	v59 =	vor.u32 v28, v40;
	v33 =	vld.idx.msk [tilespmem:v61+s4+$0x0], $0xffff  }
0x52f: {  	[tilespmem:s0+$0x11570] =	vst v35;
	v35 =	vld.idx.msk [tilespmem:v58+s4+$0x0], $0xffff  }
0x530: {  	[tilespmem:s0+$0x11540] =	vst v32;
	v61 =	vor.u32 v30, v40;
	v32 =	vld.idx.msk [tilespmem:v60+s4+$0x0], $0xffff  }
0x531: {  	[tilespmem:s0+$0x11560] =	vst v34;
	v58 =	vor.u32 v31, v40;
	v34 =	vld.idx.msk [tilespmem:v62+s4+$0x0], $0xffff  }
0x532: {  	[tilespmem:s0+$0x11900] =	vst v36;
	v60 =	vor.u32 v29, v40;
	v62 =	vld.idx.msk [tilespmem:v63+s9+$0x0], $0xffff  }
0x533: {  	[tilespmem:s0+$0x11910] =	vst v37;
	v37 =	vld.idx.msk [tilespmem:v59+s4+$0x0], $0xffff;
	v59 =	vor.u32 v14, v40  }
0x534: {  	[tilespmem:s0+$0x11920] =	vst v38;
	v63 =	vld [tilespmem:$0x1FEC0]  }
0x535: {  	[tilespmem:s0+$0x11930] =	vst v39;
	v39 =	vld.idx.msk [tilespmem:v61+s4+$0x0], $0xffff  }
0x536: {  	[tilespmem:s0+$0x11940] =	vst v41;
	v61 =	vor.u32 v16, v40;
	v41 =	vld.idx.msk [tilespmem:v58+s4+$0x0], $0xffff  }
0x537: {  	v38 =	vld.idx.msk [tilespmem:v60+s4+$0x0], $0xffff;
	[tilespmem:s0+$0x11950] =	vst v42  }
0x538: {  	v58 =	vor.u32 v17, v40;
	v42 =	vshll.u32 v62, $0x9;
	[tilespmem:s0+$0x11960] =	vst v43;
	v62 =	vlaneseq.u32;
	v43 =	vld.idx.msk [tilespmem:v59+s4+$0x0], $0xffff  }
0x539: {  	v59 =	vor.u32 v62, v42;
	v62 =	vld [tilespmem:$0x1FE90]  }
0x53a: {  	v60 =	vor.u32 v15, v40  }
0x53b: {  	[tilespmem:s0+$0x11D00] =	vst v45;
	v45 =	vld.idx.msk [tilespmem:v61+s4+$0x0], $0xffff  }
0x53c: {  	v61 =	vld [tilespmem:$0x1FE80]  }
0x53d: {  	[tilespmem:s0+$0x11D10] =	vst v46;
	v46 =	vld.idx.msk [tilespmem:v58+s4+$0x0], $0xffff  }
0x53e: {  	v58 =	vor.u32 v62, v42;
	v62 =	vld [tilespmem:$0x1FEA0]  }
0x53f: {  	[tilespmem:s0+$0x11970] =	vst v44;
	v44 =	vld.idx.msk [tilespmem:v60+s4+$0x0], $0xffff  }
0x540: {  	v60 =	vld [tilespmem:$0x1FE70]  }
0x541: {  	v61 =	vor.u32 v61, v42;
	_ =	sdelay $0x1  }
0x542: {  	[tilespmem:s0+$0x11D20] =	vst v47;
	v47 =	vor.u32 v62, v42;
	v62 =	vld [tilespmem:$0x1FEB0]  }
0x543: {  	v36 =	vor.u32 v13, v40  }
0x544: {  	[tilespmem:s0+$0x11D30] =	vst v48;
	v48 =	vld.idx.msk [tilespmem:v59+s4+$0x0], $0xffff;
	v60 =	vor.u32 v60, v42  }
0x545: {  	v40 =	vor.u32 v18, v40;
	[tilespmem:s0+$0x11D50] =	vst v50;
	v50 =	vld.idx.msk [tilespmem:v61+s4+$0x0], $0xffff  }
0x546: {  	v61 =	vld [tilespmem:$0x1FED0]  }
0x547: {  	v59 =	vor.u32 v62, v42;
	v62 =	vld [tilespmem:$0x1FEE0]  }
0x548: {  	v36 =	vld.idx.msk [tilespmem:v36+s4+$0x0], $0xffff  }
0x549: {  	[tilespmem:s0+$0x11D40] =	vst v49;
	v49 =	vld.idx.msk [tilespmem:v60+s4+$0x0], $0xffff;
	v60 =	vor.u32 v63, v42  }
0x54a: {  	v40 =	vld.idx.msk [tilespmem:v40+s4+$0x0], $0xffff  }
0x54b: {  	[tilespmem:s0+$0x11D60] =	vst v51;
	v51 =	vld.idx.msk [tilespmem:v58+s4+$0x0], $0xffff;
	v61 =	vor.u32 v61, v42  }
0x54c: {  	v58 =	vor.u32 v62, v42;
	v62 =	vld [tilespmem:$0x1FEF0]  }
0x54d: {  	[tilespmem:s0+$0x11D70] =	vst v0;
	v0 =	vld.idx.msk [tilespmem:v47+s4+$0x0], $0xffff  }
0x54e: {  	[tilespmem:s0+$0x11190] =	vst v53;
	v53 =	vld.idx.msk [tilespmem:v60+s4+$0x0], $0xffff  }
0x54f: {  	v60 =	vld [tilespmem:$0x1FF10]  }
0x550: {  	[tilespmem:s0+$0x111A0] =	vst v54;
	v54 =	vld.idx.msk [tilespmem:v61+s4+$0x0], $0xffff  }
0x551: {  	v47 =	vor.u32 v62, v42;
	v62 =	vld [tilespmem:$0x1FF00]  }
0x552: {  	v61 =	vld [tilespmem:$0x1FF20]  }
0x553: {  	[tilespmem:s0+$0x111C0] =	vst v56;
	v56 =	vor.u32 v20, v42  }
0x554: {  	v60 =	vor.u32 v60, v42  }
0x555: {  	[tilespmem:s0+$0x111B0] =	vst v55;
	v55 =	vld.idx.msk [tilespmem:v58+s4+$0x0], $0xffff;
	v58 =	vor.u32 v19, v42  }
0x556: {  	[tilespmem:s0+$0x11180] =	vst v52;
	v52 =	vld.idx.msk [tilespmem:v59+s4+$0x0], $0xffff;
	v59 =	vor.u32 v62, v42  }
0x557: {  	v61 =	vor.u32 v61, v42  }
0x558: {  	[tilespmem:s0+$0x11590] =	vst v4;
	v4 =	vld.idx.msk [tilespmem:v56+s4+$0x0], $0xffff;
	v56 =	vor.u32 v25, v42  }
0x559: {  	s1 =	sadd.s32 s2, s26;
	[tilespmem:s0+$0x111E0] =	vst v1;
	v1 =	vld.idx.msk [tilespmem:v60+s4+$0x0], $0xffff;
	v60 =	vor.u32 v22, v42  }
0x55a: {  	[tilespmem:s0+$0x11580] =	vst v3;
	v3 =	vld.idx.msk [tilespmem:v58+s4+$0x0], $0xffff;
	v58 =	vor.u32 v24, v42;
	v62 =	vmov s1  }
0x55b: {  	[tilespmem:s0+$0x111D0] =	vst v57;
	v62 =	vand.u32 $0xFFFFFFFB, v62;
	v57 =	vld.idx.msk [tilespmem:v59+s4+$0x0], $0xffff;
	v59 =	vor.u32 v21, v42  }
0x55c: {  	[tilespmem:s0+$0x111F0] =	vst v2;
	v2 =	vld.idx.msk [tilespmem:v61+s4+$0x0], $0xffff;
	v61 =	vor.u32 v23, v42;
	v62 =	vbroadcast v62, $0x0  }
0x55d: {  	[tilespmem:s0+$0x115E0] =	vst v9;
	v9 =	vld.idx.msk [tilespmem:v56+s4+$0x0], $0xffff  }
0x55e: {  	[tilespmem:s0+$0x115B0] =	vst v6;
	v6 =	vld.idx.msk [tilespmem:v60+s4+$0x0], $0xffff;
	v60 =	vor.u32 v27, v42  }
0x55f: {  	[tilespmem:s0+$0x115D0] =	vst v8;
	v8 =	vld.idx.msk [tilespmem:v58+s4+$0x0], $0xffff;
	v58 =	vor.u32 v28, v42  }
0x560: {  	[tilespmem:s0+$0x115A0] =	vst v5;
	v5 =	vld.idx.msk [tilespmem:v59+s4+$0x0], $0xffff;
	v59 =	vor.u32 v26, v42  }
0x561: {  	[tilespmem:s0+$0x115C0] =	vst v7;
	v7 =	vld.idx.msk [tilespmem:v61+s4+$0x0], $0xffff  }
0x562: {  	[tilespmem:s0+$0x115F0] =	vst v10;
	v56 =	vor.u32 v29, v42;
	v61 =	vld.idx.msk [tilespmem:v62+s9+$0x0], $0xffff  }
0x563: {  	[tilespmem:s0+$0x11980] =	vst v11;
	v11 =	vld.idx.msk [tilespmem:v60+s4+$0x0], $0xffff;
	v60 =	vor.u32 v31, v42  }
0x564: {  	[tilespmem:s0+$0x119A0] =	vst v32;
	v32 =	vld.idx.msk [tilespmem:v58+s4+$0x0], $0xffff;
	v58 =	vor.u32 v14, v42  }
0x565: {  	[tilespmem:s0+$0x11990] =	vst v12;
	v10 =	vld.idx.msk [tilespmem:v59+s4+$0x0], $0xffff;
	v59 =	vor.u32 v30, v42  }
0x566: {  	[tilespmem:s0+$0x119B0] =	vst v33  }
0x567: {  	[tilespmem:s0+$0x119D0] =	vst v35;
	v33 =	vld.idx.msk [tilespmem:v56+s4+$0x0], $0xffff  }
0x568: {  	v12 =	vor.u32 v13, v42;
	[tilespmem:s0+$0x119E0] =	vst v37;
	v37 =	vor.u32 v18, v42;
	v35 =	vld.idx.msk [tilespmem:v60+s4+$0x0], $0xffff  }
0x569: {  	[tilespmem:s0+$0x119F0] =	vst v38;
	v56 =	vor.u32 v15, v42;
	v60 =	vor.u32 v17, v42;
	v38 =	vld.idx.msk [tilespmem:v58+s4+$0x0], $0xffff  }
0x56a: {  	[tilespmem:s0+$0x119C0] =	vst v34;
	v34 =	vld.idx.msk [tilespmem:v59+s4+$0x0], $0xffff;
	v59 =	vor.u32 v16, v42;
	v42 =	vshll.u32 v61, $0x9;
	v61 =	vlaneseq.u32  }
0x56b: {  	v58 =	vor.u32 v61, v42;
	v61 =	vld [tilespmem:$0x1FE70];
	_ =	sdelay $0x3  }
0x56c: {  	[tilespmem:s0+$0x11D80] =	vst v39;
	v39 =	vld.idx.msk [tilespmem:v56+s4+$0x0], $0xffff  }
0x56d: {  	v56 =	vor.u32 v61, v42;
	v61 =	vld [tilespmem:$0x1FE80];
	_ =	sdelay $0x3  }
0x56e: {  	[tilespmem:s0+$0x11D90] =	vst v41;
	v41 =	vld.idx.msk [tilespmem:v59+s4+$0x0], $0xffff  }
0x56f: {  	v59 =	vor.u32 v61, v42;
	v61 =	vld [tilespmem:$0x1FEA0];
	_ =	sdelay $0x4  }
0x570: {  	[tilespmem:s0+$0x11DB0] =	vst v43;
	v43 =	vor.u32 v61, v42;
	v61 =	vld [tilespmem:$0x1FED0]  }
0x571: {  	[tilespmem:s0+$0x11DA0] =	vst v36;
	v36 =	vld.idx.msk [tilespmem:v60+s4+$0x0], $0xffff  }
0x572: {  	v60 =	vld [tilespmem:$0x1FE90]  }
0x573: {  	v62 =	vld [tilespmem:$0x1FEB0]  }
0x574: {  	[tilespmem:s0+$0x11DE0] =	vst v46;
	v46 =	vld.idx.msk [tilespmem:v59+s4+$0x0], $0xffff  }
0x575: {  	v59 =	vor.u32 v61, v42;
	v61 =	vld [tilespmem:$0x1FEF0]  }
0x576: {  	v12 =	vld.idx.msk [tilespmem:v12+s4+$0x0], $0xffff  }
0x577: {  	v37 =	vld.idx.msk [tilespmem:v37+s4+$0x0], $0xffff;
	v60 =	vor.u32 v60, v42  }
0x578: {  	v47 =	vld.idx.msk [tilespmem:v47+s4+$0x0], $0xffff  }
0x579: {  	[tilespmem:s0+$0x11DC0] =	vst v44;
	v44 =	vld.idx.msk [tilespmem:v58+s4+$0x0], $0xffff;
	v58 =	vor.u32 v62, v42  }
0x57a: {  	[tilespmem:s0+$0x11200] =	vst v48;
	v48 =	vor.u32 v61, v42;
	v61 =	vld [tilespmem:$0x1FF00];
	_ =	sdelay $0x1  }
0x57b: {  	[tilespmem:s0+$0x11DF0] =	vst v40;
	v40 =	vld.idx.msk [tilespmem:v60+s4+$0x0], $0xffff  }
0x57c: {  	[tilespmem:s0+$0x11DD0] =	vst v45;
	v45 =	vld.idx.msk [tilespmem:v56+s4+$0x0], $0xffff  }
0x57d: {  	[tilespmem:s0+$0x11210] =	vst v49;
	v56 =	vor.u32 v63, v42;
	v49 =	vld.idx.msk [tilespmem:v58+s4+$0x0], $0xffff  }
0x57e: {  	v58 =	vor.u32 v61, v42;
	v61 =	vld [tilespmem:$0x1FF10]  }
0x57f: {  	v60 =	vld [tilespmem:$0x1FEE0];
	_ =	sdelay $0x2  }
0x580: {  	[tilespmem:s0+$0x11220] =	vst v50;
	v50 =	vld.idx.msk [tilespmem:v56+s4+$0x0], $0xffff  }
0x581: {  	v56 =	vor.u32 v61, v42;
	v61 =	vld [tilespmem:$0x1FF20]  }
0x582: {  	v60 =	vor.u32 v60, v42;
	_ =	sdelay $0x1  }
0x583: {  	[tilespmem:s0+$0x11230] =	vst v51  }
0x584: {  	[tilespmem:s0+$0x11240] =	vst v0  }
0x585: {  	[tilespmem:s0+$0x11250] =	vst v52;
	v51 =	vld.idx.msk [tilespmem:v59+s4+$0x0], $0xffff;
	v59 =	vor.u32 v61, v42  }
0x586: {  	[tilespmem:s0+$0x11260] =	vst v53;
	v0 =	vld.idx.msk [tilespmem:v60+s4+$0x0], $0xffff;
	v60 =	vor.u32 v19, v42  }
0x587: {  	[tilespmem:s0+$0x11270] =	vst v54;
	v53 =	vld.idx.msk [tilespmem:v58+s4+$0x0], $0xffff;
	v58 =	vor.u32 v21, v42  }
0x588: {  	[tilespmem:s0+$0x11620] =	vst v57;
	v57 =	vor.u32 v25, v42  }
0x589: {  	s1 =	sadd.s32 s2, s28;
	[tilespmem:s0+$0x11600] =	vst v55;
	v54 =	vld.idx.msk [tilespmem:v56+s4+$0x0], $0xffff;
	v56 =	vor.u32 v22, v42  }
0x58a: {  	[tilespmem:s0+$0x11610] =	vst v47;
	v61 =	vmov s1;
	v55 =	vld.idx.msk [tilespmem:v59+s4+$0x0], $0xffff;
	v59 =	vor.u32 v23, v42  }
0x58b: {  	[tilespmem:s0+$0x11630] =	vst v1;
	v47 =	vld.idx.msk [tilespmem:v60+s4+$0x0], $0xffff;
	v60 =	vor.u32 v24, v42;
	v61 =	vand.u32 $0xFFFFFFFC, v61  }
0x58c: {  	[tilespmem:s0+$0x11640] =	vst v2;
	v1 =	vld.idx.msk [tilespmem:v58+s4+$0x0], $0xffff;
	v58 =	vor.u32 v26, v42;
	v61 =	vbroadcast v61, $0x0  }
0x58d: {  	[tilespmem:s0+$0x11670] =	vst v5;
	v5 =	vld.idx.msk [tilespmem:v57+s4+$0x0], $0xffff  }
0x58e: {  	[tilespmem:s0+$0x11650] =	vst v3;
	v2 =	vld.idx.msk [tilespmem:v56+s4+$0x0], $0xffff;
	v56 =	vor.u32 v27, v42  }
0x58f: {  	[tilespmem:s0+$0x11660] =	vst v4;
	v3 =	vld.idx.msk [tilespmem:v59+s4+$0x0], $0xffff;
	v59 =	vor.u32 v28, v42  }
0x590: {  	[tilespmem:s0+$0x11A00] =	vst v6;
	v4 =	vld.idx.msk [tilespmem:v60+s4+$0x0], $0xffff  }
0x591: {  	[tilespmem:s0+$0x11A10] =	vst v7;
	v57 =	vor.u32 v29, v42;
	v6 =	vld.idx.msk [tilespmem:v58+s4+$0x0], $0xffff  }
0x592: {  	[tilespmem:s0+$0x11A20] =	vst v8;
	v58 =	vor.u32 v30, v42;
	v60 =	vld.idx.msk [tilespmem:v61+s9+$0x0], $0xffff  }
0x593: {  	[tilespmem:s0+$0x11A30] =	vst v9;
	v7 =	vld.idx.msk [tilespmem:v56+s4+$0x0], $0xffff;
	v56 =	vor.u32 v31, v42  }
0x594: {  	[tilespmem:s0+$0x11A40] =	vst v10;
	v9 =	vld.idx.msk [tilespmem:v59+s4+$0x0], $0xffff;
	v59 =	vor.u32 v14, v42  }
0x595: {  	[tilespmem:s0+$0x11A50] =	vst v11  }
0x596: {  	[tilespmem:s0+$0x11A60] =	vst v32;
	v10 =	vld.idx.msk [tilespmem:v57+s4+$0x0], $0xffff  }
0x597: {  	v52 =	vor.u32 v20, v42;
	v8 =	vor.u32 v13, v42;
	[tilespmem:s0+$0x11A70] =	vst v33;
	v11 =	vld.idx.msk [tilespmem:v58+s4+$0x0], $0xffff  }
0x598: {  	v33 =	vor.u32 v18, v42;
	v57 =	vor.u32 v15, v42;
	v58 =	vor.u32 v16, v42;
	v32 =	vld.idx.msk [tilespmem:v56+s4+$0x0], $0xffff  }
0x599: {  	[tilespmem:s0+$0x11E00] =	vst v34;
	v56 =	vor.u32 v17, v42;
	v42 =	vshll.u32 v60, $0x9;
	v60 =	vlaneseq.u32;
	v34 =	vld.idx.msk [tilespmem:v59+s4+$0x0], $0xffff  }
0x59a: {  	v59 =	vor.u32 v60, v42;
	v60 =	vld [tilespmem:$0x1FE70];
	_ =	sdelay $0x3  }
0x59b: {  	[tilespmem:s0+$0x11E10] =	vst v35;
	v35 =	vld.idx.msk [tilespmem:v57+s4+$0x0], $0xffff  }
0x59c: {  	v57 =	vor.u32 v60, v42;
	v60 =	vld [tilespmem:$0x1FE80];
	_ =	sdelay $0x3  }
0x59d: {  	[tilespmem:s0+$0x11E20] =	vst v12;
	v12 =	vld.idx.msk [tilespmem:v58+s4+$0x0], $0xffff  }
0x59e: {  	v58 =	vor.u32 v60, v42;
	v60 =	vld [tilespmem:$0x1FE90];
	_ =	sdelay $0x3  }
0x59f: {  	[tilespmem:s0+$0x11E30] =	vst v38;
	v38 =	vld.idx.msk [tilespmem:v56+s4+$0x0], $0xffff  }
0x5a0: {  	v56 =	vor.u32 v60, v42;
	v60 =	vld [tilespmem:$0x1FED0];
	_ =	sdelay $0x1  }
0x5a1: {  	v52 =	vld.idx.msk [tilespmem:v52+s4+$0x0], $0xffff  }
0x5a2: {  	v8 =	vld.idx.msk [tilespmem:v8+s4+$0x0], $0xffff  }
0x5a3: {  	[tilespmem:s0+$0x11E70] =	vst v37;
	v37 =	vld.idx.msk [tilespmem:v58+s4+$0x0], $0xffff  }
0x5a4: {  	v58 =	vor.u32 v60, v42;
	v60 =	vld [tilespmem:$0x1FEE0]  }
0x5a5: {  	v33 =	vld.idx.msk [tilespmem:v33+s4+$0x0], $0xffff  }
0x5a6: {  	v43 =	vld.idx.msk [tilespmem:v43+s4+$0x0], $0xffff  }
0x5a7: {  	v48 =	vld.idx.msk [tilespmem:v48+s4+$0x0], $0xffff  }
0x5a8: {  	[tilespmem:s0+$0x11280] =	vst v44;
	v44 =	vld.idx.msk [tilespmem:v56+s4+$0x0], $0xffff  }
0x5a9: {  	v56 =	vor.u32 v60, v42;
	v60 =	vld [tilespmem:$0x1FEF0];
	_ =	sdelay $0x3  }
0x5aa: {  	[tilespmem:s0+$0x11E50] =	vst v41;
	v41 =	vld.idx.msk [tilespmem:v59+s4+$0x0], $0xffff;
	v59 =	vor.u32 v62, v42  }
0x5ab: {  	[tilespmem:s0+$0x11290] =	vst v45;
	v45 =	vor.u32 v60, v42;
	v60 =	vld [tilespmem:$0x1FF00];
	_ =	sdelay $0x2  }
0x5ac: {  	[tilespmem:s0+$0x11E60] =	vst v36;
	v36 =	vld.idx.msk [tilespmem:v57+s4+$0x0], $0xffff;
	v57 =	vor.u32 v63, v42  }
0x5ad: {  	[tilespmem:s0+$0x112A0] =	vst v46;
	v46 =	vld.idx.msk [tilespmem:v59+s4+$0x0], $0xffff  }
0x5ae: {  	v59 =	vor.u32 v60, v42;
	v60 =	vld [tilespmem:$0x1FF10]  }
0x5af: {  	v61 =	vld [tilespmem:$0x1FEA0];
	_ =	sdelay $0x1  }
0x5b0: {  	[tilespmem:s0+$0x112B0] =	vst v40;
	v40 =	vld.idx.msk [tilespmem:v57+s4+$0x0], $0xffff  }
0x5b1: {  	[tilespmem:s0+$0x112D0] =	vst v49;
	v49 =	vld.idx.msk [tilespmem:v56+s4+$0x0], $0xffff;
	v56 =	vor.u32 v19, v42  }
0x5b2: {  	v57 =	vor.u32 v60, v42;
	v60 =	vld [tilespmem:$0x1FF20]  }
0x5b3: {  	[tilespmem:s0+$0x11E40] =	vst v39;
	v39 =	vor.u32 v61, v42;
	_ =	sdelay $0x1  }
0x5b4: {  	[tilespmem:s0+$0x112C0] =	vst v43  }
0x5b5: {  	[tilespmem:s0+$0x116A0] =	vst v53;
	v53 =	vld.idx.msk [tilespmem:v56+s4+$0x0], $0xffff;
	v56 =	vor.u32 v24, v42  }
0x5b6: {  	[tilespmem:s0+$0x112E0] =	vst v50;
	v43 =	vld.idx.msk [tilespmem:v58+s4+$0x0], $0xffff;
	v58 =	vor.u32 v60, v42  }
0x5b7: {  	[tilespmem:s0+$0x112F0] =	vst v51;
	v39 =	vld.idx.msk [tilespmem:v39+s4+$0x0], $0xffff;
	v60 =	vor.u32 v20, v42  }
0x5b8: {  	[tilespmem:s0+$0x11680] =	vst v0;
	v51 =	vld.idx.msk [tilespmem:v59+s4+$0x0], $0xffff;
	v59 =	vor.u32 v21, v42  }
0x5b9: {  	[tilespmem:s0+$0x116B0] =	vst v54;
	v0 =	vld.idx.msk [tilespmem:v57+s4+$0x0], $0xffff;
	v57 =	vor.u32 v22, v42  }
0x5ba: {  	v54 =	vor.u32 v25, v42;
	[tilespmem:s0+$0x116F0] =	vst v1;
	v1 =	vld.idx.msk [tilespmem:v56+s4+$0x0], $0xffff  }
0x5bb: {  	s1 =	sadd.s32 s2, s29;
	[tilespmem:s0+$0x11690] =	vst v48;
	v56 =	vor.u32 v28, v42;
	v48 =	vld.idx.msk [tilespmem:v58+s4+$0x0], $0xffff  }
0x5bc: {  	[tilespmem:s0+$0x116C0] =	vst v55;
	v58 =	vor.u32 v23, v42;
	v50 =	vld.idx.msk [tilespmem:v60+s4+$0x0], $0xffff;
	v60 =	vmov s1  }
0x5bd: {  	[tilespmem:s0+$0x116D0] =	vst v47;
	v55 =	vld.idx.msk [tilespmem:v59+s4+$0x0], $0xffff;
	v59 =	vor.u32 v26, v42;
	v60 =	vand.u32 $0xFFFFFFFD, v60  }
0x5be: {  	[tilespmem:s0+$0x11A80] =	vst v2;
	v47 =	vld.idx.msk [tilespmem:v57+s4+$0x0], $0xffff;
	v57 =	vor.u32 v27, v42;
	v60 =	vbroadcast v60, $0x0  }
0x5bf: {  	[tilespmem:s0+$0x11AB0] =	vst v5;
	v2 =	vld.idx.msk [tilespmem:v54+s4+$0x0], $0xffff  }
0x5c0: {  	v5 =	vor.u32 v13, v42;
	[tilespmem:s0+$0x11AC0] =	vst v6;
	v6 =	vld.idx.msk [tilespmem:v56+s4+$0x0], $0xffff  }
0x5c1: {  	[tilespmem:s0+$0x116E0] =	vst v52;
	v52 =	vld.idx.msk [tilespmem:v58+s4+$0x0], $0xffff;
	v58 =	vor.u32 v30, v42  }
0x5c2: {  	[tilespmem:s0+$0x11A90] =	vst v3;
	v54 =	vor.u32 v29, v42;
	v3 =	vld.idx.msk [tilespmem:v59+s4+$0x0], $0xffff  }
0x5c3: {  	[tilespmem:s0+$0x11AA0] =	vst v4;
	v56 =	vor.u32 v14, v42;
	v4 =	vld.idx.msk [tilespmem:v57+s4+$0x0], $0xffff  }
0x5c4: {  	v57 =	vor.u32 v31, v42;
	v59 =	vld.idx.msk [tilespmem:v60+s9+$0x0], $0xffff  }
0x5c5: {  	[tilespmem:s0+$0x11E80] =	vst v11;
	v11 =	vor.u32 v18, v42;
	v5 =	vld.idx.msk [tilespmem:v5+s4+$0x0], $0xffff  }
0x5c6: {  	[tilespmem:s0+$0x11AE0] =	vst v9;
	v9 =	vld.idx.msk [tilespmem:v58+s4+$0x0], $0xffff;
	v58 =	vor.u32 v16, v42  }
0x5c7: {  	[tilespmem:s0+$0x11AD0] =	vst v7;
	v7 =	vld.idx.msk [tilespmem:v54+s4+$0x0], $0xffff  }
0x5c8: {  	[tilespmem:s0+$0x11E90] =	vst v32;
	v54 =	vor.u32 v15, v42;
	v32 =	vld.idx.msk [tilespmem:v56+s4+$0x0], $0xffff  }
0x5c9: {  	[tilespmem:s0+$0x11AF0] =	vst v10;
	v56 =	vlaneseq.u32;
	v10 =	vld.idx.msk [tilespmem:v57+s4+$0x0], $0xffff;
	v57 =	vor.u32 v17, v42;
	v42 =	vshll.u32 v59, $0x9  }
0x5ca: {  	v11 =	vld.idx.msk [tilespmem:v11+s4+$0x0], $0xffff;
	v56 =	vor.u32 v56, v42  }
0x5cb: {  	[tilespmem:s0+$0x11EB0] =	vst v34;
	v34 =	vld.idx.msk [tilespmem:v58+s4+$0x0], $0xffff  }
0x5cc: {  	v58 =	vld [tilespmem:$0x1FE80]  }
0x5cd: {  	v60 =	vld [tilespmem:$0x1FE90]  }
0x5ce: {  	v59 =	vld [tilespmem:$0x1FE70]  }
0x5cf: {  	[tilespmem:s0+$0x11EE0] =	vst v38;
	v38 =	vld.idx.msk [tilespmem:v56+s4+$0x0], $0xffff;
	v56 =	vor.u32 v62, v42  }
0x5d0: {  	[tilespmem:s0+$0x11EA0] =	vst v8;
	v8 =	vld.idx.msk [tilespmem:v54+s4+$0x0], $0xffff  }
0x5d1: {  	v45 =	vld.idx.msk [tilespmem:v45+s4+$0x0], $0xffff;
	v58 =	vor.u32 v58, v42  }
0x5d2: {  	[tilespmem:s0+$0x11EC0] =	vst v35;
	v35 =	vld.idx.msk [tilespmem:v57+s4+$0x0], $0xffff  }
0x5d3: {  	v57 =	vor.u32 v60, v42;
	v54 =	vor.u32 v59, v42;
	v59 =	vld [tilespmem:$0x1FEF0]  }
0x5d4: {  	[tilespmem:s0+$0x11330] =	vst v44;
	v44 =	vld.idx.msk [tilespmem:v56+s4+$0x0], $0xffff  }
0x5d5: {  	v56 =	vld [tilespmem:$0x1FF00]  }
0x5d6: {  	[tilespmem:s0+$0x11300] =	vst v41;
	v41 =	vld.idx.msk [tilespmem:v58+s4+$0x0], $0xffff  }
0x5d7: {  	v58 =	vld [tilespmem:$0x1FED0]  }
0x5d8: {  	[tilespmem:s0+$0x11310] =	vst v36;
	v36 =	vld.idx.msk [tilespmem:v57+s4+$0x0], $0xffff  }
0x5d9: {  	v57 =	vld [tilespmem:$0x1FEE0]  }
0x5da: {  	[tilespmem:s0+$0x11EF0] =	vst v33;
	v33 =	vld.idx.msk [tilespmem:v54+s4+$0x0], $0xffff;
	v54 =	vor.u32 v63, v42  }
0x5db: {  	[tilespmem:s0+$0x11320] =	vst v37;
	v37 =	vor.u32 v59, v42;
	v59 =	vld [tilespmem:$0x1FF10];
	v56 =	vor.u32 v56, v42  }
0x5dc: {  	v58 =	vor.u32 v58, v42;
	_ =	sdelay $0x2  }
0x5dd: {  	[tilespmem:s0+$0x11340] =	vst v39;
	v57 =	vor.u32 v57, v42;
	v39 =	vld.idx.msk [tilespmem:v54+s4+$0x0], $0xffff  }
0x5de: {  	[tilespmem:s0+$0x11700] =	vst v49;
	v54 =	vor.u32 v59, v42;
	v49 =	vld.idx.msk [tilespmem:v56+s4+$0x0], $0xffff  }
0x5df: {  	[tilespmem:s0+$0x11350] =	vst v46;
	v56 =	vor.u32 v21, v42;
	v46 =	vld.idx.msk [tilespmem:v58+s4+$0x0], $0xffff  }
0x5e0: {  	[tilespmem:s0+$0x11ED0] =	vst v12;
	v12 =	vor.u32 v61, v42;
	v58 =	vld [tilespmem:$0x1FF20]  }
0x5e1: {  	[tilespmem:s0+$0x11370] =	vst v43;
	v43 =	vor.u32 v20, v42  }
0x5e2: {  	[tilespmem:s0+$0x11360] =	vst v40;
	v40 =	vld.idx.msk [tilespmem:v57+s4+$0x0], $0xffff;
	v57 =	vor.u32 v19, v42  }
0x5e3: {  	[tilespmem:s0+$0x11710] =	vst v45;
	v45 =	vld.idx.msk [tilespmem:v54+s4+$0x0], $0xffff;
	v54 =	vor.u32 v22, v42  }
0x5e4: {  	[tilespmem:s0+$0x11750] =	vst v53;
	v53 =	vld.idx.msk [tilespmem:v56+s4+$0x0], $0xffff;
	v56 =	vor.u32 v26, v42  }
0x5e5: {  	[tilespmem:s0+$0x11720] =	vst v51;
	v12 =	vld.idx.msk [tilespmem:v12+s4+$0x0], $0xffff;
	v58 =	vor.u32 v58, v42  }
0x5e6: {  	[tilespmem:s0+$0x11740] =	vst v48;
	v48 =	vor.u32 v25, v42;
	v43 =	vld.idx.msk [tilespmem:v43+s4+$0x0], $0xffff  }
0x5e7: {  	s1 =	sadd.s32 s2, s30;
	[tilespmem:s0+$0x11730] =	vst v0;
	v0 =	vld.idx.msk [tilespmem:v57+s4+$0x0], $0xffff;
	v57 =	vor.u32 v24, v42  }
0x5e8: {  	[tilespmem:s0+$0x11760] =	vst v50;
	v59 =	vmov s1;
	v50 =	vld.idx.msk [tilespmem:v54+s4+$0x0], $0xffff;
	v54 =	vor.u32 v27, v42  }
0x5e9: {  	[tilespmem:s0+$0x11B20] =	vst v1;
	v59 =	vand.u32 $0xFFFFFFFE, v59;
	v1 =	vld.idx.msk [tilespmem:v56+s4+$0x0], $0xffff;
	v56 =	vor.u32 v30, v42  }
0x5ea: {  	[tilespmem:s0+$0x11770] =	vst v55;
	v59 =	vbroadcast v59, $0x0;
	v51 =	vld.idx.msk [tilespmem:v58+s4+$0x0], $0xffff;
	v58 =	vor.u32 v23, v42  }
0x5eb: {  	[tilespmem:s0+$0x11B00] =	vst v47;
	v48 =	vld.idx.msk [tilespmem:v48+s4+$0x0], $0xffff  }
0x5ec: {  	[tilespmem:s0+$0x11B10] =	vst v52;
	v47 =	vld.idx.msk [tilespmem:v57+s4+$0x0], $0xffff;
	v57 =	vor.u32 v28, v42  }
0x5ed: {  	v52 =	vor.u32 v29, v42;
	[tilespmem:s0+$0x11B30] =	vst v2;
	v2 =	vld.idx.msk [tilespmem:v54+s4+$0x0], $0xffff  }
0x5ee: {  	[tilespmem:s0+$0x11B70] =	vst v7;
	v7 =	vld.idx.msk [tilespmem:v56+s4+$0x0], $0xffff;
	v56 =	vor.u32 v16, v42  }
0x5ef: {  	[tilespmem:s0+$0x11B40] =	vst v3;
	v55 =	vld.idx.msk [tilespmem:v58+s4+$0x0], $0xffff  }
0x5f0: {  	[tilespmem:s0+$0x11B50] =	vst v4;
	v54 =	vor.u32 v31, v42;
	v58 =	vld.idx.msk [tilespmem:v59+s9+$0x0], $0xffff  }
0x5f1: {  	[tilespmem:s0+$0x11B60] =	vst v6;
	v4 =	vld.idx.msk [tilespmem:v57+s4+$0x0], $0xffff;
	v57 =	vor.u32 v14, v42  }
0x5f2: {  	v3 =	vor.u32 v13, v42;
	[tilespmem:s0+$0x11F10] =	vst v10;
	v6 =	vld.idx.msk [tilespmem:v52+s4+$0x0], $0xffff  }
0x5f3: {  	v10 =	vor.u32 v18, v42;
	[tilespmem:s0+$0x11F40] =	vst v8;
	v8 =	vld.idx.msk [tilespmem:v56+s4+$0x0], $0xffff  }
0x5f4: {  	v52 =	vor.u32 v15, v42;
	v56 =	vld [tilespmem:$0x1FE80]  }
0x5f5: {  	[tilespmem:s0+$0x11F00] =	vst v9;
	v9 =	vld.idx.msk [tilespmem:v54+s4+$0x0], $0xffff;
	v54 =	vor.u32 v17, v42;
	v42 =	vshll.u32 v58, $0x9;
	v58 =	vlaneseq.u32  }
0x5f6: {  	[tilespmem:s0+$0x11F20] =	vst v5;
	v5 =	vld.idx.msk [tilespmem:v57+s4+$0x0], $0xffff;
	v57 =	vor.u32 v58, v42  }
0x5f7: {  	v3 =	vld.idx.msk [tilespmem:v3+s4+$0x0], $0xffff  }
0x5f8: {  	v10 =	vld.idx.msk [tilespmem:v10+s4+$0x0], $0xffff  }
0x5f9: {  	[tilespmem:s0+$0x11F30] =	vst v32;
	v32 =	vld.idx.msk [tilespmem:v52+s4+$0x0], $0xffff;
	v56 =	vor.u32 v56, v42  }
0x5fa: {  	v37 =	vld.idx.msk [tilespmem:v37+s4+$0x0], $0xffff  }
0x5fb: {  	[tilespmem:s0+$0x11F70] =	vst v11;
	v11 =	vld.idx.msk [tilespmem:v57+s4+$0x0], $0xffff;
	v57 =	vor.u32 v62, v42  }
0x5fc: {  	v59 =	vld [tilespmem:$0x1FE70]  }
0x5fd: {  	[tilespmem:s0+$0x11F50] =	vst v34;
	v34 =	vld.idx.msk [tilespmem:v54+s4+$0x0], $0xffff  }
0x5fe: {  	[tilespmem:s0+$0x11390] =	vst v33;
	v33 =	vld.idx.msk [tilespmem:v56+s4+$0x0], $0xffff  }
0x5ff: {  	v56 =	vld [tilespmem:$0x1FED0]  }
0x600: {  	[tilespmem:s0+$0x113C0] =	vst v12;
	v12 =	vld.idx.msk [tilespmem:v57+s4+$0x0], $0xffff  }
0x601: {  	v57 =	vld [tilespmem:$0x1FF00]  }
0x602: {  	[tilespmem:s0+$0x11F60] =	vst v35;
	v52 =	vor.u32 v59, v42  }
0x603: {  	[tilespmem:s0+$0x11380] =	vst v38;
	v54 =	vor.u32 v60, v42  }
0x604: {  	[tilespmem:s0+$0x113A0] =	vst v41;
	v56 =	vor.u32 v56, v42  }
0x605: {  	[tilespmem:s0+$0x113B0] =	vst v36  }
0x606: {  	v36 =	vld [tilespmem:$0x1FEF0];
	[tilespmem:s0+$0x113E0] =	vst v39;
	v57 =	vor.u32 v57, v42  }
0x607: {  	[tilespmem:s0+$0x11780] =	vst v40;
	v38 =	vld.idx.msk [tilespmem:v52+s4+$0x0], $0xffff  }
0x608: {  	[tilespmem:s0+$0x11790] =	vst v37;
	v35 =	vor.u32 v61, v42;
	v41 =	vld.idx.msk [tilespmem:v54+s4+$0x0], $0xffff  }
0x609: {  	[tilespmem:s0+$0x117D0] =	vst v0;
	v40 =	vor.u32 v20, v42;
	v39 =	vld.idx.msk [tilespmem:v56+s4+$0x0], $0xffff  }
0x60a: {  	[tilespmem:s0+$0x117F0] =	vst v53;
	v53 =	vor.u32 v27, v42;
	v56 =	vld [tilespmem:$0x1FF20]  }
0x60b: {  	[tilespmem:s0+$0x117E0] =	vst v43;
	v37 =	vld.idx.msk [tilespmem:v57+s4+$0x0], $0xffff;
	v57 =	vor.u32 v21, v42  }
0x60c: {  	[tilespmem:s0+$0x11B90] =	vst v55;
	v55 =	vor.u32 v28, v42;
	v54 =	vld [tilespmem:$0x1FEE0]  }
0x60d: {  	[tilespmem:s0+$0x11BA0] =	vst v47;
	v47 =	vor.u32 v29, v42;
	v35 =	vld.idx.msk [tilespmem:v35+s4+$0x0], $0xffff  }
0x60e: {  	[tilespmem:s0+$0x11BD0] =	vst v2;
	v2 =	vor.u32 v13, v42;
	v0 =	vld.idx.msk [tilespmem:v40+s4+$0x0], $0xffff  }
0x60f: {  	[tilespmem:s0+$0x11BC0] =	vst v1;
	v1 =	vld.idx.msk [tilespmem:v53+s4+$0x0], $0xffff;
	v56 =	vor.u32 v56, v42  }
0x610: {  	[tilespmem:s0+$0x11BE0] =	vst v4;
	v43 =	vld.idx.msk [tilespmem:v57+s4+$0x0], $0xffff;
	v57 =	vor.u32 v26, v42  }
0x611: {  	[tilespmem:s0+$0x11FA0] =	vst v3;
	v3 =	vor.u32 v18, v42;
	v4 =	vld.idx.msk [tilespmem:v55+s4+$0x0], $0xffff  }
0x612: {  	[tilespmem:s0+$0x11BF0] =	vst v6;
	v52 =	vor.u32 v63, v42;
	v6 =	vld.idx.msk [tilespmem:v47+s4+$0x0], $0xffff  }
0x613: {  	v2 =	vld.idx.msk [tilespmem:v2+s4+$0x0], $0xffff  }
0x614: {  	[tilespmem:s0+$0x117B0] =	vst v45;
	v45 =	vld.idx.msk [tilespmem:v56+s4+$0x0], $0xffff;
	v56 =	vor.u32 v23, v42  }
0x615: {  	[tilespmem:s0+$0x11BB0] =	vst v48;
	v48 =	vld.idx.msk [tilespmem:v57+s4+$0x0], $0xffff;
	v57 =	vor.u32 v30, v42  }
0x616: {  	v36 =	vor.u32 v36, v42;
	v3 =	vld.idx.msk [tilespmem:v3+s4+$0x0], $0xffff  }
0x617: {  	[tilespmem:s0+$0x113D0] =	vst v44;
	v40 =	vor.u32 v25, v42;
	v44 =	vld.idx.msk [tilespmem:v52+s4+$0x0], $0xffff  }
0x618: {  	s1 =	sadd.s32 s2, s31;
	v54 =	vor.u32 v54, v42;
	v52 =	vld [tilespmem:$0x1FF10]  }
0x619: {  	[tilespmem:s0+$0x11B80] =	vst v50;
	v50 =	vld.idx.msk [tilespmem:v56+s4+$0x0], $0xffff;
	v56 =	vmov s1  }
0x61a: {  	[tilespmem:s0+$0x11F80] =	vst v7;
	v7 =	vld.idx.msk [tilespmem:v57+s4+$0x0], $0xffff;
	v57 =	vor.u32 v16, v42  }
0x61b: {  	v36 =	vld.idx.msk [tilespmem:v36+s4+$0x0], $0xffff  }
0x61c: {  	v53 =	vor.u32 v31, v42;
	v40 =	vld.idx.msk [tilespmem:v40+s4+$0x0], $0xffff  }
0x61d: {  	[tilespmem:s0+$0x113F0] =	vst v46;
	v52 =	vor.u32 v52, v42;
	v46 =	vld.idx.msk [tilespmem:v54+s4+$0x0], $0xffff  }
0x61e: {  	v54 =	vor.u32 v19, v42;
	v56 =	vld.idx.msk [tilespmem:v56+s9+$0x0], $0xffff  }
0x61f: {  	[tilespmem:s0+$0x11FD0] =	vst v8;
	v55 =	vor.u32 v14, v42;
	v8 =	vld.idx.msk [tilespmem:v57+s4+$0x0], $0xffff  }
0x620: {  	v47 =	vor.u32 v15, v42;
	v57 =	vld [tilespmem:$0x1FE80]  }
0x621: {  	[tilespmem:s0+$0x11F90] =	vst v9;
	v9 =	vld.idx.msk [tilespmem:v53+s4+$0x0], $0xffff;
	v53 =	vor.u32 v17, v42  }
0x622: {  	[tilespmem:s0+$0x117A0] =	vst v49;
	v49 =	vld.idx.msk [tilespmem:v52+s4+$0x0], $0xffff;
	v52 =	vor.u32 v22, v42  }
0x623: {  	[tilespmem:s0+$0x117C0] =	vst v51;
	v51 =	vld.idx.msk [tilespmem:v54+s4+$0x0], $0xffff;
	v54 =	vor.u32 v24, v42;
	v42 =	vshll.u32 v56, $0x9  }
0x624: {  	[tilespmem:s0+$0x11FB0] =	vst v5;
	v5 =	vld.idx.msk [tilespmem:v55+s4+$0x0], $0xffff;
	v55 =	vor.u32 v58, v42  }
0x625: {  	[tilespmem:s0+$0x11FC0] =	vst v32;
	v32 =	vld.idx.msk [tilespmem:v47+s4+$0x0], $0xffff;
	v56 =	vor.u32 v57, v42  }
0x626: {  	[tilespmem:s0+$0x11FE0] =	vst v34;
	v34 =	vld.idx.msk [tilespmem:v53+s4+$0x0], $0xffff  }
0x627: {  	v52 =	vld.idx.msk [tilespmem:v52+s4+$0x0], $0xffff  }
0x628: {  	v54 =	vld.idx.msk [tilespmem:v54+s4+$0x0], $0xffff  }
0x629: {  	[tilespmem:s0+$0x11400] =	vst v11;
	v11 =	vld.idx.msk [tilespmem:v55+s4+$0x0], $0xffff  }
0x62a: {  	[tilespmem:s0+$0x11420] =	vst v33;
	v55 =	vor.u32 v62, v42;
	v33 =	vld.idx.msk [tilespmem:v56+s4+$0x0], $0xffff  }
0x62b: {  	v56 =	vld [tilespmem:$0x1FED0]  }
0x62c: {  	[tilespmem:s0+$0x11FF0] =	vst v10;
	v47 =	vor.u32 v59, v42  }
0x62d: {  	[tilespmem:s0+$0x11410] =	vst v38;
	v53 =	vor.u32 v60, v42  }
0x62e: {  	[tilespmem:s0+$0x11440] =	vst v35;
	v35 =	vld [tilespmem:$0x1FEF0]  }
0x62f: {  	[tilespmem:s0+$0x11450] =	vst v12;
	v10 =	vor.u32 v61, v42;
	v12 =	vld.idx.msk [tilespmem:v55+s4+$0x0], $0xffff  }
0x630: {  	[tilespmem:s0+$0x11430] =	vst v41;
	v55 =	vld [tilespmem:$0x1FF00];
	v56 =	vor.u32 v56, v42  }
0x631: {  	[tilespmem:s0+$0x11470] =	vst v39;
	v38 =	vld.idx.msk [tilespmem:v47+s4+$0x0], $0xffff  }
0x632: {  	[tilespmem:s0+$0x11810] =	vst v36;
	v36 =	vor.u32 v20, v42;
	v41 =	vld.idx.msk [tilespmem:v53+s4+$0x0], $0xffff  }
0x633: {  	[tilespmem:s0+$0x11830] =	vst v49;
	v49 =	vor.u32 v22, v42;
	v53 =	vld [tilespmem:$0x1FEE0]  }
0x634: {  	[tilespmem:s0+$0x11C00] =	vst v52;
	v52 =	vor.u32 v27, v42;
	v10 =	vld.idx.msk [tilespmem:v10+s4+$0x0], $0xffff  }
0x635: {  	[tilespmem:s0+$0x11860] =	vst v0;
	v55 =	vor.u32 v55, v42;
	v39 =	vld.idx.msk [tilespmem:v56+s4+$0x0], $0xffff  }
0x636: {  	[tilespmem:s0+$0x11C20] =	vst v54;
	v54 =	vor.u32 v29, v42;
	v56 =	vld [tilespmem:$0x1FF20]  }
0x637: {  	[tilespmem:s0+$0x11C30] =	vst v40;
	v40 =	vor.u32 v30, v42;
	v0 =	vld.idx.msk [tilespmem:v36+s4+$0x0], $0xffff  }
0x638: {  	v35 =	vor.u32 v35, v42;
	v49 =	vld.idx.msk [tilespmem:v49+s4+$0x0], $0xffff  }
0x639: {  	[tilespmem:s0+$0x11C50] =	vst v1;
	v47 =	vor.u32 v63, v42;
	v1 =	vld.idx.msk [tilespmem:v52+s4+$0x0], $0xffff  }
0x63a: {  	[tilespmem:s0+$0x11820] =	vst v37;
	v37 =	vld.idx.msk [tilespmem:v55+s4+$0x0], $0xffff;
	v55 =	vor.u32 v21, v42  }
0x63b: {  	[tilespmem:s0+$0x11C70] =	vst v6;
	v6 =	vld.idx.msk [tilespmem:v54+s4+$0x0], $0xffff;
	v56 =	vor.u32 v56, v42  }
0x63c: {  	[tilespmem:s0+$0x12000] =	vst v7;
	v7 =	vld.idx.msk [tilespmem:v40+s4+$0x0], $0xffff  }
0x63d: {  	v36 =	vor.u32 v25, v42;
	v35 =	vld.idx.msk [tilespmem:v35+s4+$0x0], $0xffff  }
0x63e: {  	[tilespmem:s0+$0x11460] =	vst v44;
	v53 =	vor.u32 v53, v42;
	v44 =	vld.idx.msk [tilespmem:v47+s4+$0x0], $0xffff  }
0x63f: {  	[tilespmem:s0+$0x11870] =	vst v43;
	v43 =	vld.idx.msk [tilespmem:v55+s4+$0x0], $0xffff;
	v55 =	vor.u32 v26, v42  }
0x640: {  	[tilespmem:s0+$0x11840] =	vst v45;
	v45 =	vld.idx.msk [tilespmem:v56+s4+$0x0], $0xffff;
	v56 =	vor.u32 v23, v42  }
0x641: {  	v52 =	vor.u32 v13, v42;
	v47 =	vld [tilespmem:$0x1FF10]  }
0x642: {  	v54 =	vor.u32 v15, v42;
	v36 =	vld.idx.msk [tilespmem:v36+s4+$0x0], $0xffff  }
0x643: {  	[tilespmem:s0+$0x11800] =	vst v46;
	v46 =	vld.idx.msk [tilespmem:v53+s4+$0x0], $0xffff;
	v53 =	vor.u32 v19, v42  }
0x644: {  	[tilespmem:s0+$0x11C40] =	vst v48;
	v48 =	vld.idx.msk [tilespmem:v55+s4+$0x0], $0xffff;
	v55 =	vor.u32 v31, v42  }
0x645: {  	[tilespmem:s0+$0x11C10] =	vst v50;
	v50 =	vld.idx.msk [tilespmem:v56+s4+$0x0], $0xffff;
	v56 =	vor.u32 v28, v42  }
0x646: {  	[tilespmem:s0+$0x12020] =	vst v2;
	v40 =	vor.u32 v16, v42;
	v2 =	vld.idx.msk [tilespmem:v52+s4+$0x0], $0xffff  }
0x647: {  	[tilespmem:s0+$0x12040] =	vst v32;
	v32 =	vld.idx.msk [tilespmem:v54+s4+$0x0], $0xffff;
	v47 =	vor.u32 v47, v42  }
0x648: {  	[tilespmem:s0+$0x11850] =	vst v51;
	v51 =	vld.idx.msk [tilespmem:v53+s4+$0x0], $0xffff;
	v53 =	vor.u32 v24, v42  }
0x649: {  	[tilespmem:s0+$0x12010] =	vst v9;
	v9 =	vld.idx.msk [tilespmem:v55+s4+$0x0], $0xffff;
	v55 =	vor.u32 v17, v42  }
0x64a: {  	[tilespmem:s0+$0x11C60] =	vst v4;
	v4 =	vld.idx.msk [tilespmem:v56+s4+$0x0], $0xffff;
	v56 =	vor.u32 v14, v42  }
0x64b: {  	[tilespmem:s0+$0x12050] =	vst v8;
	v8 =	vld.idx.msk [tilespmem:v40+s4+$0x0], $0xffff;
	v42 =	vor.u32 v18, v42  }
0x64c: {  	v47 =	vld.idx.msk [tilespmem:v47+s4+$0x0], $0xffff  }
0x64d: {  	[tilespmem:s0+$0x12030] =	vst v5;
	v53 =	vld.idx.msk [tilespmem:v53+s4+$0x0], $0xffff  }
0x64e: {  	[tilespmem:s0+$0x12060] =	vst v34;
	v34 =	vld.idx.msk [tilespmem:v55+s4+$0x0], $0xffff  }
0x64f: {  	[tilespmem:s0+$0x12070] =	vst v3;
	v5 =	vld.idx.msk [tilespmem:v56+s4+$0x0], $0xffff  }
0x650: {  	v3 =	vld.idx.msk [tilespmem:v42+s4+$0x0], $0xffff;
	[tilespmem:s0+$0x11480] =	vst v11  }
0x651: {  	[tilespmem:s0+$0x11490] =	vst v38  }
0x652: {  	[tilespmem:s0+$0x114A0] =	vst v33  }
0x653: {  	[tilespmem:s0+$0x114B0] =	vst v41  }
0x654: {  	[tilespmem:s0+$0x114C0] =	vst v10  }
0x655: {  	[tilespmem:s0+$0x114D0] =	vst v12  }
0x656: {  	[tilespmem:s0+$0x114E0] =	vst v44  }
0x657: {  	[tilespmem:s0+$0x114F0] =	vst v39  }
0x658: {  	[tilespmem:s0+$0x11880] =	vst v46  }
0x659: {  	[tilespmem:s0+$0x11890] =	vst v35  }
0x65a: {  	[tilespmem:s0+$0x118A0] =	vst v37  }
0x65b: {  	[tilespmem:s0+$0x118B0] =	vst v47  }
0x65c: {  	[tilespmem:s0+$0x118C0] =	vst v45  }
0x65d: {  	[tilespmem:s0+$0x118D0] =	vst v51  }
0x65e: {  	[tilespmem:s0+$0x118E0] =	vst v0  }
0x65f: {  	[tilespmem:s0+$0x118F0] =	vst v43  }
0x660: {  	[tilespmem:s0+$0x11C80] =	vst v49  }
0x661: {  	[tilespmem:s0+$0x11C90] =	vst v50  }
0x662: {  	[tilespmem:s0+$0x11CA0] =	vst v53  }
0x663: {  	[tilespmem:s0+$0x11CB0] =	vst v36  }
0x664: {  	[tilespmem:s0+$0x11CC0] =	vst v48  }
0x665: {  	[tilespmem:s0+$0x11CD0] =	vst v1  }
0x666: {  	[tilespmem:s0+$0x11CE0] =	vst v4  }
0x667: {  	[tilespmem:s0+$0x11CF0] =	vst v6  }
0x668: {  	[tilespmem:s0+$0x12080] =	vst v7  }
0x669: {  	[tilespmem:s0+$0x12090] =	vst v9  }
0x66a: {  	p1 =	slt.u32 s2, $0x20;
	v11 =	vld [tilespmem:$0x1FEE0];
	[tilespmem:s0+$0x120A0] =	vst v2  }
.Ltmp3:
0x66b: {  	v12 =	vld [tilespmem:$0x1FF00];
	[tilespmem:s0+$0x120C0] =	vst v32;
	(pc) =	sbr.rel @p1 .LBB2_9-.Ltmp3, $4  }
0x66c: {  	v52 =	vmovc v14;
	v54 =	vmov v16;
	v40 =	vmov v21;
	v55 =	vmov v17;
	v35 =	vld [tilespmem:$0x1FF20];
	[tilespmem:s0+$0x120D0] =	vst v8  }
0x66d: {  	v56 =	vmovc v18;
	v42 =	vmovc v23;
	v38 =	vmov v19;
	v41 =	vmov v22;
	v44 =	vmov v25;
	v33 =	vld [tilespmem:$0x1FF10];
	[tilespmem:s0+$0x120E0] =	vst v34  }
0x66e: {  	v39 =	vmovc v20;
	v46 =	vmovc v27;
	v47 =	vmov v28;
	v45 =	vmov v26;
	v51 =	vmov v13;
	v9 =	vld [tilespmem:$0x1FED0];
	[tilespmem:s0+$0x120B0] =	vst v5  }
0x66f: {  	s2 =	sadd.s32 $0x8, s2;
	v43 =	vmovc v24;
	v49 =	vmovc v30;
	v50 =	vmov v31;
	v53 =	vmov v15;
	v48 =	vmov v29;
	v10 =	vld [tilespmem:$0x1FEF0];
	[tilespmem:s0+$0x120F0] =	vst v3  }
0x670: {  	s0 =	sadd.s32 s5, s23  }
0x671: {  	s0 =	sshll.u32 s0, $0x6  }
0x672: {  	s23 =	sadd.s32 $0xA0, s22;
	s0 =	sadd.s32 s3, s0  }
0x673: {  	[hbm4b:s0+s4] =	stream.linear.scatter [tilespmem:s13], [sflag:$0x4], $0x5000, $0x38;
	[tilespmem:$0x1B100] =	vst v63  }
0x674: {  	s24 =	sadd.s32 $0xA1, s22;
	s25 =	sadd.s32 $0xA2, s22;
	s0 =	simm.s32 @!p0 $0x5  }
0x675: {  	s26 =	sadd.s32 $0xA3, s22;
	s28 =	sadd.s32 $0xA4, s22;
	_ =	swait.ge @!p0 [sflag:s0], $0x5000  }
0x676: {  	s29 =	sadd.s32 $0xA5, s22;
	s30 =	sadd.s32 $0xA6, s22;
	[sflag:s0] =	ssyncset.done @!p0 $0x0  }
0x677: {  	s22 =	sadd.s32 $0xA7, s22;
	s2 =	simm.s32 $0x0;
	[sflag:s0] =	ssyncadd.s32 @!p0 $0xFFFFB000  }
.LBB2_11:
0x678: {  	s0 =	sadd.s32 s23, s2  }
0x679: {  	v0 =	vmov s0  }
0x67a: {  	v0 =	vand.u32 $0xFFFFFFF8, v0  }
0x67b: {  	v0 =	vbroadcast v0, $0x0;
	_ =	sdelay $0x5  }
0x67c: {  	v0 =	vld.idx.msk [tilespmem:v0+s9+$0x0], $0xffff;
	_ =	sdelay $0x4  }
0x67d: {  	v0 =	vshll.u32 v0, $0x9  }
0x67e: {  	v1 =	vor.u32 v58, v0  }
0x67f: {  	v2 =	vor.u32 v59, v0  }
0x680: {  	v3 =	vor.u32 v57, v0  }
0x681: {  	v4 =	vor.u32 v60, v0  }
0x682: {  	v5 =	vor.u32 v61, v0  }
0x683: {  	v6 =	vor.u32 v62, v0;
	v1 =	vld.idx.msk [tilespmem:v1+s4+$0x0], $0xffff  }
0x684: {  	v7 =	vor.u32 v63, v0;
	v2 =	vld.idx.msk [tilespmem:v2+s4+$0x0], $0xffff  }
0x685: {  	v8 =	vor.u32 v9, v0;
	v3 =	vld.idx.msk [tilespmem:v3+s4+$0x0], $0xffff  }
0x686: {  	v9 =	vor.u32 v11, v0;
	v4 =	vld.idx.msk [tilespmem:v4+s4+$0x0], $0xffff  }
0x687: {  	v10 =	vor.u32 v10, v0;
	v5 =	vld.idx.msk [tilespmem:v5+s4+$0x0], $0xffff  }
0x688: {  	v11 =	vor.u32 v12, v0;
	v6 =	vld.idx.msk [tilespmem:v6+s4+$0x0], $0xffff  }
0x689: {  	v12 =	vor.u32 v33, v0;
	v7 =	vld.idx.msk [tilespmem:v7+s4+$0x0], $0xffff  }
0x68a: {  	v32 =	vor.u32 v35, v0;
	v8 =	vld.idx.msk [tilespmem:v8+s4+$0x0], $0xffff  }
0x68b: {  	v33 =	vor.u32 v38, v0;
	v9 =	vld.idx.msk [tilespmem:v9+s4+$0x0], $0xffff  }
0x68c: {  	v34 =	vor.u32 v39, v0;
	v10 =	vld.idx.msk [tilespmem:v10+s4+$0x0], $0xffff  }
0x68d: {  	v35 =	vor.u32 v40, v0;
	v11 =	vld.idx.msk [tilespmem:v11+s4+$0x0], $0xffff  }
0x68e: {  	v36 =	vor.u32 v41, v0;
	v12 =	vld.idx.msk [tilespmem:v12+s4+$0x0], $0xffff  }
0x68f: {  	v37 =	vor.u32 v42, v0;
	v32 =	vld.idx.msk [tilespmem:v32+s4+$0x0], $0xffff  }
0x690: {  	v38 =	vor.u32 v43, v0;
	v33 =	vld.idx.msk [tilespmem:v33+s4+$0x0], $0xffff  }
0x691: {  	v39 =	vor.u32 v44, v0;
	v34 =	vld.idx.msk [tilespmem:v34+s4+$0x0], $0xffff  }
0x692: {  	v41 =	vor.u32 v45, v0;
	v35 =	vld.idx.msk [tilespmem:v35+s4+$0x0], $0xffff  }
0x693: {  	s31 =	sadd.s32 s2, s24;
	v42 =	vor.u32 v46, v0;
	v36 =	vld.idx.msk [tilespmem:v36+s4+$0x0], $0xffff  }
0x694: {  	v44 =	vmov s31;
	v43 =	vor.u32 v47, v0;
	v37 =	vld.idx.msk [tilespmem:v37+s4+$0x0], $0xffff  }
0x695: {  	v45 =	vor.u32 v49, v0;
	v40 =	vand.u32 $0xFFFFFFF9, v44;
	v38 =	vld.idx.msk [tilespmem:v38+s4+$0x0], $0xffff  }
0x696: {  	v46 =	vor.u32 v50, v0;
	v40 =	vbroadcast v40, $0x0;
	v39 =	vld.idx.msk [tilespmem:v39+s4+$0x0], $0xffff  }
0x697: {  	v41 =	vld.idx.msk [tilespmem:v41+s4+$0x0], $0xffff  }
0x698: {  	v47 =	vor.u32 v51, v0;
	v42 =	vld.idx.msk [tilespmem:v42+s4+$0x0], $0xffff  }
0x699: {  	v49 =	vor.u32 v53, v0;
	v43 =	vld.idx.msk [tilespmem:v43+s4+$0x0], $0xffff  }
0x69a: {  	v50 =	vor.u32 v54, v0;
	v45 =	vld.idx.msk [tilespmem:v45+s4+$0x0], $0xffff  }
0x69b: {  	v51 =	vor.u32 v55, v0;
	v46 =	vld.idx.msk [tilespmem:v46+s4+$0x0], $0xffff  }
0x69c: {  	v44 =	vor.u32 v48, v0;
	v40 =	vld.idx.msk [tilespmem:v40+s9+$0x0], $0xffff  }
0x69d: {  	v48 =	vor.u32 v52, v0;
	v47 =	vld.idx.msk [tilespmem:v47+s4+$0x0], $0xffff  }
0x69e: {  	v0 =	vor.u32 v56, v0;
	v49 =	vld.idx.msk [tilespmem:v49+s4+$0x0], $0xffff  }
0x69f: {  	v50 =	vld.idx.msk [tilespmem:v50+s4+$0x0], $0xffff  }
0x6a0: {  	v51 =	vld.idx.msk [tilespmem:v51+s4+$0x0], $0xffff  }
0x6a1: {  	v44 =	vld.idx.msk [tilespmem:v44+s4+$0x0], $0xffff;
	v40 =	vshll.u32 v40, $0x9  }
0x6a2: {  	v48 =	vld.idx.msk [tilespmem:v48+s4+$0x0], $0xffff;
	v52 =	vor.u32 v58, v40  }
0x6a3: {  	v0 =	vld.idx.msk [tilespmem:v0+s4+$0x0], $0xffff;
	v60 =	vor.u32 v60, v40  }
0x6a4: {  	v54 =	vor.u32 v57, v40;
	v57 =	vor.u32 v62, v40;
	v62 =	vld [tilespmem:$0x1FED0]  }
0x6a5: {  	v56 =	vor.u32 v61, v40;
	v61 =	vld [tilespmem:$0x1FEF0]  }
0x6a6: {  	v58 =	vor.u32 v63, v40;
	v63 =	vld [tilespmem:$0x1FF10]  }
0x6a7: {  	v52 =	vld.idx.msk [tilespmem:v52+s4+$0x0], $0xffff  }
0x6a8: {  	v53 =	vor.u32 v59, v40;
	v55 =	vld.idx.msk [tilespmem:v60+s4+$0x0], $0xffff  }
0x6a9: {  	s1 =	sshll.u32 s2, $0x9;
	v60 =	vld [tilespmem:$0x1FEE0]  }
0x6aa: {  	s0 =	sand.u32 $0x3FFFFE00, s1;
	v59 =	vor.u32 v62, v40;
	v62 =	vld [tilespmem:$0x1FF00]  }
0x6ab: {  	[tilespmem:s0+$0x16100] =	vst v1;
	v1 =	vld.idx.msk [tilespmem:v58+s4+$0x0], $0xffff  }
0x6ac: {  	v58 =	vor.u32 v63, v40;
	v63 =	vld [tilespmem:$0x1FF20]  }
0x6ad: {  	v53 =	vld.idx.msk [tilespmem:v53+s4+$0x0], $0xffff;
	v61 =	vor.u32 v61, v40  }
0x6ae: {  	v54 =	vld.idx.msk [tilespmem:v54+s4+$0x0], $0xffff  }
0x6af: {  	v56 =	vld.idx.msk [tilespmem:v56+s4+$0x0], $0xffff;
	v60 =	vor.u32 v60, v40  }
0x6b0: {  	v57 =	vld.idx.msk [tilespmem:v57+s4+$0x0], $0xffff;
	v62 =	vor.u32 v62, v40  }
0x6b1: {  	[tilespmem:s0+$0x16110] =	vst v2;
	v2 =	vld.idx.msk [tilespmem:v59+s4+$0x0], $0xffff;
	v59 =	vor.u32 v63, v40  }
0x6b2: {  	[tilespmem:s0+$0x16130] =	vst v4;
	v4 =	vld.idx.msk [tilespmem:v61+s4+$0x0], $0xffff;
	v61 =	vor.u32 v20, v40  }
0x6b3: {  	[tilespmem:s0+$0x16150] =	vst v6;
	v6 =	vld.idx.msk [tilespmem:v58+s4+$0x0], $0xffff;
	v58 =	vor.u32 v22, v40  }
0x6b4: {  	[tilespmem:s0+$0x16120] =	vst v3;
	v3 =	vld.idx.msk [tilespmem:v60+s4+$0x0], $0xffff;
	v60 =	vor.u32 v19, v40  }
0x6b5: {  	[tilespmem:s0+$0x16140] =	vst v5;
	v5 =	vld.idx.msk [tilespmem:v62+s4+$0x0], $0xffff;
	v62 =	vor.u32 v21, v40  }
0x6b6: {  	[tilespmem:s0+$0x16160] =	vst v7;
	v7 =	vld.idx.msk [tilespmem:v59+s4+$0x0], $0xffff;
	v59 =	vor.u32 v23, v40  }
0x6b7: {  	s1 =	sadd.s32 s2, s25;
	[tilespmem:s0+$0x16500] =	vst v9;
	v9 =	vld.idx.msk [tilespmem:v61+s4+$0x0], $0xffff;
	v61 =	vor.u32 v25, v40  }
0x6b8: {  	[tilespmem:s0+$0x16520] =	vst v11;
	v63 =	vmov s1;
	v11 =	vld.idx.msk [tilespmem:v58+s4+$0x0], $0xffff;
	v58 =	vor.u32 v27, v40  }
0x6b9: {  	[tilespmem:s0+$0x16170] =	vst v8;
	v63 =	vand.u32 $0xFFFFFFFA, v63;
	v8 =	vld.idx.msk [tilespmem:v60+s4+$0x0], $0xffff;
	v60 =	vor.u32 v24, v40  }
0x6ba: {  	[tilespmem:s0+$0x16510] =	vst v10;
	v63 =	vbroadcast v63, $0x0;
	v10 =	vld.idx.msk [tilespmem:v62+s4+$0x0], $0xffff;
	v62 =	vor.u32 v26, v40  }
0x6bb: {  	[tilespmem:s0+$0x16530] =	vst v12;
	v12 =	vld.idx.msk [tilespmem:v59+s4+$0x0], $0xffff  }
0x6bc: {  	[tilespmem:s0+$0x16550] =	vst v33;
	v59 =	vor.u32 v28, v40;
	v33 =	vld.idx.msk [tilespmem:v61+s4+$0x0], $0xffff  }
0x6bd: {  	[tilespmem:s0+$0x16570] =	vst v35;
	v35 =	vld.idx.msk [tilespmem:v58+s4+$0x0], $0xffff  }
0x6be: {  	[tilespmem:s0+$0x16540] =	vst v32;
	v61 =	vor.u32 v30, v40;
	v32 =	vld.idx.msk [tilespmem:v60+s4+$0x0], $0xffff  }
0x6bf: {  	[tilespmem:s0+$0x16560] =	vst v34;
	v58 =	vor.u32 v31, v40;
	v34 =	vld.idx.msk [tilespmem:v62+s4+$0x0], $0xffff  }
0x6c0: {  	[tilespmem:s0+$0x16900] =	vst v36;
	v60 =	vor.u32 v29, v40;
	v62 =	vld.idx.msk [tilespmem:v63+s9+$0x0], $0xffff  }
0x6c1: {  	[tilespmem:s0+$0x16910] =	vst v37;
	v37 =	vld.idx.msk [tilespmem:v59+s4+$0x0], $0xffff;
	v59 =	vor.u32 v14, v40  }
0x6c2: {  	[tilespmem:s0+$0x16920] =	vst v38;
	v63 =	vld [tilespmem:$0x1FEC0]  }
0x6c3: {  	[tilespmem:s0+$0x16930] =	vst v39;
	v39 =	vld.idx.msk [tilespmem:v61+s4+$0x0], $0xffff  }
0x6c4: {  	[tilespmem:s0+$0x16940] =	vst v41;
	v61 =	vor.u32 v16, v40;
	v41 =	vld.idx.msk [tilespmem:v58+s4+$0x0], $0xffff  }
0x6c5: {  	v38 =	vld.idx.msk [tilespmem:v60+s4+$0x0], $0xffff;
	[tilespmem:s0+$0x16950] =	vst v42  }
0x6c6: {  	v58 =	vor.u32 v17, v40;
	v42 =	vshll.u32 v62, $0x9;
	[tilespmem:s0+$0x16960] =	vst v43;
	v62 =	vlaneseq.u32;
	v43 =	vld.idx.msk [tilespmem:v59+s4+$0x0], $0xffff  }
0x6c7: {  	v59 =	vor.u32 v62, v42;
	v62 =	vld [tilespmem:$0x1FE90]  }
0x6c8: {  	v60 =	vor.u32 v15, v40  }
0x6c9: {  	[tilespmem:s0+$0x16D00] =	vst v45;
	v45 =	vld.idx.msk [tilespmem:v61+s4+$0x0], $0xffff  }
0x6ca: {  	v61 =	vld [tilespmem:$0x1FE80]  }
0x6cb: {  	[tilespmem:s0+$0x16D10] =	vst v46;
	v46 =	vld.idx.msk [tilespmem:v58+s4+$0x0], $0xffff  }
0x6cc: {  	v58 =	vor.u32 v62, v42;
	v62 =	vld [tilespmem:$0x1FEA0]  }
0x6cd: {  	[tilespmem:s0+$0x16970] =	vst v44;
	v44 =	vld.idx.msk [tilespmem:v60+s4+$0x0], $0xffff  }
0x6ce: {  	v60 =	vld [tilespmem:$0x1FE70]  }
0x6cf: {  	v61 =	vor.u32 v61, v42;
	_ =	sdelay $0x1  }
0x6d0: {  	[tilespmem:s0+$0x16D20] =	vst v47;
	v47 =	vor.u32 v62, v42;
	v62 =	vld [tilespmem:$0x1FEB0]  }
0x6d1: {  	v36 =	vor.u32 v13, v40  }
0x6d2: {  	[tilespmem:s0+$0x16D30] =	vst v48;
	v48 =	vld.idx.msk [tilespmem:v59+s4+$0x0], $0xffff;
	v60 =	vor.u32 v60, v42  }
0x6d3: {  	v40 =	vor.u32 v18, v40;
	[tilespmem:s0+$0x16D50] =	vst v50;
	v50 =	vld.idx.msk [tilespmem:v61+s4+$0x0], $0xffff  }
0x6d4: {  	v61 =	vld [tilespmem:$0x1FED0]  }
0x6d5: {  	v59 =	vor.u32 v62, v42;
	v62 =	vld [tilespmem:$0x1FEE0]  }
0x6d6: {  	v36 =	vld.idx.msk [tilespmem:v36+s4+$0x0], $0xffff  }
0x6d7: {  	[tilespmem:s0+$0x16D40] =	vst v49;
	v49 =	vld.idx.msk [tilespmem:v60+s4+$0x0], $0xffff;
	v60 =	vor.u32 v63, v42  }
0x6d8: {  	v40 =	vld.idx.msk [tilespmem:v40+s4+$0x0], $0xffff  }
0x6d9: {  	[tilespmem:s0+$0x16D60] =	vst v51;
	v51 =	vld.idx.msk [tilespmem:v58+s4+$0x0], $0xffff;
	v61 =	vor.u32 v61, v42  }
0x6da: {  	v58 =	vor.u32 v62, v42;
	v62 =	vld [tilespmem:$0x1FEF0]  }
0x6db: {  	[tilespmem:s0+$0x16D70] =	vst v0;
	v0 =	vld.idx.msk [tilespmem:v47+s4+$0x0], $0xffff  }
0x6dc: {  	[tilespmem:s0+$0x16190] =	vst v53;
	v53 =	vld.idx.msk [tilespmem:v60+s4+$0x0], $0xffff  }
0x6dd: {  	v60 =	vld [tilespmem:$0x1FF10]  }
0x6de: {  	[tilespmem:s0+$0x161A0] =	vst v54;
	v54 =	vld.idx.msk [tilespmem:v61+s4+$0x0], $0xffff  }
0x6df: {  	v47 =	vor.u32 v62, v42;
	v62 =	vld [tilespmem:$0x1FF00]  }
0x6e0: {  	v61 =	vld [tilespmem:$0x1FF20]  }
0x6e1: {  	[tilespmem:s0+$0x161C0] =	vst v56;
	v56 =	vor.u32 v20, v42  }
0x6e2: {  	v60 =	vor.u32 v60, v42  }
0x6e3: {  	[tilespmem:s0+$0x161B0] =	vst v55;
	v55 =	vld.idx.msk [tilespmem:v58+s4+$0x0], $0xffff;
	v58 =	vor.u32 v19, v42  }
0x6e4: {  	[tilespmem:s0+$0x16180] =	vst v52;
	v52 =	vld.idx.msk [tilespmem:v59+s4+$0x0], $0xffff;
	v59 =	vor.u32 v62, v42  }
0x6e5: {  	v61 =	vor.u32 v61, v42  }
0x6e6: {  	[tilespmem:s0+$0x16590] =	vst v4;
	v4 =	vld.idx.msk [tilespmem:v56+s4+$0x0], $0xffff;
	v56 =	vor.u32 v25, v42  }
0x6e7: {  	s31 =	sadd.s32 s2, s26;
	[tilespmem:s0+$0x161E0] =	vst v1;
	v1 =	vld.idx.msk [tilespmem:v60+s4+$0x0], $0xffff;
	v60 =	vor.u32 v22, v42  }
0x6e8: {  	[tilespmem:s0+$0x16580] =	vst v3;
	v3 =	vld.idx.msk [tilespmem:v58+s4+$0x0], $0xffff;
	v58 =	vor.u32 v24, v42;
	v62 =	vmov s31  }
0x6e9: {  	[tilespmem:s0+$0x161D0] =	vst v57;
	v62 =	vand.u32 $0xFFFFFFFB, v62;
	v57 =	vld.idx.msk [tilespmem:v59+s4+$0x0], $0xffff;
	v59 =	vor.u32 v21, v42  }
0x6ea: {  	[tilespmem:s0+$0x161F0] =	vst v2;
	v2 =	vld.idx.msk [tilespmem:v61+s4+$0x0], $0xffff;
	v61 =	vor.u32 v23, v42;
	v62 =	vbroadcast v62, $0x0  }
0x6eb: {  	[tilespmem:s0+$0x165E0] =	vst v9;
	v9 =	vld.idx.msk [tilespmem:v56+s4+$0x0], $0xffff  }
0x6ec: {  	[tilespmem:s0+$0x165B0] =	vst v6;
	v6 =	vld.idx.msk [tilespmem:v60+s4+$0x0], $0xffff;
	v60 =	vor.u32 v27, v42  }
0x6ed: {  	[tilespmem:s0+$0x165D0] =	vst v8;
	v8 =	vld.idx.msk [tilespmem:v58+s4+$0x0], $0xffff;
	v58 =	vor.u32 v28, v42  }
0x6ee: {  	[tilespmem:s0+$0x165A0] =	vst v5;
	v5 =	vld.idx.msk [tilespmem:v59+s4+$0x0], $0xffff;
	v59 =	vor.u32 v26, v42  }
0x6ef: {  	[tilespmem:s0+$0x165C0] =	vst v7;
	v7 =	vld.idx.msk [tilespmem:v61+s4+$0x0], $0xffff  }
0x6f0: {  	[tilespmem:s0+$0x165F0] =	vst v10;
	v56 =	vor.u32 v29, v42;
	v61 =	vld.idx.msk [tilespmem:v62+s9+$0x0], $0xffff  }
0x6f1: {  	[tilespmem:s0+$0x16980] =	vst v11;
	v11 =	vld.idx.msk [tilespmem:v60+s4+$0x0], $0xffff;
	v60 =	vor.u32 v31, v42  }
0x6f2: {  	[tilespmem:s0+$0x169A0] =	vst v32;
	v32 =	vld.idx.msk [tilespmem:v58+s4+$0x0], $0xffff;
	v58 =	vor.u32 v14, v42  }
0x6f3: {  	[tilespmem:s0+$0x16990] =	vst v12;
	v10 =	vld.idx.msk [tilespmem:v59+s4+$0x0], $0xffff;
	v59 =	vor.u32 v30, v42  }
0x6f4: {  	[tilespmem:s0+$0x169B0] =	vst v33  }
0x6f5: {  	[tilespmem:s0+$0x169D0] =	vst v35;
	v33 =	vld.idx.msk [tilespmem:v56+s4+$0x0], $0xffff  }
0x6f6: {  	v12 =	vor.u32 v13, v42;
	[tilespmem:s0+$0x169E0] =	vst v37;
	v37 =	vor.u32 v18, v42;
	v35 =	vld.idx.msk [tilespmem:v60+s4+$0x0], $0xffff  }
0x6f7: {  	[tilespmem:s0+$0x169F0] =	vst v38;
	v56 =	vor.u32 v15, v42;
	v60 =	vor.u32 v17, v42;
	v38 =	vld.idx.msk [tilespmem:v58+s4+$0x0], $0xffff  }
0x6f8: {  	[tilespmem:s0+$0x169C0] =	vst v34;
	v34 =	vld.idx.msk [tilespmem:v59+s4+$0x0], $0xffff;
	v59 =	vor.u32 v16, v42;
	v42 =	vshll.u32 v61, $0x9;
	v61 =	vlaneseq.u32  }
0x6f9: {  	v58 =	vor.u32 v61, v42;
	v61 =	vld [tilespmem:$0x1FE70];
	_ =	sdelay $0x3  }
0x6fa: {  	[tilespmem:s0+$0x16D80] =	vst v39;
	v39 =	vld.idx.msk [tilespmem:v56+s4+$0x0], $0xffff  }
0x6fb: {  	v56 =	vor.u32 v61, v42;
	v61 =	vld [tilespmem:$0x1FE80];
	_ =	sdelay $0x3  }
0x6fc: {  	[tilespmem:s0+$0x16D90] =	vst v41;
	v41 =	vld.idx.msk [tilespmem:v59+s4+$0x0], $0xffff  }
0x6fd: {  	v59 =	vor.u32 v61, v42;
	v61 =	vld [tilespmem:$0x1FEA0];
	_ =	sdelay $0x4  }
0x6fe: {  	[tilespmem:s0+$0x16DB0] =	vst v43;
	v43 =	vor.u32 v61, v42;
	v61 =	vld [tilespmem:$0x1FED0]  }
0x6ff: {  	[tilespmem:s0+$0x16DA0] =	vst v36;
	v36 =	vld.idx.msk [tilespmem:v60+s4+$0x0], $0xffff  }
0x700: {  	v60 =	vld [tilespmem:$0x1FE90]  }
0x701: {  	v62 =	vld [tilespmem:$0x1FEB0]  }
0x702: {  	[tilespmem:s0+$0x16DE0] =	vst v46;
	v46 =	vld.idx.msk [tilespmem:v59+s4+$0x0], $0xffff  }
0x703: {  	v59 =	vor.u32 v61, v42;
	v61 =	vld [tilespmem:$0x1FEF0]  }
0x704: {  	v12 =	vld.idx.msk [tilespmem:v12+s4+$0x0], $0xffff  }
0x705: {  	v37 =	vld.idx.msk [tilespmem:v37+s4+$0x0], $0xffff;
	v60 =	vor.u32 v60, v42  }
0x706: {  	v47 =	vld.idx.msk [tilespmem:v47+s4+$0x0], $0xffff  }
0x707: {  	[tilespmem:s0+$0x16DC0] =	vst v44;
	v44 =	vld.idx.msk [tilespmem:v58+s4+$0x0], $0xffff;
	v58 =	vor.u32 v62, v42  }
0x708: {  	[tilespmem:s0+$0x16200] =	vst v48;
	v48 =	vor.u32 v61, v42;
	v61 =	vld [tilespmem:$0x1FF00];
	_ =	sdelay $0x1  }
0x709: {  	[tilespmem:s0+$0x16DF0] =	vst v40;
	v40 =	vld.idx.msk [tilespmem:v60+s4+$0x0], $0xffff  }
0x70a: {  	[tilespmem:s0+$0x16DD0] =	vst v45;
	v45 =	vld.idx.msk [tilespmem:v56+s4+$0x0], $0xffff  }
0x70b: {  	[tilespmem:s0+$0x16210] =	vst v49;
	v56 =	vor.u32 v63, v42;
	v49 =	vld.idx.msk [tilespmem:v58+s4+$0x0], $0xffff  }
0x70c: {  	v58 =	vor.u32 v61, v42;
	v61 =	vld [tilespmem:$0x1FF10]  }
0x70d: {  	v60 =	vld [tilespmem:$0x1FEE0];
	_ =	sdelay $0x2  }
0x70e: {  	[tilespmem:s0+$0x16220] =	vst v50;
	v50 =	vld.idx.msk [tilespmem:v56+s4+$0x0], $0xffff  }
0x70f: {  	v56 =	vor.u32 v61, v42;
	v61 =	vld [tilespmem:$0x1FF20]  }
0x710: {  	v60 =	vor.u32 v60, v42;
	_ =	sdelay $0x1  }
0x711: {  	[tilespmem:s0+$0x16230] =	vst v51  }
0x712: {  	[tilespmem:s0+$0x16240] =	vst v0  }
0x713: {  	[tilespmem:s0+$0x16250] =	vst v52;
	v51 =	vld.idx.msk [tilespmem:v59+s4+$0x0], $0xffff;
	v59 =	vor.u32 v61, v42  }
0x714: {  	[tilespmem:s0+$0x16260] =	vst v53;
	v0 =	vld.idx.msk [tilespmem:v60+s4+$0x0], $0xffff;
	v60 =	vor.u32 v19, v42  }
0x715: {  	[tilespmem:s0+$0x16270] =	vst v54;
	v53 =	vld.idx.msk [tilespmem:v58+s4+$0x0], $0xffff;
	v58 =	vor.u32 v21, v42  }
0x716: {  	[tilespmem:s0+$0x16620] =	vst v57;
	v57 =	vor.u32 v25, v42  }
0x717: {  	s31 =	sadd.s32 s2, s28;
	[tilespmem:s0+$0x16600] =	vst v55;
	v54 =	vld.idx.msk [tilespmem:v56+s4+$0x0], $0xffff;
	v56 =	vor.u32 v22, v42  }
0x718: {  	[tilespmem:s0+$0x16610] =	vst v47;
	v61 =	vmov s31;
	v55 =	vld.idx.msk [tilespmem:v59+s4+$0x0], $0xffff;
	v59 =	vor.u32 v23, v42  }
0x719: {  	[tilespmem:s0+$0x16630] =	vst v1;
	v47 =	vld.idx.msk [tilespmem:v60+s4+$0x0], $0xffff;
	v60 =	vor.u32 v24, v42;
	v61 =	vand.u32 $0xFFFFFFFC, v61  }
0x71a: {  	[tilespmem:s0+$0x16640] =	vst v2;
	v1 =	vld.idx.msk [tilespmem:v58+s4+$0x0], $0xffff;
	v58 =	vor.u32 v26, v42;
	v61 =	vbroadcast v61, $0x0  }
0x71b: {  	[tilespmem:s0+$0x16670] =	vst v5;
	v5 =	vld.idx.msk [tilespmem:v57+s4+$0x0], $0xffff  }
0x71c: {  	[tilespmem:s0+$0x16650] =	vst v3;
	v2 =	vld.idx.msk [tilespmem:v56+s4+$0x0], $0xffff;
	v56 =	vor.u32 v27, v42  }
0x71d: {  	[tilespmem:s0+$0x16660] =	vst v4;
	v3 =	vld.idx.msk [tilespmem:v59+s4+$0x0], $0xffff;
	v59 =	vor.u32 v28, v42  }
0x71e: {  	[tilespmem:s0+$0x16A00] =	vst v6;
	v4 =	vld.idx.msk [tilespmem:v60+s4+$0x0], $0xffff  }
0x71f: {  	[tilespmem:s0+$0x16A10] =	vst v7;
	v57 =	vor.u32 v29, v42;
	v6 =	vld.idx.msk [tilespmem:v58+s4+$0x0], $0xffff  }
0x720: {  	[tilespmem:s0+$0x16A20] =	vst v8;
	v58 =	vor.u32 v30, v42;
	v60 =	vld.idx.msk [tilespmem:v61+s9+$0x0], $0xffff  }
0x721: {  	[tilespmem:s0+$0x16A30] =	vst v9;
	v7 =	vld.idx.msk [tilespmem:v56+s4+$0x0], $0xffff;
	v56 =	vor.u32 v31, v42  }
0x722: {  	[tilespmem:s0+$0x16A40] =	vst v10;
	v9 =	vld.idx.msk [tilespmem:v59+s4+$0x0], $0xffff;
	v59 =	vor.u32 v14, v42  }
0x723: {  	[tilespmem:s0+$0x16A50] =	vst v11  }
0x724: {  	[tilespmem:s0+$0x16A60] =	vst v32;
	v10 =	vld.idx.msk [tilespmem:v57+s4+$0x0], $0xffff  }
0x725: {  	v52 =	vor.u32 v20, v42;
	v8 =	vor.u32 v13, v42;
	[tilespmem:s0+$0x16A70] =	vst v33;
	v11 =	vld.idx.msk [tilespmem:v58+s4+$0x0], $0xffff  }
0x726: {  	v33 =	vor.u32 v18, v42;
	v57 =	vor.u32 v15, v42;
	v58 =	vor.u32 v16, v42;
	v32 =	vld.idx.msk [tilespmem:v56+s4+$0x0], $0xffff  }
0x727: {  	[tilespmem:s0+$0x16E00] =	vst v34;
	v56 =	vor.u32 v17, v42;
	v42 =	vshll.u32 v60, $0x9;
	v60 =	vlaneseq.u32;
	v34 =	vld.idx.msk [tilespmem:v59+s4+$0x0], $0xffff  }
0x728: {  	v59 =	vor.u32 v60, v42;
	v60 =	vld [tilespmem:$0x1FE70];
	_ =	sdelay $0x3  }
0x729: {  	[tilespmem:s0+$0x16E10] =	vst v35;
	v35 =	vld.idx.msk [tilespmem:v57+s4+$0x0], $0xffff  }
0x72a: {  	v57 =	vor.u32 v60, v42;
	v60 =	vld [tilespmem:$0x1FE80];
	_ =	sdelay $0x3  }
0x72b: {  	[tilespmem:s0+$0x16E20] =	vst v12;
	v12 =	vld.idx.msk [tilespmem:v58+s4+$0x0], $0xffff  }
0x72c: {  	v58 =	vor.u32 v60, v42;
	v60 =	vld [tilespmem:$0x1FE90];
	_ =	sdelay $0x3  }
0x72d: {  	[tilespmem:s0+$0x16E30] =	vst v38;
	v38 =	vld.idx.msk [tilespmem:v56+s4+$0x0], $0xffff  }
0x72e: {  	v56 =	vor.u32 v60, v42;
	v60 =	vld [tilespmem:$0x1FED0];
	_ =	sdelay $0x1  }
0x72f: {  	v52 =	vld.idx.msk [tilespmem:v52+s4+$0x0], $0xffff  }
0x730: {  	v8 =	vld.idx.msk [tilespmem:v8+s4+$0x0], $0xffff  }
0x731: {  	[tilespmem:s0+$0x16E70] =	vst v37;
	v37 =	vld.idx.msk [tilespmem:v58+s4+$0x0], $0xffff  }
0x732: {  	v58 =	vor.u32 v60, v42;
	v60 =	vld [tilespmem:$0x1FEE0]  }
0x733: {  	v33 =	vld.idx.msk [tilespmem:v33+s4+$0x0], $0xffff  }
0x734: {  	v43 =	vld.idx.msk [tilespmem:v43+s4+$0x0], $0xffff  }
0x735: {  	v48 =	vld.idx.msk [tilespmem:v48+s4+$0x0], $0xffff  }
0x736: {  	[tilespmem:s0+$0x16280] =	vst v44;
	v44 =	vld.idx.msk [tilespmem:v56+s4+$0x0], $0xffff  }
0x737: {  	v56 =	vor.u32 v60, v42;
	v60 =	vld [tilespmem:$0x1FEF0];
	_ =	sdelay $0x3  }
0x738: {  	[tilespmem:s0+$0x16E50] =	vst v41;
	v41 =	vld.idx.msk [tilespmem:v59+s4+$0x0], $0xffff;
	v59 =	vor.u32 v62, v42  }
0x739: {  	[tilespmem:s0+$0x16290] =	vst v45;
	v45 =	vor.u32 v60, v42;
	v60 =	vld [tilespmem:$0x1FF00];
	_ =	sdelay $0x2  }
0x73a: {  	[tilespmem:s0+$0x16E60] =	vst v36;
	v36 =	vld.idx.msk [tilespmem:v57+s4+$0x0], $0xffff;
	v57 =	vor.u32 v63, v42  }
0x73b: {  	[tilespmem:s0+$0x162A0] =	vst v46;
	v46 =	vld.idx.msk [tilespmem:v59+s4+$0x0], $0xffff  }
0x73c: {  	v59 =	vor.u32 v60, v42;
	v60 =	vld [tilespmem:$0x1FF10]  }
0x73d: {  	v61 =	vld [tilespmem:$0x1FEA0];
	_ =	sdelay $0x1  }
0x73e: {  	[tilespmem:s0+$0x162B0] =	vst v40;
	v40 =	vld.idx.msk [tilespmem:v57+s4+$0x0], $0xffff  }
0x73f: {  	[tilespmem:s0+$0x162D0] =	vst v49;
	v49 =	vld.idx.msk [tilespmem:v56+s4+$0x0], $0xffff;
	v56 =	vor.u32 v19, v42  }
0x740: {  	v57 =	vor.u32 v60, v42;
	v60 =	vld [tilespmem:$0x1FF20]  }
0x741: {  	[tilespmem:s0+$0x16E40] =	vst v39;
	v39 =	vor.u32 v61, v42;
	_ =	sdelay $0x1  }
0x742: {  	[tilespmem:s0+$0x162C0] =	vst v43  }
0x743: {  	[tilespmem:s0+$0x166A0] =	vst v53;
	v53 =	vld.idx.msk [tilespmem:v56+s4+$0x0], $0xffff;
	v56 =	vor.u32 v24, v42  }
0x744: {  	[tilespmem:s0+$0x162E0] =	vst v50;
	v43 =	vld.idx.msk [tilespmem:v58+s4+$0x0], $0xffff;
	v58 =	vor.u32 v60, v42  }
0x745: {  	[tilespmem:s0+$0x162F0] =	vst v51;
	v39 =	vld.idx.msk [tilespmem:v39+s4+$0x0], $0xffff;
	v60 =	vor.u32 v20, v42  }
0x746: {  	[tilespmem:s0+$0x16680] =	vst v0;
	v51 =	vld.idx.msk [tilespmem:v59+s4+$0x0], $0xffff;
	v59 =	vor.u32 v21, v42  }
0x747: {  	[tilespmem:s0+$0x166B0] =	vst v54;
	v0 =	vld.idx.msk [tilespmem:v57+s4+$0x0], $0xffff;
	v57 =	vor.u32 v22, v42  }
0x748: {  	v54 =	vor.u32 v25, v42;
	[tilespmem:s0+$0x166F0] =	vst v1;
	v1 =	vld.idx.msk [tilespmem:v56+s4+$0x0], $0xffff  }
0x749: {  	s31 =	sadd.s32 s2, s29;
	[tilespmem:s0+$0x16690] =	vst v48;
	v56 =	vor.u32 v28, v42;
	v48 =	vld.idx.msk [tilespmem:v58+s4+$0x0], $0xffff  }
0x74a: {  	[tilespmem:s0+$0x166C0] =	vst v55;
	v58 =	vor.u32 v23, v42;
	v50 =	vld.idx.msk [tilespmem:v60+s4+$0x0], $0xffff;
	v60 =	vmov s31  }
0x74b: {  	[tilespmem:s0+$0x166D0] =	vst v47;
	v55 =	vld.idx.msk [tilespmem:v59+s4+$0x0], $0xffff;
	v59 =	vor.u32 v26, v42;
	v60 =	vand.u32 $0xFFFFFFFD, v60  }
0x74c: {  	[tilespmem:s0+$0x16A80] =	vst v2;
	v47 =	vld.idx.msk [tilespmem:v57+s4+$0x0], $0xffff;
	v57 =	vor.u32 v27, v42;
	v60 =	vbroadcast v60, $0x0  }
0x74d: {  	[tilespmem:s0+$0x16AB0] =	vst v5;
	v2 =	vld.idx.msk [tilespmem:v54+s4+$0x0], $0xffff  }
0x74e: {  	v5 =	vor.u32 v13, v42;
	[tilespmem:s0+$0x16AC0] =	vst v6;
	v6 =	vld.idx.msk [tilespmem:v56+s4+$0x0], $0xffff  }
0x74f: {  	[tilespmem:s0+$0x166E0] =	vst v52;
	v52 =	vld.idx.msk [tilespmem:v58+s4+$0x0], $0xffff;
	v58 =	vor.u32 v30, v42  }
0x750: {  	[tilespmem:s0+$0x16A90] =	vst v3;
	v54 =	vor.u32 v29, v42;
	v3 =	vld.idx.msk [tilespmem:v59+s4+$0x0], $0xffff  }
0x751: {  	[tilespmem:s0+$0x16AA0] =	vst v4;
	v56 =	vor.u32 v14, v42;
	v4 =	vld.idx.msk [tilespmem:v57+s4+$0x0], $0xffff  }
0x752: {  	v57 =	vor.u32 v31, v42;
	v59 =	vld.idx.msk [tilespmem:v60+s9+$0x0], $0xffff  }
0x753: {  	[tilespmem:s0+$0x16E80] =	vst v11;
	v11 =	vor.u32 v18, v42;
	v5 =	vld.idx.msk [tilespmem:v5+s4+$0x0], $0xffff  }
0x754: {  	[tilespmem:s0+$0x16AE0] =	vst v9;
	v9 =	vld.idx.msk [tilespmem:v58+s4+$0x0], $0xffff;
	v58 =	vor.u32 v16, v42  }
0x755: {  	[tilespmem:s0+$0x16AD0] =	vst v7;
	v7 =	vld.idx.msk [tilespmem:v54+s4+$0x0], $0xffff  }
0x756: {  	[tilespmem:s0+$0x16E90] =	vst v32;
	v54 =	vor.u32 v15, v42;
	v32 =	vld.idx.msk [tilespmem:v56+s4+$0x0], $0xffff  }
0x757: {  	[tilespmem:s0+$0x16AF0] =	vst v10;
	v56 =	vlaneseq.u32;
	v10 =	vld.idx.msk [tilespmem:v57+s4+$0x0], $0xffff;
	v57 =	vor.u32 v17, v42;
	v42 =	vshll.u32 v59, $0x9  }
0x758: {  	v11 =	vld.idx.msk [tilespmem:v11+s4+$0x0], $0xffff;
	v56 =	vor.u32 v56, v42  }
0x759: {  	[tilespmem:s0+$0x16EB0] =	vst v34;
	v34 =	vld.idx.msk [tilespmem:v58+s4+$0x0], $0xffff  }
0x75a: {  	v58 =	vld [tilespmem:$0x1FE80]  }
0x75b: {  	v60 =	vld [tilespmem:$0x1FE90]  }
0x75c: {  	v59 =	vld [tilespmem:$0x1FE70]  }
0x75d: {  	[tilespmem:s0+$0x16EE0] =	vst v38;
	v38 =	vld.idx.msk [tilespmem:v56+s4+$0x0], $0xffff;
	v56 =	vor.u32 v62, v42  }
0x75e: {  	[tilespmem:s0+$0x16EA0] =	vst v8;
	v8 =	vld.idx.msk [tilespmem:v54+s4+$0x0], $0xffff  }
0x75f: {  	v45 =	vld.idx.msk [tilespmem:v45+s4+$0x0], $0xffff;
	v58 =	vor.u32 v58, v42  }
0x760: {  	[tilespmem:s0+$0x16EC0] =	vst v35;
	v35 =	vld.idx.msk [tilespmem:v57+s4+$0x0], $0xffff  }
0x761: {  	v57 =	vor.u32 v60, v42;
	v54 =	vor.u32 v59, v42;
	v59 =	vld [tilespmem:$0x1FEF0]  }
0x762: {  	[tilespmem:s0+$0x16330] =	vst v44;
	v44 =	vld.idx.msk [tilespmem:v56+s4+$0x0], $0xffff  }
0x763: {  	v56 =	vld [tilespmem:$0x1FF00]  }
0x764: {  	[tilespmem:s0+$0x16300] =	vst v41;
	v41 =	vld.idx.msk [tilespmem:v58+s4+$0x0], $0xffff  }
0x765: {  	v58 =	vld [tilespmem:$0x1FED0]  }
0x766: {  	[tilespmem:s0+$0x16310] =	vst v36;
	v36 =	vld.idx.msk [tilespmem:v57+s4+$0x0], $0xffff  }
0x767: {  	v57 =	vld [tilespmem:$0x1FEE0]  }
0x768: {  	[tilespmem:s0+$0x16EF0] =	vst v33;
	v33 =	vld.idx.msk [tilespmem:v54+s4+$0x0], $0xffff;
	v54 =	vor.u32 v63, v42  }
0x769: {  	[tilespmem:s0+$0x16320] =	vst v37;
	v37 =	vor.u32 v59, v42;
	v59 =	vld [tilespmem:$0x1FF10];
	v56 =	vor.u32 v56, v42  }
0x76a: {  	v58 =	vor.u32 v58, v42;
	_ =	sdelay $0x2  }
0x76b: {  	[tilespmem:s0+$0x16340] =	vst v39;
	v57 =	vor.u32 v57, v42;
	v39 =	vld.idx.msk [tilespmem:v54+s4+$0x0], $0xffff  }
0x76c: {  	[tilespmem:s0+$0x16700] =	vst v49;
	v54 =	vor.u32 v59, v42;
	v49 =	vld.idx.msk [tilespmem:v56+s4+$0x0], $0xffff  }
0x76d: {  	[tilespmem:s0+$0x16350] =	vst v46;
	v56 =	vor.u32 v21, v42;
	v46 =	vld.idx.msk [tilespmem:v58+s4+$0x0], $0xffff  }
0x76e: {  	[tilespmem:s0+$0x16ED0] =	vst v12;
	v12 =	vor.u32 v61, v42;
	v58 =	vld [tilespmem:$0x1FF20]  }
0x76f: {  	[tilespmem:s0+$0x16370] =	vst v43;
	v43 =	vor.u32 v20, v42  }
0x770: {  	[tilespmem:s0+$0x16360] =	vst v40;
	v40 =	vld.idx.msk [tilespmem:v57+s4+$0x0], $0xffff;
	v57 =	vor.u32 v19, v42  }
0x771: {  	[tilespmem:s0+$0x16710] =	vst v45;
	v45 =	vld.idx.msk [tilespmem:v54+s4+$0x0], $0xffff;
	v54 =	vor.u32 v22, v42  }
0x772: {  	[tilespmem:s0+$0x16750] =	vst v53;
	v53 =	vld.idx.msk [tilespmem:v56+s4+$0x0], $0xffff;
	v56 =	vor.u32 v26, v42  }
0x773: {  	[tilespmem:s0+$0x16720] =	vst v51;
	v12 =	vld.idx.msk [tilespmem:v12+s4+$0x0], $0xffff;
	v58 =	vor.u32 v58, v42  }
0x774: {  	[tilespmem:s0+$0x16740] =	vst v48;
	v48 =	vor.u32 v25, v42;
	v43 =	vld.idx.msk [tilespmem:v43+s4+$0x0], $0xffff  }
0x775: {  	s31 =	sadd.s32 s2, s30;
	[tilespmem:s0+$0x16730] =	vst v0;
	v0 =	vld.idx.msk [tilespmem:v57+s4+$0x0], $0xffff;
	v57 =	vor.u32 v24, v42  }
0x776: {  	[tilespmem:s0+$0x16760] =	vst v50;
	v59 =	vmov s31;
	v50 =	vld.idx.msk [tilespmem:v54+s4+$0x0], $0xffff;
	v54 =	vor.u32 v27, v42  }
0x777: {  	[tilespmem:s0+$0x16B20] =	vst v1;
	v59 =	vand.u32 $0xFFFFFFFE, v59;
	v1 =	vld.idx.msk [tilespmem:v56+s4+$0x0], $0xffff;
	v56 =	vor.u32 v30, v42  }
0x778: {  	[tilespmem:s0+$0x16770] =	vst v55;
	v59 =	vbroadcast v59, $0x0;
	v51 =	vld.idx.msk [tilespmem:v58+s4+$0x0], $0xffff;
	v58 =	vor.u32 v23, v42  }
0x779: {  	[tilespmem:s0+$0x16B00] =	vst v47;
	v48 =	vld.idx.msk [tilespmem:v48+s4+$0x0], $0xffff  }
0x77a: {  	[tilespmem:s0+$0x16B10] =	vst v52;
	v47 =	vld.idx.msk [tilespmem:v57+s4+$0x0], $0xffff;
	v57 =	vor.u32 v28, v42  }
0x77b: {  	v52 =	vor.u32 v29, v42;
	[tilespmem:s0+$0x16B30] =	vst v2;
	v2 =	vld.idx.msk [tilespmem:v54+s4+$0x0], $0xffff  }
0x77c: {  	[tilespmem:s0+$0x16B70] =	vst v7;
	v7 =	vld.idx.msk [tilespmem:v56+s4+$0x0], $0xffff;
	v56 =	vor.u32 v16, v42  }
0x77d: {  	[tilespmem:s0+$0x16B40] =	vst v3;
	v55 =	vld.idx.msk [tilespmem:v58+s4+$0x0], $0xffff  }
0x77e: {  	[tilespmem:s0+$0x16B50] =	vst v4;
	v54 =	vor.u32 v31, v42;
	v58 =	vld.idx.msk [tilespmem:v59+s9+$0x0], $0xffff  }
0x77f: {  	[tilespmem:s0+$0x16B60] =	vst v6;
	v4 =	vld.idx.msk [tilespmem:v57+s4+$0x0], $0xffff;
	v57 =	vor.u32 v14, v42  }
0x780: {  	v3 =	vor.u32 v13, v42;
	[tilespmem:s0+$0x16F10] =	vst v10;
	v6 =	vld.idx.msk [tilespmem:v52+s4+$0x0], $0xffff  }
0x781: {  	v10 =	vor.u32 v18, v42;
	[tilespmem:s0+$0x16F40] =	vst v8;
	v8 =	vld.idx.msk [tilespmem:v56+s4+$0x0], $0xffff  }
0x782: {  	v52 =	vor.u32 v15, v42;
	v56 =	vld [tilespmem:$0x1FE80]  }
0x783: {  	[tilespmem:s0+$0x16F00] =	vst v9;
	v9 =	vld.idx.msk [tilespmem:v54+s4+$0x0], $0xffff;
	v54 =	vor.u32 v17, v42;
	v42 =	vshll.u32 v58, $0x9;
	v58 =	vlaneseq.u32  }
0x784: {  	[tilespmem:s0+$0x16F20] =	vst v5;
	v5 =	vld.idx.msk [tilespmem:v57+s4+$0x0], $0xffff;
	v57 =	vor.u32 v58, v42  }
0x785: {  	v3 =	vld.idx.msk [tilespmem:v3+s4+$0x0], $0xffff  }
0x786: {  	v10 =	vld.idx.msk [tilespmem:v10+s4+$0x0], $0xffff  }
0x787: {  	[tilespmem:s0+$0x16F30] =	vst v32;
	v32 =	vld.idx.msk [tilespmem:v52+s4+$0x0], $0xffff;
	v56 =	vor.u32 v56, v42  }
0x788: {  	v37 =	vld.idx.msk [tilespmem:v37+s4+$0x0], $0xffff  }
0x789: {  	[tilespmem:s0+$0x16F70] =	vst v11;
	v11 =	vld.idx.msk [tilespmem:v57+s4+$0x0], $0xffff;
	v57 =	vor.u32 v62, v42  }
0x78a: {  	v59 =	vld [tilespmem:$0x1FE70]  }
0x78b: {  	[tilespmem:s0+$0x16F50] =	vst v34;
	v34 =	vld.idx.msk [tilespmem:v54+s4+$0x0], $0xffff  }
0x78c: {  	[tilespmem:s0+$0x16390] =	vst v33;
	v33 =	vld.idx.msk [tilespmem:v56+s4+$0x0], $0xffff  }
0x78d: {  	v56 =	vld [tilespmem:$0x1FED0]  }
0x78e: {  	[tilespmem:s0+$0x163C0] =	vst v12;
	v12 =	vld.idx.msk [tilespmem:v57+s4+$0x0], $0xffff  }
0x78f: {  	v57 =	vld [tilespmem:$0x1FF00]  }
0x790: {  	[tilespmem:s0+$0x16F60] =	vst v35;
	v52 =	vor.u32 v59, v42  }
0x791: {  	[tilespmem:s0+$0x16380] =	vst v38;
	v54 =	vor.u32 v60, v42  }
0x792: {  	[tilespmem:s0+$0x163A0] =	vst v41;
	v56 =	vor.u32 v56, v42  }
0x793: {  	[tilespmem:s0+$0x163B0] =	vst v36  }
0x794: {  	v36 =	vld [tilespmem:$0x1FEF0];
	[tilespmem:s0+$0x163E0] =	vst v39;
	v57 =	vor.u32 v57, v42  }
0x795: {  	[tilespmem:s0+$0x16780] =	vst v40;
	v38 =	vld.idx.msk [tilespmem:v52+s4+$0x0], $0xffff  }
0x796: {  	[tilespmem:s0+$0x16790] =	vst v37;
	v35 =	vor.u32 v61, v42;
	v41 =	vld.idx.msk [tilespmem:v54+s4+$0x0], $0xffff  }
0x797: {  	[tilespmem:s0+$0x167D0] =	vst v0;
	v40 =	vor.u32 v20, v42;
	v39 =	vld.idx.msk [tilespmem:v56+s4+$0x0], $0xffff  }
0x798: {  	[tilespmem:s0+$0x167F0] =	vst v53;
	v53 =	vor.u32 v27, v42;
	v56 =	vld [tilespmem:$0x1FF20]  }
0x799: {  	[tilespmem:s0+$0x167E0] =	vst v43;
	v37 =	vld.idx.msk [tilespmem:v57+s4+$0x0], $0xffff;
	v57 =	vor.u32 v21, v42  }
0x79a: {  	[tilespmem:s0+$0x16B90] =	vst v55;
	v55 =	vor.u32 v28, v42;
	v54 =	vld [tilespmem:$0x1FEE0]  }
0x79b: {  	[tilespmem:s0+$0x16BA0] =	vst v47;
	v47 =	vor.u32 v29, v42;
	v35 =	vld.idx.msk [tilespmem:v35+s4+$0x0], $0xffff  }
0x79c: {  	[tilespmem:s0+$0x16BD0] =	vst v2;
	v2 =	vor.u32 v13, v42;
	v0 =	vld.idx.msk [tilespmem:v40+s4+$0x0], $0xffff  }
0x79d: {  	[tilespmem:s0+$0x16BC0] =	vst v1;
	v1 =	vld.idx.msk [tilespmem:v53+s4+$0x0], $0xffff;
	v56 =	vor.u32 v56, v42  }
0x79e: {  	[tilespmem:s0+$0x16BE0] =	vst v4;
	v43 =	vld.idx.msk [tilespmem:v57+s4+$0x0], $0xffff;
	v57 =	vor.u32 v26, v42  }
0x79f: {  	[tilespmem:s0+$0x16FA0] =	vst v3;
	v3 =	vor.u32 v18, v42;
	v4 =	vld.idx.msk [tilespmem:v55+s4+$0x0], $0xffff  }
0x7a0: {  	[tilespmem:s0+$0x16BF0] =	vst v6;
	v52 =	vor.u32 v63, v42;
	v6 =	vld.idx.msk [tilespmem:v47+s4+$0x0], $0xffff  }
0x7a1: {  	v2 =	vld.idx.msk [tilespmem:v2+s4+$0x0], $0xffff  }
0x7a2: {  	[tilespmem:s0+$0x167B0] =	vst v45;
	v45 =	vld.idx.msk [tilespmem:v56+s4+$0x0], $0xffff;
	v56 =	vor.u32 v23, v42  }
0x7a3: {  	[tilespmem:s0+$0x16BB0] =	vst v48;
	v48 =	vld.idx.msk [tilespmem:v57+s4+$0x0], $0xffff;
	v57 =	vor.u32 v30, v42  }
0x7a4: {  	v36 =	vor.u32 v36, v42;
	v3 =	vld.idx.msk [tilespmem:v3+s4+$0x0], $0xffff  }
0x7a5: {  	[tilespmem:s0+$0x163D0] =	vst v44;
	v40 =	vor.u32 v25, v42;
	v44 =	vld.idx.msk [tilespmem:v52+s4+$0x0], $0xffff  }
0x7a6: {  	s31 =	sadd.s32 s2, s22;
	v54 =	vor.u32 v54, v42;
	v52 =	vld [tilespmem:$0x1FF10]  }
0x7a7: {  	[tilespmem:s0+$0x16B80] =	vst v50;
	v50 =	vld.idx.msk [tilespmem:v56+s4+$0x0], $0xffff;
	v56 =	vmov s31  }
0x7a8: {  	[tilespmem:s0+$0x16F80] =	vst v7;
	v7 =	vld.idx.msk [tilespmem:v57+s4+$0x0], $0xffff;
	v57 =	vor.u32 v16, v42  }
0x7a9: {  	v36 =	vld.idx.msk [tilespmem:v36+s4+$0x0], $0xffff  }
0x7aa: {  	v53 =	vor.u32 v31, v42;
	v40 =	vld.idx.msk [tilespmem:v40+s4+$0x0], $0xffff  }
0x7ab: {  	[tilespmem:s0+$0x163F0] =	vst v46;
	v52 =	vor.u32 v52, v42;
	v46 =	vld.idx.msk [tilespmem:v54+s4+$0x0], $0xffff  }
0x7ac: {  	v54 =	vor.u32 v19, v42;
	v56 =	vld.idx.msk [tilespmem:v56+s9+$0x0], $0xffff  }
0x7ad: {  	[tilespmem:s0+$0x16FD0] =	vst v8;
	v55 =	vor.u32 v14, v42;
	v8 =	vld.idx.msk [tilespmem:v57+s4+$0x0], $0xffff  }
0x7ae: {  	v47 =	vor.u32 v15, v42;
	v57 =	vld [tilespmem:$0x1FE80]  }
0x7af: {  	[tilespmem:s0+$0x16F90] =	vst v9;
	v9 =	vld.idx.msk [tilespmem:v53+s4+$0x0], $0xffff;
	v53 =	vor.u32 v17, v42  }
0x7b0: {  	[tilespmem:s0+$0x167A0] =	vst v49;
	v49 =	vld.idx.msk [tilespmem:v52+s4+$0x0], $0xffff;
	v52 =	vor.u32 v22, v42  }
0x7b1: {  	[tilespmem:s0+$0x167C0] =	vst v51;
	v51 =	vld.idx.msk [tilespmem:v54+s4+$0x0], $0xffff;
	v54 =	vor.u32 v24, v42;
	v42 =	vshll.u32 v56, $0x9  }
0x7b2: {  	[tilespmem:s0+$0x16FB0] =	vst v5;
	v5 =	vld.idx.msk [tilespmem:v55+s4+$0x0], $0xffff;
	v55 =	vor.u32 v58, v42  }
0x7b3: {  	[tilespmem:s0+$0x16FC0] =	vst v32;
	v32 =	vld.idx.msk [tilespmem:v47+s4+$0x0], $0xffff;
	v56 =	vor.u32 v57, v42  }
0x7b4: {  	[tilespmem:s0+$0x16FE0] =	vst v34;
	v34 =	vld.idx.msk [tilespmem:v53+s4+$0x0], $0xffff  }
0x7b5: {  	v52 =	vld.idx.msk [tilespmem:v52+s4+$0x0], $0xffff  }
0x7b6: {  	v54 =	vld.idx.msk [tilespmem:v54+s4+$0x0], $0xffff  }
0x7b7: {  	[tilespmem:s0+$0x16400] =	vst v11;
	v11 =	vld.idx.msk [tilespmem:v55+s4+$0x0], $0xffff  }
0x7b8: {  	[tilespmem:s0+$0x16420] =	vst v33;
	v55 =	vor.u32 v62, v42;
	v33 =	vld.idx.msk [tilespmem:v56+s4+$0x0], $0xffff  }
0x7b9: {  	v56 =	vld [tilespmem:$0x1FED0]  }
0x7ba: {  	[tilespmem:s0+$0x16FF0] =	vst v10;
	v47 =	vor.u32 v59, v42  }
0x7bb: {  	[tilespmem:s0+$0x16410] =	vst v38;
	v53 =	vor.u32 v60, v42  }
0x7bc: {  	[tilespmem:s0+$0x16440] =	vst v35;
	v35 =	vld [tilespmem:$0x1FEF0]  }
0x7bd: {  	[tilespmem:s0+$0x16450] =	vst v12;
	v10 =	vor.u32 v61, v42;
	v12 =	vld.idx.msk [tilespmem:v55+s4+$0x0], $0xffff  }
0x7be: {  	[tilespmem:s0+$0x16430] =	vst v41;
	v55 =	vld [tilespmem:$0x1FF00];
	v56 =	vor.u32 v56, v42  }
0x7bf: {  	[tilespmem:s0+$0x16470] =	vst v39;
	v38 =	vld.idx.msk [tilespmem:v47+s4+$0x0], $0xffff  }
0x7c0: {  	[tilespmem:s0+$0x16810] =	vst v36;
	v36 =	vor.u32 v20, v42;
	v41 =	vld.idx.msk [tilespmem:v53+s4+$0x0], $0xffff  }
0x7c1: {  	[tilespmem:s0+$0x16830] =	vst v49;
	v49 =	vor.u32 v22, v42;
	v53 =	vld [tilespmem:$0x1FEE0]  }
0x7c2: {  	[tilespmem:s0+$0x16C00] =	vst v52;
	v52 =	vor.u32 v27, v42;
	v10 =	vld.idx.msk [tilespmem:v10+s4+$0x0], $0xffff  }
0x7c3: {  	[tilespmem:s0+$0x16860] =	vst v0;
	v55 =	vor.u32 v55, v42;
	v39 =	vld.idx.msk [tilespmem:v56+s4+$0x0], $0xffff  }
0x7c4: {  	[tilespmem:s0+$0x16C20] =	vst v54;
	v54 =	vor.u32 v29, v42;
	v56 =	vld [tilespmem:$0x1FF20]  }
0x7c5: {  	[tilespmem:s0+$0x16C30] =	vst v40;
	v40 =	vor.u32 v30, v42;
	v0 =	vld.idx.msk [tilespmem:v36+s4+$0x0], $0xffff  }
0x7c6: {  	v35 =	vor.u32 v35, v42;
	v49 =	vld.idx.msk [tilespmem:v49+s4+$0x0], $0xffff  }
0x7c7: {  	[tilespmem:s0+$0x16C50] =	vst v1;
	v47 =	vor.u32 v63, v42;
	v1 =	vld.idx.msk [tilespmem:v52+s4+$0x0], $0xffff  }
0x7c8: {  	[tilespmem:s0+$0x16820] =	vst v37;
	v37 =	vld.idx.msk [tilespmem:v55+s4+$0x0], $0xffff;
	v55 =	vor.u32 v21, v42  }
0x7c9: {  	[tilespmem:s0+$0x16C70] =	vst v6;
	v6 =	vld.idx.msk [tilespmem:v54+s4+$0x0], $0xffff;
	v56 =	vor.u32 v56, v42  }
0x7ca: {  	[tilespmem:s0+$0x17000] =	vst v7;
	v7 =	vld.idx.msk [tilespmem:v40+s4+$0x0], $0xffff  }
0x7cb: {  	v36 =	vor.u32 v25, v42;
	v35 =	vld.idx.msk [tilespmem:v35+s4+$0x0], $0xffff  }
0x7cc: {  	[tilespmem:s0+$0x16460] =	vst v44;
	v53 =	vor.u32 v53, v42;
	v44 =	vld.idx.msk [tilespmem:v47+s4+$0x0], $0xffff  }
0x7cd: {  	[tilespmem:s0+$0x16870] =	vst v43;
	v43 =	vld.idx.msk [tilespmem:v55+s4+$0x0], $0xffff;
	v55 =	vor.u32 v26, v42  }
0x7ce: {  	[tilespmem:s0+$0x16840] =	vst v45;
	v45 =	vld.idx.msk [tilespmem:v56+s4+$0x0], $0xffff;
	v56 =	vor.u32 v23, v42  }
0x7cf: {  	v52 =	vor.u32 v13, v42;
	v47 =	vld [tilespmem:$0x1FF10]  }
0x7d0: {  	v54 =	vor.u32 v15, v42;
	v36 =	vld.idx.msk [tilespmem:v36+s4+$0x0], $0xffff  }
0x7d1: {  	[tilespmem:s0+$0x16800] =	vst v46;
	v46 =	vld.idx.msk [tilespmem:v53+s4+$0x0], $0xffff;
	v53 =	vor.u32 v19, v42  }
0x7d2: {  	[tilespmem:s0+$0x16C40] =	vst v48;
	v48 =	vld.idx.msk [tilespmem:v55+s4+$0x0], $0xffff;
	v55 =	vor.u32 v31, v42  }
0x7d3: {  	[tilespmem:s0+$0x16C10] =	vst v50;
	v50 =	vld.idx.msk [tilespmem:v56+s4+$0x0], $0xffff;
	v56 =	vor.u32 v28, v42  }
0x7d4: {  	[tilespmem:s0+$0x17020] =	vst v2;
	v40 =	vor.u32 v16, v42;
	v2 =	vld.idx.msk [tilespmem:v52+s4+$0x0], $0xffff  }
0x7d5: {  	[tilespmem:s0+$0x17040] =	vst v32;
	v32 =	vld.idx.msk [tilespmem:v54+s4+$0x0], $0xffff;
	v47 =	vor.u32 v47, v42  }
0x7d6: {  	[tilespmem:s0+$0x16850] =	vst v51;
	v51 =	vld.idx.msk [tilespmem:v53+s4+$0x0], $0xffff;
	v53 =	vor.u32 v24, v42  }
0x7d7: {  	[tilespmem:s0+$0x17010] =	vst v9;
	v9 =	vld.idx.msk [tilespmem:v55+s4+$0x0], $0xffff;
	v55 =	vor.u32 v17, v42  }
0x7d8: {  	[tilespmem:s0+$0x16C60] =	vst v4;
	v4 =	vld.idx.msk [tilespmem:v56+s4+$0x0], $0xffff;
	v56 =	vor.u32 v14, v42  }
0x7d9: {  	[tilespmem:s0+$0x17050] =	vst v8;
	v8 =	vld.idx.msk [tilespmem:v40+s4+$0x0], $0xffff;
	v42 =	vor.u32 v18, v42  }
0x7da: {  	v47 =	vld.idx.msk [tilespmem:v47+s4+$0x0], $0xffff  }
0x7db: {  	[tilespmem:s0+$0x17030] =	vst v5;
	v53 =	vld.idx.msk [tilespmem:v53+s4+$0x0], $0xffff  }
0x7dc: {  	[tilespmem:s0+$0x17060] =	vst v34;
	v34 =	vld.idx.msk [tilespmem:v55+s4+$0x0], $0xffff  }
0x7dd: {  	[tilespmem:s0+$0x17070] =	vst v3;
	v5 =	vld.idx.msk [tilespmem:v56+s4+$0x0], $0xffff  }
0x7de: {  	v3 =	vld.idx.msk [tilespmem:v42+s4+$0x0], $0xffff;
	[tilespmem:s0+$0x16480] =	vst v11  }
0x7df: {  	[tilespmem:s0+$0x16490] =	vst v38  }
0x7e0: {  	[tilespmem:s0+$0x164A0] =	vst v33  }
0x7e1: {  	[tilespmem:s0+$0x164B0] =	vst v41  }
0x7e2: {  	[tilespmem:s0+$0x164C0] =	vst v10  }
0x7e3: {  	[tilespmem:s0+$0x164D0] =	vst v12  }
0x7e4: {  	[tilespmem:s0+$0x164E0] =	vst v44  }
0x7e5: {  	[tilespmem:s0+$0x164F0] =	vst v39  }
0x7e6: {  	[tilespmem:s0+$0x16880] =	vst v46  }
0x7e7: {  	[tilespmem:s0+$0x16890] =	vst v35  }
0x7e8: {  	[tilespmem:s0+$0x168A0] =	vst v37  }
0x7e9: {  	[tilespmem:s0+$0x168B0] =	vst v47  }
0x7ea: {  	[tilespmem:s0+$0x168C0] =	vst v45  }
0x7eb: {  	[tilespmem:s0+$0x168D0] =	vst v51  }
0x7ec: {  	[tilespmem:s0+$0x168E0] =	vst v0  }
0x7ed: {  	[tilespmem:s0+$0x168F0] =	vst v43  }
0x7ee: {  	[tilespmem:s0+$0x16C80] =	vst v49  }
0x7ef: {  	[tilespmem:s0+$0x16C90] =	vst v50  }
0x7f0: {  	[tilespmem:s0+$0x16CA0] =	vst v53  }
0x7f1: {  	[tilespmem:s0+$0x16CB0] =	vst v36  }
0x7f2: {  	[tilespmem:s0+$0x16CC0] =	vst v48  }
0x7f3: {  	[tilespmem:s0+$0x16CD0] =	vst v1  }
0x7f4: {  	[tilespmem:s0+$0x16CE0] =	vst v4  }
0x7f5: {  	[tilespmem:s0+$0x16CF0] =	vst v6  }
0x7f6: {  	[tilespmem:s0+$0x17080] =	vst v7  }
0x7f7: {  	[tilespmem:s0+$0x17090] =	vst v9  }
0x7f8: {  	p0 =	slt.u32 s2, $0x20;
	v11 =	vld [tilespmem:$0x1FEE0];
	[tilespmem:s0+$0x170A0] =	vst v2  }
.Ltmp4:
0x7f9: {  	v12 =	vld [tilespmem:$0x1FF00];
	[tilespmem:s0+$0x170C0] =	vst v32;
	(pc) =	sbr.rel @p0 .LBB2_11-.Ltmp4, $4  }
0x7fa: {  	v52 =	vmovc v14;
	v54 =	vmov v16;
	v40 =	vmov v21;
	v55 =	vmov v17;
	v35 =	vld [tilespmem:$0x1FF20];
	[tilespmem:s0+$0x170D0] =	vst v8  }
0x7fb: {  	v56 =	vmovc v18;
	v42 =	vmovc v23;
	v38 =	vmov v19;
	v41 =	vmov v22;
	v44 =	vmov v25;
	v33 =	vld [tilespmem:$0x1FF10];
	[tilespmem:s0+$0x170E0] =	vst v34  }
0x7fc: {  	v39 =	vmovc v20;
	v46 =	vmovc v27;
	v47 =	vmov v28;
	v45 =	vmov v26;
	v51 =	vmov v13;
	v9 =	vld [tilespmem:$0x1FED0];
	[tilespmem:s0+$0x170B0] =	vst v5  }
0x7fd: {  	s2 =	sadd.s32 $0x8, s2;
	v43 =	vmovc v24;
	v49 =	vmovc v30;
	v50 =	vmov v31;
	v53 =	vmov v15;
	v48 =	vmov v29;
	v10 =	vld [tilespmem:$0x1FEF0];
	[tilespmem:s0+$0x170F0] =	vst v3  }
0x7fe: {  	s21 =	sadd.s32 $0x1, s21  }
0x7ff: {  	p0 =	sne.s32 s21, $0x20  }
.Ltmp5:
0x800: {  	_ = 	snop;
	(pc) =	sbr.rel @p0 .LBB2_2-.Ltmp5, $4  }
0x801: {  	s0 =	sadd.s32 s5, s23  }
0x802: {  	s0 =	sshll.u32 s0, $0x6  }
0x803: {  	s0 =	sadd.s32 s3, s0  }
0x804: {  	[hbm4b:s0+s4] =	stream.linear.scatter [tilespmem:s14], [sflag:$0x5], $0x5000, $0x38;
	[tilespmem:$0x1B100] =	vst v63  }
0x805: {  	_ =	swait.ge [sflag:s15], $0x5000  }
0x806: {  	[sflag:s15] =	ssyncset.done $0x0  }
0x807: {  	[sflag:s15] =	ssyncadd.s32 $0xFFFFB000  }
0x808: {  	_ =	swait.ge [sflag:s16], $0x5000  }
0x809: {  	[sflag:s16] =	ssyncset.done $0x0  }
0x80a: {  	[sflag:s16] =	ssyncadd.s32 $0xFFFFB000  }
0x80b: {  	_ =	swait.ge [sflag:s17], $0x5000  }
0x80c: {  	[sflag:s17] =	ssyncset.done $0x0  }
0x80d: {  	s20 =	sadd.s32 $0x1, s20;
	[sflag:s17] =	ssyncadd.s32 $0xFFFFB000  }
0x80e: {  	p0 =	sne.s32 s20, s7;
	_ =	swait.ge [sflag:s18], $0x5000  }
.Ltmp6:
0x80f: {  	[sflag:s18] =	ssyncset.done $0x0;
	(pc) =	sbr.rel @p0 .LBB2_1-.Ltmp6, $4  }
0x810: {  	[sflag:s18] =	ssyncadd.s32 $0xFFFFB000  }
0x811: {  	_ =	swait.ge [sflag:s19], $0x5000  }
0x812: {  	[sflag:s19] =	ssyncset.done $0x0  }
0x813: {  	[sflag:s19] =	ssyncadd.s32 $0xFFFFB000  }
0x814: {  	_ =	sfence.sel $0x180000  }
0x815: {  	[bflag:$0x0] =	sbarrier.arrive $0xFFFF  }
0x816: {  	_ =	strace $0x90000047  }
0x817: {  	s0 =	stileid.u32;
	[bflag:$0x2] =	sbarrier.arrive $0xFFFF  }
0x818: {  	p0 =	sne.s32 s0, $0x0;
	s0 =	rddreg [dreg:$0x3]  }
0x819: {  	s0 =	sadd.s32 @!p0 $0x100000, s0  }
0x81a: {  	[sflag:s0] =	ssyncadd.tile.s32 @!p0 $0x1;
	_ =	shalt  }
.Lfunc_end2:
_tile_overlayer_lowered:
.L_overlay_start_2:
0x81b: {  	(tag) =	ssettag $0x2  }
0x81c: {  	s0 =	rddreg [dreg:$0x0];
	s2 =	stileid.u32  }
0x81d: {  	s1 =	rddreg [dreg:$0x1];
	p0 =	sne.s32 s2, $0x0  }
0x81e: {  	s3 =	rddreg [dreg:$0x2];
	[bflag:$0x3] =	sbarrier.arrive $0xFFFF;
	s2 =	simm.s32 @!p0 $0x1C06  }
0x81f: {  	[timem:s3], [sflag:s2] =	dma.local @!p0 [hbm:s0], s1  }
0x820: {  	s0 =	simm.s32 @!p0 $0x6  }
0x821: {  	_ =	swait.ge @!p0 [sflag:s0], s1  }
0x822: {  	s1 =	ssub.s32 @!p0 $0x0, s1;
	[sflag:s0] =	ssyncset.done @!p0 $0x0  }
0x823: {  	[sflag:s0] =	ssyncadd.s32 @!p0 s1  }
0x824: {  	[bflag:$0x3] =	sbarrier.arrive $0xFFFF  }
0x825: {  	_ =	shalt  }

</sc_bundles>
